<compile_context>
chip_gen: v7x
topology: tpu7x:2x2x1
jax: 0.10.2.dev20260603
libtpu: 0.0.44.dev20260713+nightly
codegen_flags: <defaults>
</compile_context>

<pallas_src>
import functools

import jax
import jax.numpy as jnp
from jax.experimental import pallas as pl
from jax.experimental.pallas import tpu as pltpu
from jax.experimental.pallas import tpu_sc as plsc

B = 8
N = 4096
NPOINT = 1024
NSAMPLE = 16
CIN = 32
COUT = 64
CP = 128
HB = B // 2
PC = 256
GW = 128


NSTRIP = 4
SW = N // NSTRIP


def _fps_body(p_ref, cx_ref, cy_ref, cz_ref, dist_ref):
    lane = jax.lax.broadcasted_iota(jnp.int32, (3 * B, 128), 1)
    zb = jnp.zeros((3 * B, 128), dtype=jnp.float32)
    dist_ref[...] = jnp.full((B, N), 1e10, dtype=jnp.float32)

    def body(j, carry):
        f3, buf = carry
        c3 = None
        for s in range(NSTRIP):
            ps = p_ref[:, s * SW:(s + 1) * SW]
            iota_s = jax.lax.broadcasted_iota(
                jnp.int32, (3 * B, SW), 1) + s * SW
            part = jnp.sum(jnp.where(iota_s == f3, ps, 0.0), axis=1,
                           keepdims=True)
            c3 = part if c3 is None else c3 + part
        buf = jnp.where(lane == j, c3, buf)
        best_m = None
        best_a = None
        for s in range(NSTRIP):
            ps = p_ref[:, s * SW:(s + 1) * SW]
            d = ps - c3
            d = d * d
            dist = (d[0:B] + d[B:2 * B]) + d[2 * B:3 * B]
            dnew = jnp.minimum(dist_ref[:, s * SW:(s + 1) * SW], dist)
            dist_ref[:, s * SW:(s + 1) * SW] = dnew
            m = jnp.max(dnew, axis=1, keepdims=True)
            iota_d = jax.lax.broadcasted_iota(jnp.int32, (B, SW), 1)
            a = jnp.min(jnp.where(dnew == m, iota_d, SW), axis=1,
                        keepdims=True) + s * SW
            if best_m is None:
                best_m, best_a = m, a
            else:
                take = m > best_m
                best_a = jnp.where(take, a, best_a)
                best_m = jnp.where(take, m, best_m)
        f3 = jnp.concatenate([best_a, best_a, best_a], axis=0)
        return f3, buf

    f0 = jnp.zeros((3 * B, 1), dtype=jnp.int32)
    carry = (f0, zb)
    for c in range(NPOINT // 128):
        carry = jax.lax.fori_loop(0, 128, body, (carry[0], zb))
        cx_ref[:, c * 128:(c + 1) * 128] = carry[1][0:B]
        cy_ref[:, c * 128:(c + 1) * 128] = carry[1][B:2 * B]
        cz_ref[:, c * 128:(c + 1) * 128] = carry[1][2 * B:3 * B]


def _fps(p24):
    out = jax.ShapeDtypeStruct((B, NPOINT), jnp.float32)
    return pl.pallas_call(
        _fps_body,
        out_shape=(out, out, out),
        scratch_shapes=[pltpu.VMEM((B, N), jnp.float32)],
    )(p24)


def _transform_body(p_ref, w_ref, b_ref, t_ref):
    t = jax.lax.dot_general(
        p_ref[0], w_ref[...], (((1,), (0,)), ((), ())),
        preferred_element_type=jnp.float32)
    t_ref[0] = t + b_ref[...]


def _transform(p2, wt, bias):
    return pl.pallas_call(
        _transform_body,
        grid=(B,),
        in_specs=[
            pl.BlockSpec((1, N, CIN + 3), lambda b: (b, 0, 0)),
            pl.BlockSpec((CIN + 3, CP), lambda b: (0, 0)),
            pl.BlockSpec((1, CP), lambda b: (0, 0)),
        ],
        out_specs=pl.BlockSpec((1, N, CP), lambda b: (b, 0, 0)),
        out_shape=jax.ShapeDtypeStruct((B, N, CP), jnp.float32),
    )(p2, wt, bias)


def _knn_body(off, c_ref, xt_ref, idx_ref):
    b = pl.program_id(0) + off
    c = c_ref[0]
    x3 = xt_ref[0]
    s = jax.lax.dot_general(c, x3, (((1,), (0,)), ((), ())),
                            preferred_element_type=jnp.float32)
    dist = -2.0 * s
    dist = dist + jnp.sum(c * c, axis=1, keepdims=True)
    dist = dist + jnp.sum(x3 * x3, axis=0, keepdims=True)
    dist = jnp.maximum(dist, 0.0)

    iota = jax.lax.broadcasted_iota(jnp.int32, (PC, N), 1)
    base = b * N
    for r in range(NSAMPLE):
        m = jnp.min(dist, axis=1, keepdims=True)
        am = jnp.min(jnp.where(dist == m, iota, N), axis=1, keepdims=True)
        idx_ref[0, :, r] = (am + base)[:, 0]
        dist = jnp.where(iota == am, 1e30, dist)


def _knn(new_xyz, xt, off):
    nb = new_xyz.shape[0]
    return pl.pallas_call(
        functools.partial(_knn_body, off),
        grid=(nb, NPOINT // PC),
        in_specs=[
            pl.BlockSpec((1, PC, 3), lambda b, j: (b, j, 0)),
            pl.BlockSpec((1, 3, N), lambda b, j: (b, 0, 0)),
        ],
        out_specs=pl.BlockSpec((1, PC, NSAMPLE), lambda b, j: (b, j, 0)),
        out_shape=jax.ShapeDtypeStruct((nb, NPOINT, NSAMPLE), jnp.int32),
    )(new_xyz, xt)


def _sc_gather(t2, gidx):
    total = gidx.shape[1]
    mesh = plsc.VectorSubcoreMesh(core_axis_name="c", subcore_axis_name="s")

    @pl.kernel(out_type=jax.ShapeDtypeStruct((total, CP), jnp.float32),
               mesh=mesh)
    def k(t_hbm, i_hbm, o_hbm):
        def body(i_vmem, o_vmem):
            pltpu.sync_copy(t_hbm.at[i_vmem.at[0]], o_vmem)

        pltpu.emit_pipeline(
            body,
            grid=(total // GW,),
            in_specs=[pl.BlockSpec((1, GW), index_map=lambda i: (0, i))],
            out_specs=[pl.BlockSpec((GW, CP), index_map=lambda i: (i, 0))],
            core_axis_name=("c", "s"),
            dimension_semantics=(pltpu.PARALLEL,),
        )(i_hbm, o_hbm)

    return k(t2, gidx)


def _stats_body(g_ref, c_ref, wt_ref, hmax_ref, hmin_ref, ps_ref, pq_ref):
    c = c_ref[0]
    w0 = wt_ref[0:1, :]
    w1 = wt_ref[1:2, :]
    w2 = wt_ref[2:3, :]
    cc = (c[:, 0:1] * w0 + c[:, 1:2] * w1) + c[:, 2:3] * w2

    h = g_ref[0, 0] - cc
    hmax = h
    hmin = h
    ps = h
    pq = h * h
    for s in range(1, NSAMPLE):
        h = g_ref[0, s] - cc
        hmax = jnp.maximum(hmax, h)
        hmin = jnp.minimum(hmin, h)
        ps = ps + h
        pq = pq + h * h
    hmax_ref[0] = hmax
    hmin_ref[0] = hmin
    ps_ref[0, 0:1, :] = jnp.sum(ps, axis=0, keepdims=True)
    pq_ref[0, 0:1, :] = jnp.sum(pq, axis=0, keepdims=True)


def _stats(g4, new_xyz, wxyz):
    nb = g4.shape[0]
    big = jax.ShapeDtypeStruct((nb, NPOINT, CP), jnp.float32)
    small = jax.ShapeDtypeStruct((nb, 1, CP), jnp.float32)
    return pl.pallas_call(
        _stats_body,
        grid=(nb,),
        in_specs=[
            pl.BlockSpec((1, NSAMPLE, NPOINT, CP), lambda b: (b, 0, 0, 0)),
            pl.BlockSpec((1, NPOINT, 3), lambda b: (b, 0, 0)),
            pl.BlockSpec((3, CP), lambda b: (0, 0)),
        ],
        out_specs=(
            pl.BlockSpec((1, NPOINT, CP), lambda b: (b, 0, 0)),
            pl.BlockSpec((1, NPOINT, CP), lambda b: (b, 0, 0)),
            pl.BlockSpec((1, 1, CP), lambda b: (b, 0, 0)),
            pl.BlockSpec((1, 1, CP), lambda b: (b, 0, 0)),
        ),
        out_shape=(big, big, small, small),
    )(g4, new_xyz, wxyz)


def _final_body(hmax_ref, hmin_ref, psa_ref, pqa_ref, psb_ref, pqb_ref,
                g_ref, bt_ref, o_ref):
    cnt = float(B * NPOINT * NSAMPLE)
    mean = (jnp.sum(psa_ref[:, 0, :], axis=0, keepdims=True)
            + jnp.sum(psb_ref[:, 0, :], axis=0, keepdims=True)) / cnt
    msq = (jnp.sum(pqa_ref[:, 0, :], axis=0, keepdims=True)
           + jnp.sum(pqb_ref[:, 0, :], axis=0, keepdims=True)) / cnt
    var = msq - mean * mean
    scale = g_ref[...] / jnp.sqrt(var + 1e-5)
    gamma = g_ref[...]
    sel = jnp.where(gamma >= 0.0, hmax_ref[0], hmin_ref[0])
    o_ref[0] = jnp.maximum((sel - mean) * scale + bt_ref[...], 0.0)


def _final(hmax, hmin, psa, pqa, psb, pqb, gamma, beta):
    nb = hmax.shape[0]
    return pl.pallas_call(
        _final_body,
        grid=(nb,),
        in_specs=[
            pl.BlockSpec((1, NPOINT, CP), lambda b: (b, 0, 0)),
            pl.BlockSpec((1, NPOINT, CP), lambda b: (b, 0, 0)),
            pl.BlockSpec((HB, 1, CP), lambda b: (0, 0, 0)),
            pl.BlockSpec((HB, 1, CP), lambda b: (0, 0, 0)),
            pl.BlockSpec((HB, 1, CP), lambda b: (0, 0, 0)),
            pl.BlockSpec((HB, 1, CP), lambda b: (0, 0, 0)),
            pl.BlockSpec((1, CP), lambda b: (0, 0)),
            pl.BlockSpec((1, CP), lambda b: (0, 0)),
        ],
        out_specs=pl.BlockSpec((1, NPOINT, CP), lambda b: (b, 0, 0)),
        out_shape=jax.ShapeDtypeStruct((nb, NPOINT, CP), jnp.float32),
    )(hmax, hmin, psa, pqa, psb, pqb, gamma, beta)


def kernel(px, xyz, W, b, gamma, beta):
    xt = jnp.transpose(xyz, (0, 2, 1))
    p24 = jnp.concatenate([xt[:, 0, :], xt[:, 1, :], xt[:, 2, :]], axis=0)
    cx, cy, cz = _fps(p24)
    new_xyz = jnp.stack([cx, cy, cz], axis=-1)

    p2 = jnp.concatenate([px, xyz], axis=-1)
    wt = jnp.zeros((CIN + 3, CP), jnp.float32).at[:, :COUT].set(W.T)
    bp = jnp.zeros((1, CP), jnp.float32).at[:, :COUT].set(b)
    t = _transform(p2, wt, bp)

    t2 = t.reshape(B * N, CP)
    idx_a = _knn(new_xyz[:HB], xt[:HB], 0)
    gia = jnp.transpose(idx_a, (0, 2, 1)).reshape(1, HB * NPOINT * NSAMPLE)
    ga = _sc_gather(t2, gia)
    idx_b = _knn(new_xyz[HB:], xt[HB:], HB)
    gib = jnp.transpose(idx_b, (0, 2, 1)).reshape(1, HB * NPOINT * NSAMPLE)
    gb = _sc_gather(t2, gib)

    wxyz = jnp.zeros((3, CP), jnp.float32).at[:, :COUT].set(W[:, CIN:].T)
    gp = jnp.zeros((1, CP), jnp.float32).at[:, :COUT].set(gamma)
    bt = jnp.zeros((1, CP), jnp.float32).at[:, :COUT].set(beta)
    hmax_a, hmin_a, ps_a, pq_a = _stats(
        ga.reshape(HB, NSAMPLE, NPOINT, CP), new_xyz[:HB], wxyz)
    hmax_b, hmin_b, ps_b, pq_b = _stats(
        gb.reshape(HB, NSAMPLE, NPOINT, CP), new_xyz[HB:], wxyz)
    out_a = _final(hmax_a, hmin_a, ps_a, pq_a, ps_b, pq_b, gp, bt)
    out_b = _final(hmax_b, hmin_b, ps_a, pq_a, ps_b, pq_b, gp, bt)
    new_px = jnp.concatenate([out_a, out_b], axis=0)[:, :, :COUT]
    return (new_px, new_xyz)

# --- scband reference (transcript-rebuilt; emitter-appended) ---
"""Pipeline reference for scband-transition-down-56624848831036 (READ-ONLY COPY).

The authoritative reference and input builder live on the scoring server;
editing this copy changes nothing except your own understanding.
"""

import jax, jax.numpy as jnp
import numpy as np

B = 8
N = 4096
NPOINT = 1024
NSAMPLE = 16
IN_PLANES = 32
OUT_PLANES = 64


def farthest_point_sample(xyz, npoint):
    # Faithful FPS; initial farthest index fixed to 0 (torch uses randint) for determinism.
    Bs, Ns, _ = xyz.shape
    centroids0 = jnp.zeros((Bs, npoint), dtype=jnp.int32)
    distance0 = jnp.full((Bs, Ns), 1e10, dtype=jnp.float32)
    farthest0 = jnp.zeros((Bs,), dtype=jnp.int32)

    def body(i, state):
        centroids, distance, farthest = state
        centroids = centroids.at[:, i].set(farthest)
        centroid = jnp.take_along_axis(xyz, farthest[:, None, None], axis=1)  # [B,1,3]
        dist = jnp.sum((xyz - centroid) ** 2, axis=-1)  # [B,N]
        distance = jnp.minimum(distance, dist)  # same as distance[mask]=dist[mask]
        farthest = jnp.argmax(distance, axis=-1).astype(jnp.int32)
        return (centroids, distance, farthest)

    centroids, _, _ = jax.lax.fori_loop(0, npoint, body, (centroids0, distance0, farthest0))
    return centroids


def index_points(points, idx):
    Bs = points.shape[0]
    batch_shape = (Bs,) + (1,) * (idx.ndim - 1)
    batch_indices = jnp.arange(Bs).reshape(batch_shape)
    return points[batch_indices, idx]


def square_distance(src, dst):
    dist = -2.0 * jnp.matmul(src, jnp.transpose(dst, (0, 2, 1)))
    dist = dist + jnp.sum(src ** 2, axis=-1)[:, :, None]
    dist = dist + jnp.sum(dst ** 2, axis=-1)[:, None, :]
    return jnp.maximum(dist, 0.0)


def setup_inputs(seed: int = 0) -> dict:
    key = jax.random.key(seed)
    k1, k2, k3 = jax.random.split(key, 3)
    px = jax.random.normal(k1, (B, N, IN_PLANES), dtype=jnp.float32)
    xyz = jax.random.uniform(k2, (B, N, 3), dtype=jnp.float32)
    W = jax.random.normal(k3, (OUT_PLANES, 3 + IN_PLANES), dtype=jnp.float32) * 0.1
    b = jnp.zeros((OUT_PLANES,), dtype=jnp.float32)
    gamma = jnp.ones((OUT_PLANES,), dtype=jnp.float32)
    beta = jnp.zeros((OUT_PLANES,), dtype=jnp.float32)
    return {"px": px, "xyz": xyz, "W": W, "b": b, "gamma": gamma, "beta": beta}


def reference(px, xyz, W, b, gamma, beta):
    Bs, Ns, C = px.shape
    # N > npoint, so FPS branch is taken
    new_xyz_idx = farthest_point_sample(xyz, NPOINT)
    new_xyz = index_points(xyz, new_xyz_idx)  # [B, npoint, 3]
    dists = square_distance(new_xyz, xyz)  # [B, npoint, N]
    idx = jnp.argsort(dists, axis=-1)[:, :, :NSAMPLE]  # [B, npoint, nsample]
    grouped_xyz = index_points(xyz, idx)  # [B, npoint, nsample, 3]
    grouped_px = index_points(px, idx)  # [B, npoint, nsample, C]
    grouped_xyz_norm = grouped_xyz - new_xyz.reshape(Bs, NPOINT, 1, 3)
    grouped_points = jnp.concatenate([grouped_px, grouped_xyz_norm], axis=-1)
    h = grouped_points.reshape(-1, C + 3) @ W.T + b
    # BatchNorm1d in training mode (batch statistics, biased variance)
    mean = jnp.mean(h, axis=0)
    var = jnp.var(h, axis=0)
    h = (h - mean) / jnp.sqrt(var + 1e-5) * gamma + beta
    h = jnp.maximum(h, 0.0)
    new_px = jnp.max(h.reshape(Bs, NPOINT, NSAMPLE, -1), axis=2)
    return (new_px, new_xyz)

if __name__ == "__main__":
    import jax
    _d = setup_inputs()
    print(jax.jit(kernel)(*tuple(_d.values())))

</pallas_src>

<mosaic_0001>
#map = affine_map<(d0, d1) -> (0, 0)>
module attributes {stable_mosaic.version = 14 : i64} {
  func.func @k(%arg0: i32, %arg1: i32, %arg2: memref<32768x128xf32, #tpu.memory_space<hbm>>, %arg3: memref<1x65536xi32, #tpu.memory_space<hbm>>, %arg4: memref<65536x128xf32, #tpu.memory_space<hbm>>) attributes {dimension_semantics = [#tpu.dimension_semantics<core_parallel>, #tpu.dimension_semantics<subcore_parallel>], iteration_bounds = array<i64: 2, 16>, scalar_prefetch = 0 : i64, scratch_operands = 0 : i64, tpu.core_type = #tpu.core_type<sc_vector_subcore>, window_params = [{transform_indices = #map}, {transform_indices = #map}, {transform_indices = #map}]} {
    %mul3A = arith.constant 1 : i32
    %mul3A_0 = arith.muli %arg1, %mul3A : i32
    %add3A = arith.constant 0 : i32
    %add3A_1 = arith.addi %add3A, %mul3A_0 : i32
    %mul3A_2 = arith.constant 16 : i32
    %mul3A_3 = arith.muli %arg0, %mul3A_2 : i32
    %add3A_4 = arith.addi %add3A_1, %mul3A_3 : i32
    %mul3A_5 = arith.constant 16 : i32
    %mul3A_6 = arith.muli %add3A_4, %mul3A_5 : i32
    "tpu.region"() ({
      %run_scoped3A = memref.alloca() : memref<2x1x128xi32, #tpu.memory_space<vmem>>
      %run_scoped3A_7 = tpu.sem_alloc : memref<2x!tpu.dma_semaphore, #tpu.memory_space<semaphore_mem>>
      %run_scoped3A_8 = memref.alloca() : memref<2x128x128xf32, #tpu.memory_space<vmem>>
      %run_scoped3A_9 = tpu.sem_alloc : memref<2x!tpu.dma_semaphore, #tpu.memory_space<semaphore_mem>>
      %add3A_10 = arith.constant 0 : i32
      %add3A_11 = arith.addi %add3A_10, %mul3A_6 : i32
      %select_n3A = arith.constant true
      %select_n3A_12 = arith.constant 0 : i32
      %select_n3A_13 = arith.constant -1 : i32
      %select_n3A_14 = arith.select %select_n3A, %select_n3A_13, %select_n3A_12 : i32
      %eq3A = arith.constant -1 : i32
      %eq3A_15 = arith.cmpi eq, %select_n3A_14, %eq3A : i32
      %select_n3A_16 = arith.constant 15 : i32
      %select_n3A_17 = arith.select %eq3A_15, %select_n3A_16, %select_n3A_14 : i32
      %add3A_18 = arith.addi %select_n3A_17, %mul3A_6 : i32
      %select_n3A_19 = arith.constant true
      %select_n3A_20 = arith.constant 0 : i32
      %select_n3A_21 = arith.constant 1 : i32
      %select_n3A_22 = arith.select %select_n3A_19, %select_n3A_21, %select_n3A_20 : i32
      %eq3A_23 = arith.constant 16 : i32
      %eq3A_24 = arith.cmpi eq, %select_n3A_22, %eq3A_23 : i32
      %select_n3A_25 = arith.constant 0 : i32
      %select_n3A_26 = arith.select %eq3A_24, %select_n3A_25, %select_n3A_22 : i32
      %add3A_27 = arith.addi %select_n3A_26, %mul3A_6 : i32
      %add3A_28 = arith.constant 1 : i32
      %add3A_29 = arith.addi %select_n3A_26, %add3A_28 : i32
      %select_n3A_30 = arith.constant true
      %select_n3A_31 = arith.select %select_n3A_30, %add3A_29, %select_n3A_26 : i32
      %eq3A_32 = arith.constant 16 : i32
      %eq3A_33 = arith.cmpi eq, %select_n3A_31, %eq3A_32 : i32
      %select_n3A_34 = arith.constant 0 : i32
      %select_n3A_35 = arith.select %eq3A_33, %select_n3A_34, %select_n3A_31 : i32
      %add3A_36 = arith.addi %select_n3A_35, %mul3A_6 : i32
      "tpu.trace_start"() <{level = 10 : i32, message = "ep_initialize_0"}> : () -> ()
      %rem3A = arith.constant 0 : i32
      %rem3A_37 = arith.constant 2 : i32
      %rem3A_38 = arith.remui %rem3A, %rem3A_37 : i32
      %mul3A_39 = arith.constant 128 : i32
      %mul3A_40 = arith.muli %mul3A_39, %add3A_11 : i32
      %dma_start3A = arith.constant 0 : i32
      %dma_start3A_41 = arith.constant 0 : i32
      %dma_start3A_42 = tpu.memref_slice %run_scoped3A[%rem3A_38, %dma_start3A, %dma_start3A_41] : memref<2x1x128xi32, #tpu.memory_space<vmem>> -> memref<1x1x128xi32, #tpu.memory_space<vmem>>
      %dma_start3A_43 = tpu.memref_squeeze %dma_start3A_42 : memref<1x1x128xi32, #tpu.memory_space<vmem>> -> memref<1x128xi32, #tpu.memory_space<vmem>>
      %dma_start3A_44 = arith.constant 0 : i32
      %dma_start3A_45 = tpu.memref_slice %arg3[%dma_start3A_44, %mul3A_40] : memref<1x65536xi32, #tpu.memory_space<hbm>> -> memref<1x128xi32, #tpu.memory_space<hbm>>
      %dma_start3A_46 = tpu.memref_slice %run_scoped3A_7[%rem3A_38] : memref<2x!tpu.dma_semaphore, #tpu.memory_space<semaphore_mem>> -> memref<1x!tpu.dma_semaphore, #tpu.memory_space<semaphore_mem>>
      %dma_start3A_47 = tpu.memref_squeeze %dma_start3A_46 : memref<1x!tpu.dma_semaphore, #tpu.memory_space<semaphore_mem>> -> memref<!tpu.dma_semaphore, #tpu.memory_space<semaphore_mem>>
      %dma_start3A_48 = arith.constant 0 : i32
      %dma_start3A_49 = arith.constant 0 : i32
      %dma_start3A_50 = tpu.memref_slice %run_scoped3A[%rem3A_38, %dma_start3A_48, %dma_start3A_49] : memref<2x1x128xi32, #tpu.memory_space<vmem>> -> memref<1x1x128xi32, #tpu.memory_space<vmem>>
      %dma_start3A_51 = tpu.memref_squeeze %dma_start3A_50 : memref<1x1x128xi32, #tpu.memory_space<vmem>> -> memref<1x128xi32, #tpu.memory_space<vmem>>
      %dma_start3A_52 = arith.constant 0 : i32
      %dma_start3A_53 = tpu.memref_slice %arg3[%dma_start3A_52, %mul3A_40] : memref<1x65536xi32, #tpu.memory_space<hbm>> -> memref<1x128xi32, #tpu.memory_space<hbm>>
      tpu.enqueue_dma source(%dma_start3A_53 : memref<1x128xi32, #tpu.memory_space<hbm>>) target(%dma_start3A_51 : memref<1x128xi32, #tpu.memory_space<vmem>>) target_semaphore(%dma_start3A_47 : memref<!tpu.dma_semaphore, #tpu.memory_space<semaphore_mem>>)
      %add3A_54 = arith.constant 0 : i32
      %add3A_55 = arith.constant 1 : i32
      %add3A_56 = arith.addi %add3A_54, %add3A_55 : i32
      %select_n3A_57 = arith.constant true
      %select_n3A_58 = arith.constant 0 : i32
      %select_n3A_59 = arith.select %select_n3A_57, %add3A_56, %select_n3A_58 : i32
      "tpu.trace_stop"() : () -> ()
      %scan3A = arith.constant 0 : i32
      %scan3A_60 = arith.constant 0 : i32
      %scan3A_61 = arith.constant 0 : i32
      %scan3A_62 = arith.constant 0 : i32
      %scan3A_63 = arith.constant 0 : i32
      %scan3A_64 = arith.constant 16 : i32
      %scan3A_65 = arith.addi %scan3A_63, %scan3A_64 : i32
      %scan3A_66 = arith.constant 1 : i32
      %scan3A_67:5 = scf.for %scan3A_121 = %scan3A_63 to %scan3A_65 step %scan3A_66 iter_args(%scan3A_122 = %select_n3A_59, %scan3A_123 = %scan3A, %scan3A_124 = %scan3A_60, %scan3A_125 = %scan3A_61, %scan3A_126 = %scan3A_62) -> (i32, i32, i32, i32, i32)  : i32 {
        %eq3A_127 = arith.constant 0 : i32
        %eq3A_128 = arith.cmpi eq, %scan3A_121, %eq3A_127 : i32
        %eq3A_129 = arith.constant 15 : i32
        %eq3A_130 = arith.cmpi eq, %scan3A_121, %eq3A_129 : i32
        %add3A_131 = arith.addi %scan3A_126, %mul3A_6 : i32
        %sub3A_132 = arith.constant 1 : i32
        %sub3A_133 = arith.subi %scan3A_126, %sub3A_132 : i32
        %select_n3A_134 = arith.constant true
        %select_n3A_135 = arith.select %select_n3A_134, %sub3A_133, %scan3A_126 : i32
        %eq3A_136 = arith.constant -1 : i32
        %eq3A_137 = arith.cmpi eq, %select_n3A_135, %eq3A_136 : i32
        %select_n3A_138 = arith.constant 15 : i32
        %select_n3A_139 = arith.select %eq3A_137, %select_n3A_138, %select_n3A_135 : i32
        %add3A_140 = arith.addi %select_n3A_139, %mul3A_6 : i32
        %add3A_141 = arith.constant 1 : i32
        %add3A_142 = arith.addi %scan3A_126, %add3A_141 : i32
        %select_n3A_143 = arith.constant true
        %select_n3A_144 = arith.select %select_n3A_143, %add3A_142, %scan3A_126 : i32
        %eq3A_145 = arith.constant 16 : i32
        %eq3A_146 = arith.cmpi eq, %select_n3A_144, %eq3A_145 : i32
        %select_n3A_147 = arith.constant 0 : i32
        %select_n3A_148 = arith.select %eq3A_146, %select_n3A_147, %select_n3A_144 : i32
        %add3A_149 = arith.addi %select_n3A_148, %mul3A_6 : i32
        %add3A_150 = arith.constant 1 : i32
        %add3A_151 = arith.addi %select_n3A_148, %add3A_150 : i32
        %select_n3A_152 = arith.constant true
        %select_n3A_153 = arith.select %select_n3A_152, %add3A_151, %select_n3A_148 : i32
        %eq3A_154 = arith.constant 16 : i32
        %eq3A_155 = arith.cmpi eq, %select_n3A_153, %eq3A_154 : i32
        %select_n3A_156 = arith.constant 0 : i32
        %select_n3A_157 = arith.select %eq3A_155, %select_n3A_156, %select_n3A_153 : i32
        %add3A_158 = arith.addi %select_n3A_157, %mul3A_6 : i32
        %ne3A = arith.cmpi ne, %add3A_131, %add3A_149 : i32
        %or3A = arith.constant false
        %or3A_159 = arith.ori %or3A, %ne3A : i1
        %ge3A = arith.constant 15 : i32
        %ge3A_160 = arith.cmpi sge, %scan3A_121, %ge3A : i32
        %not3A = arith.constant true
        %not3A_161 = arith.xori %ge3A_160, %not3A : i1
        %and3A = arith.andi %or3A_159, %not3A_161 : i1
        %convert_element_type3A = arith.extui %and3A : i1 to i32
        %cond3A = arith.constant 0 : i32
        %cond3A_162 = arith.cmpi ne, %convert_element_type3A, %cond3A : i32
        scf.if %cond3A_162 {
          "tpu.trace_start"() <{level = 10 : i32, message = "ep_copy_in"}> : () -> ()
          %rem3A_264 = arith.constant 2 : i32
          %rem3A_265 = arith.remui %scan3A_122, %rem3A_264 : i32
          %mul3A_266 = arith.constant 128 : i32
          %mul3A_267 = arith.muli %mul3A_266, %add3A_149 : i32
          %dma_start3A_268 = arith.constant 0 : i32
          %dma_start3A_269 = arith.constant 0 : i32
          %dma_start3A_270 = tpu.memref_slice %run_scoped3A[%rem3A_265, %dma_start3A_268, %dma_start3A_269] : memref<2x1x128xi32, #tpu.memory_space<vmem>> -> memref<1x1x128xi32, #tpu.memory_space<vmem>>
          %dma_start3A_271 = tpu.memref_squeeze %dma_start3A_270 : memref<1x1x128xi32, #tpu.memory_space<vmem>> -> memref<1x128xi32, #tpu.memory_space<vmem>>
          %dma_start3A_272 = arith.constant 0 : i32
          %dma_start3A_273 = tpu.memref_slice %arg3[%dma_start3A_272, %mul3A_267] : memref<1x65536xi32, #tpu.memory_space<hbm>> -> memref<1x128xi32, #tpu.memory_space<hbm>>
          %dma_start3A_274 = tpu.memref_slice %run_scoped3A_7[%rem3A_265] : memref<2x!tpu.dma_semaphore, #tpu.memory_space<semaphore_mem>> -> memref<1x!tpu.dma_semaphore, #tpu.memory_space<semaphore_mem>>
          %dma_start3A_275 = tpu.memref_squeeze %dma_start3A_274 : memref<1x!tpu.dma_semaphore, #tpu.memory_space<semaphore_mem>> -> memref<!tpu.dma_semaphore, #tpu.memory_space<semaphore_mem>>
          %dma_start3A_276 = arith.constant 0 : i32
          %dma_start3A_277 = arith.constant 0 : i32
          %dma_start3A_278 = tpu.memref_slice %run_scoped3A[%rem3A_265, %dma_start3A_276, %dma_start3A_277] : memref<2x1x128xi32, #tpu.memory_space<vmem>> -> memref<1x1x128xi32, #tpu.memory_space<vmem>>
          %dma_start3A_279 = tpu.memref_squeeze %dma_start3A_278 : memref<1x1x128xi32, #tpu.memory_space<vmem>> -> memref<1x128xi32, #tpu.memory_space<vmem>>
          %dma_start3A_280 = arith.constant 0 : i32
          %dma_start3A_281 = tpu.memref_slice %arg3[%dma_start3A_280, %mul3A_267] : memref<1x65536xi32, #tpu.memory_space<hbm>> -> memref<1x128xi32, #tpu.memory_space<hbm>>
          tpu.enqueue_dma source(%dma_start3A_281 : memref<1x128xi32, #tpu.memory_space<hbm>>) target(%dma_start3A_279 : memref<1x128xi32, #tpu.memory_space<vmem>>) target_semaphore(%dma_start3A_275 : memref<!tpu.dma_semaphore, #tpu.memory_space<semaphore_mem>>)
          "tpu.trace_stop"() : () -> ()
        } else {
        }
        %and3A_163 = arith.constant true
        %and3A_164 = arith.andi %and3A, %and3A_163 : i1
        %add3A_165 = arith.constant 1 : i32
        %add3A_166 = arith.addi %scan3A_122, %add3A_165 : i32
        %select_n3A_167 = arith.select %and3A_164, %add3A_166, %scan3A_122 : i32
        %ne3A_168 = arith.cmpi ne, %add3A_131, %add3A_149 : i32
        %or3A_169 = arith.constant false
        %or3A_170 = arith.ori %or3A_169, %ne3A_168 : i1
        %or3A_171 = arith.constant false
        %or3A_172 = arith.ori %or3A_170, %or3A_171 : i1
        %ge3A_173 = arith.constant 15 : i32
        %ge3A_174 = arith.cmpi sge, %scan3A_121, %ge3A_173 : i32
        %not3A_175 = arith.constant true
        %not3A_176 = arith.xori %ge3A_174, %not3A_175 : i1
        %and3A_177 = arith.andi %or3A_172, %not3A_176 : i1
        %ne3A_178 = arith.cmpi ne, %add3A_131, %add3A_140 : i32
        %or3A_179 = arith.constant false
        %or3A_180 = arith.ori %or3A_179, %ne3A_178 : i1
        %or3A_181 = arith.ori %or3A_180, %eq3A_128 : i1
        %convert_element_type3A_182 = arith.extui %or3A_181 : i1 to i32
        %cond3A_183 = arith.constant 0 : i32
        %cond3A_184 = arith.cmpi ne, %convert_element_type3A_182, %cond3A_183 : i32
        scf.if %cond3A_184 {
          "tpu.trace_start"() <{level = 10 : i32, message = "ep_wait_in"}> : () -> ()
          %mul3A_264 = arith.constant 128 : i32
          %mul3A_265 = arith.muli %mul3A_264, %add3A_131 : i32
          %rem3A_266 = arith.constant 2 : i32
          %rem3A_267 = arith.remui %scan3A_123, %rem3A_266 : i32
          %dma_wait3A_268 = arith.constant 0 : i32
          %dma_wait3A_269 = arith.constant 0 : i32
          %dma_wait3A_270 = tpu.memref_slice %run_scoped3A[%rem3A_267, %dma_wait3A_268, %dma_wait3A_269] : memref<2x1x128xi32, #tpu.memory_space<vmem>> -> memref<1x1x128xi32, #tpu.memory_space<vmem>>
          %dma_wait3A_271 = tpu.memref_squeeze %dma_wait3A_270 : memref<1x1x128xi32, #tpu.memory_space<vmem>> -> memref<1x128xi32, #tpu.memory_space<vmem>>
          %dma_wait3A_272 = arith.constant 0 : i32
          %dma_wait3A_273 = tpu.memref_slice %arg3[%dma_wait3A_272, %mul3A_265] : memref<1x65536xi32, #tpu.memory_space<hbm>> -> memref<1x128xi32, #tpu.memory_space<hbm>>
          %dma_wait3A_274 = tpu.memref_slice %run_scoped3A_7[%rem3A_267] : memref<2x!tpu.dma_semaphore, #tpu.memory_space<semaphore_mem>> -> memref<1x!tpu.dma_semaphore, #tpu.memory_space<semaphore_mem>>
          %dma_wait3A_275 = tpu.memref_squeeze %dma_wait3A_274 : memref<1x!tpu.dma_semaphore, #tpu.memory_space<semaphore_mem>> -> memref<!tpu.dma_semaphore, #tpu.memory_space<semaphore_mem>>
          %dma_wait3A_276 = arith.constant 0 : i32
          %dma_wait3A_277 = arith.constant 0 : i32
          %dma_wait3A_278 = tpu.memref_slice %run_scoped3A[%rem3A_267, %dma_wait3A_276, %dma_wait3A_277] : memref<2x1x128xi32, #tpu.memory_space<vmem>> -> memref<1x1x128xi32, #tpu.memory_space<vmem>>
          %dma_wait3A_279 = tpu.memref_squeeze %dma_wait3A_278 : memref<1x1x128xi32, #tpu.memory_space<vmem>> -> memref<1x128xi32, #tpu.memory_space<vmem>>
          %dma_wait3A_280 = arith.constant 0 : i32
          %dma_wait3A_281 = tpu.memref_slice %arg3[%dma_wait3A_280, %mul3A_265] : memref<1x65536xi32, #tpu.memory_space<hbm>> -> memref<1x128xi32, #tpu.memory_space<hbm>>
          tpu.wait_dma2 semaphore(%dma_wait3A_275 : memref<!tpu.dma_semaphore, #tpu.memory_space<semaphore_mem>>) src(%dma_wait3A_281 : memref<1x128xi32, #tpu.memory_space<hbm>>) dst(%dma_wait3A_279 : memref<1x128xi32, #tpu.memory_space<vmem>>)
          "tpu.trace_stop"() : () -> ()
        } else {
        }
        %ne3A_185 = arith.cmpi ne, %add3A_131, %add3A_140 : i32
        %or3A_186 = arith.constant false
        %or3A_187 = arith.ori %or3A_186, %ne3A_185 : i1
        %or3A_188 = arith.constant false
        %or3A_189 = arith.ori %or3A_187, %or3A_188 : i1
        %or3A_190 = arith.ori %or3A_189, %eq3A_128 : i1
        %convert_element_type3A_191 = arith.extui %or3A_190 : i1 to i32
        %cond3A_192 = arith.constant 0 : i32
        %cond3A_193 = arith.cmpi ne, %convert_element_type3A_191, %cond3A_192 : i32
        scf.if %cond3A_193 {
        } else {
        }
        %rem3A_194 = arith.constant 2 : i32
        %rem3A_195 = arith.remui %scan3A_123, %rem3A_194 : i32
        %rem3A_196 = arith.constant 2 : i32
        %rem3A_197 = arith.remui %scan3A_124, %rem3A_196 : i32
        %run_scoped3A_198 = arith.constant 0 : i32
        "tpu.trace_start"() <{level = 10 : i32, message = "ep_run_kernel"}> : () -> ()
        "tpu.region"() ({
          %run_scoped3A_264 = tpu.sem_alloc : memref<!tpu.dma_semaphore, #tpu.memory_space<semaphore_mem>>
          %dma_start3A_265 = arith.constant 0 : i32
          %dma_start3A_266 = arith.constant 0 : i32
          %dma_start3A_267 = tpu.memref_slice %run_scoped3A_8[%rem3A_197, %dma_start3A_265, %dma_start3A_266] : memref<2x128x128xf32, #tpu.memory_space<vmem>> -> memref<1x128x128xf32, #tpu.memory_space<vmem>>
          %dma_start3A_268 = tpu.memref_squeeze %dma_start3A_267 : memref<1x128x128xf32, #tpu.memory_space<vmem>> -> memref<128x128xf32, #tpu.memory_space<vmem>>
          %dma_start3A_269 = arith.constant 0 : i32
          %dma_start3A_270 = arith.constant 0 : i32
          %dma_start3A_271 = tpu.memref_slice %run_scoped3A[%rem3A_195, %dma_start3A_269, %dma_start3A_270] : memref<2x1x128xi32, #tpu.memory_space<vmem>> -> memref<1x1x128xi32, #tpu.memory_space<vmem>>
          %dma_start3A_272 = tpu.memref_squeeze %dma_start3A_271 : memref<1x1x128xi32, #tpu.memory_space<vmem>> -> memref<1x128xi32, #tpu.memory_space<vmem>>
          %dma_start3A_273 = arith.constant 0 : i32
          %dma_start3A_274 = tpu.memref_slice %dma_start3A_272[%run_scoped3A_198, %dma_start3A_273] : memref<1x128xi32, #tpu.memory_space<vmem>> -> memref<1x128xi32, #tpu.memory_space<vmem>>
          %dma_start3A_275 = tpu.memref_squeeze %dma_start3A_274 : memref<1x128xi32, #tpu.memory_space<vmem>> -> memref<128xi32, #tpu.memory_space<vmem>>
          %dma_start3A_276 = arith.constant 0 : i32
          %dma_start3A_277 = arith.constant 0 : i32
          %dma_start3A_278 = tpu.memref_slice %arg2[%dma_start3A_276, %dma_start3A_277] : memref<32768x128xf32, #tpu.memory_space<hbm>> -> memref<32768x128xf32, #tpu.memory_space<hbm>>
          tpu.enqueue_indirect_dma source(%dma_start3A_278 : memref<32768x128xf32, #tpu.memory_space<hbm>>) target(%dma_start3A_268 : memref<128x128xf32, #tpu.memory_space<vmem>>) offsets(%dma_start3A_275 : memref<128xi32, #tpu.memory_space<vmem>>) semaphore(%run_scoped3A_264 : memref<!tpu.dma_semaphore, #tpu.memory_space<semaphore_mem>>)
          %dma_wait3A_279 = arith.constant 0 : i32
          %dma_wait3A_280 = arith.constant 0 : i32
          %dma_wait3A_281 = tpu.memref_slice %run_scoped3A_8[%rem3A_197, %dma_wait3A_279, %dma_wait3A_280] : memref<2x128x128xf32, #tpu.memory_space<vmem>> -> memref<1x128x128xf32, #tpu.memory_space<vmem>>
          %dma_wait3A_282 = tpu.memref_squeeze %dma_wait3A_281 : memref<1x128x128xf32, #tpu.memory_space<vmem>> -> memref<128x128xf32, #tpu.memory_space<vmem>>
          %dma_wait3A_283 = arith.constant 0 : i32
          %dma_wait3A_284 = arith.constant 0 : i32
          %dma_wait3A_285 = tpu.memref_slice %run_scoped3A[%rem3A_195, %dma_wait3A_283, %dma_wait3A_284] : memref<2x1x128xi32, #tpu.memory_space<vmem>> -> memref<1x1x128xi32, #tpu.memory_space<vmem>>
          %dma_wait3A_286 = tpu.memref_squeeze %dma_wait3A_285 : memref<1x1x128xi32, #tpu.memory_space<vmem>> -> memref<1x128xi32, #tpu.memory_space<vmem>>
          %dma_wait3A_287 = arith.constant 0 : i32
          %dma_wait3A_288 = tpu.memref_slice %dma_wait3A_286[%run_scoped3A_198, %dma_wait3A_287] : memref<1x128xi32, #tpu.memory_space<vmem>> -> memref<1x128xi32, #tpu.memory_space<vmem>>
          %dma_wait3A_289 = tpu.memref_squeeze %dma_wait3A_288 : memref<1x128xi32, #tpu.memory_space<vmem>> -> memref<128xi32, #tpu.memory_space<vmem>>
          %dma_wait3A_290 = arith.constant 0 : i32
          %dma_wait3A_291 = arith.constant 0 : i32
          %dma_wait3A_292 = tpu.memref_slice %arg2[%dma_wait3A_290, %dma_wait3A_291] : memref<32768x128xf32, #tpu.memory_space<hbm>> -> memref<32768x128xf32, #tpu.memory_space<hbm>>
          tpu.wait_indirect_dma semaphore(%run_scoped3A_264 : memref<!tpu.dma_semaphore, #tpu.memory_space<semaphore_mem>>) src(%dma_wait3A_292 : memref<32768x128xf32, #tpu.memory_space<hbm>>) dst(%dma_wait3A_282 : memref<128x128xf32, #tpu.memory_space<vmem>>)
          tpu.yield
        }) : () -> ()
        "tpu.trace_stop"() : () -> ()
        %ne3A_199 = arith.cmpi ne, %add3A_131, %add3A_149 : i32
        %or3A_200 = arith.constant false
        %or3A_201 = arith.ori %or3A_200, %ne3A_199 : i1
        %or3A_202 = arith.ori %or3A_201, %eq3A_130 : i1
        %convert_element_type3A_203 = arith.extui %or3A_202 : i1 to i32
        %cond3A_204 = arith.constant 0 : i32
        %cond3A_205 = arith.cmpi ne, %convert_element_type3A_203, %cond3A_204 : i32
        scf.if %cond3A_205 {
        } else {
        }
        %and3A_206 = arith.constant false
        %and3A_207 = arith.andi %or3A_202, %and3A_206 : i1
        %ne3A_208 = arith.cmpi ne, %add3A_131, %add3A_149 : i32
        %or3A_209 = arith.constant false
        %or3A_210 = arith.ori %or3A_209, %ne3A_208 : i1
        %or3A_211 = arith.constant false
        %or3A_212 = arith.ori %or3A_210, %or3A_211 : i1
        %or3A_213 = arith.ori %or3A_212, %eq3A_130 : i1
        %convert_element_type3A_214 = arith.extui %or3A_213 : i1 to i32
        %cond3A_215 = arith.constant 0 : i32
        %cond3A_216 = arith.cmpi ne, %convert_element_type3A_214, %cond3A_215 : i32
        scf.if %cond3A_216 {
          "tpu.trace_start"() <{level = 10 : i32, message = "ep_copy_out"}> : () -> ()
          %rem3A_264 = arith.constant 2 : i32
          %rem3A_265 = arith.remui %scan3A_124, %rem3A_264 : i32
          %mul3A_266 = arith.constant 128 : i32
          %mul3A_267 = arith.muli %mul3A_266, %add3A_131 : i32
          %dma_start3A_268 = arith.constant 0 : i32
          %dma_start3A_269 = arith.constant 0 : i32
          %dma_start3A_270 = tpu.memref_slice %run_scoped3A_8[%rem3A_265, %dma_start3A_268, %dma_start3A_269] : memref<2x128x128xf32, #tpu.memory_space<vmem>> -> memref<1x128x128xf32, #tpu.memory_space<vmem>>
          %dma_start3A_271 = tpu.memref_squeeze %dma_start3A_270 : memref<1x128x128xf32, #tpu.memory_space<vmem>> -> memref<128x128xf32, #tpu.memory_space<vmem>>
          %dma_start3A_272 = arith.constant 0 : i32
          %dma_start3A_273 = tpu.memref_slice %arg4[%mul3A_267, %dma_start3A_272] : memref<65536x128xf32, #tpu.memory_space<hbm>> -> memref<128x128xf32, #tpu.memory_space<hbm>>
          %dma_start3A_274 = tpu.memref_slice %run_scoped3A_9[%rem3A_265] : memref<2x!tpu.dma_semaphore, #tpu.memory_space<semaphore_mem>> -> memref<1x!tpu.dma_semaphore, #tpu.memory_space<semaphore_mem>>
          %dma_start3A_275 = tpu.memref_squeeze %dma_start3A_274 : memref<1x!tpu.dma_semaphore, #tpu.memory_space<semaphore_mem>> -> memref<!tpu.dma_semaphore, #tpu.memory_space<semaphore_mem>>
          %dma_start3A_276 = arith.constant 0 : i32
          %dma_start3A_277 = tpu.memref_slice %arg4[%mul3A_267, %dma_start3A_276] : memref<65536x128xf32, #tpu.memory_space<hbm>> -> memref<128x128xf32, #tpu.memory_space<hbm>>
          %dma_start3A_278 = arith.constant 0 : i32
          %dma_start3A_279 = arith.constant 0 : i32
          %dma_start3A_280 = tpu.memref_slice %run_scoped3A_8[%rem3A_265, %dma_start3A_278, %dma_start3A_279] : memref<2x128x128xf32, #tpu.memory_space<vmem>> -> memref<1x128x128xf32, #tpu.memory_space<vmem>>
          %dma_start3A_281 = tpu.memref_squeeze %dma_start3A_280 : memref<1x128x128xf32, #tpu.memory_space<vmem>> -> memref<128x128xf32, #tpu.memory_space<vmem>>
          tpu.enqueue_dma source(%dma_start3A_281 : memref<128x128xf32, #tpu.memory_space<vmem>>) target(%dma_start3A_277 : memref<128x128xf32, #tpu.memory_space<hbm>>) target_semaphore(%dma_start3A_275 : memref<!tpu.dma_semaphore, #tpu.memory_space<semaphore_mem>>)
          "tpu.trace_stop"() : () -> ()
        } else {
        }
        %and3A_217 = arith.constant true
        %and3A_218 = arith.andi %or3A_213, %and3A_217 : i1
        %add3A_219 = arith.constant 1 : i32
        %add3A_220 = arith.addi %scan3A_124, %add3A_219 : i32
        %select_n3A_221 = arith.select %and3A_218, %add3A_220, %scan3A_124 : i32
        %ne3A_222 = arith.cmpi ne, %add3A_131, %add3A_140 : i32
        %or3A_223 = arith.constant false
        %or3A_224 = arith.ori %or3A_223, %ne3A_222 : i1
        %not3A_225 = arith.constant true
        %not3A_226 = arith.xori %eq3A_128, %not3A_225 : i1
        %and3A_227 = arith.andi %or3A_224, %not3A_226 : i1
        %convert_element_type3A_228 = arith.extui %and3A_227 : i1 to i32
        %cond3A_229 = arith.constant 0 : i32
        %cond3A_230 = arith.cmpi ne, %convert_element_type3A_228, %cond3A_229 : i32
        scf.if %cond3A_230 {
        } else {
        }
        %and3A_231 = arith.constant false
        %and3A_232 = arith.andi %and3A_227, %and3A_231 : i1
        %ne3A_233 = arith.cmpi ne, %add3A_131, %add3A_140 : i32
        %or3A_234 = arith.constant false
        %or3A_235 = arith.ori %or3A_234, %ne3A_233 : i1
        %or3A_236 = arith.constant false
        %or3A_237 = arith.ori %or3A_235, %or3A_236 : i1
        %not3A_238 = arith.constant true
        %not3A_239 = arith.xori %eq3A_128, %not3A_238 : i1
        %and3A_240 = arith.andi %or3A_237, %not3A_239 : i1
        %convert_element_type3A_241 = arith.extui %and3A_240 : i1 to i32
        %cond3A_242 = arith.constant 0 : i32
        %cond3A_243 = arith.cmpi ne, %convert_element_type3A_241, %cond3A_242 : i32
        scf.if %cond3A_243 {
          "tpu.trace_start"() <{level = 10 : i32, message = "ep_wait_out"}> : () -> ()
          %rem3A_264 = arith.constant 2 : i32
          %rem3A_265 = arith.remui %scan3A_125, %rem3A_264 : i32
          %mul3A_266 = arith.constant 128 : i32
          %mul3A_267 = arith.muli %mul3A_266, %add3A_140 : i32
          %dma_wait3A_268 = arith.constant 0 : i32
          %dma_wait3A_269 = arith.constant 0 : i32
          %dma_wait3A_270 = tpu.memref_slice %run_scoped3A_8[%rem3A_265, %dma_wait3A_268, %dma_wait3A_269] : memref<2x128x128xf32, #tpu.memory_space<vmem>> -> memref<1x128x128xf32, #tpu.memory_space<vmem>>
          %dma_wait3A_271 = tpu.memref_squeeze %dma_wait3A_270 : memref<1x128x128xf32, #tpu.memory_space<vmem>> -> memref<128x128xf32, #tpu.memory_space<vmem>>
          %dma_wait3A_272 = arith.constant 0 : i32
          %dma_wait3A_273 = tpu.memref_slice %arg4[%mul3A_267, %dma_wait3A_272] : memref<65536x128xf32, #tpu.memory_space<hbm>> -> memref<128x128xf32, #tpu.memory_space<hbm>>
          %dma_wait3A_274 = tpu.memref_slice %run_scoped3A_9[%rem3A_265] : memref<2x!tpu.dma_semaphore, #tpu.memory_space<semaphore_mem>> -> memref<1x!tpu.dma_semaphore, #tpu.memory_space<semaphore_mem>>
          %dma_wait3A_275 = tpu.memref_squeeze %dma_wait3A_274 : memref<1x!tpu.dma_semaphore, #tpu.memory_space<semaphore_mem>> -> memref<!tpu.dma_semaphore, #tpu.memory_space<semaphore_mem>>
          %dma_wait3A_276 = arith.constant 0 : i32
          %dma_wait3A_277 = tpu.memref_slice %arg4[%mul3A_267, %dma_wait3A_276] : memref<65536x128xf32, #tpu.memory_space<hbm>> -> memref<128x128xf32, #tpu.memory_space<hbm>>
          %dma_wait3A_278 = arith.constant 0 : i32
          %dma_wait3A_279 = arith.constant 0 : i32
          %dma_wait3A_280 = tpu.memref_slice %run_scoped3A_8[%rem3A_265, %dma_wait3A_278, %dma_wait3A_279] : memref<2x128x128xf32, #tpu.memory_space<vmem>> -> memref<1x128x128xf32, #tpu.memory_space<vmem>>
          %dma_wait3A_281 = tpu.memref_squeeze %dma_wait3A_280 : memref<1x128x128xf32, #tpu.memory_space<vmem>> -> memref<128x128xf32, #tpu.memory_space<vmem>>
          tpu.wait_dma2 semaphore(%dma_wait3A_275 : memref<!tpu.dma_semaphore, #tpu.memory_space<semaphore_mem>>) src(%dma_wait3A_281 : memref<128x128xf32, #tpu.memory_space<vmem>>) dst(%dma_wait3A_277 : memref<128x128xf32, #tpu.memory_space<hbm>>)
          "tpu.trace_stop"() : () -> ()
        } else {
        }
        %and3A_244 = arith.constant true
        %and3A_245 = arith.andi %and3A_240, %and3A_244 : i1
        %add3A_246 = arith.constant 1 : i32
        %add3A_247 = arith.addi %scan3A_125, %add3A_246 : i32
        %select_n3A_248 = arith.select %and3A_245, %add3A_247, %scan3A_125 : i32
        %ne3A_249 = arith.cmpi ne, %add3A_131, %add3A_149 : i32
        %or3A_250 = arith.constant false
        %or3A_251 = arith.ori %or3A_250, %ne3A_249 : i1
        %or3A_252 = arith.ori %or3A_251, %eq3A_130 : i1
        %add3A_253 = arith.constant 1 : i32
        %add3A_254 = arith.addi %scan3A_123, %add3A_253 : i32
        %select_n3A_255 = arith.select %or3A_252, %add3A_254, %scan3A_123 : i32
        %add3A_256 = arith.constant 1 : i32
        %add3A_257 = arith.addi %scan3A_126, %add3A_256 : i32
        %select_n3A_258 = arith.constant true
        %select_n3A_259 = arith.select %select_n3A_258, %add3A_257, %scan3A_126 : i32
        %eq3A_260 = arith.constant 16 : i32
        %eq3A_261 = arith.cmpi eq, %select_n3A_259, %eq3A_260 : i32
        %select_n3A_262 = arith.constant 0 : i32
        %select_n3A_263 = arith.select %eq3A_261, %select_n3A_262, %select_n3A_259 : i32
        scf.yield %select_n3A_167, %select_n3A_255, %select_n3A_221, %select_n3A_248, %select_n3A_263 : i32, i32, i32, i32, i32
      }
      %scan3A_68 = arith.constant 16 : i32
      %sub3A = arith.constant 1 : i32
      %sub3A_69 = arith.subi %scan3A_67#4, %sub3A : i32
      %select_n3A_70 = arith.constant true
      %select_n3A_71 = arith.select %select_n3A_70, %sub3A_69, %scan3A_67#4 : i32
      %eq3A_72 = arith.constant -1 : i32
      %eq3A_73 = arith.cmpi eq, %select_n3A_71, %eq3A_72 : i32
      %select_n3A_74 = arith.constant 15 : i32
      %select_n3A_75 = arith.select %eq3A_73, %select_n3A_74, %select_n3A_71 : i32
      %add3A_76 = arith.addi %select_n3A_75, %mul3A_6 : i32
      %sub3A_77 = arith.constant 1 : i32
      %sub3A_78 = arith.subi %select_n3A_75, %sub3A_77 : i32
      %select_n3A_79 = arith.constant true
      %select_n3A_80 = arith.select %select_n3A_79, %sub3A_78, %select_n3A_75 : i32
      %eq3A_81 = arith.constant -1 : i32
      %eq3A_82 = arith.cmpi eq, %select_n3A_80, %eq3A_81 : i32
      %select_n3A_83 = arith.constant 15 : i32
      %select_n3A_84 = arith.select %eq3A_82, %select_n3A_83, %select_n3A_80 : i32
      %add3A_85 = arith.addi %select_n3A_84, %mul3A_6 : i32
      %add3A_86 = arith.constant 1 : i32
      %add3A_87 = arith.addi %select_n3A_75, %add3A_86 : i32
      %select_n3A_88 = arith.constant true
      %select_n3A_89 = arith.select %select_n3A_88, %add3A_87, %select_n3A_75 : i32
      %eq3A_90 = arith.constant 16 : i32
      %eq3A_91 = arith.cmpi eq, %select_n3A_89, %eq3A_90 : i32
      %select_n3A_92 = arith.constant 0 : i32
      %select_n3A_93 = arith.select %eq3A_91, %select_n3A_92, %select_n3A_89 : i32
      %add3A_94 = arith.addi %select_n3A_93, %mul3A_6 : i32
      %add3A_95 = arith.constant 1 : i32
      %add3A_96 = arith.addi %select_n3A_93, %add3A_95 : i32
      %select_n3A_97 = arith.constant true
      %select_n3A_98 = arith.select %select_n3A_97, %add3A_96, %select_n3A_93 : i32
      %eq3A_99 = arith.constant 16 : i32
      %eq3A_100 = arith.cmpi eq, %select_n3A_98, %eq3A_99 : i32
      %select_n3A_101 = arith.constant 0 : i32
      %select_n3A_102 = arith.select %eq3A_100, %select_n3A_101, %select_n3A_98 : i32
      %add3A_103 = arith.addi %select_n3A_102, %mul3A_6 : i32
      "tpu.trace_start"() <{level = 10 : i32, message = "ep_finalize"}> : () -> ()
      %rem3A_104 = arith.constant 2 : i32
      %rem3A_105 = arith.remui %scan3A_67#3, %rem3A_104 : i32
      %mul3A_106 = arith.constant 128 : i32
      %mul3A_107 = arith.muli %mul3A_106, %add3A_76 : i32
      %dma_wait3A = arith.constant 0 : i32
      %dma_wait3A_108 = arith.constant 0 : i32
      %dma_wait3A_109 = tpu.memref_slice %run_scoped3A_8[%rem3A_105, %dma_wait3A, %dma_wait3A_108] : memref<2x128x128xf32, #tpu.memory_space<vmem>> -> memref<1x128x128xf32, #tpu.memory_space<vmem>>
      %dma_wait3A_110 = tpu.memref_squeeze %dma_wait3A_109 : memref<1x128x128xf32, #tpu.memory_space<vmem>> -> memref<128x128xf32, #tpu.memory_space<vmem>>
      %dma_wait3A_111 = arith.constant 0 : i32
      %dma_wait3A_112 = tpu.memref_slice %arg4[%mul3A_107, %dma_wait3A_111] : memref<65536x128xf32, #tpu.memory_space<hbm>> -> memref<128x128xf32, #tpu.memory_space<hbm>>
      %dma_wait3A_113 = tpu.memref_slice %run_scoped3A_9[%rem3A_105] : memref<2x!tpu.dma_semaphore, #tpu.memory_space<semaphore_mem>> -> memref<1x!tpu.dma_semaphore, #tpu.memory_space<semaphore_mem>>
      %dma_wait3A_114 = tpu.memref_squeeze %dma_wait3A_113 : memref<1x!tpu.dma_semaphore, #tpu.memory_space<semaphore_mem>> -> memref<!tpu.dma_semaphore, #tpu.memory_space<semaphore_mem>>
      %dma_wait3A_115 = arith.constant 0 : i32
      %dma_wait3A_116 = tpu.memref_slice %arg4[%mul3A_107, %dma_wait3A_115] : memref<65536x128xf32, #tpu.memory_space<hbm>> -> memref<128x128xf32, #tpu.memory_space<hbm>>
      %dma_wait3A_117 = arith.constant 0 : i32
      %dma_wait3A_118 = arith.constant 0 : i32
      %dma_wait3A_119 = tpu.memref_slice %run_scoped3A_8[%rem3A_105, %dma_wait3A_117, %dma_wait3A_118] : memref<2x128x128xf32, #tpu.memory_space<vmem>> -> memref<1x128x128xf32, #tpu.memory_space<vmem>>
      %dma_wait3A_120 = tpu.memref_squeeze %dma_wait3A_119 : memref<1x128x128xf32, #tpu.memory_space<vmem>> -> memref<128x128xf32, #tpu.memory_space<vmem>>
      tpu.wait_dma2 semaphore(%dma_wait3A_114 : memref<!tpu.dma_semaphore, #tpu.memory_space<semaphore_mem>>) src(%dma_wait3A_120 : memref<128x128xf32, #tpu.memory_space<vmem>>) dst(%dma_wait3A_116 : memref<128x128xf32, #tpu.memory_space<hbm>>)
      "tpu.trace_stop"() : () -> ()
      tpu.yield
    }) : () -> ()
    return
  }
}

#map = affine_map<(d0, d1) -> (0, 0)>
module attributes {stable_mosaic.version = 14 : i64} {
  func.func @k(%arg0: i32, %arg1: i32, %arg2: memref<32768x128xf32, #tpu.memory_space<hbm>>, %arg3: memref<1x65536xi32, #tpu.memory_space<hbm>>, %arg4: memref<65536x128xf32, #tpu.memory_space<hbm>>) attributes {dimension_semantics = [#tpu.dimension_semantics<core_parallel>, #tpu.dimension_semantics<subcore_parallel>], iteration_bounds = array<i64: 2, 16>, scalar_prefetch = 0 : i64, scratch_operands = 0 : i64, tpu.core_type = #tpu.core_type<sc_vector_subcore>, window_params = [{transform_indices = #map}, {transform_indices = #map}, {transform_indices = #map}]} {
    %mul3A = arith.constant 1 : i32
    %mul3A_0 = arith.muli %arg1, %mul3A : i32
    %add3A = arith.constant 0 : i32
    %add3A_1 = arith.addi %add3A, %mul3A_0 : i32
    %mul3A_2 = arith.constant 16 : i32
    %mul3A_3 = arith.muli %arg0, %mul3A_2 : i32
    %add3A_4 = arith.addi %add3A_1, %mul3A_3 : i32
    %mul3A_5 = arith.constant 16 : i32
    %mul3A_6 = arith.muli %add3A_4, %mul3A_5 : i32
    "tpu.region"() ({
      %run_scoped3A = memref.alloca() : memref<2x1x128xi32, #tpu.memory_space<vmem>>
      %run_scoped3A_7 = tpu.sem_alloc : memref<2x!tpu.dma_semaphore, #tpu.memory_space<semaphore_mem>>
      %run_scoped3A_8 = memref.alloca() : memref<2x128x128xf32, #tpu.memory_space<vmem>>
      %run_scoped3A_9 = tpu.sem_alloc : memref<2x!tpu.dma_semaphore, #tpu.memory_space<semaphore_mem>>
      %add3A_10 = arith.constant 0 : i32
      %add3A_11 = arith.addi %add3A_10, %mul3A_6 : i32
      %select_n3A = arith.constant true
      %select_n3A_12 = arith.constant 0 : i32
      %select_n3A_13 = arith.constant -1 : i32
      %select_n3A_14 = arith.select %select_n3A, %select_n3A_13, %select_n3A_12 : i32
      %eq3A = arith.constant -1 : i32
      %eq3A_15 = arith.cmpi eq, %select_n3A_14, %eq3A : i32
      %select_n3A_16 = arith.constant 15 : i32
      %select_n3A_17 = arith.select %eq3A_15, %select_n3A_16, %select_n3A_14 : i32
      %add3A_18 = arith.addi %select_n3A_17, %mul3A_6 : i32
      %select_n3A_19 = arith.constant true
      %select_n3A_20 = arith.constant 0 : i32
      %select_n3A_21 = arith.constant 1 : i32
      %select_n3A_22 = arith.select %select_n3A_19, %select_n3A_21, %select_n3A_20 : i32
      %eq3A_23 = arith.constant 16 : i32
      %eq3A_24 = arith.cmpi eq, %select_n3A_22, %eq3A_23 : i32
      %select_n3A_25 = arith.constant 0 : i32
      %select_n3A_26 = arith.select %eq3A_24, %select_n3A_25, %select_n3A_22 : i32
      %add3A_27 = arith.addi %select_n3A_26, %mul3A_6 : i32
      %add3A_28 = arith.constant 1 : i32
      %add3A_29 = arith.addi %select_n3A_26, %add3A_28 : i32
      %select_n3A_30 = arith.constant true
      %select_n3A_31 = arith.select %select_n3A_30, %add3A_29, %select_n3A_26 : i32
      %eq3A_32 = arith.constant 16 : i32
      %eq3A_33 = arith.cmpi eq, %select_n3A_31, %eq3A_32 : i32
      %select_n3A_34 = arith.constant 0 : i32
      %select_n3A_35 = arith.select %eq3A_33, %select_n3A_34, %select_n3A_31 : i32
      %add3A_36 = arith.addi %select_n3A_35, %mul3A_6 : i32
      "tpu.trace_start"() <{level = 10 : i32, message = "ep_initialize_0"}> : () -> ()
      %rem3A = arith.constant 0 : i32
      %rem3A_37 = arith.constant 2 : i32
      %rem3A_38 = arith.remui %rem3A, %rem3A_37 : i32
      %mul3A_39 = arith.constant 128 : i32
      %mul3A_40 = arith.muli %mul3A_39, %add3A_11 : i32
      %dma_start3A = arith.constant 0 : i32
      %dma_start3A_41 = arith.constant 0 : i32
      %dma_start3A_42 = tpu.memref_slice %run_scoped3A[%rem3A_38, %dma_start3A, %dma_start3A_41] : memref<2x1x128xi32, #tpu.memory_space<vmem>> -> memref<1x1x128xi32, #tpu.memory_space<vmem>>
      %dma_start3A_43 = tpu.memref_squeeze %dma_start3A_42 : memref<1x1x128xi32, #tpu.memory_space<vmem>> -> memref<1x128xi32, #tpu.memory_space<vmem>>
      %dma_start3A_44 = arith.constant 0 : i32
      %dma_start3A_45 = tpu.memref_slice %arg3[%dma_start3A_44, %mul3A_40] : memref<1x65536xi32, #tpu.memory_space<hbm>> -> memref<1x128xi32, #tpu.memory_space<hbm>>
      %dma_start3A_46 = tpu.memref_slice %run_scoped3A_7[%rem3A_38] : memref<2x!tpu.dma_semaphore, #tpu.memory_space<semaphore_mem>> -> memref<1x!tpu.dma_semaphore, #tpu.memory_space<semaphore_mem>>
      %dma_start3A_47 = tpu.memref_squeeze %dma_start3A_46 : memref<1x!tpu.dma_semaphore, #tpu.memory_space<semaphore_mem>> -> memref<!tpu.dma_semaphore, #tpu.memory_space<semaphore_mem>>
      %dma_start3A_48 = arith.constant 0 : i32
      %dma_start3A_49 = arith.constant 0 : i32
      %dma_start3A_50 = tpu.memref_slice %run_scoped3A[%rem3A_38, %dma_start3A_48, %dma_start3A_49] : memref<2x1x128xi32, #tpu.memory_space<vmem>> -> memref<1x1x128xi32, #tpu.memory_space<vmem>>
      %dma_start3A_51 = tpu.memref_squeeze %dma_start3A_50 : memref<1x1x128xi32, #tpu.memory_space<vmem>> -> memref<1x128xi32, #tpu.memory_space<vmem>>
      %dma_start3A_52 = arith.constant 0 : i32
      %dma_start3A_53 = tpu.memref_slice %arg3[%dma_start3A_52, %mul3A_40] : memref<1x65536xi32, #tpu.memory_space<hbm>> -> memref<1x128xi32, #tpu.memory_space<hbm>>
      tpu.enqueue_dma source(%dma_start3A_53 : memref<1x128xi32, #tpu.memory_space<hbm>>) target(%dma_start3A_51 : memref<1x128xi32, #tpu.memory_space<vmem>>) target_semaphore(%dma_start3A_47 : memref<!tpu.dma_semaphore, #tpu.memory_space<semaphore_mem>>)
      %add3A_54 = arith.constant 0 : i32
      %add3A_55 = arith.constant 1 : i32
      %add3A_56 = arith.addi %add3A_54, %add3A_55 : i32
      %select_n3A_57 = arith.constant true
      %select_n3A_58 = arith.constant 0 : i32
      %select_n3A_59 = arith.select %select_n3A_57, %add3A_56, %select_n3A_58 : i32
      "tpu.trace_stop"() : () -> ()
      %scan3A = arith.constant 0 : i32
      %scan3A_60 = arith.constant 0 : i32
      %scan3A_61 = arith.constant 0 : i32
      %scan3A_62 = arith.constant 0 : i32
      %scan3A_63 = arith.constant 0 : i32
      %scan3A_64 = arith.constant 16 : i32
      %scan3A_65 = arith.addi %scan3A_63, %scan3A_64 : i32
      %scan3A_66 = arith.constant 1 : i32
      %scan3A_67:5 = scf.for %scan3A_121 = %scan3A_63 to %scan3A_65 step %scan3A_66 iter_args(%scan3A_122 = %select_n3A_59, %scan3A_123 = %scan3A, %scan3A_124 = %scan3A_60, %scan3A_125 = %scan3A_61, %scan3A_126 = %scan3A_62) -> (i32, i32, i32, i32, i32)  : i32 {
        %eq3A_127 = arith.constant 0 : i32
        %eq3A_128 = arith.cmpi eq, %scan3A_121, %eq3A_127 : i32
        %eq3A_129 = arith.constant 15 : i32
        %eq3A_130 = arith.cmpi eq, %scan3A_121, %eq3A_129 : i32
        %add3A_131 = arith.addi %scan3A_126, %mul3A_6 : i32
        %sub3A_132 = arith.constant 1 : i32
        %sub3A_133 = arith.subi %scan3A_126, %sub3A_132 : i32
        %select_n3A_134 = arith.constant true
        %select_n3A_135 = arith.select %select_n3A_134, %sub3A_133, %scan3A_126 : i32
        %eq3A_136 = arith.constant -1 : i32
        %eq3A_137 = arith.cmpi eq, %select_n3A_135, %eq3A_136 : i32
        %select_n3A_138 = arith.constant 15 : i32
        %select_n3A_139 = arith.select %eq3A_137, %select_n3A_138, %select_n3A_135 : i32
        %add3A_140 = arith.addi %select_n3A_139, %mul3A_6 : i32
        %add3A_141 = arith.constant 1 : i32
        %add3A_142 = arith.addi %scan3A_126, %add3A_141 : i32
        %select_n3A_143 = arith.constant true
        %select_n3A_144 = arith.select %select_n3A_143, %add3A_142, %scan3A_126 : i32
        %eq3A_145 = arith.constant 16 : i32
        %eq3A_146 = arith.cmpi eq, %select_n3A_144, %eq3A_145 : i32
        %select_n3A_147 = arith.constant 0 : i32
        %select_n3A_148 = arith.select %eq3A_146, %select_n3A_147, %select_n3A_144 : i32
        %add3A_149 = arith.addi %select_n3A_148, %mul3A_6 : i32
        %add3A_150 = arith.constant 1 : i32
        %add3A_151 = arith.addi %select_n3A_148, %add3A_150 : i32
        %select_n3A_152 = arith.constant true
        %select_n3A_153 = arith.select %select_n3A_152, %add3A_151, %select_n3A_148 : i32
        %eq3A_154 = arith.constant 16 : i32
        %eq3A_155 = arith.cmpi eq, %select_n3A_153, %eq3A_154 : i32
        %select_n3A_156 = arith.constant 0 : i32
        %select_n3A_157 = arith.select %eq3A_155, %select_n3A_156, %select_n3A_153 : i32
        %add3A_158 = arith.addi %select_n3A_157, %mul3A_6 : i32
        %ne3A = arith.cmpi ne, %add3A_131, %add3A_149 : i32
        %or3A = arith.constant false
        %or3A_159 = arith.ori %or3A, %ne3A : i1
        %ge3A = arith.constant 15 : i32
        %ge3A_160 = arith.cmpi sge, %scan3A_121, %ge3A : i32
        %not3A = arith.constant true
        %not3A_161 = arith.xori %ge3A_160, %not3A : i1
        %and3A = arith.andi %or3A_159, %not3A_161 : i1
        %convert_element_type3A = arith.extui %and3A : i1 to i32
        %cond3A = arith.constant 0 : i32
        %cond3A_162 = arith.cmpi ne, %convert_element_type3A, %cond3A : i32
        scf.if %cond3A_162 {
          "tpu.trace_start"() <{level = 10 : i32, message = "ep_copy_in"}> : () -> ()
          %rem3A_264 = arith.constant 2 : i32
          %rem3A_265 = arith.remui %scan3A_122, %rem3A_264 : i32
          %mul3A_266 = arith.constant 128 : i32
          %mul3A_267 = arith.muli %mul3A_266, %add3A_149 : i32
          %dma_start3A_268 = arith.constant 0 : i32
          %dma_start3A_269 = arith.constant 0 : i32
          %dma_start3A_270 = tpu.memref_slice %run_scoped3A[%rem3A_265, %dma_start3A_268, %dma_start3A_269] : memref<2x1x128xi32, #tpu.memory_space<vmem>> -> memref<1x1x128xi32, #tpu.memory_space<vmem>>
          %dma_start3A_271 = tpu.memref_squeeze %dma_start3A_270 : memref<1x1x128xi32, #tpu.memory_space<vmem>> -> memref<1x128xi32, #tpu.memory_space<vmem>>
          %dma_start3A_272 = arith.constant 0 : i32
          %dma_start3A_273 = tpu.memref_slice %arg3[%dma_start3A_272, %mul3A_267] : memref<1x65536xi32, #tpu.memory_space<hbm>> -> memref<1x128xi32, #tpu.memory_space<hbm>>
          %dma_start3A_274 = tpu.memref_slice %run_scoped3A_7[%rem3A_265] : memref<2x!tpu.dma_semaphore, #tpu.memory_space<semaphore_mem>> -> memref<1x!tpu.dma_semaphore, #tpu.memory_space<semaphore_mem>>
          %dma_start3A_275 = tpu.memref_squeeze %dma_start3A_274 : memref<1x!tpu.dma_semaphore, #tpu.memory_space<semaphore_mem>> -> memref<!tpu.dma_semaphore, #tpu.memory_space<semaphore_mem>>
          %dma_start3A_276 = arith.constant 0 : i32
          %dma_start3A_277 = arith.constant 0 : i32
          %dma_start3A_278 = tpu.memref_slice %run_scoped3A[%rem3A_265, %dma_start3A_276, %dma_start3A_277] : memref<2x1x128xi32, #tpu.memory_space<vmem>> -> memref<1x1x128xi32, #tpu.memory_space<vmem>>
          %dma_start3A_279 = tpu.memref_squeeze %dma_start3A_278 : memref<1x1x128xi32, #tpu.memory_space<vmem>> -> memref<1x128xi32, #tpu.memory_space<vmem>>
          %dma_start3A_280 = arith.constant 0 : i32
          %dma_start3A_281 = tpu.memref_slice %arg3[%dma_start3A_280, %mul3A_267] : memref<1x65536xi32, #tpu.memory_space<hbm>> -> memref<1x128xi32, #tpu.memory_space<hbm>>
          tpu.enqueue_dma source(%dma_start3A_281 : memref<1x128xi32, #tpu.memory_space<hbm>>) target(%dma_start3A_279 : memref<1x128xi32, #tpu.memory_space<vmem>>) target_semaphore(%dma_start3A_275 : memref<!tpu.dma_semaphore, #tpu.memory_space<semaphore_mem>>)
          "tpu.trace_stop"() : () -> ()
        } else {
        }
        %and3A_163 = arith.constant true
        %and3A_164 = arith.andi %and3A, %and3A_163 : i1
        %add3A_165 = arith.constant 1 : i32
        %add3A_166 = arith.addi %scan3A_122, %add3A_165 : i32
        %select_n3A_167 = arith.select %and3A_164, %add3A_166, %scan3A_122 : i32
        %ne3A_168 = arith.cmpi ne, %add3A_131, %add3A_149 : i32
        %or3A_169 = arith.constant false
        %or3A_170 = arith.ori %or3A_169, %ne3A_168 : i1
        %or3A_171 = arith.constant false
        %or3A_172 = arith.ori %or3A_170, %or3A_171 : i1
        %ge3A_173 = arith.constant 15 : i32
        %ge3A_174 = arith.cmpi sge, %scan3A_121, %ge3A_173 : i32
        %not3A_175 = arith.constant true
        %not3A_176 = arith.xori %ge3A_174, %not3A_175 : i1
        %and3A_177 = arith.andi %or3A_172, %not3A_176 : i1
        %ne3A_178 = arith.cmpi ne, %add3A_131, %add3A_140 : i32
        %or3A_179 = arith.constant false
        %or3A_180 = arith.ori %or3A_179, %ne3A_178 : i1
        %or3A_181 = arith.ori %or3A_180, %eq3A_128 : i1
        %convert_element_type3A_182 = arith.extui %or3A_181 : i1 to i32
        %cond3A_183 = arith.constant 0 : i32
        %cond3A_184 = arith.cmpi ne, %convert_element_type3A_182, %cond3A_183 : i32
        scf.if %cond3A_184 {
          "tpu.trace_start"() <{level = 10 : i32, message = "ep_wait_in"}> : () -> ()
          %mul3A_264 = arith.constant 128 : i32
          %mul3A_265 = arith.muli %mul3A_264, %add3A_131 : i32
          %rem3A_266 = arith.constant 2 : i32
          %rem3A_267 = arith.remui %scan3A_123, %rem3A_266 : i32
          %dma_wait3A_268 = arith.constant 0 : i32
          %dma_wait3A_269 = arith.constant 0 : i32
          %dma_wait3A_270 = tpu.memref_slice %run_scoped3A[%rem3A_267, %dma_wait3A_268, %dma_wait3A_269] : memref<2x1x128xi32, #tpu.memory_space<vmem>> -> memref<1x1x128xi32, #tpu.memory_space<vmem>>
          %dma_wait3A_271 = tpu.memref_squeeze %dma_wait3A_270 : memref<1x1x128xi32, #tpu.memory_space<vmem>> -> memref<1x128xi32, #tpu.memory_space<vmem>>
          %dma_wait3A_272 = arith.constant 0 : i32
          %dma_wait3A_273 = tpu.memref_slice %arg3[%dma_wait3A_272, %mul3A_265] : memref<1x65536xi32, #tpu.memory_space<hbm>> -> memref<1x128xi32, #tpu.memory_space<hbm>>
          %dma_wait3A_274 = tpu.memref_slice %run_scoped3A_7[%rem3A_267] : memref<2x!tpu.dma_semaphore, #tpu.memory_space<semaphore_mem>> -> memref<1x!tpu.dma_semaphore, #tpu.memory_space<semaphore_mem>>
          %dma_wait3A_275 = tpu.memref_squeeze %dma_wait3A_274 : memref<1x!tpu.dma_semaphore, #tpu.memory_space<semaphore_mem>> -> memref<!tpu.dma_semaphore, #tpu.memory_space<semaphore_mem>>
          %dma_wait3A_276 = arith.constant 0 : i32
          %dma_wait3A_277 = arith.constant 0 : i32
          %dma_wait3A_278 = tpu.memref_slice %run_scoped3A[%rem3A_267, %dma_wait3A_276, %dma_wait3A_277] : memref<2x1x128xi32, #tpu.memory_space<vmem>> -> memref<1x1x128xi32, #tpu.memory_space<vmem>>
          %dma_wait3A_279 = tpu.memref_squeeze %dma_wait3A_278 : memref<1x1x128xi32, #tpu.memory_space<vmem>> -> memref<1x128xi32, #tpu.memory_space<vmem>>
          %dma_wait3A_280 = arith.constant 0 : i32
          %dma_wait3A_281 = tpu.memref_slice %arg3[%dma_wait3A_280, %mul3A_265] : memref<1x65536xi32, #tpu.memory_space<hbm>> -> memref<1x128xi32, #tpu.memory_space<hbm>>
          tpu.wait_dma2 semaphore(%dma_wait3A_275 : memref<!tpu.dma_semaphore, #tpu.memory_space<semaphore_mem>>) src(%dma_wait3A_281 : memref<1x128xi32, #tpu.memory_space<hbm>>) dst(%dma_wait3A_279 : memref<1x128xi32, #tpu.memory_space<vmem>>)
          "tpu.trace_stop"() : () -> ()
        } else {
        }
        %ne3A_185 = arith.cmpi ne, %add3A_131, %add3A_140 : i32
        %or3A_186 = arith.constant false
        %or3A_187 = arith.ori %or3A_186, %ne3A_185 : i1
        %or3A_188 = arith.constant false
        %or3A_189 = arith.ori %or3A_187, %or3A_188 : i1
        %or3A_190 = arith.ori %or3A_189, %eq3A_128 : i1
        %convert_element_type3A_191 = arith.extui %or3A_190 : i1 to i32
        %cond3A_192 = arith.constant 0 : i32
        %cond3A_193 = arith.cmpi ne, %convert_element_type3A_191, %cond3A_192 : i32
        scf.if %cond3A_193 {
        } else {
        }
        %rem3A_194 = arith.constant 2 : i32
        %rem3A_195 = arith.remui %scan3A_123, %rem3A_194 : i32
        %rem3A_196 = arith.constant 2 : i32
        %rem3A_197 = arith.remui %scan3A_124, %rem3A_196 : i32
        %run_scoped3A_198 = arith.constant 0 : i32
        "tpu.trace_start"() <{level = 10 : i32, message = "ep_run_kernel"}> : () -> ()
        "tpu.region"() ({
          %run_scoped3A_264 = tpu.sem_alloc : memref<!tpu.dma_semaphore, #tpu.memory_space<semaphore_mem>>
          %dma_start3A_265 = arith.constant 0 : i32
          %dma_start3A_266 = arith.constant 0 : i32
          %dma_start3A_267 = tpu.memref_slice %run_scoped3A_8[%rem3A_197, %dma_start3A_265, %dma_start3A_266] : memref<2x128x128xf32, #tpu.memory_space<vmem>> -> memref<1x128x128xf32, #tpu.memory_space<vmem>>
          %dma_start3A_268 = tpu.memref_squeeze %dma_start3A_267 : memref<1x128x128xf32, #tpu.memory_space<vmem>> -> memref<128x128xf32, #tpu.memory_space<vmem>>
          %dma_start3A_269 = arith.constant 0 : i32
          %dma_start3A_270 = arith.constant 0 : i32
          %dma_start3A_271 = tpu.memref_slice %run_scoped3A[%rem3A_195, %dma_start3A_269, %dma_start3A_270] : memref<2x1x128xi32, #tpu.memory_space<vmem>> -> memref<1x1x128xi32, #tpu.memory_space<vmem>>
          %dma_start3A_272 = tpu.memref_squeeze %dma_start3A_271 : memref<1x1x128xi32, #tpu.memory_space<vmem>> -> memref<1x128xi32, #tpu.memory_space<vmem>>
          %dma_start3A_273 = arith.constant 0 : i32
          %dma_start3A_274 = tpu.memref_slice %dma_start3A_272[%run_scoped3A_198, %dma_start3A_273] : memref<1x128xi32, #tpu.memory_space<vmem>> -> memref<1x128xi32, #tpu.memory_space<vmem>>
          %dma_start3A_275 = tpu.memref_squeeze %dma_start3A_274 : memref<1x128xi32, #tpu.memory_space<vmem>> -> memref<128xi32, #tpu.memory_space<vmem>>
          %dma_start3A_276 = arith.constant 0 : i32
          %dma_start3A_277 = arith.constant 0 : i32
          %dma_start3A_278 = tpu.memref_slice %arg2[%dma_start3A_276, %dma_start3A_277] : memref<32768x128xf32, #tpu.memory_space<hbm>> -> memref<32768x128xf32, #tpu.memory_space<hbm>>
          tpu.enqueue_indirect_dma source(%dma_start3A_278 : memref<32768x128xf32, #tpu.memory_space<hbm>>) target(%dma_start3A_268 : memref<128x128xf32, #tpu.memory_space<vmem>>) offsets(%dma_start3A_275 : memref<128xi32, #tpu.memory_space<vmem>>) semaphore(%run_scoped3A_264 : memref<!tpu.dma_semaphore, #tpu.memory_space<semaphore_mem>>)
          %dma_wait3A_279 = arith.constant 0 : i32
          %dma_wait3A_280 = arith.constant 0 : i32
          %dma_wait3A_281 = tpu.memref_slice %run_scoped3A_8[%rem3A_197, %dma_wait3A_279, %dma_wait3A_280] : memref<2x128x128xf32, #tpu.memory_space<vmem>> -> memref<1x128x128xf32, #tpu.memory_space<vmem>>
          %dma_wait3A_282 = tpu.memref_squeeze %dma_wait3A_281 : memref<1x128x128xf32, #tpu.memory_space<vmem>> -> memref<128x128xf32, #tpu.memory_space<vmem>>
          %dma_wait3A_283 = arith.constant 0 : i32
          %dma_wait3A_284 = arith.constant 0 : i32
          %dma_wait3A_285 = tpu.memref_slice %run_scoped3A[%rem3A_195, %dma_wait3A_283, %dma_wait3A_284] : memref<2x1x128xi32, #tpu.memory_space<vmem>> -> memref<1x1x128xi32, #tpu.memory_space<vmem>>
          %dma_wait3A_286 = tpu.memref_squeeze %dma_wait3A_285 : memref<1x1x128xi32, #tpu.memory_space<vmem>> -> memref<1x128xi32, #tpu.memory_space<vmem>>
          %dma_wait3A_287 = arith.constant 0 : i32
          %dma_wait3A_288 = tpu.memref_slice %dma_wait3A_286[%run_scoped3A_198, %dma_wait3A_287] : memref<1x128xi32, #tpu.memory_space<vmem>> -> memref<1x128xi32, #tpu.memory_space<vmem>>
          %dma_wait3A_289 = tpu.memref_squeeze %dma_wait3A_288 : memref<1x128xi32, #tpu.memory_space<vmem>> -> memref<128xi32, #tpu.memory_space<vmem>>
          %dma_wait3A_290 = arith.constant 0 : i32
          %dma_wait3A_291 = arith.constant 0 : i32
          %dma_wait3A_292 = tpu.memref_slice %arg2[%dma_wait3A_290, %dma_wait3A_291] : memref<32768x128xf32, #tpu.memory_space<hbm>> -> memref<32768x128xf32, #tpu.memory_space<hbm>>
          tpu.wait_indirect_dma semaphore(%run_scoped3A_264 : memref<!tpu.dma_semaphore, #tpu.memory_space<semaphore_mem>>) src(%dma_wait3A_292 : memref<32768x128xf32, #tpu.memory_space<hbm>>) dst(%dma_wait3A_282 : memref<128x128xf32, #tpu.memory_space<vmem>>)
          tpu.yield
        }) : () -> ()
        "tpu.trace_stop"() : () -> ()
        %ne3A_199 = arith.cmpi ne, %add3A_131, %add3A_149 : i32
        %or3A_200 = arith.constant false
        %or3A_201 = arith.ori %or3A_200, %ne3A_199 : i1
        %or3A_202 = arith.ori %or3A_201, %eq3A_130 : i1
        %convert_element_type3A_203 = arith.extui %or3A_202 : i1 to i32
        %cond3A_204 = arith.constant 0 : i32
        %cond3A_205 = arith.cmpi ne, %convert_element_type3A_203, %cond3A_204 : i32
        scf.if %cond3A_205 {
        } else {
        }
        %and3A_206 = arith.constant false
        %and3A_207 = arith.andi %or3A_202, %and3A_206 : i1
        %ne3A_208 = arith.cmpi ne, %add3A_131, %add3A_149 : i32
        %or3A_209 = arith.constant false
        %or3A_210 = arith.ori %or3A_209, %ne3A_208 : i1
        %or3A_211 = arith.constant false
        %or3A_212 = arith.ori %or3A_210, %or3A_211 : i1
        %or3A_213 = arith.ori %or3A_212, %eq3A_130 : i1
        %convert_element_type3A_214 = arith.extui %or3A_213 : i1 to i32
        %cond3A_215 = arith.constant 0 : i32
        %cond3A_216 = arith.cmpi ne, %convert_element_type3A_214, %cond3A_215 : i32
        scf.if %cond3A_216 {
          "tpu.trace_start"() <{level = 10 : i32, message = "ep_copy_out"}> : () -> ()
          %rem3A_264 = arith.constant 2 : i32
          %rem3A_265 = arith.remui %scan3A_124, %rem3A_264 : i32
          %mul3A_266 = arith.constant 128 : i32
          %mul3A_267 = arith.muli %mul3A_266, %add3A_131 : i32
          %dma_start3A_268 = arith.constant 0 : i32
          %dma_start3A_269 = arith.constant 0 : i32
          %dma_start3A_270 = tpu.memref_slice %run_scoped3A_8[%rem3A_265, %dma_start3A_268, %dma_start3A_269] : memref<2x128x128xf32, #tpu.memory_space<vmem>> -> memref<1x128x128xf32, #tpu.memory_space<vmem>>
          %dma_start3A_271 = tpu.memref_squeeze %dma_start3A_270 : memref<1x128x128xf32, #tpu.memory_space<vmem>> -> memref<128x128xf32, #tpu.memory_space<vmem>>
          %dma_start3A_272 = arith.constant 0 : i32
          %dma_start3A_273 = tpu.memref_slice %arg4[%mul3A_267, %dma_start3A_272] : memref<65536x128xf32, #tpu.memory_space<hbm>> -> memref<128x128xf32, #tpu.memory_space<hbm>>
          %dma_start3A_274 = tpu.memref_slice %run_scoped3A_9[%rem3A_265] : memref<2x!tpu.dma_semaphore, #tpu.memory_space<semaphore_mem>> -> memref<1x!tpu.dma_semaphore, #tpu.memory_space<semaphore_mem>>
          %dma_start3A_275 = tpu.memref_squeeze %dma_start3A_274 : memref<1x!tpu.dma_semaphore, #tpu.memory_space<semaphore_mem>> -> memref<!tpu.dma_semaphore, #tpu.memory_space<semaphore_mem>>
          %dma_start3A_276 = arith.constant 0 : i32
          %dma_start3A_277 = tpu.memref_slice %arg4[%mul3A_267, %dma_start3A_276] : memref<65536x128xf32, #tpu.memory_space<hbm>> -> memref<128x128xf32, #tpu.memory_space<hbm>>
          %dma_start3A_278 = arith.constant 0 : i32
          %dma_start3A_279 = arith.constant 0 : i32
          %dma_start3A_280 = tpu.memref_slice %run_scoped3A_8[%rem3A_265, %dma_start3A_278, %dma_start3A_279] : memref<2x128x128xf32, #tpu.memory_space<vmem>> -> memref<1x128x128xf32, #tpu.memory_space<vmem>>
          %dma_start3A_281 = tpu.memref_squeeze %dma_start3A_280 : memref<1x128x128xf32, #tpu.memory_space<vmem>> -> memref<128x128xf32, #tpu.memory_space<vmem>>
          tpu.enqueue_dma source(%dma_start3A_281 : memref<128x128xf32, #tpu.memory_space<vmem>>) target(%dma_start3A_277 : memref<128x128xf32, #tpu.memory_space<hbm>>) target_semaphore(%dma_start3A_275 : memref<!tpu.dma_semaphore, #tpu.memory_space<semaphore_mem>>)
          "tpu.trace_stop"() : () -> ()
        } else {
        }
        %and3A_217 = arith.constant true
        %and3A_218 = arith.andi %or3A_213, %and3A_217 : i1
        %add3A_219 = arith.constant 1 : i32
        %add3A_220 = arith.addi %scan3A_124, %add3A_219 : i32
        %select_n3A_221 = arith.select %and3A_218, %add3A_220, %scan3A_124 : i32
        %ne3A_222 = arith.cmpi ne, %add3A_131, %add3A_140 : i32
        %or3A_223 = arith.constant false
        %or3A_224 = arith.ori %or3A_223, %ne3A_222 : i1
        %not3A_225 = arith.constant true
        %not3A_226 = arith.xori %eq3A_128, %not3A_225 : i1
        %and3A_227 = arith.andi %or3A_224, %not3A_226 : i1
        %convert_element_type3A_228 = arith.extui %and3A_227 : i1 to i32
        %cond3A_229 = arith.constant 0 : i32
        %cond3A_230 = arith.cmpi ne, %convert_element_type3A_228, %cond3A_229 : i32
        scf.if %cond3A_230 {
        } else {
        }
        %and3A_231 = arith.constant false
        %and3A_232 = arith.andi %and3A_227, %and3A_231 : i1
        %ne3A_233 = arith.cmpi ne, %add3A_131, %add3A_140 : i32
        %or3A_234 = arith.constant false
        %or3A_235 = arith.ori %or3A_234, %ne3A_233 : i1
        %or3A_236 = arith.constant false
        %or3A_237 = arith.ori %or3A_235, %or3A_236 : i1
        %not3A_238 = arith.constant true
        %not3A_239 = arith.xori %eq3A_128, %not3A_238 : i1
        %and3A_240 = arith.andi %or3A_237, %not3A_239 : i1
        %convert_element_type3A_241 = arith.extui %and3A_240 : i1 to i32
        %cond3A_242 = arith.constant 0 : i32
        %cond3A_243 = arith.cmpi ne, %convert_element_type3A_241, %cond3A_242 : i32
        scf.if %cond3A_243 {
          "tpu.trace_start"() <{level = 10 : i32, message = "ep_wait_out"}> : () -> ()
          %rem3A_264 = arith.constant 2 : i32
          %rem3A_265 = arith.remui %scan3A_125, %rem3A_264 : i32
          %mul3A_266 = arith.constant 128 : i32
          %mul3A_267 = arith.muli %mul3A_266, %add3A_140 : i32
          %dma_wait3A_268 = arith.constant 0 : i32
          %dma_wait3A_269 = arith.constant 0 : i32
          %dma_wait3A_270 = tpu.memref_slice %run_scoped3A_8[%rem3A_265, %dma_wait3A_268, %dma_wait3A_269] : memref<2x128x128xf32, #tpu.memory_space<vmem>> -> memref<1x128x128xf32, #tpu.memory_space<vmem>>
          %dma_wait3A_271 = tpu.memref_squeeze %dma_wait3A_270 : memref<1x128x128xf32, #tpu.memory_space<vmem>> -> memref<128x128xf32, #tpu.memory_space<vmem>>
          %dma_wait3A_272 = arith.constant 0 : i32
          %dma_wait3A_273 = tpu.memref_slice %arg4[%mul3A_267, %dma_wait3A_272] : memref<65536x128xf32, #tpu.memory_space<hbm>> -> memref<128x128xf32, #tpu.memory_space<hbm>>
          %dma_wait3A_274 = tpu.memref_slice %run_scoped3A_9[%rem3A_265] : memref<2x!tpu.dma_semaphore, #tpu.memory_space<semaphore_mem>> -> memref<1x!tpu.dma_semaphore, #tpu.memory_space<semaphore_mem>>
          %dma_wait3A_275 = tpu.memref_squeeze %dma_wait3A_274 : memref<1x!tpu.dma_semaphore, #tpu.memory_space<semaphore_mem>> -> memref<!tpu.dma_semaphore, #tpu.memory_space<semaphore_mem>>
          %dma_wait3A_276 = arith.constant 0 : i32
          %dma_wait3A_277 = tpu.memref_slice %arg4[%mul3A_267, %dma_wait3A_276] : memref<65536x128xf32, #tpu.memory_space<hbm>> -> memref<128x128xf32, #tpu.memory_space<hbm>>
          %dma_wait3A_278 = arith.constant 0 : i32
          %dma_wait3A_279 = arith.constant 0 : i32
          %dma_wait3A_280 = tpu.memref_slice %run_scoped3A_8[%rem3A_265, %dma_wait3A_278, %dma_wait3A_279] : memref<2x128x128xf32, #tpu.memory_space<vmem>> -> memref<1x128x128xf32, #tpu.memory_space<vmem>>
          %dma_wait3A_281 = tpu.memref_squeeze %dma_wait3A_280 : memref<1x128x128xf32, #tpu.memory_space<vmem>> -> memref<128x128xf32, #tpu.memory_space<vmem>>
          tpu.wait_dma2 semaphore(%dma_wait3A_275 : memref<!tpu.dma_semaphore, #tpu.memory_space<semaphore_mem>>) src(%dma_wait3A_281 : memref<128x128xf32, #tpu.memory_space<vmem>>) dst(%dma_wait3A_277 : memref<128x128xf32, #tpu.memory_space<hbm>>)
          "tpu.trace_stop"() : () -> ()
        } else {
        }
        %and3A_244 = arith.constant true
        %and3A_245 = arith.andi %and3A_240, %and3A_244 : i1
        %add3A_246 = arith.constant 1 : i32
        %add3A_247 = arith.addi %scan3A_125, %add3A_246 : i32
        %select_n3A_248 = arith.select %and3A_245, %add3A_247, %scan3A_125 : i32
        %ne3A_249 = arith.cmpi ne, %add3A_131, %add3A_149 : i32
        %or3A_250 = arith.constant false
        %or3A_251 = arith.ori %or3A_250, %ne3A_249 : i1
        %or3A_252 = arith.ori %or3A_251, %eq3A_130 : i1
        %add3A_253 = arith.constant 1 : i32
        %add3A_254 = arith.addi %scan3A_123, %add3A_253 : i32
        %select_n3A_255 = arith.select %or3A_252, %add3A_254, %scan3A_123 : i32
        %add3A_256 = arith.constant 1 : i32
        %add3A_257 = arith.addi %scan3A_126, %add3A_256 : i32
        %select_n3A_258 = arith.constant true
        %select_n3A_259 = arith.select %select_n3A_258, %add3A_257, %scan3A_126 : i32
        %eq3A_260 = arith.constant 16 : i32
        %eq3A_261 = arith.cmpi eq, %select_n3A_259, %eq3A_260 : i32
        %select_n3A_262 = arith.constant 0 : i32
        %select_n3A_263 = arith.select %eq3A_261, %select_n3A_262, %select_n3A_259 : i32
        scf.yield %select_n3A_167, %select_n3A_255, %select_n3A_221, %select_n3A_248, %select_n3A_263 : i32, i32, i32, i32, i32
      }
      %scan3A_68 = arith.constant 16 : i32
      %sub3A = arith.constant 1 : i32
      %sub3A_69 = arith.subi %scan3A_67#4, %sub3A : i32
      %select_n3A_70 = arith.constant true
      %select_n3A_71 = arith.select %select_n3A_70, %sub3A_69, %scan3A_67#4 : i32
      %eq3A_72 = arith.constant -1 : i32
      %eq3A_73 = arith.cmpi eq, %select_n3A_71, %eq3A_72 : i32
      %select_n3A_74 = arith.constant 15 : i32
      %select_n3A_75 = arith.select %eq3A_73, %select_n3A_74, %select_n3A_71 : i32
      %add3A_76 = arith.addi %select_n3A_75, %mul3A_6 : i32
      %sub3A_77 = arith.constant 1 : i32
      %sub3A_78 = arith.subi %select_n3A_75, %sub3A_77 : i32
      %select_n3A_79 = arith.constant true
      %select_n3A_80 = arith.select %select_n3A_79, %sub3A_78, %select_n3A_75 : i32
      %eq3A_81 = arith.constant -1 : i32
      %eq3A_82 = arith.cmpi eq, %select_n3A_80, %eq3A_81 : i32
      %select_n3A_83 = arith.constant 15 : i32
      %select_n3A_84 = arith.select %eq3A_82, %select_n3A_83, %select_n3A_80 : i32
      %add3A_85 = arith.addi %select_n3A_84, %mul3A_6 : i32
      %add3A_86 = arith.constant 1 : i32
      %add3A_87 = arith.addi %select_n3A_75, %add3A_86 : i32
      %select_n3A_88 = arith.constant true
      %select_n3A_89 = arith.select %select_n3A_88, %add3A_87, %select_n3A_75 : i32
      %eq3A_90 = arith.constant 16 : i32
      %eq3A_91 = arith.cmpi eq, %select_n3A_89, %eq3A_90 : i32
      %select_n3A_92 = arith.constant 0 : i32
      %select_n3A_93 = arith.select %eq3A_91, %select_n3A_92, %select_n3A_89 : i32
      %add3A_94 = arith.addi %select_n3A_93, %mul3A_6 : i32
      %add3A_95 = arith.constant 1 : i32
      %add3A_96 = arith.addi %select_n3A_93, %add3A_95 : i32
      %select_n3A_97 = arith.constant true
      %select_n3A_98 = arith.select %select_n3A_97, %add3A_96, %select_n3A_93 : i32
      %eq3A_99 = arith.constant 16 : i32
      %eq3A_100 = arith.cmpi eq, %select_n3A_98, %eq3A_99 : i32
      %select_n3A_101 = arith.constant 0 : i32
      %select_n3A_102 = arith.select %eq3A_100, %select_n3A_101, %select_n3A_98 : i32
      %add3A_103 = arith.addi %select_n3A_102, %mul3A_6 : i32
      "tpu.trace_start"() <{level = 10 : i32, message = "ep_finalize"}> : () -> ()
      %rem3A_104 = arith.constant 2 : i32
      %rem3A_105 = arith.remui %scan3A_67#3, %rem3A_104 : i32
      %mul3A_106 = arith.constant 128 : i32
      %mul3A_107 = arith.muli %mul3A_106, %add3A_76 : i32
      %dma_wait3A = arith.constant 0 : i32
      %dma_wait3A_108 = arith.constant 0 : i32
      %dma_wait3A_109 = tpu.memref_slice %run_scoped3A_8[%rem3A_105, %dma_wait3A, %dma_wait3A_108] : memref<2x128x128xf32, #tpu.memory_space<vmem>> -> memref<1x128x128xf32, #tpu.memory_space<vmem>>
      %dma_wait3A_110 = tpu.memref_squeeze %dma_wait3A_109 : memref<1x128x128xf32, #tpu.memory_space<vmem>> -> memref<128x128xf32, #tpu.memory_space<vmem>>
      %dma_wait3A_111 = arith.constant 0 : i32
      %dma_wait3A_112 = tpu.memref_slice %arg4[%mul3A_107, %dma_wait3A_111] : memref<65536x128xf32, #tpu.memory_space<hbm>> -> memref<128x128xf32, #tpu.memory_space<hbm>>
      %dma_wait3A_113 = tpu.memref_slice %run_scoped3A_9[%rem3A_105] : memref<2x!tpu.dma_semaphore, #tpu.memory_space<semaphore_mem>> -> memref<1x!tpu.dma_semaphore, #tpu.memory_space<semaphore_mem>>
      %dma_wait3A_114 = tpu.memref_squeeze %dma_wait3A_113 : memref<1x!tpu.dma_semaphore, #tpu.memory_space<semaphore_mem>> -> memref<!tpu.dma_semaphore, #tpu.memory_space<semaphore_mem>>
      %dma_wait3A_115 = arith.constant 0 : i32
      %dma_wait3A_116 = tpu.memref_slice %arg4[%mul3A_107, %dma_wait3A_115] : memref<65536x128xf32, #tpu.memory_space<hbm>> -> memref<128x128xf32, #tpu.memory_space<hbm>>
      %dma_wait3A_117 = arith.constant 0 : i32
      %dma_wait3A_118 = arith.constant 0 : i32
      %dma_wait3A_119 = tpu.memref_slice %run_scoped3A_8[%rem3A_105, %dma_wait3A_117, %dma_wait3A_118] : memref<2x128x128xf32, #tpu.memory_space<vmem>> -> memref<1x128x128xf32, #tpu.memory_space<vmem>>
      %dma_wait3A_120 = tpu.memref_squeeze %dma_wait3A_119 : memref<1x128x128xf32, #tpu.memory_space<vmem>> -> memref<128x128xf32, #tpu.memory_space<vmem>>
      tpu.wait_dma2 semaphore(%dma_wait3A_114 : memref<!tpu.dma_semaphore, #tpu.memory_space<semaphore_mem>>) src(%dma_wait3A_120 : memref<128x128xf32, #tpu.memory_space<vmem>>) dst(%dma_wait3A_116 : memref<128x128xf32, #tpu.memory_space<hbm>>)
      "tpu.trace_stop"() : () -> ()
      tpu.yield
    }) : () -> ()
    return
  }
}

module attributes {stable_mosaic.version = 14 : i64} {
  func.func @_fps_body(%arg0: memref<24x4096xf32, #tpu.memory_space<vmem>>, %arg1: memref<8x1024xf32, #tpu.memory_space<vmem>>, %arg2: memref<8x1024xf32, #tpu.memory_space<vmem>>, %arg3: memref<8x1024xf32, #tpu.memory_space<vmem>>, %arg4: memref<8x4096xf32, #tpu.memory_space<vmem>>) attributes {dimension_semantics = [], scalar_prefetch = 0 : i64, scratch_operands = 1 : i64, tpu.core_type = #tpu.core_type<tc>} {
    %iota3A = tpu.iota {dimensions = array<i32: 1>} : vector<24x128xi32>
    %broadcast_in_dim3A = arith.constant 0.000000e+00 : f32
    %broadcast_in_dim3A_0 = vector.broadcast %broadcast_in_dim3A : f32 to vector<24x128xf32>
    %broadcast_in_dim3A_1 = arith.constant 1.000000e+10 : f32
    %broadcast_in_dim3A_2 = vector.broadcast %broadcast_in_dim3A_1 : f32 to vector<8x4096xf32>
    %swap3A = arith.constant 0 : index
    %swap3A_3 = arith.constant 0 : index
    %swap3A_4 = vector.load %arg4[%swap3A, %swap3A_3] : memref<8x4096xf32, #tpu.memory_space<vmem>>, vector<8x4096xf32>
    tpu.vector_store %arg4[%swap3A, %swap3A_3], %broadcast_in_dim3A_2 {strides = array<i32>} : memref<8x4096xf32, #tpu.memory_space<vmem>>, vector<8x4096xf32>,
    %broadcast_in_dim3A_5 = arith.constant 0 : i32
    %broadcast_in_dim3A_6 = vector.broadcast %broadcast_in_dim3A_5 : i32 to vector<24x1xi32>
    %scan3A = arith.constant 0 : i32
    %scan3A_7 = arith.constant 128 : i32
    %scan3A_8 = arith.addi %scan3A, %scan3A_7 : i32
    %scan3A_9 = arith.constant 1 : i32
    %scan3A_10:2 = scf.for %scan3A_149 = %scan3A to %scan3A_8 step %scan3A_9 iter_args(%scan3A_150 = %broadcast_in_dim3A_6, %scan3A_151 = %broadcast_in_dim3A_0) -> (vector<24x1xi32>, vector<24x128xf32>)  : i32 {
      %get3A = arith.constant 0 : index
      %get3A_152 = arith.constant 0 : index
      %get3A_153 = vector.load %arg0[%get3A, %get3A_152] : memref<24x4096xf32, #tpu.memory_space<vmem>>, vector<24x1024xf32>
      %iota3A_154 = tpu.iota {dimensions = array<i32: 1>} : vector<24x1024xi32>
      %add3A = arith.constant 0 : i32
      %add3A_155 = vector.broadcast %add3A : i32 to vector<24x1024xi32>
      %add3A_156 = arith.addi %iota3A_154, %add3A_155 : vector<24x1024xi32>
      %eq3A = vector.broadcast %scan3A_150 : vector<24x1xi32> to vector<24x1024xi32>
      %eq3A_157 = arith.cmpi eq, %add3A_156, %eq3A : vector<24x1024xi32>
      %jit3A = arith.constant 0.000000e+00 : f32
      %broadcast_in_dim3A_158 = vector.broadcast %jit3A : f32 to vector<24x1024xf32>
      %select_n3A = arith.select %eq3A_157, %get3A_153, %broadcast_in_dim3A_158 : vector<24x1024xi1>, vector<24x1024xf32>
      %reduce_sum3A = arith.constant dense<0.000000e+00> : vector<24xf32>
      %reduce_sum3A_159 = vector.multi_reduction <add>, %select_n3A, %reduce_sum3A [1] : vector<24x1024xf32> to vector<24xf32>
      %broadcast_in_dim3A_160 = vector.shape_cast %reduce_sum3A_159 : vector<24xf32> to vector<24x1xf32>
      %get3A_161 = arith.constant 0 : index
      %get3A_162 = arith.constant 1024 : index
      %get3A_163 = vector.load %arg0[%get3A_161, %get3A_162] : memref<24x4096xf32, #tpu.memory_space<vmem>>, vector<24x1024xf32>
      %iota3A_164 = tpu.iota {dimensions = array<i32: 1>} : vector<24x1024xi32>
      %add3A_165 = arith.constant 1024 : i32
      %add3A_166 = vector.broadcast %add3A_165 : i32 to vector<24x1024xi32>
      %add3A_167 = arith.addi %iota3A_164, %add3A_166 : vector<24x1024xi32>
      %eq3A_168 = vector.broadcast %scan3A_150 : vector<24x1xi32> to vector<24x1024xi32>
      %eq3A_169 = arith.cmpi eq, %add3A_167, %eq3A_168 : vector<24x1024xi32>
      %jit3A_170 = arith.constant 0.000000e+00 : f32
      %broadcast_in_dim3A_171 = vector.broadcast %jit3A_170 : f32 to vector<24x1024xf32>
      %select_n3A_172 = arith.select %eq3A_169, %get3A_163, %broadcast_in_dim3A_171 : vector<24x1024xi1>, vector<24x1024xf32>
      %reduce_sum3A_173 = arith.constant dense<0.000000e+00> : vector<24xf32>
      %reduce_sum3A_174 = vector.multi_reduction <add>, %select_n3A_172, %reduce_sum3A_173 [1] : vector<24x1024xf32> to vector<24xf32>
      %broadcast_in_dim3A_175 = vector.shape_cast %reduce_sum3A_174 : vector<24xf32> to vector<24x1xf32>
      %add3A_176 = arith.addf %broadcast_in_dim3A_160, %broadcast_in_dim3A_175 : vector<24x1xf32>
      %get3A_177 = arith.constant 0 : index
      %get3A_178 = arith.constant 2048 : index
      %get3A_179 = vector.load %arg0[%get3A_177, %get3A_178] : memref<24x4096xf32, #tpu.memory_space<vmem>>, vector<24x1024xf32>
      %iota3A_180 = tpu.iota {dimensions = array<i32: 1>} : vector<24x1024xi32>
      %add3A_181 = arith.constant 2048 : i32
      %add3A_182 = vector.broadcast %add3A_181 : i32 to vector<24x1024xi32>
      %add3A_183 = arith.addi %iota3A_180, %add3A_182 : vector<24x1024xi32>
      %eq3A_184 = vector.broadcast %scan3A_150 : vector<24x1xi32> to vector<24x1024xi32>
      %eq3A_185 = arith.cmpi eq, %add3A_183, %eq3A_184 : vector<24x1024xi32>
      %jit3A_186 = arith.constant 0.000000e+00 : f32
      %broadcast_in_dim3A_187 = vector.broadcast %jit3A_186 : f32 to vector<24x1024xf32>
      %select_n3A_188 = arith.select %eq3A_185, %get3A_179, %broadcast_in_dim3A_187 : vector<24x1024xi1>, vector<24x1024xf32>
      %reduce_sum3A_189 = arith.constant dense<0.000000e+00> : vector<24xf32>
      %reduce_sum3A_190 = vector.multi_reduction <add>, %select_n3A_188, %reduce_sum3A_189 [1] : vector<24x1024xf32> to vector<24xf32>
      %broadcast_in_dim3A_191 = vector.shape_cast %reduce_sum3A_190 : vector<24xf32> to vector<24x1xf32>
      %add3A_192 = arith.addf %add3A_176, %broadcast_in_dim3A_191 : vector<24x1xf32>
      %get3A_193 = arith.constant 0 : index
      %get3A_194 = arith.constant 3072 : index
      %get3A_195 = vector.load %arg0[%get3A_193, %get3A_194] : memref<24x4096xf32, #tpu.memory_space<vmem>>, vector<24x1024xf32>
      %iota3A_196 = tpu.iota {dimensions = array<i32: 1>} : vector<24x1024xi32>
      %add3A_197 = arith.constant 3072 : i32
      %add3A_198 = vector.broadcast %add3A_197 : i32 to vector<24x1024xi32>
      %add3A_199 = arith.addi %iota3A_196, %add3A_198 : vector<24x1024xi32>
      %eq3A_200 = vector.broadcast %scan3A_150 : vector<24x1xi32> to vector<24x1024xi32>
      %eq3A_201 = arith.cmpi eq, %add3A_199, %eq3A_200 : vector<24x1024xi32>
      %jit3A_202 = arith.constant 0.000000e+00 : f32
      %broadcast_in_dim3A_203 = vector.broadcast %jit3A_202 : f32 to vector<24x1024xf32>
      %select_n3A_204 = arith.select %eq3A_201, %get3A_195, %broadcast_in_dim3A_203 : vector<24x1024xi1>, vector<24x1024xf32>
      %reduce_sum3A_205 = arith.constant dense<0.000000e+00> : vector<24xf32>
      %reduce_sum3A_206 = vector.multi_reduction <add>, %select_n3A_204, %reduce_sum3A_205 [1] : vector<24x1024xf32> to vector<24xf32>
      %broadcast_in_dim3A_207 = vector.shape_cast %reduce_sum3A_206 : vector<24xf32> to vector<24x1xf32>
      %add3A_208 = arith.addf %add3A_192, %broadcast_in_dim3A_207 : vector<24x1xf32>
      %eq3A_209 = vector.broadcast %scan3A_149 : i32 to vector<24x128xi32>
      %eq3A_210 = arith.cmpi eq, %iota3A, %eq3A_209 : vector<24x128xi32>
      %broadcast_in_dim3A_211 = vector.shape_cast %add3A_208 : vector<24x1xf32> to vector<24x1xf32>
      %broadcast_in_dim3A_212 = vector.broadcast %broadcast_in_dim3A_211 : vector<24x1xf32> to vector<24x128xf32>
      %select_n3A_213 = arith.select %eq3A_210, %broadcast_in_dim3A_212, %scan3A_151 : vector<24x128xi1>, vector<24x128xf32>
      %get3A_214 = arith.constant 0 : index
      %get3A_215 = arith.constant 0 : index
      %get3A_216 = vector.load %arg0[%get3A_214, %get3A_215] : memref<24x4096xf32, #tpu.memory_space<vmem>>, vector<24x1024xf32>
      %sub3A = vector.broadcast %add3A_208 : vector<24x1xf32> to vector<24x1024xf32>
      %sub3A_217 = arith.subf %get3A_216, %sub3A : vector<24x1024xf32>
      %mul3A = arith.mulf %sub3A_217, %sub3A_217 : vector<24x1024xf32>
      %slice3A_218 = vector.extract_strided_slice %mul3A {offsets = [0, 0], sizes = [8, 1024], strides = [1, 1]} : vector<24x1024xf32> to vector<8x1024xf32>
      %slice3A_219 = vector.extract_strided_slice %mul3A {offsets = [8, 0], sizes = [8, 1024], strides = [1, 1]} : vector<24x1024xf32> to vector<8x1024xf32>
      %add3A_220 = arith.addf %slice3A_218, %slice3A_219 : vector<8x1024xf32>
      %slice3A_221 = vector.extract_strided_slice %mul3A {offsets = [16, 0], sizes = [8, 1024], strides = [1, 1]} : vector<24x1024xf32> to vector<8x1024xf32>
      %add3A_222 = arith.addf %add3A_220, %slice3A_221 : vector<8x1024xf32>
      %get3A_223 = arith.constant 0 : index
      %get3A_224 = arith.constant 0 : index
      %get3A_225 = vector.load %arg4[%get3A_223, %get3A_224] : memref<8x4096xf32, #tpu.memory_space<vmem>>, vector<8x1024xf32>
      %min3A = arith.minimumf %get3A_225, %add3A_222 : vector<8x1024xf32>
      %swap3A_226 = arith.constant 0 : index
      %swap3A_227 = arith.constant 0 : index
      %swap3A_228 = vector.load %arg4[%swap3A_226, %swap3A_227] : memref<8x4096xf32, #tpu.memory_space<vmem>>, vector<8x1024xf32>
      tpu.vector_store %arg4[%swap3A_226, %swap3A_227], %min3A {strides = array<i32>} : memref<8x4096xf32, #tpu.memory_space<vmem>>, vector<8x1024xf32>,
      %reduce_max3A = arith.constant dense<0xFF800000> : vector<8xf32>
      %reduce_max3A_229 = vector.multi_reduction <maximumf>, %min3A, %reduce_max3A [1] : vector<8x1024xf32> to vector<8xf32>
      %broadcast_in_dim3A_230 = vector.shape_cast %reduce_max3A_229 : vector<8xf32> to vector<8x1xf32>
      %iota3A_231 = tpu.iota {dimensions = array<i32: 1>} : vector<8x1024xi32>
      %eq3A_232 = vector.broadcast %broadcast_in_dim3A_230 : vector<8x1xf32> to vector<8x1024xf32>
      %eq3A_233 = arith.cmpf oeq, %min3A, %eq3A_232 : vector<8x1024xf32>
      %jit3A_234 = arith.constant 1024 : i32
      %broadcast_in_dim3A_235 = vector.broadcast %jit3A_234 : i32 to vector<8x1024xi32>
      %select_n3A_236 = arith.select %eq3A_233, %iota3A_231, %broadcast_in_dim3A_235 : vector<8x1024xi1>, vector<8x1024xi32>
      %reduce_min3A = arith.constant dense<2147483647> : vector<8xi32>
      %reduce_min3A_237 = vector.multi_reduction <minsi>, %select_n3A_236, %reduce_min3A [1] : vector<8x1024xi32> to vector<8xi32>
      %broadcast_in_dim3A_238 = vector.shape_cast %reduce_min3A_237 : vector<8xi32> to vector<8x1xi32>
      %add3A_239 = arith.constant 0 : i32
      %add3A_240 = vector.broadcast %add3A_239 : i32 to vector<8x1xi32>
      %add3A_241 = arith.addi %broadcast_in_dim3A_238, %add3A_240 : vector<8x1xi32>
      %get3A_242 = arith.constant 0 : index
      %get3A_243 = arith.constant 1024 : index
      %get3A_244 = vector.load %arg0[%get3A_242, %get3A_243] : memref<24x4096xf32, #tpu.memory_space<vmem>>, vector<24x1024xf32>
      %sub3A_245 = vector.broadcast %add3A_208 : vector<24x1xf32> to vector<24x1024xf32>
      %sub3A_246 = arith.subf %get3A_244, %sub3A_245 : vector<24x1024xf32>
      %mul3A_247 = arith.mulf %sub3A_246, %sub3A_246 : vector<24x1024xf32>
      %slice3A_248 = vector.extract_strided_slice %mul3A_247 {offsets = [0, 0], sizes = [8, 1024], strides = [1, 1]} : vector<24x1024xf32> to vector<8x1024xf32>
      %slice3A_249 = vector.extract_strided_slice %mul3A_247 {offsets = [8, 0], sizes = [8, 1024], strides = [1, 1]} : vector<24x1024xf32> to vector<8x1024xf32>
      %add3A_250 = arith.addf %slice3A_248, %slice3A_249 : vector<8x1024xf32>
      %slice3A_251 = vector.extract_strided_slice %mul3A_247 {offsets = [16, 0], sizes = [8, 1024], strides = [1, 1]} : vector<24x1024xf32> to vector<8x1024xf32>
      %add3A_252 = arith.addf %add3A_250, %slice3A_251 : vector<8x1024xf32>
      %get3A_253 = arith.constant 0 : index
      %get3A_254 = arith.constant 1024 : index
      %get3A_255 = vector.load %arg4[%get3A_253, %get3A_254] : memref<8x4096xf32, #tpu.memory_space<vmem>>, vector<8x1024xf32>
      %min3A_256 = arith.minimumf %get3A_255, %add3A_252 : vector<8x1024xf32>
      %swap3A_257 = arith.constant 0 : index
      %swap3A_258 = arith.constant 1024 : index
      %swap3A_259 = vector.load %arg4[%swap3A_257, %swap3A_258] : memref<8x4096xf32, #tpu.memory_space<vmem>>, vector<8x1024xf32>
      tpu.vector_store %arg4[%swap3A_257, %swap3A_258], %min3A_256 {strides = array<i32>} : memref<8x4096xf32, #tpu.memory_space<vmem>>, vector<8x1024xf32>,
      %reduce_max3A_260 = arith.constant dense<0xFF800000> : vector<8xf32>
      %reduce_max3A_261 = vector.multi_reduction <maximumf>, %min3A_256, %reduce_max3A_260 [1] : vector<8x1024xf32> to vector<8xf32>
      %broadcast_in_dim3A_262 = vector.shape_cast %reduce_max3A_261 : vector<8xf32> to vector<8x1xf32>
      %iota3A_263 = tpu.iota {dimensions = array<i32: 1>} : vector<8x1024xi32>
      %eq3A_264 = vector.broadcast %broadcast_in_dim3A_262 : vector<8x1xf32> to vector<8x1024xf32>
      %eq3A_265 = arith.cmpf oeq, %min3A_256, %eq3A_264 : vector<8x1024xf32>
      %jit3A_266 = arith.constant 1024 : i32
      %broadcast_in_dim3A_267 = vector.broadcast %jit3A_266 : i32 to vector<8x1024xi32>
      %select_n3A_268 = arith.select %eq3A_265, %iota3A_263, %broadcast_in_dim3A_267 : vector<8x1024xi1>, vector<8x1024xi32>
      %reduce_min3A_269 = arith.constant dense<2147483647> : vector<8xi32>
      %reduce_min3A_270 = vector.multi_reduction <minsi>, %select_n3A_268, %reduce_min3A_269 [1] : vector<8x1024xi32> to vector<8xi32>
      %broadcast_in_dim3A_271 = vector.shape_cast %reduce_min3A_270 : vector<8xi32> to vector<8x1xi32>
      %add3A_272 = arith.constant 1024 : i32
      %add3A_273 = vector.broadcast %add3A_272 : i32 to vector<8x1xi32>
      %add3A_274 = arith.addi %broadcast_in_dim3A_271, %add3A_273 : vector<8x1xi32>
      %gt3A = arith.cmpf ogt, %broadcast_in_dim3A_262, %broadcast_in_dim3A_230 : vector<8x1xf32>
      %select_n3A_275 = arith.select %gt3A, %add3A_274, %add3A_241 : vector<8x1xi1>, vector<8x1xi32>
      %select_n3A_276 = arith.select %gt3A, %broadcast_in_dim3A_262, %broadcast_in_dim3A_230 : vector<8x1xi1>, vector<8x1xf32>
      %get3A_277 = arith.constant 0 : index
      %get3A_278 = arith.constant 2048 : index
      %get3A_279 = vector.load %arg0[%get3A_277, %get3A_278] : memref<24x4096xf32, #tpu.memory_space<vmem>>, vector<24x1024xf32>
      %sub3A_280 = vector.broadcast %add3A_208 : vector<24x1xf32> to vector<24x1024xf32>
      %sub3A_281 = arith.subf %get3A_279, %sub3A_280 : vector<24x1024xf32>
      %mul3A_282 = arith.mulf %sub3A_281, %sub3A_281 : vector<24x1024xf32>
      %slice3A_283 = vector.extract_strided_slice %mul3A_282 {offsets = [0, 0], sizes = [8, 1024], strides = [1, 1]} : vector<24x1024xf32> to vector<8x1024xf32>
      %slice3A_284 = vector.extract_strided_slice %mul3A_282 {offsets = [8, 0], sizes = [8, 1024], strides = [1, 1]} : vector<24x1024xf32> to vector<8x1024xf32>
      %add3A_285 = arith.addf %slice3A_283, %slice3A_284 : vector<8x1024xf32>
      %slice3A_286 = vector.extract_strided_slice %mul3A_282 {offsets = [16, 0], sizes = [8, 1024], strides = [1, 1]} : vector<24x1024xf32> to vector<8x1024xf32>
      %add3A_287 = arith.addf %add3A_285, %slice3A_286 : vector<8x1024xf32>
      %get3A_288 = arith.constant 0 : index
      %get3A_289 = arith.constant 2048 : index
      %get3A_290 = vector.load %arg4[%get3A_288, %get3A_289] : memref<8x4096xf32, #tpu.memory_space<vmem>>, vector<8x1024xf32>
      %min3A_291 = arith.minimumf %get3A_290, %add3A_287 : vector<8x1024xf32>
      %swap3A_292 = arith.constant 0 : index
      %swap3A_293 = arith.constant 2048 : index
      %swap3A_294 = vector.load %arg4[%swap3A_292, %swap3A_293] : memref<8x4096xf32, #tpu.memory_space<vmem>>, vector<8x1024xf32>
      tpu.vector_store %arg4[%swap3A_292, %swap3A_293], %min3A_291 {strides = array<i32>} : memref<8x4096xf32, #tpu.memory_space<vmem>>, vector<8x1024xf32>,
      %reduce_max3A_295 = arith.constant dense<0xFF800000> : vector<8xf32>
      %reduce_max3A_296 = vector.multi_reduction <maximumf>, %min3A_291, %reduce_max3A_295 [1] : vector<8x1024xf32> to vector<8xf32>
      %broadcast_in_dim3A_297 = vector.shape_cast %reduce_max3A_296 : vector<8xf32> to vector<8x1xf32>
      %iota3A_298 = tpu.iota {dimensions = array<i32: 1>} : vector<8x1024xi32>
      %eq3A_299 = vector.broadcast %broadcast_in_dim3A_297 : vector<8x1xf32> to vector<8x1024xf32>
      %eq3A_300 = arith.cmpf oeq, %min3A_291, %eq3A_299 : vector<8x1024xf32>
      %jit3A_301 = arith.constant 1024 : i32
      %broadcast_in_dim3A_302 = vector.broadcast %jit3A_301 : i32 to vector<8x1024xi32>
      %select_n3A_303 = arith.select %eq3A_300, %iota3A_298, %broadcast_in_dim3A_302 : vector<8x1024xi1>, vector<8x1024xi32>
      %reduce_min3A_304 = arith.constant dense<2147483647> : vector<8xi32>
      %reduce_min3A_305 = vector.multi_reduction <minsi>, %select_n3A_303, %reduce_min3A_304 [1] : vector<8x1024xi32> to vector<8xi32>
      %broadcast_in_dim3A_306 = vector.shape_cast %reduce_min3A_305 : vector<8xi32> to vector<8x1xi32>
      %add3A_307 = arith.constant 2048 : i32
      %add3A_308 = vector.broadcast %add3A_307 : i32 to vector<8x1xi32>
      %add3A_309 = arith.addi %broadcast_in_dim3A_306, %add3A_308 : vector<8x1xi32>
      %gt3A_310 = arith.cmpf ogt, %broadcast_in_dim3A_297, %select_n3A_276 : vector<8x1xf32>
      %select_n3A_311 = arith.select %gt3A_310, %add3A_309, %select_n3A_275 : vector<8x1xi1>, vector<8x1xi32>
      %select_n3A_312 = arith.select %gt3A_310, %broadcast_in_dim3A_297, %select_n3A_276 : vector<8x1xi1>, vector<8x1xf32>
      %get3A_313 = arith.constant 0 : index
      %get3A_314 = arith.constant 3072 : index
      %get3A_315 = vector.load %arg0[%get3A_313, %get3A_314] : memref<24x4096xf32, #tpu.memory_space<vmem>>, vector<24x1024xf32>
      %sub3A_316 = vector.broadcast %add3A_208 : vector<24x1xf32> to vector<24x1024xf32>
      %sub3A_317 = arith.subf %get3A_315, %sub3A_316 : vector<24x1024xf32>
      %mul3A_318 = arith.mulf %sub3A_317, %sub3A_317 : vector<24x1024xf32>
      %slice3A_319 = vector.extract_strided_slice %mul3A_318 {offsets = [0, 0], sizes = [8, 1024], strides = [1, 1]} : vector<24x1024xf32> to vector<8x1024xf32>
      %slice3A_320 = vector.extract_strided_slice %mul3A_318 {offsets = [8, 0], sizes = [8, 1024], strides = [1, 1]} : vector<24x1024xf32> to vector<8x1024xf32>
      %add3A_321 = arith.addf %slice3A_319, %slice3A_320 : vector<8x1024xf32>
      %slice3A_322 = vector.extract_strided_slice %mul3A_318 {offsets = [16, 0], sizes = [8, 1024], strides = [1, 1]} : vector<24x1024xf32> to vector<8x1024xf32>
      %add3A_323 = arith.addf %add3A_321, %slice3A_322 : vector<8x1024xf32>
      %get3A_324 = arith.constant 0 : index
      %get3A_325 = arith.constant 3072 : index
      %get3A_326 = vector.load %arg4[%get3A_324, %get3A_325] : memref<8x4096xf32, #tpu.memory_space<vmem>>, vector<8x1024xf32>
      %min3A_327 = arith.minimumf %get3A_326, %add3A_323 : vector<8x1024xf32>
      %swap3A_328 = arith.constant 0 : index
      %swap3A_329 = arith.constant 3072 : index
      %swap3A_330 = vector.load %arg4[%swap3A_328, %swap3A_329] : memref<8x4096xf32, #tpu.memory_space<vmem>>, vector<8x1024xf32>
      tpu.vector_store %arg4[%swap3A_328, %swap3A_329], %min3A_327 {strides = array<i32>} : memref<8x4096xf32, #tpu.memory_space<vmem>>, vector<8x1024xf32>,
      %reduce_max3A_331 = arith.constant dense<0xFF800000> : vector<8xf32>
      %reduce_max3A_332 = vector.multi_reduction <maximumf>, %min3A_327, %reduce_max3A_331 [1] : vector<8x1024xf32> to vector<8xf32>
      %broadcast_in_dim3A_333 = vector.shape_cast %reduce_max3A_332 : vector<8xf32> to vector<8x1xf32>
      %iota3A_334 = tpu.iota {dimensions = array<i32: 1>} : vector<8x1024xi32>
      %eq3A_335 = vector.broadcast %broadcast_in_dim3A_333 : vector<8x1xf32> to vector<8x1024xf32>
      %eq3A_336 = arith.cmpf oeq, %min3A_327, %eq3A_335 : vector<8x1024xf32>
      %jit3A_337 = arith.constant 1024 : i32
      %broadcast_in_dim3A_338 = vector.broadcast %jit3A_337 : i32 to vector<8x1024xi32>
      %select_n3A_339 = arith.select %eq3A_336, %iota3A_334, %broadcast_in_dim3A_338 : vector<8x1024xi1>, vector<8x1024xi32>
      %reduce_min3A_340 = arith.constant dense<2147483647> : vector<8xi32>
      %reduce_min3A_341 = vector.multi_reduction <minsi>, %select_n3A_339, %reduce_min3A_340 [1] : vector<8x1024xi32> to vector<8xi32>
      %broadcast_in_dim3A_342 = vector.shape_cast %reduce_min3A_341 : vector<8xi32> to vector<8x1xi32>
      %add3A_343 = arith.constant 3072 : i32
      %add3A_344 = vector.broadcast %add3A_343 : i32 to vector<8x1xi32>
      %add3A_345 = arith.addi %broadcast_in_dim3A_342, %add3A_344 : vector<8x1xi32>
      %gt3A_346 = arith.cmpf ogt, %broadcast_in_dim3A_333, %select_n3A_312 : vector<8x1xf32>
      %select_n3A_347 = arith.select %gt3A_346, %add3A_345, %select_n3A_311 : vector<8x1xi1>, vector<8x1xi32>
      %concatenate3A = tpu.concatenate %select_n3A_347, %select_n3A_347, %select_n3A_347 in 0 : vector<8x1xi32>, vector<8x1xi32>, vector<8x1xi32> -> vector<24x1xi32>
      scf.yield %concatenate3A, %select_n3A_213 : vector<24x1xi32>, vector<24x128xf32>
    }
    %scan3A_11 = arith.constant 128 : i32
    %slice3A = vector.extract_strided_slice %scan3A_10#1 {offsets = [0, 0], sizes = [8, 128], strides = [1, 1]} : vector<24x128xf32> to vector<8x128xf32>
    %swap3A_12 = arith.constant 0 : index
    %swap3A_13 = arith.constant 0 : index
    %swap3A_14 = vector.load %arg1[%swap3A_12, %swap3A_13] : memref<8x1024xf32, #tpu.memory_space<vmem>>, vector<8x128xf32>
    tpu.vector_store %arg1[%swap3A_12, %swap3A_13], %slice3A {strides = array<i32>} : memref<8x1024xf32, #tpu.memory_space<vmem>>, vector<8x128xf32>,
    %slice3A_15 = vector.extract_strided_slice %scan3A_10#1 {offsets = [8, 0], sizes = [8, 128], strides = [1, 1]} : vector<24x128xf32> to vector<8x128xf32>
    %swap3A_16 = arith.constant 0 : index
    %swap3A_17 = arith.constant 0 : index
    %swap3A_18 = vector.load %arg2[%swap3A_16, %swap3A_17] : memref<8x1024xf32, #tpu.memory_space<vmem>>, vector<8x128xf32>
    tpu.vector_store %arg2[%swap3A_16, %swap3A_17], %slice3A_15 {strides = array<i32>} : memref<8x1024xf32, #tpu.memory_space<vmem>>, vector<8x128xf32>,
    %slice3A_19 = vector.extract_strided_slice %scan3A_10#1 {offsets = [16, 0], sizes = [8, 128], strides = [1, 1]} : vector<24x128xf32> to vector<8x128xf32>
    %swap3A_20 = arith.constant 0 : index
    %swap3A_21 = arith.constant 0 : index
    %swap3A_22 = vector.load %arg3[%swap3A_20, %swap3A_21] : memref<8x1024xf32, #tpu.memory_space<vmem>>, vector<8x128xf32>
    tpu.vector_store %arg3[%swap3A_20, %swap3A_21], %slice3A_19 {strides = array<i32>} : memref<8x1024xf32, #tpu.memory_space<vmem>>, vector<8x128xf32>,
    %scan3A_23 = arith.constant 0 : i32
    %scan3A_24 = arith.constant 128 : i32
    %scan3A_25 = arith.addi %scan3A_23, %scan3A_24 : i32
    %scan3A_26 = arith.constant 1 : i32
    %scan3A_27:2 = scf.for %scan3A_149 = %scan3A_23 to %scan3A_25 step %scan3A_26 iter_args(%scan3A_150 = %scan3A_10#0, %scan3A_151 = %broadcast_in_dim3A_0) -> (vector<24x1xi32>, vector<24x128xf32>)  : i32 {
      %get3A = arith.constant 0 : index
      %get3A_152 = arith.constant 0 : index
      %get3A_153 = vector.load %arg0[%get3A, %get3A_152] : memref<24x4096xf32, #tpu.memory_space<vmem>>, vector<24x1024xf32>
      %iota3A_154 = tpu.iota {dimensions = array<i32: 1>} : vector<24x1024xi32>
      %add3A = arith.constant 0 : i32
      %add3A_155 = vector.broadcast %add3A : i32 to vector<24x1024xi32>
      %add3A_156 = arith.addi %iota3A_154, %add3A_155 : vector<24x1024xi32>
      %eq3A = vector.broadcast %scan3A_150 : vector<24x1xi32> to vector<24x1024xi32>
      %eq3A_157 = arith.cmpi eq, %add3A_156, %eq3A : vector<24x1024xi32>
      %jit3A = arith.constant 0.000000e+00 : f32
      %broadcast_in_dim3A_158 = vector.broadcast %jit3A : f32 to vector<24x1024xf32>
      %select_n3A = arith.select %eq3A_157, %get3A_153, %broadcast_in_dim3A_158 : vector<24x1024xi1>, vector<24x1024xf32>
      %reduce_sum3A = arith.constant dense<0.000000e+00> : vector<24xf32>
      %reduce_sum3A_159 = vector.multi_reduction <add>, %select_n3A, %reduce_sum3A [1] : vector<24x1024xf32> to vector<24xf32>
      %broadcast_in_dim3A_160 = vector.shape_cast %reduce_sum3A_159 : vector<24xf32> to vector<24x1xf32>
      %get3A_161 = arith.constant 0 : index
      %get3A_162 = arith.constant 1024 : index
      %get3A_163 = vector.load %arg0[%get3A_161, %get3A_162] : memref<24x4096xf32, #tpu.memory_space<vmem>>, vector<24x1024xf32>
      %iota3A_164 = tpu.iota {dimensions = array<i32: 1>} : vector<24x1024xi32>
      %add3A_165 = arith.constant 1024 : i32
      %add3A_166 = vector.broadcast %add3A_165 : i32 to vector<24x1024xi32>
      %add3A_167 = arith.addi %iota3A_164, %add3A_166 : vector<24x1024xi32>
      %eq3A_168 = vector.broadcast %scan3A_150 : vector<24x1xi32> to vector<24x1024xi32>
      %eq3A_169 = arith.cmpi eq, %add3A_167, %eq3A_168 : vector<24x1024xi32>
      %jit3A_170 = arith.constant 0.000000e+00 : f32
      %broadcast_in_dim3A_171 = vector.broadcast %jit3A_170 : f32 to vector<24x1024xf32>
      %select_n3A_172 = arith.select %eq3A_169, %get3A_163, %broadcast_in_dim3A_171 : vector<24x1024xi1>, vector<24x1024xf32>
      %reduce_sum3A_173 = arith.constant dense<0.000000e+00> : vector<24xf32>
      %reduce_sum3A_174 = vector.multi_reduction <add>, %select_n3A_172, %reduce_sum3A_173 [1] : vector<24x1024xf32> to vector<24xf32>
      %broadcast_in_dim3A_175 = vector.shape_cast %reduce_sum3A_174 : vector<24xf32> to vector<24x1xf32>
      %add3A_176 = arith.addf %broadcast_in_dim3A_160, %broadcast_in_dim3A_175 : vector<24x1xf32>
      %get3A_177 = arith.constant 0 : index
      %get3A_178 = arith.constant 2048 : index
      %get3A_179 = vector.load %arg0[%get3A_177, %get3A_178] : memref<24x4096xf32, #tpu.memory_space<vmem>>, vector<24x1024xf32>
      %iota3A_180 = tpu.iota {dimensions = array<i32: 1>} : vector<24x1024xi32>
      %add3A_181 = arith.constant 2048 : i32
      %add3A_182 = vector.broadcast %add3A_181 : i32 to vector<24x1024xi32>
      %add3A_183 = arith.addi %iota3A_180, %add3A_182 : vector<24x1024xi32>
      %eq3A_184 = vector.broadcast %scan3A_150 : vector<24x1xi32> to vector<24x1024xi32>
      %eq3A_185 = arith.cmpi eq, %add3A_183, %eq3A_184 : vector<24x1024xi32>
      %jit3A_186 = arith.constant 0.000000e+00 : f32
      %broadcast_in_dim3A_187 = vector.broadcast %jit3A_186 : f32 to vector<24x1024xf32>
      %select_n3A_188 = arith.select %eq3A_185, %get3A_179, %broadcast_in_dim3A_187 : vector<24x1024xi1>, vector<24x1024xf32>
      %reduce_sum3A_189 = arith.constant dense<0.000000e+00> : vector<24xf32>
      %reduce_sum3A_190 = vector.multi_reduction <add>, %select_n3A_188, %reduce_sum3A_189 [1] : vector<24x1024xf32> to vector<24xf32>
      %broadcast_in_dim3A_191 = vector.shape_cast %reduce_sum3A_190 : vector<24xf32> to vector<24x1xf32>
      %add3A_192 = arith.addf %add3A_176, %broadcast_in_dim3A_191 : vector<24x1xf32>
      %get3A_193 = arith.constant 0 : index
      %get3A_194 = arith.constant 3072 : index
      %get3A_195 = vector.load %arg0[%get3A_193, %get3A_194] : memref<24x4096xf32, #tpu.memory_space<vmem>>, vector<24x1024xf32>
      %iota3A_196 = tpu.iota {dimensions = array<i32: 1>} : vector<24x1024xi32>
      %add3A_197 = arith.constant 3072 : i32
      %add3A_198 = vector.broadcast %add3A_197 : i32 to vector<24x1024xi32>
      %add3A_199 = arith.addi %iota3A_196, %add3A_198 : vector<24x1024xi32>
      %eq3A_200 = vector.broadcast %scan3A_150 : vector<24x1xi32> to vector<24x1024xi32>
      %eq3A_201 = arith.cmpi eq, %add3A_199, %eq3A_200 : vector<24x1024xi32>
      %jit3A_202 = arith.constant 0.000000e+00 : f32
      %broadcast_in_dim3A_203 = vector.broadcast %jit3A_202 : f32 to vector<24x1024xf32>
      %select_n3A_204 = arith.select %eq3A_201, %get3A_195, %broadcast_in_dim3A_203 : vector<24x1024xi1>, vector<24x1024xf32>
      %reduce_sum3A_205 = arith.constant dense<0.000000e+00> : vector<24xf32>
      %reduce_sum3A_206 = vector.multi_reduction <add>, %select_n3A_204, %reduce_sum3A_205 [1] : vector<24x1024xf32> to vector<24xf32>
      %broadcast_in_dim3A_207 = vector.shape_cast %reduce_sum3A_206 : vector<24xf32> to vector<24x1xf32>
      %add3A_208 = arith.addf %add3A_192, %broadcast_in_dim3A_207 : vector<24x1xf32>
      %eq3A_209 = vector.broadcast %scan3A_149 : i32 to vector<24x128xi32>
      %eq3A_210 = arith.cmpi eq, %iota3A, %eq3A_209 : vector<24x128xi32>
      %broadcast_in_dim3A_211 = vector.shape_cast %add3A_208 : vector<24x1xf32> to vector<24x1xf32>
      %broadcast_in_dim3A_212 = vector.broadcast %broadcast_in_dim3A_211 : vector<24x1xf32> to vector<24x128xf32>
      %select_n3A_213 = arith.select %eq3A_210, %broadcast_in_dim3A_212, %scan3A_151 : vector<24x128xi1>, vector<24x128xf32>
      %get3A_214 = arith.constant 0 : index
      %get3A_215 = arith.constant 0 : index
      %get3A_216 = vector.load %arg0[%get3A_214, %get3A_215] : memref<24x4096xf32, #tpu.memory_space<vmem>>, vector<24x1024xf32>
      %sub3A = vector.broadcast %add3A_208 : vector<24x1xf32> to vector<24x1024xf32>
      %sub3A_217 = arith.subf %get3A_216, %sub3A : vector<24x1024xf32>
      %mul3A = arith.mulf %sub3A_217, %sub3A_217 : vector<24x1024xf32>
      %slice3A_218 = vector.extract_strided_slice %mul3A {offsets = [0, 0], sizes = [8, 1024], strides = [1, 1]} : vector<24x1024xf32> to vector<8x1024xf32>
      %slice3A_219 = vector.extract_strided_slice %mul3A {offsets = [8, 0], sizes = [8, 1024], strides = [1, 1]} : vector<24x1024xf32> to vector<8x1024xf32>
      %add3A_220 = arith.addf %slice3A_218, %slice3A_219 : vector<8x1024xf32>
      %slice3A_221 = vector.extract_strided_slice %mul3A {offsets = [16, 0], sizes = [8, 1024], strides = [1, 1]} : vector<24x1024xf32> to vector<8x1024xf32>
      %add3A_222 = arith.addf %add3A_220, %slice3A_221 : vector<8x1024xf32>
      %get3A_223 = arith.constant 0 : index
      %get3A_224 = arith.constant 0 : index
      %get3A_225 = vector.load %arg4[%get3A_223, %get3A_224] : memref<8x4096xf32, #tpu.memory_space<vmem>>, vector<8x1024xf32>
      %min3A = arith.minimumf %get3A_225, %add3A_222 : vector<8x1024xf32>
      %swap3A_226 = arith.constant 0 : index
      %swap3A_227 = arith.constant 0 : index
      %swap3A_228 = vector.load %arg4[%swap3A_226, %swap3A_227] : memref<8x4096xf32, #tpu.memory_space<vmem>>, vector<8x1024xf32>
      tpu.vector_store %arg4[%swap3A_226, %swap3A_227], %min3A {strides = array<i32>} : memref<8x4096xf32, #tpu.memory_space<vmem>>, vector<8x1024xf32>,
      %reduce_max3A = arith.constant dense<0xFF800000> : vector<8xf32>
      %reduce_max3A_229 = vector.multi_reduction <maximumf>, %min3A, %reduce_max3A [1] : vector<8x1024xf32> to vector<8xf32>
      %broadcast_in_dim3A_230 = vector.shape_cast %reduce_max3A_229 : vector<8xf32> to vector<8x1xf32>
      %iota3A_231 = tpu.iota {dimensions = array<i32: 1>} : vector<8x1024xi32>
      %eq3A_232 = vector.broadcast %broadcast_in_dim3A_230 : vector<8x1xf32> to vector<8x1024xf32>
      %eq3A_233 = arith.cmpf oeq, %min3A, %eq3A_232 : vector<8x1024xf32>
      %jit3A_234 = arith.constant 1024 : i32
      %broadcast_in_dim3A_235 = vector.broadcast %jit3A_234 : i32 to vector<8x1024xi32>
      %select_n3A_236 = arith.select %eq3A_233, %iota3A_231, %broadcast_in_dim3A_235 : vector<8x1024xi1>, vector<8x1024xi32>
      %reduce_min3A = arith.constant dense<2147483647> : vector<8xi32>
      %reduce_min3A_237 = vector.multi_reduction <minsi>, %select_n3A_236, %reduce_min3A [1] : vector<8x1024xi32> to vector<8xi32>
      %broadcast_in_dim3A_238 = vector.shape_cast %reduce_min3A_237 : vector<8xi32> to vector<8x1xi32>
      %add3A_239 = arith.constant 0 : i32
      %add3A_240 = vector.broadcast %add3A_239 : i32 to vector<8x1xi32>
      %add3A_241 = arith.addi %broadcast_in_dim3A_238, %add3A_240 : vector<8x1xi32>
      %get3A_242 = arith.constant 0 : index
      %get3A_243 = arith.constant 1024 : index
      %get3A_244 = vector.load %arg0[%get3A_242, %get3A_243] : memref<24x4096xf32, #tpu.memory_space<vmem>>, vector<24x1024xf32>
      %sub3A_245 = vector.broadcast %add3A_208 : vector<24x1xf32> to vector<24x1024xf32>
      %sub3A_246 = arith.subf %get3A_244, %sub3A_245 : vector<24x1024xf32>
      %mul3A_247 = arith.mulf %sub3A_246, %sub3A_246 : vector<24x1024xf32>
      %slice3A_248 = vector.extract_strided_slice %mul3A_247 {offsets = [0, 0], sizes = [8, 1024], strides = [1, 1]} : vector<24x1024xf32> to vector<8x1024xf32>
      %slice3A_249 = vector.extract_strided_slice %mul3A_247 {offsets = [8, 0], sizes = [8, 1024], strides = [1, 1]} : vector<24x1024xf32> to vector<8x1024xf32>
      %add3A_250 = arith.addf %slice3A_248, %slice3A_249 : vector<8x1024xf32>
      %slice3A_251 = vector.extract_strided_slice %mul3A_247 {offsets = [16, 0], sizes = [8, 1024], strides = [1, 1]} : vector<24x1024xf32> to vector<8x1024xf32>
      %add3A_252 = arith.addf %add3A_250, %slice3A_251 : vector<8x1024xf32>
      %get3A_253 = arith.constant 0 : index
      %get3A_254 = arith.constant 1024 : index
      %get3A_255 = vector.load %arg4[%get3A_253, %get3A_254] : memref<8x4096xf32, #tpu.memory_space<vmem>>, vector<8x1024xf32>
      %min3A_256 = arith.minimumf %get3A_255, %add3A_252 : vector<8x1024xf32>
      %swap3A_257 = arith.constant 0 : index
      %swap3A_258 = arith.constant 1024 : index
      %swap3A_259 = vector.load %arg4[%swap3A_257, %swap3A_258] : memref<8x4096xf32, #tpu.memory_space<vmem>>, vector<8x1024xf32>
      tpu.vector_store %arg4[%swap3A_257, %swap3A_258], %min3A_256 {strides = array<i32>} : memref<8x4096xf32, #tpu.memory_space<vmem>>, vector<8x1024xf32>,
      %reduce_max3A_260 = arith.constant dense<0xFF800000> : vector<8xf32>
      %reduce_max3A_261 = vector.multi_reduction <maximumf>, %min3A_256, %reduce_max3A_260 [1] : vector<8x1024xf32> to vector<8xf32>
      %broadcast_in_dim3A_262 = vector.shape_cast %reduce_max3A_261 : vector<8xf32> to vector<8x1xf32>
      %iota3A_263 = tpu.iota {dimensions = array<i32: 1>} : vector<8x1024xi32>
      %eq3A_264 = vector.broadcast %broadcast_in_dim3A_262 : vector<8x1xf32> to vector<8x1024xf32>
      %eq3A_265 = arith.cmpf oeq, %min3A_256, %eq3A_264 : vector<8x1024xf32>
      %jit3A_266 = arith.constant 1024 : i32
      %broadcast_in_dim3A_267 = vector.broadcast %jit3A_266 : i32 to vector<8x1024xi32>
      %select_n3A_268 = arith.select %eq3A_265, %iota3A_263, %broadcast_in_dim3A_267 : vector<8x1024xi1>, vector<8x1024xi32>
      %reduce_min3A_269 = arith.constant dense<2147483647> : vector<8xi32>
      %reduce_min3A_270 = vector.multi_reduction <minsi>, %select_n3A_268, %reduce_min3A_269 [1] : vector<8x1024xi32> to vector<8xi32>
      %broadcast_in_dim3A_271 = vector.shape_cast %reduce_min3A_270 : vector<8xi32> to vector<8x1xi32>
      %add3A_272 = arith.constant 1024 : i32
      %add3A_273 = vector.broadcast %add3A_272 : i32 to vector<8x1xi32>
      %add3A_274 = arith.addi %broadcast_in_dim3A_271, %add3A_273 : vector<8x1xi32>
      %gt3A = arith.cmpf ogt, %broadcast_in_dim3A_262, %broadcast_in_dim3A_230 : vector<8x1xf32>
      %select_n3A_275 = arith.select %gt3A, %add3A_274, %add3A_241 : vector<8x1xi1>, vector<8x1xi32>
      %select_n3A_276 = arith.select %gt3A, %broadcast_in_dim3A_262, %broadcast_in_dim3A_230 : vector<8x1xi1>, vector<8x1xf32>
      %get3A_277 = arith.constant 0 : index
      %get3A_278 = arith.constant 2048 : index
      %get3A_279 = vector.load %arg0[%get3A_277, %get3A_278] : memref<24x4096xf32, #tpu.memory_space<vmem>>, vector<24x1024xf32>
      %sub3A_280 = vector.broadcast %add3A_208 : vector<24x1xf32> to vector<24x1024xf32>
      %sub3A_281 = arith.subf %get3A_279, %sub3A_280 : vector<24x1024xf32>
      %mul3A_282 = arith.mulf %sub3A_281, %sub3A_281 : vector<24x1024xf32>
      %slice3A_283 = vector.extract_strided_slice %mul3A_282 {offsets = [0, 0], sizes = [8, 1024], strides = [1, 1]} : vector<24x1024xf32> to vector<8x1024xf32>
      %slice3A_284 = vector.extract_strided_slice %mul3A_282 {offsets = [8, 0], sizes = [8, 1024], strides = [1, 1]} : vector<24x1024xf32> to vector<8x1024xf32>
      %add3A_285 = arith.addf %slice3A_283, %slice3A_284 : vector<8x1024xf32>
      %slice3A_286 = vector.extract_strided_slice %mul3A_282 {offsets = [16, 0], sizes = [8, 1024], strides = [1, 1]} : vector<24x1024xf32> to vector<8x1024xf32>
      %add3A_287 = arith.addf %add3A_285, %slice3A_286 : vector<8x1024xf32>
      %get3A_288 = arith.constant 0 : index
      %get3A_289 = arith.constant 2048 : index
      %get3A_290 = vector.load %arg4[%get3A_288, %get3A_289] : memref<8x4096xf32, #tpu.memory_space<vmem>>, vector<8x1024xf32>
      %min3A_291 = arith.minimumf %get3A_290, %add3A_287 : vector<8x1024xf32>
      %swap3A_292 = arith.constant 0 : index
      %swap3A_293 = arith.constant 2048 : index
      %swap3A_294 = vector.load %arg4[%swap3A_292, %swap3A_293] : memref<8x4096xf32, #tpu.memory_space<vmem>>, vector<8x1024xf32>
      tpu.vector_store %arg4[%swap3A_292, %swap3A_293], %min3A_291 {strides = array<i32>} : memref<8x4096xf32, #tpu.memory_space<vmem>>, vector<8x1024xf32>,
      %reduce_max3A_295 = arith.constant dense<0xFF800000> : vector<8xf32>
      %reduce_max3A_296 = vector.multi_reduction <maximumf>, %min3A_291, %reduce_max3A_295 [1] : vector<8x1024xf32> to vector<8xf32>
      %broadcast_in_dim3A_297 = vector.shape_cast %reduce_max3A_296 : vector<8xf32> to vector<8x1xf32>
      %iota3A_298 = tpu.iota {dimensions = array<i32: 1>} : vector<8x1024xi32>
      %eq3A_299 = vector.broadcast %broadcast_in_dim3A_297 : vector<8x1xf32> to vector<8x1024xf32>
      %eq3A_300 = arith.cmpf oeq, %min3A_291, %eq3A_299 : vector<8x1024xf32>
      %jit3A_301 = arith.constant 1024 : i32
      %broadcast_in_dim3A_302 = vector.broadcast %jit3A_301 : i32 to vector<8x1024xi32>
      %select_n3A_303 = arith.select %eq3A_300, %iota3A_298, %broadcast_in_dim3A_302 : vector<8x1024xi1>, vector<8x1024xi32>
      %reduce_min3A_304 = arith.constant dense<2147483647> : vector<8xi32>
      %reduce_min3A_305 = vector.multi_reduction <minsi>, %select_n3A_303, %reduce_min3A_304 [1] : vector<8x1024xi32> to vector<8xi32>
      %broadcast_in_dim3A_306 = vector.shape_cast %reduce_min3A_305 : vector<8xi32> to vector<8x1xi32>
      %add3A_307 = arith.constant 2048 : i32
      %add3A_308 = vector.broadcast %add3A_307 : i32 to vector<8x1xi32>
      %add3A_309 = arith.addi %broadcast_in_dim3A_306, %add3A_308 : vector<8x1xi32>
      %gt3A_310 = arith.cmpf ogt, %broadcast_in_dim3A_297, %select_n3A_276 : vector<8x1xf32>
      %select_n3A_311 = arith.select %gt3A_310, %add3A_309, %select_n3A_275 : vector<8x1xi1>, vector<8x1xi32>
      %select_n3A_312 = arith.select %gt3A_310, %broadcast_in_dim3A_297, %select_n3A_276 : vector<8x1xi1>, vector<8x1xf32>
      %get3A_313 = arith.constant 0 : index
      %get3A_314 = arith.constant 3072 : index
      %get3A_315 = vector.load %arg0[%get3A_313, %get3A_314] : memref<24x4096xf32, #tpu.memory_space<vmem>>, vector<24x1024xf32>
      %sub3A_316 = vector.broadcast %add3A_208 : vector<24x1xf32> to vector<24x1024xf32>
      %sub3A_317 = arith.subf %get3A_315, %sub3A_316 : vector<24x1024xf32>
      %mul3A_318 = arith.mulf %sub3A_317, %sub3A_317 : vector<24x1024xf32>
      %slice3A_319 = vector.extract_strided_slice %mul3A_318 {offsets = [0, 0], sizes = [8, 1024], strides = [1, 1]} : vector<24x1024xf32> to vector<8x1024xf32>
      %slice3A_320 = vector.extract_strided_slice %mul3A_318 {offsets = [8, 0], sizes = [8, 1024], strides = [1, 1]} : vector<24x1024xf32> to vector<8x1024xf32>
      %add3A_321 = arith.addf %slice3A_319, %slice3A_320 : vector<8x1024xf32>
      %slice3A_322 = vector.extract_strided_slice %mul3A_318 {offsets = [16, 0], sizes = [8, 1024], strides = [1, 1]} : vector<24x1024xf32> to vector<8x1024xf32>
      %add3A_323 = arith.addf %add3A_321, %slice3A_322 : vector<8x1024xf32>
      %get3A_324 = arith.constant 0 : index
      %get3A_325 = arith.constant 3072 : index
      %get3A_326 = vector.load %arg4[%get3A_324, %get3A_325] : memref<8x4096xf32, #tpu.memory_space<vmem>>, vector<8x1024xf32>
      %min3A_327 = arith.minimumf %get3A_326, %add3A_323 : vector<8x1024xf32>
      %swap3A_328 = arith.constant 0 : index
      %swap3A_329 = arith.constant 3072 : index
      %swap3A_330 = vector.load %arg4[%swap3A_328, %swap3A_329] : memref<8x4096xf32, #tpu.memory_space<vmem>>, vector<8x1024xf32>
      tpu.vector_store %arg4[%swap3A_328, %swap3A_329], %min3A_327 {strides = array<i32>} : memref<8x4096xf32, #tpu.memory_space<vmem>>, vector<8x1024xf32>,
      %reduce_max3A_331 = arith.constant dense<0xFF800000> : vector<8xf32>
      %reduce_max3A_332 = vector.multi_reduction <maximumf>, %min3A_327, %reduce_max3A_331 [1] : vector<8x1024xf32> to vector<8xf32>
      %broadcast_in_dim3A_333 = vector.shape_cast %reduce_max3A_332 : vector<8xf32> to vector<8x1xf32>
      %iota3A_334 = tpu.iota {dimensions = array<i32: 1>} : vector<8x1024xi32>
      %eq3A_335 = vector.broadcast %broadcast_in_dim3A_333 : vector<8x1xf32> to vector<8x1024xf32>
      %eq3A_336 = arith.cmpf oeq, %min3A_327, %eq3A_335 : vector<8x1024xf32>
      %jit3A_337 = arith.constant 1024 : i32
      %broadcast_in_dim3A_338 = vector.broadcast %jit3A_337 : i32 to vector<8x1024xi32>
      %select_n3A_339 = arith.select %eq3A_336, %iota3A_334, %broadcast_in_dim3A_338 : vector<8x1024xi1>, vector<8x1024xi32>
      %reduce_min3A_340 = arith.constant dense<2147483647> : vector<8xi32>
      %reduce_min3A_341 = vector.multi_reduction <minsi>, %select_n3A_339, %reduce_min3A_340 [1] : vector<8x1024xi32> to vector<8xi32>
      %broadcast_in_dim3A_342 = vector.shape_cast %reduce_min3A_341 : vector<8xi32> to vector<8x1xi32>
      %add3A_343 = arith.constant 3072 : i32
      %add3A_344 = vector.broadcast %add3A_343 : i32 to vector<8x1xi32>
      %add3A_345 = arith.addi %broadcast_in_dim3A_342, %add3A_344 : vector<8x1xi32>
      %gt3A_346 = arith.cmpf ogt, %broadcast_in_dim3A_333, %select_n3A_312 : vector<8x1xf32>
      %select_n3A_347 = arith.select %gt3A_346, %add3A_345, %select_n3A_311 : vector<8x1xi1>, vector<8x1xi32>
      %concatenate3A = tpu.concatenate %select_n3A_347, %select_n3A_347, %select_n3A_347 in 0 : vector<8x1xi32>, vector<8x1xi32>, vector<8x1xi32> -> vector<24x1xi32>
      scf.yield %concatenate3A, %select_n3A_213 : vector<24x1xi32>, vector<24x128xf32>
    }
    %scan3A_28 = arith.constant 128 : i32
    %slice3A_29 = vector.extract_strided_slice %scan3A_27#1 {offsets = [0, 0], sizes = [8, 128], strides = [1, 1]} : vector<24x128xf32> to vector<8x128xf32>
    %swap3A_30 = arith.constant 0 : index
    %swap3A_31 = arith.constant 128 : index
    %swap3A_32 = vector.load %arg1[%swap3A_30, %swap3A_31] : memref<8x1024xf32, #tpu.memory_space<vmem>>, vector<8x128xf32>
    tpu.vector_store %arg1[%swap3A_30, %swap3A_31], %slice3A_29 {strides = array<i32>} : memref<8x1024xf32, #tpu.memory_space<vmem>>, vector<8x128xf32>,
    %slice3A_33 = vector.extract_strided_slice %scan3A_27#1 {offsets = [8, 0], sizes = [8, 128], strides = [1, 1]} : vector<24x128xf32> to vector<8x128xf32>
    %swap3A_34 = arith.constant 0 : index
    %swap3A_35 = arith.constant 128 : index
    %swap3A_36 = vector.load %arg2[%swap3A_34, %swap3A_35] : memref<8x1024xf32, #tpu.memory_space<vmem>>, vector<8x128xf32>
    tpu.vector_store %arg2[%swap3A_34, %swap3A_35], %slice3A_33 {strides = array<i32>} : memref<8x1024xf32, #tpu.memory_space<vmem>>, vector<8x128xf32>,
    %slice3A_37 = vector.extract_strided_slice %scan3A_27#1 {offsets = [16, 0], sizes = [8, 128], strides = [1, 1]} : vector<24x128xf32> to vector<8x128xf32>
    %swap3A_38 = arith.constant 0 : index
    %swap3A_39 = arith.constant 128 : index
    %swap3A_40 = vector.load %arg3[%swap3A_38, %swap3A_39] : memref<8x1024xf32, #tpu.memory_space<vmem>>, vector<8x128xf32>
    tpu.vector_store %arg3[%swap3A_38, %swap3A_39], %slice3A_37 {strides = array<i32>} : memref<8x1024xf32, #tpu.memory_space<vmem>>, vector<8x128xf32>,
    %scan3A_41 = arith.constant 0 : i32
    %scan3A_42 = arith.constant 128 : i32
    %scan3A_43 = arith.addi %scan3A_41, %scan3A_42 : i32
    %scan3A_44 = arith.constant 1 : i32
    %scan3A_45:2 = scf.for %scan3A_149 = %scan3A_41 to %scan3A_43 step %scan3A_44 iter_args(%scan3A_150 = %scan3A_27#0, %scan3A_151 = %broadcast_in_dim3A_0) -> (vector<24x1xi32>, vector<24x128xf32>)  : i32 {
      %get3A = arith.constant 0 : index
      %get3A_152 = arith.constant 0 : index
      %get3A_153 = vector.load %arg0[%get3A, %get3A_152] : memref<24x4096xf32, #tpu.memory_space<vmem>>, vector<24x1024xf32>
      %iota3A_154 = tpu.iota {dimensions = array<i32: 1>} : vector<24x1024xi32>
      %add3A = arith.constant 0 : i32
      %add3A_155 = vector.broadcast %add3A : i32 to vector<24x1024xi32>
      %add3A_156 = arith.addi %iota3A_154, %add3A_155 : vector<24x1024xi32>
      %eq3A = vector.broadcast %scan3A_150 : vector<24x1xi32> to vector<24x1024xi32>
      %eq3A_157 = arith.cmpi eq, %add3A_156, %eq3A : vector<24x1024xi32>
      %jit3A = arith.constant 0.000000e+00 : f32
      %broadcast_in_dim3A_158 = vector.broadcast %jit3A : f32 to vector<24x1024xf32>
      %select_n3A = arith.select %eq3A_157, %get3A_153, %broadcast_in_dim3A_158 : vector<24x1024xi1>, vector<24x1024xf32>
      %reduce_sum3A = arith.constant dense<0.000000e+00> : vector<24xf32>
      %reduce_sum3A_159 = vector.multi_reduction <add>, %select_n3A, %reduce_sum3A [1] : vector<24x1024xf32> to vector<24xf32>
      %broadcast_in_dim3A_160 = vector.shape_cast %reduce_sum3A_159 : vector<24xf32> to vector<24x1xf32>
      %get3A_161 = arith.constant 0 : index
      %get3A_162 = arith.constant 1024 : index
      %get3A_163 = vector.load %arg0[%get3A_161, %get3A_162] : memref<24x4096xf32, #tpu.memory_space<vmem>>, vector<24x1024xf32>
      %iota3A_164 = tpu.iota {dimensions = array<i32: 1>} : vector<24x1024xi32>
      %add3A_165 = arith.constant 1024 : i32
      %add3A_166 = vector.broadcast %add3A_165 : i32 to vector<24x1024xi32>
      %add3A_167 = arith.addi %iota3A_164, %add3A_166 : vector<24x1024xi32>
      %eq3A_168 = vector.broadcast %scan3A_150 : vector<24x1xi32> to vector<24x1024xi32>
      %eq3A_169 = arith.cmpi eq, %add3A_167, %eq3A_168 : vector<24x1024xi32>
      %jit3A_170 = arith.constant 0.000000e+00 : f32
      %broadcast_in_dim3A_171 = vector.broadcast %jit3A_170 : f32 to vector<24x1024xf32>
      %select_n3A_172 = arith.select %eq3A_169, %get3A_163, %broadcast_in_dim3A_171 : vector<24x1024xi1>, vector<24x1024xf32>
      %reduce_sum3A_173 = arith.constant dense<0.000000e+00> : vector<24xf32>
      %reduce_sum3A_174 = vector.multi_reduction <add>, %select_n3A_172, %reduce_sum3A_173 [1] : vector<24x1024xf32> to vector<24xf32>
      %broadcast_in_dim3A_175 = vector.shape_cast %reduce_sum3A_174 : vector<24xf32> to vector<24x1xf32>
      %add3A_176 = arith.addf %broadcast_in_dim3A_160, %broadcast_in_dim3A_175 : vector<24x1xf32>
      %get3A_177 = arith.constant 0 : index
      %get3A_178 = arith.constant 2048 : index
      %get3A_179 = vector.load %arg0[%get3A_177, %get3A_178] : memref<24x4096xf32, #tpu.memory_space<vmem>>, vector<24x1024xf32>
      %iota3A_180 = tpu.iota {dimensions = array<i32: 1>} : vector<24x1024xi32>
      %add3A_181 = arith.constant 2048 : i32
      %add3A_182 = vector.broadcast %add3A_181 : i32 to vector<24x1024xi32>
      %add3A_183 = arith.addi %iota3A_180, %add3A_182 : vector<24x1024xi32>
      %eq3A_184 = vector.broadcast %scan3A_150 : vector<24x1xi32> to vector<24x1024xi32>
      %eq3A_185 = arith.cmpi eq, %add3A_183, %eq3A_184 : vector<24x1024xi32>
      %jit3A_186 = arith.constant 0.000000e+00 : f32
      %broadcast_in_dim3A_187 = vector.broadcast %jit3A_186 : f32 to vector<24x1024xf32>
      %select_n3A_188 = arith.select %eq3A_185, %get3A_179, %broadcast_in_dim3A_187 : vector<24x1024xi1>, vector<24x1024xf32>
      %reduce_sum3A_189 = arith.constant dense<0.000000e+00> : vector<24xf32>
      %reduce_sum3A_190 = vector.multi_reduction <add>, %select_n3A_188, %reduce_sum3A_189 [1] : vector<24x1024xf32> to vector<24xf32>
      %broadcast_in_dim3A_191 = vector.shape_cast %reduce_sum3A_190 : vector<24xf32> to vector<24x1xf32>
      %add3A_192 = arith.addf %add3A_176, %broadcast_in_dim3A_191 : vector<24x1xf32>
      %get3A_193 = arith.constant 0 : index
      %get3A_194 = arith.constant 3072 : index
      %get3A_195 = vector.load %arg0[%get3A_193, %get3A_194] : memref<24x4096xf32, #tpu.memory_space<vmem>>, vector<24x1024xf32>
      %iota3A_196 = tpu.iota {dimensions = array<i32: 1>} : vector<24x1024xi32>
      %add3A_197 = arith.constant 3072 : i32
      %add3A_198 = vector.broadcast %add3A_197 : i32 to vector<24x1024xi32>
      %add3A_199 = arith.addi %iota3A_196, %add3A_198 : vector<24x1024xi32>
      %eq3A_200 = vector.broadcast %scan3A_150 : vector<24x1xi32> to vector<24x1024xi32>
      %eq3A_201 = arith.cmpi eq, %add3A_199, %eq3A_200 : vector<24x1024xi32>
      %jit3A_202 = arith.constant 0.000000e+00 : f32
      %broadcast_in_dim3A_203 = vector.broadcast %jit3A_202 : f32 to vector<24x1024xf32>
      %select_n3A_204 = arith.select %eq3A_201, %get3A_195, %broadcast_in_dim3A_203 : vector<24x1024xi1>, vector<24x1024xf32>
      %reduce_sum3A_205 = arith.constant dense<0.000000e+00> : vector<24xf32>
      %reduce_sum3A_206 = vector.multi_reduction <add>, %select_n3A_204, %reduce_sum3A_205 [1] : vector<24x1024xf32> to vector<24xf32>
      %broadcast_in_dim3A_207 = vector.shape_cast %reduce_sum3A_206 : vector<24xf32> to vector<24x1xf32>
      %add3A_208 = arith.addf %add3A_192, %broadcast_in_dim3A_207 : vector<24x1xf32>
      %eq3A_209 = vector.broadcast %scan3A_149 : i32 to vector<24x128xi32>
      %eq3A_210 = arith.cmpi eq, %iota3A, %eq3A_209 : vector<24x128xi32>
      %broadcast_in_dim3A_211 = vector.shape_cast %add3A_208 : vector<24x1xf32> to vector<24x1xf32>
      %broadcast_in_dim3A_212 = vector.broadcast %broadcast_in_dim3A_211 : vector<24x1xf32> to vector<24x128xf32>
      %select_n3A_213 = arith.select %eq3A_210, %broadcast_in_dim3A_212, %scan3A_151 : vector<24x128xi1>, vector<24x128xf32>
      %get3A_214 = arith.constant 0 : index
      %get3A_215 = arith.constant 0 : index
      %get3A_216 = vector.load %arg0[%get3A_214, %get3A_215] : memref<24x4096xf32, #tpu.memory_space<vmem>>, vector<24x1024xf32>
      %sub3A = vector.broadcast %add3A_208 : vector<24x1xf32> to vector<24x1024xf32>
      %sub3A_217 = arith.subf %get3A_216, %sub3A : vector<24x1024xf32>
      %mul3A = arith.mulf %sub3A_217, %sub3A_217 : vector<24x1024xf32>
      %slice3A_218 = vector.extract_strided_slice %mul3A {offsets = [0, 0], sizes = [8, 1024], strides = [1, 1]} : vector<24x1024xf32> to vector<8x1024xf32>
      %slice3A_219 = vector.extract_strided_slice %mul3A {offsets = [8, 0], sizes = [8, 1024], strides = [1, 1]} : vector<24x1024xf32> to vector<8x1024xf32>
      %add3A_220 = arith.addf %slice3A_218, %slice3A_219 : vector<8x1024xf32>
      %slice3A_221 = vector.extract_strided_slice %mul3A {offsets = [16, 0], sizes = [8, 1024], strides = [1, 1]} : vector<24x1024xf32> to vector<8x1024xf32>
      %add3A_222 = arith.addf %add3A_220, %slice3A_221 : vector<8x1024xf32>
      %get3A_223 = arith.constant 0 : index
      %get3A_224 = arith.constant 0 : index
      %get3A_225 = vector.load %arg4[%get3A_223, %get3A_224] : memref<8x4096xf32, #tpu.memory_space<vmem>>, vector<8x1024xf32>
      %min3A = arith.minimumf %get3A_225, %add3A_222 : vector<8x1024xf32>
      %swap3A_226 = arith.constant 0 : index
      %swap3A_227 = arith.constant 0 : index
      %swap3A_228 = vector.load %arg4[%swap3A_226, %swap3A_227] : memref<8x4096xf32, #tpu.memory_space<vmem>>, vector<8x1024xf32>
      tpu.vector_store %arg4[%swap3A_226, %swap3A_227], %min3A {strides = array<i32>} : memref<8x4096xf32, #tpu.memory_space<vmem>>, vector<8x1024xf32>,
      %reduce_max3A = arith.constant dense<0xFF800000> : vector<8xf32>
      %reduce_max3A_229 = vector.multi_reduction <maximumf>, %min3A, %reduce_max3A [1] : vector<8x1024xf32> to vector<8xf32>
      %broadcast_in_dim3A_230 = vector.shape_cast %reduce_max3A_229 : vector<8xf32> to vector<8x1xf32>
      %iota3A_231 = tpu.iota {dimensions = array<i32: 1>} : vector<8x1024xi32>
      %eq3A_232 = vector.broadcast %broadcast_in_dim3A_230 : vector<8x1xf32> to vector<8x1024xf32>
      %eq3A_233 = arith.cmpf oeq, %min3A, %eq3A_232 : vector<8x1024xf32>
      %jit3A_234 = arith.constant 1024 : i32
      %broadcast_in_dim3A_235 = vector.broadcast %jit3A_234 : i32 to vector<8x1024xi32>
      %select_n3A_236 = arith.select %eq3A_233, %iota3A_231, %broadcast_in_dim3A_235 : vector<8x1024xi1>, vector<8x1024xi32>
      %reduce_min3A = arith.constant dense<2147483647> : vector<8xi32>
      %reduce_min3A_237 = vector.multi_reduction <minsi>, %select_n3A_236, %reduce_min3A [1] : vector<8x1024xi32> to vector<8xi32>
      %broadcast_in_dim3A_238 = vector.shape_cast %reduce_min3A_237 : vector<8xi32> to vector<8x1xi32>
      %add3A_239 = arith.constant 0 : i32
      %add3A_240 = vector.broadcast %add3A_239 : i32 to vector<8x1xi32>
      %add3A_241 = arith.addi %broadcast_in_dim3A_238, %add3A_240 : vector<8x1xi32>
      %get3A_242 = arith.constant 0 : index
      %get3A_243 = arith.constant 1024 : index
      %get3A_244 = vector.load %arg0[%get3A_242, %get3A_243] : memref<24x4096xf32, #tpu.memory_space<vmem>>, vector<24x1024xf32>
      %sub3A_245 = vector.broadcast %add3A_208 : vector<24x1xf32> to vector<24x1024xf32>
      %sub3A_246 = arith.subf %get3A_244, %sub3A_245 : vector<24x1024xf32>
      %mul3A_247 = arith.mulf %sub3A_246, %sub3A_246 : vector<24x1024xf32>
      %slice3A_248 = vector.extract_strided_slice %mul3A_247 {offsets = [0, 0], sizes = [8, 1024], strides = [1, 1]} : vector<24x1024xf32> to vector<8x1024xf32>
      %slice3A_249 = vector.extract_strided_slice %mul3A_247 {offsets = [8, 0], sizes = [8, 1024], strides = [1, 1]} : vector<24x1024xf32> to vector<8x1024xf32>
      %add3A_250 = arith.addf %slice3A_248, %slice3A_249 : vector<8x1024xf32>
      %slice3A_251 = vector.extract_strided_slice %mul3A_247 {offsets = [16, 0], sizes = [8, 1024], strides = [1, 1]} : vector<24x1024xf32> to vector<8x1024xf32>
      %add3A_252 = arith.addf %add3A_250, %slice3A_251 : vector<8x1024xf32>
      %get3A_253 = arith.constant 0 : index
      %get3A_254 = arith.constant 1024 : index
      %get3A_255 = vector.load %arg4[%get3A_253, %get3A_254] : memref<8x4096xf32, #tpu.memory_space<vmem>>, vector<8x1024xf32>
      %min3A_256 = arith.minimumf %get3A_255, %add3A_252 : vector<8x1024xf32>
      %swap3A_257 = arith.constant 0 : index
      %swap3A_258 = arith.constant 1024 : index
      %swap3A_259 = vector.load %arg4[%swap3A_257, %swap3A_258] : memref<8x4096xf32, #tpu.memory_space<vmem>>, vector<8x1024xf32>
      tpu.vector_store %arg4[%swap3A_257, %swap3A_258], %min3A_256 {strides = array<i32>} : memref<8x4096xf32, #tpu.memory_space<vmem>>, vector<8x1024xf32>,
      %reduce_max3A_260 = arith.constant dense<0xFF800000> : vector<8xf32>
      %reduce_max3A_261 = vector.multi_reduction <maximumf>, %min3A_256, %reduce_max3A_260 [1] : vector<8x1024xf32> to vector<8xf32>
      %broadcast_in_dim3A_262 = vector.shape_cast %reduce_max3A_261 : vector<8xf32> to vector<8x1xf32>
      %iota3A_263 = tpu.iota {dimensions = array<i32: 1>} : vector<8x1024xi32>
      %eq3A_264 = vector.broadcast %broadcast_in_dim3A_262 : vector<8x1xf32> to vector<8x1024xf32>
      %eq3A_265 = arith.cmpf oeq, %min3A_256, %eq3A_264 : vector<8x1024xf32>
      %jit3A_266 = arith.constant 1024 : i32
      %broadcast_in_dim3A_267 = vector.broadcast %jit3A_266 : i32 to vector<8x1024xi32>
      %select_n3A_268 = arith.select %eq3A_265, %iota3A_263, %broadcast_in_dim3A_267 : vector<8x1024xi1>, vector<8x1024xi32>
      %reduce_min3A_269 = arith.constant dense<2147483647> : vector<8xi32>
      %reduce_min3A_270 = vector.multi_reduction <minsi>, %select_n3A_268, %reduce_min3A_269 [1] : vector<8x1024xi32> to vector<8xi32>
      %broadcast_in_dim3A_271 = vector.shape_cast %reduce_min3A_270 : vector<8xi32> to vector<8x1xi32>
      %add3A_272 = arith.constant 1024 : i32
      %add3A_273 = vector.broadcast %add3A_272 : i32 to vector<8x1xi32>
      %add3A_274 = arith.addi %broadcast_in_dim3A_271, %add3A_273 : vector<8x1xi32>
      %gt3A = arith.cmpf ogt, %broadcast_in_dim3A_262, %broadcast_in_dim3A_230 : vector<8x1xf32>
      %select_n3A_275 = arith.select %gt3A, %add3A_274, %add3A_241 : vector<8x1xi1>, vector<8x1xi32>
      %select_n3A_276 = arith.select %gt3A, %broadcast_in_dim3A_262, %broadcast_in_dim3A_230 : vector<8x1xi1>, vector<8x1xf32>
      %get3A_277 = arith.constant 0 : index
      %get3A_278 = arith.constant 2048 : index
      %get3A_279 = vector.load %arg0[%get3A_277, %get3A_278] : memref<24x4096xf32, #tpu.memory_space<vmem>>, vector<24x1024xf32>
      %sub3A_280 = vector.broadcast %add3A_208 : vector<24x1xf32> to vector<24x1024xf32>
      %sub3A_281 = arith.subf %get3A_279, %sub3A_280 : vector<24x1024xf32>
      %mul3A_282 = arith.mulf %sub3A_281, %sub3A_281 : vector<24x1024xf32>
      %slice3A_283 = vector.extract_strided_slice %mul3A_282 {offsets = [0, 0], sizes = [8, 1024], strides = [1, 1]} : vector<24x1024xf32> to vector<8x1024xf32>
      %slice3A_284 = vector.extract_strided_slice %mul3A_282 {offsets = [8, 0], sizes = [8, 1024], strides = [1, 1]} : vector<24x1024xf32> to vector<8x1024xf32>
      %add3A_285 = arith.addf %slice3A_283, %slice3A_284 : vector<8x1024xf32>
      %slice3A_286 = vector.extract_strided_slice %mul3A_282 {offsets = [16, 0], sizes = [8, 1024], strides = [1, 1]} : vector<24x1024xf32> to vector<8x1024xf32>
      %add3A_287 = arith.addf %add3A_285, %slice3A_286 : vector<8x1024xf32>
      %get3A_288 = arith.constant 0 : index
      %get3A_289 = arith.constant 2048 : index
      %get3A_290 = vector.load %arg4[%get3A_288, %get3A_289] : memref<8x4096xf32, #tpu.memory_space<vmem>>, vector<8x1024xf32>
      %min3A_291 = arith.minimumf %get3A_290, %add3A_287 : vector<8x1024xf32>
      %swap3A_292 = arith.constant 0 : index
      %swap3A_293 = arith.constant 2048 : index
      %swap3A_294 = vector.load %arg4[%swap3A_292, %swap3A_293] : memref<8x4096xf32, #tpu.memory_space<vmem>>, vector<8x1024xf32>
      tpu.vector_store %arg4[%swap3A_292, %swap3A_293], %min3A_291 {strides = array<i32>} : memref<8x4096xf32, #tpu.memory_space<vmem>>, vector<8x1024xf32>,
      %reduce_max3A_295 = arith.constant dense<0xFF800000> : vector<8xf32>
      %reduce_max3A_296 = vector.multi_reduction <maximumf>, %min3A_291, %reduce_max3A_295 [1] : vector<8x1024xf32> to vector<8xf32>
      %broadcast_in_dim3A_297 = vector.shape_cast %reduce_max3A_296 : vector<8xf32> to vector<8x1xf32>
      %iota3A_298 = tpu.iota {dimensions = array<i32: 1>} : vector<8x1024xi32>
      %eq3A_299 = vector.broadcast %broadcast_in_dim3A_297 : vector<8x1xf32> to vector<8x1024xf32>
      %eq3A_300 = arith.cmpf oeq, %min3A_291, %eq3A_299 : vector<8x1024xf32>
      %jit3A_301 = arith.constant 1024 : i32
      %broadcast_in_dim3A_302 = vector.broadcast %jit3A_301 : i32 to vector<8x1024xi32>
      %select_n3A_303 = arith.select %eq3A_300, %iota3A_298, %broadcast_in_dim3A_302 : vector<8x1024xi1>, vector<8x1024xi32>
      %reduce_min3A_304 = arith.constant dense<2147483647> : vector<8xi32>
      %reduce_min3A_305 = vector.multi_reduction <minsi>, %select_n3A_303, %reduce_min3A_304 [1] : vector<8x1024xi32> to vector<8xi32>
      %broadcast_in_dim3A_306 = vector.shape_cast %reduce_min3A_305 : vector<8xi32> to vector<8x1xi32>
      %add3A_307 = arith.constant 2048 : i32
      %add3A_308 = vector.broadcast %add3A_307 : i32 to vector<8x1xi32>
      %add3A_309 = arith.addi %broadcast_in_dim3A_306, %add3A_308 : vector<8x1xi32>
      %gt3A_310 = arith.cmpf ogt, %broadcast_in_dim3A_297, %select_n3A_276 : vector<8x1xf32>
      %select_n3A_311 = arith.select %gt3A_310, %add3A_309, %select_n3A_275 : vector<8x1xi1>, vector<8x1xi32>
      %select_n3A_312 = arith.select %gt3A_310, %broadcast_in_dim3A_297, %select_n3A_276 : vector<8x1xi1>, vector<8x1xf32>
      %get3A_313 = arith.constant 0 : index
      %get3A_314 = arith.constant 3072 : index
      %get3A_315 = vector.load %arg0[%get3A_313, %get3A_314] : memref<24x4096xf32, #tpu.memory_space<vmem>>, vector<24x1024xf32>
      %sub3A_316 = vector.broadcast %add3A_208 : vector<24x1xf32> to vector<24x1024xf32>
      %sub3A_317 = arith.subf %get3A_315, %sub3A_316 : vector<24x1024xf32>
      %mul3A_318 = arith.mulf %sub3A_317, %sub3A_317 : vector<24x1024xf32>
      %slice3A_319 = vector.extract_strided_slice %mul3A_318 {offsets = [0, 0], sizes = [8, 1024], strides = [1, 1]} : vector<24x1024xf32> to vector<8x1024xf32>
      %slice3A_320 = vector.extract_strided_slice %mul3A_318 {offsets = [8, 0], sizes = [8, 1024], strides = [1, 1]} : vector<24x1024xf32> to vector<8x1024xf32>
      %add3A_321 = arith.addf %slice3A_319, %slice3A_320 : vector<8x1024xf32>
      %slice3A_322 = vector.extract_strided_slice %mul3A_318 {offsets = [16, 0], sizes = [8, 1024], strides = [1, 1]} : vector<24x1024xf32> to vector<8x1024xf32>
      %add3A_323 = arith.addf %add3A_321, %slice3A_322 : vector<8x1024xf32>
      %get3A_324 = arith.constant 0 : index
      %get3A_325 = arith.constant 3072 : index
      %get3A_326 = vector.load %arg4[%get3A_324, %get3A_325] : memref<8x4096xf32, #tpu.memory_space<vmem>>, vector<8x1024xf32>
      %min3A_327 = arith.minimumf %get3A_326, %add3A_323 : vector<8x1024xf32>
      %swap3A_328 = arith.constant 0 : index
      %swap3A_329 = arith.constant 3072 : index
      %swap3A_330 = vector.load %arg4[%swap3A_328, %swap3A_329] : memref<8x4096xf32, #tpu.memory_space<vmem>>, vector<8x1024xf32>
      tpu.vector_store %arg4[%swap3A_328, %swap3A_329], %min3A_327 {strides = array<i32>} : memref<8x4096xf32, #tpu.memory_space<vmem>>, vector<8x1024xf32>,
      %reduce_max3A_331 = arith.constant dense<0xFF800000> : vector<8xf32>
      %reduce_max3A_332 = vector.multi_reduction <maximumf>, %min3A_327, %reduce_max3A_331 [1] : vector<8x1024xf32> to vector<8xf32>
      %broadcast_in_dim3A_333 = vector.shape_cast %reduce_max3A_332 : vector<8xf32> to vector<8x1xf32>
      %iota3A_334 = tpu.iota {dimensions = array<i32: 1>} : vector<8x1024xi32>
      %eq3A_335 = vector.broadcast %broadcast_in_dim3A_333 : vector<8x1xf32> to vector<8x1024xf32>
      %eq3A_336 = arith.cmpf oeq, %min3A_327, %eq3A_335 : vector<8x1024xf32>
      %jit3A_337 = arith.constant 1024 : i32
      %broadcast_in_dim3A_338 = vector.broadcast %jit3A_337 : i32 to vector<8x1024xi32>
      %select_n3A_339 = arith.select %eq3A_336, %iota3A_334, %broadcast_in_dim3A_338 : vector<8x1024xi1>, vector<8x1024xi32>
      %reduce_min3A_340 = arith.constant dense<2147483647> : vector<8xi32>
      %reduce_min3A_341 = vector.multi_reduction <minsi>, %select_n3A_339, %reduce_min3A_340 [1] : vector<8x1024xi32> to vector<8xi32>
      %broadcast_in_dim3A_342 = vector.shape_cast %reduce_min3A_341 : vector<8xi32> to vector<8x1xi32>
      %add3A_343 = arith.constant 3072 : i32
      %add3A_344 = vector.broadcast %add3A_343 : i32 to vector<8x1xi32>
      %add3A_345 = arith.addi %broadcast_in_dim3A_342, %add3A_344 : vector<8x1xi32>
      %gt3A_346 = arith.cmpf ogt, %broadcast_in_dim3A_333, %select_n3A_312 : vector<8x1xf32>
      %select_n3A_347 = arith.select %gt3A_346, %add3A_345, %select_n3A_311 : vector<8x1xi1>, vector<8x1xi32>
      %concatenate3A = tpu.concatenate %select_n3A_347, %select_n3A_347, %select_n3A_347 in 0 : vector<8x1xi32>, vector<8x1xi32>, vector<8x1xi32> -> vector<24x1xi32>
      scf.yield %concatenate3A, %select_n3A_213 : vector<24x1xi32>, vector<24x128xf32>
    }
    %scan3A_46 = arith.constant 128 : i32
    %slice3A_47 = vector.extract_strided_slice %scan3A_45#1 {offsets = [0, 0], sizes = [8, 128], strides = [1, 1]} : vector<24x128xf32> to vector<8x128xf32>
    %swap3A_48 = arith.constant 0 : index
    %swap3A_49 = arith.constant 256 : index
    %swap3A_50 = vector.load %arg1[%swap3A_48, %swap3A_49] : memref<8x1024xf32, #tpu.memory_space<vmem>>, vector<8x128xf32>
    tpu.vector_store %arg1[%swap3A_48, %swap3A_49], %slice3A_47 {strides = array<i32>} : memref<8x1024xf32, #tpu.memory_space<vmem>>, vector<8x128xf32>,
    %slice3A_51 = vector.extract_strided_slice %scan3A_45#1 {offsets = [8, 0], sizes = [8, 128], strides = [1, 1]} : vector<24x128xf32> to vector<8x128xf32>
    %swap3A_52 = arith.constant 0 : index
    %swap3A_53 = arith.constant 256 : index
    %swap3A_54 = vector.load %arg2[%swap3A_52, %swap3A_53] : memref<8x1024xf32, #tpu.memory_space<vmem>>, vector<8x128xf32>
    tpu.vector_store %arg2[%swap3A_52, %swap3A_53], %slice3A_51 {strides = array<i32>} : memref<8x1024xf32, #tpu.memory_space<vmem>>, vector<8x128xf32>,
    %slice3A_55 = vector.extract_strided_slice %scan3A_45#1 {offsets = [16, 0], sizes = [8, 128], strides = [1, 1]} : vector<24x128xf32> to vector<8x128xf32>
    %swap3A_56 = arith.constant 0 : index
    %swap3A_57 = arith.constant 256 : index
    %swap3A_58 = vector.load %arg3[%swap3A_56, %swap3A_57] : memref<8x1024xf32, #tpu.memory_space<vmem>>, vector<8x128xf32>
    tpu.vector_store %arg3[%swap3A_56, %swap3A_57], %slice3A_55 {strides = array<i32>} : memref<8x1024xf32, #tpu.memory_space<vmem>>, vector<8x128xf32>,
    %scan3A_59 = arith.constant 0 : i32
    %scan3A_60 = arith.constant 128 : i32
    %scan3A_61 = arith.addi %scan3A_59, %scan3A_60 : i32
    %scan3A_62 = arith.constant 1 : i32
    %scan3A_63:2 = scf.for %scan3A_149 = %scan3A_59 to %scan3A_61 step %scan3A_62 iter_args(%scan3A_150 = %scan3A_45#0, %scan3A_151 = %broadcast_in_dim3A_0) -> (vector<24x1xi32>, vector<24x128xf32>)  : i32 {
      %get3A = arith.constant 0 : index
      %get3A_152 = arith.constant 0 : index
      %get3A_153 = vector.load %arg0[%get3A, %get3A_152] : memref<24x4096xf32, #tpu.memory_space<vmem>>, vector<24x1024xf32>
      %iota3A_154 = tpu.iota {dimensions = array<i32: 1>} : vector<24x1024xi32>
      %add3A = arith.constant 0 : i32
      %add3A_155 = vector.broadcast %add3A : i32 to vector<24x1024xi32>
      %add3A_156 = arith.addi %iota3A_154, %add3A_155 : vector<24x1024xi32>
      %eq3A = vector.broadcast %scan3A_150 : vector<24x1xi32> to vector<24x1024xi32>
      %eq3A_157 = arith.cmpi eq, %add3A_156, %eq3A : vector<24x1024xi32>
      %jit3A = arith.constant 0.000000e+00 : f32
      %broadcast_in_dim3A_158 = vector.broadcast %jit3A : f32 to vector<24x1024xf32>
      %select_n3A = arith.select %eq3A_157, %get3A_153, %broadcast_in_dim3A_158 : vector<24x1024xi1>, vector<24x1024xf32>
      %reduce_sum3A = arith.constant dense<0.000000e+00> : vector<24xf32>
      %reduce_sum3A_159 = vector.multi_reduction <add>, %select_n3A, %reduce_sum3A [1] : vector<24x1024xf32> to vector<24xf32>
      %broadcast_in_dim3A_160 = vector.shape_cast %reduce_sum3A_159 : vector<24xf32> to vector<24x1xf32>
      %get3A_161 = arith.constant 0 : index
      %get3A_162 = arith.constant 1024 : index
      %get3A_163 = vector.load %arg0[%get3A_161, %get3A_162] : memref<24x4096xf32, #tpu.memory_space<vmem>>, vector<24x1024xf32>
      %iota3A_164 = tpu.iota {dimensions = array<i32: 1>} : vector<24x1024xi32>
      %add3A_165 = arith.constant 1024 : i32
      %add3A_166 = vector.broadcast %add3A_165 : i32 to vector<24x1024xi32>
      %add3A_167 = arith.addi %iota3A_164, %add3A_166 : vector<24x1024xi32>
      %eq3A_168 = vector.broadcast %scan3A_150 : vector<24x1xi32> to vector<24x1024xi32>
      %eq3A_169 = arith.cmpi eq, %add3A_167, %eq3A_168 : vector<24x1024xi32>
      %jit3A_170 = arith.constant 0.000000e+00 : f32
      %broadcast_in_dim3A_171 = vector.broadcast %jit3A_170 : f32 to vector<24x1024xf32>
      %select_n3A_172 = arith.select %eq3A_169, %get3A_163, %broadcast_in_dim3A_171 : vector<24x1024xi1>, vector<24x1024xf32>
      %reduce_sum3A_173 = arith.constant dense<0.000000e+00> : vector<24xf32>
      %reduce_sum3A_174 = vector.multi_reduction <add>, %select_n3A_172, %reduce_sum3A_173 [1] : vector<24x1024xf32> to vector<24xf32>
      %broadcast_in_dim3A_175 = vector.shape_cast %reduce_sum3A_174 : vector<24xf32> to vector<24x1xf32>
      %add3A_176 = arith.addf %broadcast_in_dim3A_160, %broadcast_in_dim3A_175 : vector<24x1xf32>
      %get3A_177 = arith.constant 0 : index
      %get3A_178 = arith.constant 2048 : index
      %get3A_179 = vector.load %arg0[%get3A_177, %get3A_178] : memref<24x4096xf32, #tpu.memory_space<vmem>>, vector<24x1024xf32>
      %iota3A_180 = tpu.iota {dimensions = array<i32: 1>} : vector<24x1024xi32>
      %add3A_181 = arith.constant 2048 : i32
      %add3A_182 = vector.broadcast %add3A_181 : i32 to vector<24x1024xi32>
      %add3A_183 = arith.addi %iota3A_180, %add3A_182 : vector<24x1024xi32>
      %eq3A_184 = vector.broadcast %scan3A_150 : vector<24x1xi32> to vector<24x1024xi32>
      %eq3A_185 = arith.cmpi eq, %add3A_183, %eq3A_184 : vector<24x1024xi32>
      %jit3A_186 = arith.constant 0.000000e+00 : f32
      %broadcast_in_dim3A_187 = vector.broadcast %jit3A_186 : f32 to vector<24x1024xf32>
      %select_n3A_188 = arith.select %eq3A_185, %get3A_179, %broadcast_in_dim3A_187 : vector<24x1024xi1>, vector<24x1024xf32>
      %reduce_sum3A_189 = arith.constant dense<0.000000e+00> : vector<24xf32>
      %reduce_sum3A_190 = vector.multi_reduction <add>, %select_n3A_188, %reduce_sum3A_189 [1] : vector<24x1024xf32> to vector<24xf32>
      %broadcast_in_dim3A_191 = vector.shape_cast %reduce_sum3A_190 : vector<24xf32> to vector<24x1xf32>
      %add3A_192 = arith.addf %add3A_176, %broadcast_in_dim3A_191 : vector<24x1xf32>
      %get3A_193 = arith.constant 0 : index
      %get3A_194 = arith.constant 3072 : index
      %get3A_195 = vector.load %arg0[%get3A_193, %get3A_194] : memref<24x4096xf32, #tpu.memory_space<vmem>>, vector<24x1024xf32>
      %iota3A_196 = tpu.iota {dimensions = array<i32: 1>} : vector<24x1024xi32>
      %add3A_197 = arith.constant 3072 : i32
      %add3A_198 = vector.broadcast %add3A_197 : i32 to vector<24x1024xi32>
      %add3A_199 = arith.addi %iota3A_196, %add3A_198 : vector<24x1024xi32>
      %eq3A_200 = vector.broadcast %scan3A_150 : vector<24x1xi32> to vector<24x1024xi32>
      %eq3A_201 = arith.cmpi eq, %add3A_199, %eq3A_200 : vector<24x1024xi32>
      %jit3A_202 = arith.constant 0.000000e+00 : f32
      %broadcast_in_dim3A_203 = vector.broadcast %jit3A_202 : f32 to vector<24x1024xf32>
      %select_n3A_204 = arith.select %eq3A_201, %get3A_195, %broadcast_in_dim3A_203 : vector<24x1024xi1>, vector<24x1024xf32>
      %reduce_sum3A_205 = arith.constant dense<0.000000e+00> : vector<24xf32>
      %reduce_sum3A_206 = vector.multi_reduction <add>, %select_n3A_204, %reduce_sum3A_205 [1] : vector<24x1024xf32> to vector<24xf32>
      %broadcast_in_dim3A_207 = vector.shape_cast %reduce_sum3A_206 : vector<24xf32> to vector<24x1xf32>
      %add3A_208 = arith.addf %add3A_192, %broadcast_in_dim3A_207 : vector<24x1xf32>
      %eq3A_209 = vector.broadcast %scan3A_149 : i32 to vector<24x128xi32>
      %eq3A_210 = arith.cmpi eq, %iota3A, %eq3A_209 : vector<24x128xi32>
      %broadcast_in_dim3A_211 = vector.shape_cast %add3A_208 : vector<24x1xf32> to vector<24x1xf32>
      %broadcast_in_dim3A_212 = vector.broadcast %broadcast_in_dim3A_211 : vector<24x1xf32> to vector<24x128xf32>
      %select_n3A_213 = arith.select %eq3A_210, %broadcast_in_dim3A_212, %scan3A_151 : vector<24x128xi1>, vector<24x128xf32>
      %get3A_214 = arith.constant 0 : index
      %get3A_215 = arith.constant 0 : index
      %get3A_216 = vector.load %arg0[%get3A_214, %get3A_215] : memref<24x4096xf32, #tpu.memory_space<vmem>>, vector<24x1024xf32>
      %sub3A = vector.broadcast %add3A_208 : vector<24x1xf32> to vector<24x1024xf32>
      %sub3A_217 = arith.subf %get3A_216, %sub3A : vector<24x1024xf32>
      %mul3A = arith.mulf %sub3A_217, %sub3A_217 : vector<24x1024xf32>
      %slice3A_218 = vector.extract_strided_slice %mul3A {offsets = [0, 0], sizes = [8, 1024], strides = [1, 1]} : vector<24x1024xf32> to vector<8x1024xf32>
      %slice3A_219 = vector.extract_strided_slice %mul3A {offsets = [8, 0], sizes = [8, 1024], strides = [1, 1]} : vector<24x1024xf32> to vector<8x1024xf32>
      %add3A_220 = arith.addf %slice3A_218, %slice3A_219 : vector<8x1024xf32>
      %slice3A_221 = vector.extract_strided_slice %mul3A {offsets = [16, 0], sizes = [8, 1024], strides = [1, 1]} : vector<24x1024xf32> to vector<8x1024xf32>
      %add3A_222 = arith.addf %add3A_220, %slice3A_221 : vector<8x1024xf32>
      %get3A_223 = arith.constant 0 : index
      %get3A_224 = arith.constant 0 : index
      %get3A_225 = vector.load %arg4[%get3A_223, %get3A_224] : memref<8x4096xf32, #tpu.memory_space<vmem>>, vector<8x1024xf32>
      %min3A = arith.minimumf %get3A_225, %add3A_222 : vector<8x1024xf32>
      %swap3A_226 = arith.constant 0 : index
      %swap3A_227 = arith.constant 0 : index
      %swap3A_228 = vector.load %arg4[%swap3A_226, %swap3A_227] : memref<8x4096xf32, #tpu.memory_space<vmem>>, vector<8x1024xf32>
      tpu.vector_store %arg4[%swap3A_226, %swap3A_227], %min3A {strides = array<i32>} : memref<8x4096xf32, #tpu.memory_space<vmem>>, vector<8x1024xf32>,
      %reduce_max3A = arith.constant dense<0xFF800000> : vector<8xf32>
      %reduce_max3A_229 = vector.multi_reduction <maximumf>, %min3A, %reduce_max3A [1] : vector<8x1024xf32> to vector<8xf32>
      %broadcast_in_dim3A_230 = vector.shape_cast %reduce_max3A_229 : vector<8xf32> to vector<8x1xf32>
      %iota3A_231 = tpu.iota {dimensions = array<i32: 1>} : vector<8x1024xi32>
      %eq3A_232 = vector.broadcast %broadcast_in_dim3A_230 : vector<8x1xf32> to vector<8x1024xf32>
      %eq3A_233 = arith.cmpf oeq, %min3A, %eq3A_232 : vector<8x1024xf32>
      %jit3A_234 = arith.constant 1024 : i32
      %broadcast_in_dim3A_235 = vector.broadcast %jit3A_234 : i32 to vector<8x1024xi32>
      %select_n3A_236 = arith.select %eq3A_233, %iota3A_231, %broadcast_in_dim3A_235 : vector<8x1024xi1>, vector<8x1024xi32>
      %reduce_min3A = arith.constant dense<2147483647> : vector<8xi32>
      %reduce_min3A_237 = vector.multi_reduction <minsi>, %select_n3A_236, %reduce_min3A [1] : vector<8x1024xi32> to vector<8xi32>
      %broadcast_in_dim3A_238 = vector.shape_cast %reduce_min3A_237 : vector<8xi32> to vector<8x1xi32>
      %add3A_239 = arith.constant 0 : i32
      %add3A_240 = vector.broadcast %add3A_239 : i32 to vector<8x1xi32>
      %add3A_241 = arith.addi %broadcast_in_dim3A_238, %add3A_240 : vector<8x1xi32>
      %get3A_242 = arith.constant 0 : index
      %get3A_243 = arith.constant 1024 : index
      %get3A_244 = vector.load %arg0[%get3A_242, %get3A_243] : memref<24x4096xf32, #tpu.memory_space<vmem>>, vector<24x1024xf32>
      %sub3A_245 = vector.broadcast %add3A_208 : vector<24x1xf32> to vector<24x1024xf32>
      %sub3A_246 = arith.subf %get3A_244, %sub3A_245 : vector<24x1024xf32>
      %mul3A_247 = arith.mulf %sub3A_246, %sub3A_246 : vector<24x1024xf32>
      %slice3A_248 = vector.extract_strided_slice %mul3A_247 {offsets = [0, 0], sizes = [8, 1024], strides = [1, 1]} : vector<24x1024xf32> to vector<8x1024xf32>
      %slice3A_249 = vector.extract_strided_slice %mul3A_247 {offsets = [8, 0], sizes = [8, 1024], strides = [1, 1]} : vector<24x1024xf32> to vector<8x1024xf32>
      %add3A_250 = arith.addf %slice3A_248, %slice3A_249 : vector<8x1024xf32>
      %slice3A_251 = vector.extract_strided_slice %mul3A_247 {offsets = [16, 0], sizes = [8, 1024], strides = [1, 1]} : vector<24x1024xf32> to vector<8x1024xf32>
      %add3A_252 = arith.addf %add3A_250, %slice3A_251 : vector<8x1024xf32>
      %get3A_253 = arith.constant 0 : index
      %get3A_254 = arith.constant 1024 : index
      %get3A_255 = vector.load %arg4[%get3A_253, %get3A_254] : memref<8x4096xf32, #tpu.memory_space<vmem>>, vector<8x1024xf32>
      %min3A_256 = arith.minimumf %get3A_255, %add3A_252 : vector<8x1024xf32>
      %swap3A_257 = arith.constant 0 : index
      %swap3A_258 = arith.constant 1024 : index
      %swap3A_259 = vector.load %arg4[%swap3A_257, %swap3A_258] : memref<8x4096xf32, #tpu.memory_space<vmem>>, vector<8x1024xf32>
      tpu.vector_store %arg4[%swap3A_257, %swap3A_258], %min3A_256 {strides = array<i32>} : memref<8x4096xf32, #tpu.memory_space<vmem>>, vector<8x1024xf32>,
      %reduce_max3A_260 = arith.constant dense<0xFF800000> : vector<8xf32>
      %reduce_max3A_261 = vector.multi_reduction <maximumf>, %min3A_256, %reduce_max3A_260 [1] : vector<8x1024xf32> to vector<8xf32>
      %broadcast_in_dim3A_262 = vector.shape_cast %reduce_max3A_261 : vector<8xf32> to vector<8x1xf32>
      %iota3A_263 = tpu.iota {dimensions = array<i32: 1>} : vector<8x1024xi32>
      %eq3A_264 = vector.broadcast %broadcast_in_dim3A_262 : vector<8x1xf32> to vector<8x1024xf32>
      %eq3A_265 = arith.cmpf oeq, %min3A_256, %eq3A_264 : vector<8x1024xf32>
      %jit3A_266 = arith.constant 1024 : i32
      %broadcast_in_dim3A_267 = vector.broadcast %jit3A_266 : i32 to vector<8x1024xi32>
      %select_n3A_268 = arith.select %eq3A_265, %iota3A_263, %broadcast_in_dim3A_267 : vector<8x1024xi1>, vector<8x1024xi32>
      %reduce_min3A_269 = arith.constant dense<2147483647> : vector<8xi32>
      %reduce_min3A_270 = vector.multi_reduction <minsi>, %select_n3A_268, %reduce_min3A_269 [1] : vector<8x1024xi32> to vector<8xi32>
      %broadcast_in_dim3A_271 = vector.shape_cast %reduce_min3A_270 : vector<8xi32> to vector<8x1xi32>
      %add3A_272 = arith.constant 1024 : i32
      %add3A_273 = vector.broadcast %add3A_272 : i32 to vector<8x1xi32>
      %add3A_274 = arith.addi %broadcast_in_dim3A_271, %add3A_273 : vector<8x1xi32>
      %gt3A = arith.cmpf ogt, %broadcast_in_dim3A_262, %broadcast_in_dim3A_230 : vector<8x1xf32>
      %select_n3A_275 = arith.select %gt3A, %add3A_274, %add3A_241 : vector<8x1xi1>, vector<8x1xi32>
      %select_n3A_276 = arith.select %gt3A, %broadcast_in_dim3A_262, %broadcast_in_dim3A_230 : vector<8x1xi1>, vector<8x1xf32>
      %get3A_277 = arith.constant 0 : index
      %get3A_278 = arith.constant 2048 : index
      %get3A_279 = vector.load %arg0[%get3A_277, %get3A_278] : memref<24x4096xf32, #tpu.memory_space<vmem>>, vector<24x1024xf32>
      %sub3A_280 = vector.broadcast %add3A_208 : vector<24x1xf32> to vector<24x1024xf32>
      %sub3A_281 = arith.subf %get3A_279, %sub3A_280 : vector<24x1024xf32>
      %mul3A_282 = arith.mulf %sub3A_281, %sub3A_281 : vector<24x1024xf32>
      %slice3A_283 = vector.extract_strided_slice %mul3A_282 {offsets = [0, 0], sizes = [8, 1024], strides = [1, 1]} : vector<24x1024xf32> to vector<8x1024xf32>
      %slice3A_284 = vector.extract_strided_slice %mul3A_282 {offsets = [8, 0], sizes = [8, 1024], strides = [1, 1]} : vector<24x1024xf32> to vector<8x1024xf32>
      %add3A_285 = arith.addf %slice3A_283, %slice3A_284 : vector<8x1024xf32>
      %slice3A_286 = vector.extract_strided_slice %mul3A_282 {offsets = [16, 0], sizes = [8, 1024], strides = [1, 1]} : vector<24x1024xf32> to vector<8x1024xf32>
      %add3A_287 = arith.addf %add3A_285, %slice3A_286 : vector<8x1024xf32>
      %get3A_288 = arith.constant 0 : index
      %get3A_289 = arith.constant 2048 : index
      %get3A_290 = vector.load %arg4[%get3A_288, %get3A_289] : memref<8x4096xf32, #tpu.memory_space<vmem>>, vector<8x1024xf32>
      %min3A_291 = arith.minimumf %get3A_290, %add3A_287 : vector<8x1024xf32>
      %swap3A_292 = arith.constant 0 : index
      %swap3A_293 = arith.constant 2048 : index
      %swap3A_294 = vector.load %arg4[%swap3A_292, %swap3A_293] : memref<8x4096xf32, #tpu.memory_space<vmem>>, vector<8x1024xf32>
      tpu.vector_store %arg4[%swap3A_292, %swap3A_293], %min3A_291 {strides = array<i32>} : memref<8x4096xf32, #tpu.memory_space<vmem>>, vector<8x1024xf32>,
      %reduce_max3A_295 = arith.constant dense<0xFF800000> : vector<8xf32>
      %reduce_max3A_296 = vector.multi_reduction <maximumf>, %min3A_291, %reduce_max3A_295 [1] : vector<8x1024xf32> to vector<8xf32>
      %broadcast_in_dim3A_297 = vector.shape_cast %reduce_max3A_296 : vector<8xf32> to vector<8x1xf32>
      %iota3A_298 = tpu.iota {dimensions = array<i32: 1>} : vector<8x1024xi32>
      %eq3A_299 = vector.broadcast %broadcast_in_dim3A_297 : vector<8x1xf32> to vector<8x1024xf32>
      %eq3A_300 = arith.cmpf oeq, %min3A_291, %eq3A_299 : vector<8x1024xf32>
      %jit3A_301 = arith.constant 1024 : i32
      %broadcast_in_dim3A_302 = vector.broadcast %jit3A_301 : i32 to vector<8x1024xi32>
      %select_n3A_303 = arith.select %eq3A_300, %iota3A_298, %broadcast_in_dim3A_302 : vector<8x1024xi1>, vector<8x1024xi32>
      %reduce_min3A_304 = arith.constant dense<2147483647> : vector<8xi32>
      %reduce_min3A_305 = vector.multi_reduction <minsi>, %select_n3A_303, %reduce_min3A_304 [1] : vector<8x1024xi32> to vector<8xi32>
      %broadcast_in_dim3A_306 = vector.shape_cast %reduce_min3A_305 : vector<8xi32> to vector<8x1xi32>
      %add3A_307 = arith.constant 2048 : i32
      %add3A_308 = vector.broadcast %add3A_307 : i32 to vector<8x1xi32>
      %add3A_309 = arith.addi %broadcast_in_dim3A_306, %add3A_308 : vector<8x1xi32>
      %gt3A_310 = arith.cmpf ogt, %broadcast_in_dim3A_297, %select_n3A_276 : vector<8x1xf32>
      %select_n3A_311 = arith.select %gt3A_310, %add3A_309, %select_n3A_275 : vector<8x1xi1>, vector<8x1xi32>
      %select_n3A_312 = arith.select %gt3A_310, %broadcast_in_dim3A_297, %select_n3A_276 : vector<8x1xi1>, vector<8x1xf32>
      %get3A_313 = arith.constant 0 : index
      %get3A_314 = arith.constant 3072 : index
      %get3A_315 = vector.load %arg0[%get3A_313, %get3A_314] : memref<24x4096xf32, #tpu.memory_space<vmem>>, vector<24x1024xf32>
      %sub3A_316 = vector.broadcast %add3A_208 : vector<24x1xf32> to vector<24x1024xf32>
      %sub3A_317 = arith.subf %get3A_315, %sub3A_316 : vector<24x1024xf32>
      %mul3A_318 = arith.mulf %sub3A_317, %sub3A_317 : vector<24x1024xf32>
      %slice3A_319 = vector.extract_strided_slice %mul3A_318 {offsets = [0, 0], sizes = [8, 1024], strides = [1, 1]} : vector<24x1024xf32> to vector<8x1024xf32>
      %slice3A_320 = vector.extract_strided_slice %mul3A_318 {offsets = [8, 0], sizes = [8, 1024], strides = [1, 1]} : vector<24x1024xf32> to vector<8x1024xf32>
      %add3A_321 = arith.addf %slice3A_319, %slice3A_320 : vector<8x1024xf32>
      %slice3A_322 = vector.extract_strided_slice %mul3A_318 {offsets = [16, 0], sizes = [8, 1024], strides = [1, 1]} : vector<24x1024xf32> to vector<8x1024xf32>
      %add3A_323 = arith.addf %add3A_321, %slice3A_322 : vector<8x1024xf32>
      %get3A_324 = arith.constant 0 : index
      %get3A_325 = arith.constant 3072 : index
      %get3A_326 = vector.load %arg4[%get3A_324, %get3A_325] : memref<8x4096xf32, #tpu.memory_space<vmem>>, vector<8x1024xf32>
      %min3A_327 = arith.minimumf %get3A_326, %add3A_323 : vector<8x1024xf32>
      %swap3A_328 = arith.constant 0 : index
      %swap3A_329 = arith.constant 3072 : index
      %swap3A_330 = vector.load %arg4[%swap3A_328, %swap3A_329] : memref<8x4096xf32, #tpu.memory_space<vmem>>, vector<8x1024xf32>
      tpu.vector_store %arg4[%swap3A_328, %swap3A_329], %min3A_327 {strides = array<i32>} : memref<8x4096xf32, #tpu.memory_space<vmem>>, vector<8x1024xf32>,
      %reduce_max3A_331 = arith.constant dense<0xFF800000> : vector<8xf32>
      %reduce_max3A_332 = vector.multi_reduction <maximumf>, %min3A_327, %reduce_max3A_331 [1] : vector<8x1024xf32> to vector<8xf32>
      %broadcast_in_dim3A_333 = vector.shape_cast %reduce_max3A_332 : vector<8xf32> to vector<8x1xf32>
      %iota3A_334 = tpu.iota {dimensions = array<i32: 1>} : vector<8x1024xi32>
      %eq3A_335 = vector.broadcast %broadcast_in_dim3A_333 : vector<8x1xf32> to vector<8x1024xf32>
      %eq3A_336 = arith.cmpf oeq, %min3A_327, %eq3A_335 : vector<8x1024xf32>
      %jit3A_337 = arith.constant 1024 : i32
      %broadcast_in_dim3A_338 = vector.broadcast %jit3A_337 : i32 to vector<8x1024xi32>
      %select_n3A_339 = arith.select %eq3A_336, %iota3A_334, %broadcast_in_dim3A_338 : vector<8x1024xi1>, vector<8x1024xi32>
      %reduce_min3A_340 = arith.constant dense<2147483647> : vector<8xi32>
      %reduce_min3A_341 = vector.multi_reduction <minsi>, %select_n3A_339, %reduce_min3A_340 [1] : vector<8x1024xi32> to vector<8xi32>
      %broadcast_in_dim3A_342 = vector.shape_cast %reduce_min3A_341 : vector<8xi32> to vector<8x1xi32>
      %add3A_343 = arith.constant 3072 : i32
      %add3A_344 = vector.broadcast %add3A_343 : i32 to vector<8x1xi32>
      %add3A_345 = arith.addi %broadcast_in_dim3A_342, %add3A_344 : vector<8x1xi32>
      %gt3A_346 = arith.cmpf ogt, %broadcast_in_dim3A_333, %select_n3A_312 : vector<8x1xf32>
      %select_n3A_347 = arith.select %gt3A_346, %add3A_345, %select_n3A_311 : vector<8x1xi1>, vector<8x1xi32>
      %concatenate3A = tpu.concatenate %select_n3A_347, %select_n3A_347, %select_n3A_347 in 0 : vector<8x1xi32>, vector<8x1xi32>, vector<8x1xi32> -> vector<24x1xi32>
      scf.yield %concatenate3A, %select_n3A_213 : vector<24x1xi32>, vector<24x128xf32>
    }
    %scan3A_64 = arith.constant 128 : i32
    %slice3A_65 = vector.extract_strided_slice %scan3A_63#1 {offsets = [0, 0], sizes = [8, 128], strides = [1, 1]} : vector<24x128xf32> to vector<8x128xf32>
    %swap3A_66 = arith.constant 0 : index
    %swap3A_67 = arith.constant 384 : index
    %swap3A_68 = vector.load %arg1[%swap3A_66, %swap3A_67] : memref<8x1024xf32, #tpu.memory_space<vmem>>, vector<8x128xf32>
    tpu.vector_store %arg1[%swap3A_66, %swap3A_67], %slice3A_65 {strides = array<i32>} : memref<8x1024xf32, #tpu.memory_space<vmem>>, vector<8x128xf32>,
    %slice3A_69 = vector.extract_strided_slice %scan3A_63#1 {offsets = [8, 0], sizes = [8, 128], strides = [1, 1]} : vector<24x128xf32> to vector<8x128xf32>
    %swap3A_70 = arith.constant 0 : index
    %swap3A_71 = arith.constant 384 : index
    %swap3A_72 = vector.load %arg2[%swap3A_70, %swap3A_71] : memref<8x1024xf32, #tpu.memory_space<vmem>>, vector<8x128xf32>
    tpu.vector_store %arg2[%swap3A_70, %swap3A_71], %slice3A_69 {strides = array<i32>} : memref<8x1024xf32, #tpu.memory_space<vmem>>, vector<8x128xf32>,
    %slice3A_73 = vector.extract_strided_slice %scan3A_63#1 {offsets = [16, 0], sizes = [8, 128], strides = [1, 1]} : vector<24x128xf32> to vector<8x128xf32>
    %swap3A_74 = arith.constant 0 : index
    %swap3A_75 = arith.constant 384 : index
    %swap3A_76 = vector.load %arg3[%swap3A_74, %swap3A_75] : memref<8x1024xf32, #tpu.memory_space<vmem>>, vector<8x128xf32>
    tpu.vector_store %arg3[%swap3A_74, %swap3A_75], %slice3A_73 {strides = array<i32>} : memref<8x1024xf32, #tpu.memory_space<vmem>>, vector<8x128xf32>,
    %scan3A_77 = arith.constant 0 : i32
    %scan3A_78 = arith.constant 128 : i32
    %scan3A_79 = arith.addi %scan3A_77, %scan3A_78 : i32
    %scan3A_80 = arith.constant 1 : i32
    %scan3A_81:2 = scf.for %scan3A_149 = %scan3A_77 to %scan3A_79 step %scan3A_80 iter_args(%scan3A_150 = %scan3A_63#0, %scan3A_151 = %broadcast_in_dim3A_0) -> (vector<24x1xi32>, vector<24x128xf32>)  : i32 {
      %get3A = arith.constant 0 : index
      %get3A_152 = arith.constant 0 : index
      %get3A_153 = vector.load %arg0[%get3A, %get3A_152] : memref<24x4096xf32, #tpu.memory_space<vmem>>, vector<24x1024xf32>
      %iota3A_154 = tpu.iota {dimensions = array<i32: 1>} : vector<24x1024xi32>
      %add3A = arith.constant 0 : i32
      %add3A_155 = vector.broadcast %add3A : i32 to vector<24x1024xi32>
      %add3A_156 = arith.addi %iota3A_154, %add3A_155 : vector<24x1024xi32>
      %eq3A = vector.broadcast %scan3A_150 : vector<24x1xi32> to vector<24x1024xi32>
      %eq3A_157 = arith.cmpi eq, %add3A_156, %eq3A : vector<24x1024xi32>
      %jit3A = arith.constant 0.000000e+00 : f32
      %broadcast_in_dim3A_158 = vector.broadcast %jit3A : f32 to vector<24x1024xf32>
      %select_n3A = arith.select %eq3A_157, %get3A_153, %broadcast_in_dim3A_158 : vector<24x1024xi1>, vector<24x1024xf32>
      %reduce_sum3A = arith.constant dense<0.000000e+00> : vector<24xf32>
      %reduce_sum3A_159 = vector.multi_reduction <add>, %select_n3A, %reduce_sum3A [1] : vector<24x1024xf32> to vector<24xf32>
      %broadcast_in_dim3A_160 = vector.shape_cast %reduce_sum3A_159 : vector<24xf32> to vector<24x1xf32>
      %get3A_161 = arith.constant 0 : index
      %get3A_162 = arith.constant 1024 : index
      %get3A_163 = vector.load %arg0[%get3A_161, %get3A_162] : memref<24x4096xf32, #tpu.memory_space<vmem>>, vector<24x1024xf32>
      %iota3A_164 = tpu.iota {dimensions = array<i32: 1>} : vector<24x1024xi32>
      %add3A_165 = arith.constant 1024 : i32
      %add3A_166 = vector.broadcast %add3A_165 : i32 to vector<24x1024xi32>
      %add3A_167 = arith.addi %iota3A_164, %add3A_166 : vector<24x1024xi32>
      %eq3A_168 = vector.broadcast %scan3A_150 : vector<24x1xi32> to vector<24x1024xi32>
      %eq3A_169 = arith.cmpi eq, %add3A_167, %eq3A_168 : vector<24x1024xi32>
      %jit3A_170 = arith.constant 0.000000e+00 : f32
      %broadcast_in_dim3A_171 = vector.broadcast %jit3A_170 : f32 to vector<24x1024xf32>
      %select_n3A_172 = arith.select %eq3A_169, %get3A_163, %broadcast_in_dim3A_171 : vector<24x1024xi1>, vector<24x1024xf32>
      %reduce_sum3A_173 = arith.constant dense<0.000000e+00> : vector<24xf32>
      %reduce_sum3A_174 = vector.multi_reduction <add>, %select_n3A_172, %reduce_sum3A_173 [1] : vector<24x1024xf32> to vector<24xf32>
      %broadcast_in_dim3A_175 = vector.shape_cast %reduce_sum3A_174 : vector<24xf32> to vector<24x1xf32>
      %add3A_176 = arith.addf %broadcast_in_dim3A_160, %broadcast_in_dim3A_175 : vector<24x1xf32>
      %get3A_177 = arith.constant 0 : index
      %get3A_178 = arith.constant 2048 : index
      %get3A_179 = vector.load %arg0[%get3A_177, %get3A_178] : memref<24x4096xf32, #tpu.memory_space<vmem>>, vector<24x1024xf32>
      %iota3A_180 = tpu.iota {dimensions = array<i32: 1>} : vector<24x1024xi32>
      %add3A_181 = arith.constant 2048 : i32
      %add3A_182 = vector.broadcast %add3A_181 : i32 to vector<24x1024xi32>
      %add3A_183 = arith.addi %iota3A_180, %add3A_182 : vector<24x1024xi32>
      %eq3A_184 = vector.broadcast %scan3A_150 : vector<24x1xi32> to vector<24x1024xi32>
      %eq3A_185 = arith.cmpi eq, %add3A_183, %eq3A_184 : vector<24x1024xi32>
      %jit3A_186 = arith.constant 0.000000e+00 : f32
      %broadcast_in_dim3A_187 = vector.broadcast %jit3A_186 : f32 to vector<24x1024xf32>
      %select_n3A_188 = arith.select %eq3A_185, %get3A_179, %broadcast_in_dim3A_187 : vector<24x1024xi1>, vector<24x1024xf32>
      %reduce_sum3A_189 = arith.constant dense<0.000000e+00> : vector<24xf32>
      %reduce_sum3A_190 = vector.multi_reduction <add>, %select_n3A_188, %reduce_sum3A_189 [1] : vector<24x1024xf32> to vector<24xf32>
      %broadcast_in_dim3A_191 = vector.shape_cast %reduce_sum3A_190 : vector<24xf32> to vector<24x1xf32>
      %add3A_192 = arith.addf %add3A_176, %broadcast_in_dim3A_191 : vector<24x1xf32>
      %get3A_193 = arith.constant 0 : index
      %get3A_194 = arith.constant 3072 : index
      %get3A_195 = vector.load %arg0[%get3A_193, %get3A_194] : memref<24x4096xf32, #tpu.memory_space<vmem>>, vector<24x1024xf32>
      %iota3A_196 = tpu.iota {dimensions = array<i32: 1>} : vector<24x1024xi32>
      %add3A_197 = arith.constant 3072 : i32
      %add3A_198 = vector.broadcast %add3A_197 : i32 to vector<24x1024xi32>
      %add3A_199 = arith.addi %iota3A_196, %add3A_198 : vector<24x1024xi32>
      %eq3A_200 = vector.broadcast %scan3A_150 : vector<24x1xi32> to vector<24x1024xi32>
      %eq3A_201 = arith.cmpi eq, %add3A_199, %eq3A_200 : vector<24x1024xi32>
      %jit3A_202 = arith.constant 0.000000e+00 : f32
      %broadcast_in_dim3A_203 = vector.broadcast %jit3A_202 : f32 to vector<24x1024xf32>
      %select_n3A_204 = arith.select %eq3A_201, %get3A_195, %broadcast_in_dim3A_203 : vector<24x1024xi1>, vector<24x1024xf32>
      %reduce_sum3A_205 = arith.constant dense<0.000000e+00> : vector<24xf32>
      %reduce_sum3A_206 = vector.multi_reduction <add>, %select_n3A_204, %reduce_sum3A_205 [1] : vector<24x1024xf32> to vector<24xf32>
      %broadcast_in_dim3A_207 = vector.shape_cast %reduce_sum3A_206 : vector<24xf32> to vector<24x1xf32>
      %add3A_208 = arith.addf %add3A_192, %broadcast_in_dim3A_207 : vector<24x1xf32>
      %eq3A_209 = vector.broadcast %scan3A_149 : i32 to vector<24x128xi32>
      %eq3A_210 = arith.cmpi eq, %iota3A, %eq3A_209 : vector<24x128xi32>
      %broadcast_in_dim3A_211 = vector.shape_cast %add3A_208 : vector<24x1xf32> to vector<24x1xf32>
      %broadcast_in_dim3A_212 = vector.broadcast %broadcast_in_dim3A_211 : vector<24x1xf32> to vector<24x128xf32>
      %select_n3A_213 = arith.select %eq3A_210, %broadcast_in_dim3A_212, %scan3A_151 : vector<24x128xi1>, vector<24x128xf32>
      %get3A_214 = arith.constant 0 : index
      %get3A_215 = arith.constant 0 : index
      %get3A_216 = vector.load %arg0[%get3A_214, %get3A_215] : memref<24x4096xf32, #tpu.memory_space<vmem>>, vector<24x1024xf32>
      %sub3A = vector.broadcast %add3A_208 : vector<24x1xf32> to vector<24x1024xf32>
      %sub3A_217 = arith.subf %get3A_216, %sub3A : vector<24x1024xf32>
      %mul3A = arith.mulf %sub3A_217, %sub3A_217 : vector<24x1024xf32>
      %slice3A_218 = vector.extract_strided_slice %mul3A {offsets = [0, 0], sizes = [8, 1024], strides = [1, 1]} : vector<24x1024xf32> to vector<8x1024xf32>
      %slice3A_219 = vector.extract_strided_slice %mul3A {offsets = [8, 0], sizes = [8, 1024], strides = [1, 1]} : vector<24x1024xf32> to vector<8x1024xf32>
      %add3A_220 = arith.addf %slice3A_218, %slice3A_219 : vector<8x1024xf32>
      %slice3A_221 = vector.extract_strided_slice %mul3A {offsets = [16, 0], sizes = [8, 1024], strides = [1, 1]} : vector<24x1024xf32> to vector<8x1024xf32>
      %add3A_222 = arith.addf %add3A_220, %slice3A_221 : vector<8x1024xf32>
      %get3A_223 = arith.constant 0 : index
      %get3A_224 = arith.constant 0 : index
      %get3A_225 = vector.load %arg4[%get3A_223, %get3A_224] : memref<8x4096xf32, #tpu.memory_space<vmem>>, vector<8x1024xf32>
      %min3A = arith.minimumf %get3A_225, %add3A_222 : vector<8x1024xf32>
      %swap3A_226 = arith.constant 0 : index
      %swap3A_227 = arith.constant 0 : index
      %swap3A_228 = vector.load %arg4[%swap3A_226, %swap3A_227] : memref<8x4096xf32, #tpu.memory_space<vmem>>, vector<8x1024xf32>
      tpu.vector_store %arg4[%swap3A_226, %swap3A_227], %min3A {strides = array<i32>} : memref<8x4096xf32, #tpu.memory_space<vmem>>, vector<8x1024xf32>,
      %reduce_max3A = arith.constant dense<0xFF800000> : vector<8xf32>
      %reduce_max3A_229 = vector.multi_reduction <maximumf>, %min3A, %reduce_max3A [1] : vector<8x1024xf32> to vector<8xf32>
      %broadcast_in_dim3A_230 = vector.shape_cast %reduce_max3A_229 : vector<8xf32> to vector<8x1xf32>
      %iota3A_231 = tpu.iota {dimensions = array<i32: 1>} : vector<8x1024xi32>
      %eq3A_232 = vector.broadcast %broadcast_in_dim3A_230 : vector<8x1xf32> to vector<8x1024xf32>
      %eq3A_233 = arith.cmpf oeq, %min3A, %eq3A_232 : vector<8x1024xf32>
      %jit3A_234 = arith.constant 1024 : i32
      %broadcast_in_dim3A_235 = vector.broadcast %jit3A_234 : i32 to vector<8x1024xi32>
      %select_n3A_236 = arith.select %eq3A_233, %iota3A_231, %broadcast_in_dim3A_235 : vector<8x1024xi1>, vector<8x1024xi32>
      %reduce_min3A = arith.constant dense<2147483647> : vector<8xi32>
      %reduce_min3A_237 = vector.multi_reduction <minsi>, %select_n3A_236, %reduce_min3A [1] : vector<8x1024xi32> to vector<8xi32>
      %broadcast_in_dim3A_238 = vector.shape_cast %reduce_min3A_237 : vector<8xi32> to vector<8x1xi32>
      %add3A_239 = arith.constant 0 : i32
      %add3A_240 = vector.broadcast %add3A_239 : i32 to vector<8x1xi32>
      %add3A_241 = arith.addi %broadcast_in_dim3A_238, %add3A_240 : vector<8x1xi32>
      %get3A_242 = arith.constant 0 : index
      %get3A_243 = arith.constant 1024 : index
      %get3A_244 = vector.load %arg0[%get3A_242, %get3A_243] : memref<24x4096xf32, #tpu.memory_space<vmem>>, vector<24x1024xf32>
      %sub3A_245 = vector.broadcast %add3A_208 : vector<24x1xf32> to vector<24x1024xf32>
      %sub3A_246 = arith.subf %get3A_244, %sub3A_245 : vector<24x1024xf32>
      %mul3A_247 = arith.mulf %sub3A_246, %sub3A_246 : vector<24x1024xf32>
      %slice3A_248 = vector.extract_strided_slice %mul3A_247 {offsets = [0, 0], sizes = [8, 1024], strides = [1, 1]} : vector<24x1024xf32> to vector<8x1024xf32>
      %slice3A_249 = vector.extract_strided_slice %mul3A_247 {offsets = [8, 0], sizes = [8, 1024], strides = [1, 1]} : vector<24x1024xf32> to vector<8x1024xf32>
      %add3A_250 = arith.addf %slice3A_248, %slice3A_249 : vector<8x1024xf32>
      %slice3A_251 = vector.extract_strided_slice %mul3A_247 {offsets = [16, 0], sizes = [8, 1024], strides = [1, 1]} : vector<24x1024xf32> to vector<8x1024xf32>
      %add3A_252 = arith.addf %add3A_250, %slice3A_251 : vector<8x1024xf32>
      %get3A_253 = arith.constant 0 : index
      %get3A_254 = arith.constant 1024 : index
      %get3A_255 = vector.load %arg4[%get3A_253, %get3A_254] : memref<8x4096xf32, #tpu.memory_space<vmem>>, vector<8x1024xf32>
      %min3A_256 = arith.minimumf %get3A_255, %add3A_252 : vector<8x1024xf32>
      %swap3A_257 = arith.constant 0 : index
      %swap3A_258 = arith.constant 1024 : index
      %swap3A_259 = vector.load %arg4[%swap3A_257, %swap3A_258] : memref<8x4096xf32, #tpu.memory_space<vmem>>, vector<8x1024xf32>
      tpu.vector_store %arg4[%swap3A_257, %swap3A_258], %min3A_256 {strides = array<i32>} : memref<8x4096xf32, #tpu.memory_space<vmem>>, vector<8x1024xf32>,
      %reduce_max3A_260 = arith.constant dense<0xFF800000> : vector<8xf32>
      %reduce_max3A_261 = vector.multi_reduction <maximumf>, %min3A_256, %reduce_max3A_260 [1] : vector<8x1024xf32> to vector<8xf32>
      %broadcast_in_dim3A_262 = vector.shape_cast %reduce_max3A_261 : vector<8xf32> to vector<8x1xf32>
      %iota3A_263 = tpu.iota {dimensions = array<i32: 1>} : vector<8x1024xi32>
      %eq3A_264 = vector.broadcast %broadcast_in_dim3A_262 : vector<8x1xf32> to vector<8x1024xf32>
      %eq3A_265 = arith.cmpf oeq, %min3A_256, %eq3A_264 : vector<8x1024xf32>
      %jit3A_266 = arith.constant 1024 : i32
      %broadcast_in_dim3A_267 = vector.broadcast %jit3A_266 : i32 to vector<8x1024xi32>
      %select_n3A_268 = arith.select %eq3A_265, %iota3A_263, %broadcast_in_dim3A_267 : vector<8x1024xi1>, vector<8x1024xi32>
      %reduce_min3A_269 = arith.constant dense<2147483647> : vector<8xi32>
      %reduce_min3A_270 = vector.multi_reduction <minsi>, %select_n3A_268, %reduce_min3A_269 [1] : vector<8x1024xi32> to vector<8xi32>
      %broadcast_in_dim3A_271 = vector.shape_cast %reduce_min3A_270 : vector<8xi32> to vector<8x1xi32>
      %add3A_272 = arith.constant 1024 : i32
      %add3A_273 = vector.broadcast %add3A_272 : i32 to vector<8x1xi32>
      %add3A_274 = arith.addi %broadcast_in_dim3A_271, %add3A_273 : vector<8x1xi32>
      %gt3A = arith.cmpf ogt, %broadcast_in_dim3A_262, %broadcast_in_dim3A_230 : vector<8x1xf32>
      %select_n3A_275 = arith.select %gt3A, %add3A_274, %add3A_241 : vector<8x1xi1>, vector<8x1xi32>
      %select_n3A_276 = arith.select %gt3A, %broadcast_in_dim3A_262, %broadcast_in_dim3A_230 : vector<8x1xi1>, vector<8x1xf32>
      %get3A_277 = arith.constant 0 : index
      %get3A_278 = arith.constant 2048 : index
      %get3A_279 = vector.load %arg0[%get3A_277, %get3A_278] : memref<24x4096xf32, #tpu.memory_space<vmem>>, vector<24x1024xf32>
      %sub3A_280 = vector.broadcast %add3A_208 : vector<24x1xf32> to vector<24x1024xf32>
      %sub3A_281 = arith.subf %get3A_279, %sub3A_280 : vector<24x1024xf32>
      %mul3A_282 = arith.mulf %sub3A_281, %sub3A_281 : vector<24x1024xf32>
      %slice3A_283 = vector.extract_strided_slice %mul3A_282 {offsets = [0, 0], sizes = [8, 1024], strides = [1, 1]} : vector<24x1024xf32> to vector<8x1024xf32>
      %slice3A_284 = vector.extract_strided_slice %mul3A_282 {offsets = [8, 0], sizes = [8, 1024], strides = [1, 1]} : vector<24x1024xf32> to vector<8x1024xf32>
      %add3A_285 = arith.addf %slice3A_283, %slice3A_284 : vector<8x1024xf32>
      %slice3A_286 = vector.extract_strided_slice %mul3A_282 {offsets = [16, 0], sizes = [8, 1024], strides = [1, 1]} : vector<24x1024xf32> to vector<8x1024xf32>
      %add3A_287 = arith.addf %add3A_285, %slice3A_286 : vector<8x1024xf32>
      %get3A_288 = arith.constant 0 : index
      %get3A_289 = arith.constant 2048 : index
      %get3A_290 = vector.load %arg4[%get3A_288, %get3A_289] : memref<8x4096xf32, #tpu.memory_space<vmem>>, vector<8x1024xf32>
      %min3A_291 = arith.minimumf %get3A_290, %add3A_287 : vector<8x1024xf32>
      %swap3A_292 = arith.constant 0 : index
      %swap3A_293 = arith.constant 2048 : index
      %swap3A_294 = vector.load %arg4[%swap3A_292, %swap3A_293] : memref<8x4096xf32, #tpu.memory_space<vmem>>, vector<8x1024xf32>
      tpu.vector_store %arg4[%swap3A_292, %swap3A_293], %min3A_291 {strides = array<i32>} : memref<8x4096xf32, #tpu.memory_space<vmem>>, vector<8x1024xf32>,
      %reduce_max3A_295 = arith.constant dense<0xFF800000> : vector<8xf32>
      %reduce_max3A_296 = vector.multi_reduction <maximumf>, %min3A_291, %reduce_max3A_295 [1] : vector<8x1024xf32> to vector<8xf32>
      %broadcast_in_dim3A_297 = vector.shape_cast %reduce_max3A_296 : vector<8xf32> to vector<8x1xf32>
      %iota3A_298 = tpu.iota {dimensions = array<i32: 1>} : vector<8x1024xi32>
      %eq3A_299 = vector.broadcast %broadcast_in_dim3A_297 : vector<8x1xf32> to vector<8x1024xf32>
      %eq3A_300 = arith.cmpf oeq, %min3A_291, %eq3A_299 : vector<8x1024xf32>
      %jit3A_301 = arith.constant 1024 : i32
      %broadcast_in_dim3A_302 = vector.broadcast %jit3A_301 : i32 to vector<8x1024xi32>
      %select_n3A_303 = arith.select %eq3A_300, %iota3A_298, %broadcast_in_dim3A_302 : vector<8x1024xi1>, vector<8x1024xi32>
      %reduce_min3A_304 = arith.constant dense<2147483647> : vector<8xi32>
      %reduce_min3A_305 = vector.multi_reduction <minsi>, %select_n3A_303, %reduce_min3A_304 [1] : vector<8x1024xi32> to vector<8xi32>
      %broadcast_in_dim3A_306 = vector.shape_cast %reduce_min3A_305 : vector<8xi32> to vector<8x1xi32>
      %add3A_307 = arith.constant 2048 : i32
      %add3A_308 = vector.broadcast %add3A_307 : i32 to vector<8x1xi32>
      %add3A_309 = arith.addi %broadcast_in_dim3A_306, %add3A_308 : vector<8x1xi32>
      %gt3A_310 = arith.cmpf ogt, %broadcast_in_dim3A_297, %select_n3A_276 : vector<8x1xf32>
      %select_n3A_311 = arith.select %gt3A_310, %add3A_309, %select_n3A_275 : vector<8x1xi1>, vector<8x1xi32>
      %select_n3A_312 = arith.select %gt3A_310, %broadcast_in_dim3A_297, %select_n3A_276 : vector<8x1xi1>, vector<8x1xf32>
      %get3A_313 = arith.constant 0 : index
      %get3A_314 = arith.constant 3072 : index
      %get3A_315 = vector.load %arg0[%get3A_313, %get3A_314] : memref<24x4096xf32, #tpu.memory_space<vmem>>, vector<24x1024xf32>
      %sub3A_316 = vector.broadcast %add3A_208 : vector<24x1xf32> to vector<24x1024xf32>
      %sub3A_317 = arith.subf %get3A_315, %sub3A_316 : vector<24x1024xf32>
      %mul3A_318 = arith.mulf %sub3A_317, %sub3A_317 : vector<24x1024xf32>
      %slice3A_319 = vector.extract_strided_slice %mul3A_318 {offsets = [0, 0], sizes = [8, 1024], strides = [1, 1]} : vector<24x1024xf32> to vector<8x1024xf32>
      %slice3A_320 = vector.extract_strided_slice %mul3A_318 {offsets = [8, 0], sizes = [8, 1024], strides = [1, 1]} : vector<24x1024xf32> to vector<8x1024xf32>
      %add3A_321 = arith.addf %slice3A_319, %slice3A_320 : vector<8x1024xf32>
      %slice3A_322 = vector.extract_strided_slice %mul3A_318 {offsets = [16, 0], sizes = [8, 1024], strides = [1, 1]} : vector<24x1024xf32> to vector<8x1024xf32>
      %add3A_323 = arith.addf %add3A_321, %slice3A_322 : vector<8x1024xf32>
      %get3A_324 = arith.constant 0 : index
      %get3A_325 = arith.constant 3072 : index
      %get3A_326 = vector.load %arg4[%get3A_324, %get3A_325] : memref<8x4096xf32, #tpu.memory_space<vmem>>, vector<8x1024xf32>
      %min3A_327 = arith.minimumf %get3A_326, %add3A_323 : vector<8x1024xf32>
      %swap3A_328 = arith.constant 0 : index
      %swap3A_329 = arith.constant 3072 : index
      %swap3A_330 = vector.load %arg4[%swap3A_328, %swap3A_329] : memref<8x4096xf32, #tpu.memory_space<vmem>>, vector<8x1024xf32>
      tpu.vector_store %arg4[%swap3A_328, %swap3A_329], %min3A_327 {strides = array<i32>} : memref<8x4096xf32, #tpu.memory_space<vmem>>, vector<8x1024xf32>,
      %reduce_max3A_331 = arith.constant dense<0xFF800000> : vector<8xf32>
      %reduce_max3A_332 = vector.multi_reduction <maximumf>, %min3A_327, %reduce_max3A_331 [1] : vector<8x1024xf32> to vector<8xf32>
      %broadcast_in_dim3A_333 = vector.shape_cast %reduce_max3A_332 : vector<8xf32> to vector<8x1xf32>
      %iota3A_334 = tpu.iota {dimensions = array<i32: 1>} : vector<8x1024xi32>
      %eq3A_335 = vector.broadcast %broadcast_in_dim3A_333 : vector<8x1xf32> to vector<8x1024xf32>
      %eq3A_336 = arith.cmpf oeq, %min3A_327, %eq3A_335 : vector<8x1024xf32>
      %jit3A_337 = arith.constant 1024 : i32
      %broadcast_in_dim3A_338 = vector.broadcast %jit3A_337 : i32 to vector<8x1024xi32>
      %select_n3A_339 = arith.select %eq3A_336, %iota3A_334, %broadcast_in_dim3A_338 : vector<8x1024xi1>, vector<8x1024xi32>
      %reduce_min3A_340 = arith.constant dense<2147483647> : vector<8xi32>
      %reduce_min3A_341 = vector.multi_reduction <minsi>, %select_n3A_339, %reduce_min3A_340 [1] : vector<8x1024xi32> to vector<8xi32>
      %broadcast_in_dim3A_342 = vector.shape_cast %reduce_min3A_341 : vector<8xi32> to vector<8x1xi32>
      %add3A_343 = arith.constant 3072 : i32
      %add3A_344 = vector.broadcast %add3A_343 : i32 to vector<8x1xi32>
      %add3A_345 = arith.addi %broadcast_in_dim3A_342, %add3A_344 : vector<8x1xi32>
      %gt3A_346 = arith.cmpf ogt, %broadcast_in_dim3A_333, %select_n3A_312 : vector<8x1xf32>
      %select_n3A_347 = arith.select %gt3A_346, %add3A_345, %select_n3A_311 : vector<8x1xi1>, vector<8x1xi32>
      %concatenate3A = tpu.concatenate %select_n3A_347, %select_n3A_347, %select_n3A_347 in 0 : vector<8x1xi32>, vector<8x1xi32>, vector<8x1xi32> -> vector<24x1xi32>
      scf.yield %concatenate3A, %select_n3A_213 : vector<24x1xi32>, vector<24x128xf32>
    }
    %scan3A_82 = arith.constant 128 : i32
    %slice3A_83 = vector.extract_strided_slice %scan3A_81#1 {offsets = [0, 0], sizes = [8, 128], strides = [1, 1]} : vector<24x128xf32> to vector<8x128xf32>
    %swap3A_84 = arith.constant 0 : index
    %swap3A_85 = arith.constant 512 : index
    %swap3A_86 = vector.load %arg1[%swap3A_84, %swap3A_85] : memref<8x1024xf32, #tpu.memory_space<vmem>>, vector<8x128xf32>
    tpu.vector_store %arg1[%swap3A_84, %swap3A_85], %slice3A_83 {strides = array<i32>} : memref<8x1024xf32, #tpu.memory_space<vmem>>, vector<8x128xf32>,
    %slice3A_87 = vector.extract_strided_slice %scan3A_81#1 {offsets = [8, 0], sizes = [8, 128], strides = [1, 1]} : vector<24x128xf32> to vector<8x128xf32>
    %swap3A_88 = arith.constant 0 : index
    %swap3A_89 = arith.constant 512 : index
    %swap3A_90 = vector.load %arg2[%swap3A_88, %swap3A_89] : memref<8x1024xf32, #tpu.memory_space<vmem>>, vector<8x128xf32>
    tpu.vector_store %arg2[%swap3A_88, %swap3A_89], %slice3A_87 {strides = array<i32>} : memref<8x1024xf32, #tpu.memory_space<vmem>>, vector<8x128xf32>,
    %slice3A_91 = vector.extract_strided_slice %scan3A_81#1 {offsets = [16, 0], sizes = [8, 128], strides = [1, 1]} : vector<24x128xf32> to vector<8x128xf32>
    %swap3A_92 = arith.constant 0 : index
    %swap3A_93 = arith.constant 512 : index
    %swap3A_94 = vector.load %arg3[%swap3A_92, %swap3A_93] : memref<8x1024xf32, #tpu.memory_space<vmem>>, vector<8x128xf32>
    tpu.vector_store %arg3[%swap3A_92, %swap3A_93], %slice3A_91 {strides = array<i32>} : memref<8x1024xf32, #tpu.memory_space<vmem>>, vector<8x128xf32>,
    %scan3A_95 = arith.constant 0 : i32
    %scan3A_96 = arith.constant 128 : i32
    %scan3A_97 = arith.addi %scan3A_95, %scan3A_96 : i32
    %scan3A_98 = arith.constant 1 : i32
    %scan3A_99:2 = scf.for %scan3A_149 = %scan3A_95 to %scan3A_97 step %scan3A_98 iter_args(%scan3A_150 = %scan3A_81#0, %scan3A_151 = %broadcast_in_dim3A_0) -> (vector<24x1xi32>, vector<24x128xf32>)  : i32 {
      %get3A = arith.constant 0 : index
      %get3A_152 = arith.constant 0 : index
      %get3A_153 = vector.load %arg0[%get3A, %get3A_152] : memref<24x4096xf32, #tpu.memory_space<vmem>>, vector<24x1024xf32>
      %iota3A_154 = tpu.iota {dimensions = array<i32: 1>} : vector<24x1024xi32>
      %add3A = arith.constant 0 : i32
      %add3A_155 = vector.broadcast %add3A : i32 to vector<24x1024xi32>
      %add3A_156 = arith.addi %iota3A_154, %add3A_155 : vector<24x1024xi32>
      %eq3A = vector.broadcast %scan3A_150 : vector<24x1xi32> to vector<24x1024xi32>
      %eq3A_157 = arith.cmpi eq, %add3A_156, %eq3A : vector<24x1024xi32>
      %jit3A = arith.constant 0.000000e+00 : f32
      %broadcast_in_dim3A_158 = vector.broadcast %jit3A : f32 to vector<24x1024xf32>
      %select_n3A = arith.select %eq3A_157, %get3A_153, %broadcast_in_dim3A_158 : vector<24x1024xi1>, vector<24x1024xf32>
      %reduce_sum3A = arith.constant dense<0.000000e+00> : vector<24xf32>
      %reduce_sum3A_159 = vector.multi_reduction <add>, %select_n3A, %reduce_sum3A [1] : vector<24x1024xf32> to vector<24xf32>
      %broadcast_in_dim3A_160 = vector.shape_cast %reduce_sum3A_159 : vector<24xf32> to vector<24x1xf32>
      %get3A_161 = arith.constant 0 : index
      %get3A_162 = arith.constant 1024 : index
      %get3A_163 = vector.load %arg0[%get3A_161, %get3A_162] : memref<24x4096xf32, #tpu.memory_space<vmem>>, vector<24x1024xf32>
      %iota3A_164 = tpu.iota {dimensions = array<i32: 1>} : vector<24x1024xi32>
      %add3A_165 = arith.constant 1024 : i32
      %add3A_166 = vector.broadcast %add3A_165 : i32 to vector<24x1024xi32>
      %add3A_167 = arith.addi %iota3A_164, %add3A_166 : vector<24x1024xi32>
      %eq3A_168 = vector.broadcast %scan3A_150 : vector<24x1xi32> to vector<24x1024xi32>
      %eq3A_169 = arith.cmpi eq, %add3A_167, %eq3A_168 : vector<24x1024xi32>
      %jit3A_170 = arith.constant 0.000000e+00 : f32
      %broadcast_in_dim3A_171 = vector.broadcast %jit3A_170 : f32 to vector<24x1024xf32>
      %select_n3A_172 = arith.select %eq3A_169, %get3A_163, %broadcast_in_dim3A_171 : vector<24x1024xi1>, vector<24x1024xf32>
      %reduce_sum3A_173 = arith.constant dense<0.000000e+00> : vector<24xf32>
      %reduce_sum3A_174 = vector.multi_reduction <add>, %select_n3A_172, %reduce_sum3A_173 [1] : vector<24x1024xf32> to vector<24xf32>
      %broadcast_in_dim3A_175 = vector.shape_cast %reduce_sum3A_174 : vector<24xf32> to vector<24x1xf32>
      %add3A_176 = arith.addf %broadcast_in_dim3A_160, %broadcast_in_dim3A_175 : vector<24x1xf32>
      %get3A_177 = arith.constant 0 : index
      %get3A_178 = arith.constant 2048 : index
      %get3A_179 = vector.load %arg0[%get3A_177, %get3A_178] : memref<24x4096xf32, #tpu.memory_space<vmem>>, vector<24x1024xf32>
      %iota3A_180 = tpu.iota {dimensions = array<i32: 1>} : vector<24x1024xi32>
      %add3A_181 = arith.constant 2048 : i32
      %add3A_182 = vector.broadcast %add3A_181 : i32 to vector<24x1024xi32>
      %add3A_183 = arith.addi %iota3A_180, %add3A_182 : vector<24x1024xi32>
      %eq3A_184 = vector.broadcast %scan3A_150 : vector<24x1xi32> to vector<24x1024xi32>
      %eq3A_185 = arith.cmpi eq, %add3A_183, %eq3A_184 : vector<24x1024xi32>
      %jit3A_186 = arith.constant 0.000000e+00 : f32
      %broadcast_in_dim3A_187 = vector.broadcast %jit3A_186 : f32 to vector<24x1024xf32>
      %select_n3A_188 = arith.select %eq3A_185, %get3A_179, %broadcast_in_dim3A_187 : vector<24x1024xi1>, vector<24x1024xf32>
      %reduce_sum3A_189 = arith.constant dense<0.000000e+00> : vector<24xf32>
      %reduce_sum3A_190 = vector.multi_reduction <add>, %select_n3A_188, %reduce_sum3A_189 [1] : vector<24x1024xf32> to vector<24xf32>
      %broadcast_in_dim3A_191 = vector.shape_cast %reduce_sum3A_190 : vector<24xf32> to vector<24x1xf32>
      %add3A_192 = arith.addf %add3A_176, %broadcast_in_dim3A_191 : vector<24x1xf32>
      %get3A_193 = arith.constant 0 : index
      %get3A_194 = arith.constant 3072 : index
      %get3A_195 = vector.load %arg0[%get3A_193, %get3A_194] : memref<24x4096xf32, #tpu.memory_space<vmem>>, vector<24x1024xf32>
      %iota3A_196 = tpu.iota {dimensions = array<i32: 1>} : vector<24x1024xi32>
      %add3A_197 = arith.constant 3072 : i32
      %add3A_198 = vector.broadcast %add3A_197 : i32 to vector<24x1024xi32>
      %add3A_199 = arith.addi %iota3A_196, %add3A_198 : vector<24x1024xi32>
      %eq3A_200 = vector.broadcast %scan3A_150 : vector<24x1xi32> to vector<24x1024xi32>
      %eq3A_201 = arith.cmpi eq, %add3A_199, %eq3A_200 : vector<24x1024xi32>
      %jit3A_202 = arith.constant 0.000000e+00 : f32
      %broadcast_in_dim3A_203 = vector.broadcast %jit3A_202 : f32 to vector<24x1024xf32>
      %select_n3A_204 = arith.select %eq3A_201, %get3A_195, %broadcast_in_dim3A_203 : vector<24x1024xi1>, vector<24x1024xf32>
      %reduce_sum3A_205 = arith.constant dense<0.000000e+00> : vector<24xf32>
      %reduce_sum3A_206 = vector.multi_reduction <add>, %select_n3A_204, %reduce_sum3A_205 [1] : vector<24x1024xf32> to vector<24xf32>
      %broadcast_in_dim3A_207 = vector.shape_cast %reduce_sum3A_206 : vector<24xf32> to vector<24x1xf32>
      %add3A_208 = arith.addf %add3A_192, %broadcast_in_dim3A_207 : vector<24x1xf32>
      %eq3A_209 = vector.broadcast %scan3A_149 : i32 to vector<24x128xi32>
      %eq3A_210 = arith.cmpi eq, %iota3A, %eq3A_209 : vector<24x128xi32>
      %broadcast_in_dim3A_211 = vector.shape_cast %add3A_208 : vector<24x1xf32> to vector<24x1xf32>
      %broadcast_in_dim3A_212 = vector.broadcast %broadcast_in_dim3A_211 : vector<24x1xf32> to vector<24x128xf32>
      %select_n3A_213 = arith.select %eq3A_210, %broadcast_in_dim3A_212, %scan3A_151 : vector<24x128xi1>, vector<24x128xf32>
      %get3A_214 = arith.constant 0 : index
      %get3A_215 = arith.constant 0 : index
      %get3A_216 = vector.load %arg0[%get3A_214, %get3A_215] : memref<24x4096xf32, #tpu.memory_space<vmem>>, vector<24x1024xf32>
      %sub3A = vector.broadcast %add3A_208 : vector<24x1xf32> to vector<24x1024xf32>
      %sub3A_217 = arith.subf %get3A_216, %sub3A : vector<24x1024xf32>
      %mul3A = arith.mulf %sub3A_217, %sub3A_217 : vector<24x1024xf32>
      %slice3A_218 = vector.extract_strided_slice %mul3A {offsets = [0, 0], sizes = [8, 1024], strides = [1, 1]} : vector<24x1024xf32> to vector<8x1024xf32>
      %slice3A_219 = vector.extract_strided_slice %mul3A {offsets = [8, 0], sizes = [8, 1024], strides = [1, 1]} : vector<24x1024xf32> to vector<8x1024xf32>
      %add3A_220 = arith.addf %slice3A_218, %slice3A_219 : vector<8x1024xf32>
      %slice3A_221 = vector.extract_strided_slice %mul3A {offsets = [16, 0], sizes = [8, 1024], strides = [1, 1]} : vector<24x1024xf32> to vector<8x1024xf32>
      %add3A_222 = arith.addf %add3A_220, %slice3A_221 : vector<8x1024xf32>
      %get3A_223 = arith.constant 0 : index
      %get3A_224 = arith.constant 0 : index
      %get3A_225 = vector.load %arg4[%get3A_223, %get3A_224] : memref<8x4096xf32, #tpu.memory_space<vmem>>, vector<8x1024xf32>
      %min3A = arith.minimumf %get3A_225, %add3A_222 : vector<8x1024xf32>
      %swap3A_226 = arith.constant 0 : index
      %swap3A_227 = arith.constant 0 : index
      %swap3A_228 = vector.load %arg4[%swap3A_226, %swap3A_227] : memref<8x4096xf32, #tpu.memory_space<vmem>>, vector<8x1024xf32>
      tpu.vector_store %arg4[%swap3A_226, %swap3A_227], %min3A {strides = array<i32>} : memref<8x4096xf32, #tpu.memory_space<vmem>>, vector<8x1024xf32>,
      %reduce_max3A = arith.constant dense<0xFF800000> : vector<8xf32>
      %reduce_max3A_229 = vector.multi_reduction <maximumf>, %min3A, %reduce_max3A [1] : vector<8x1024xf32> to vector<8xf32>
      %broadcast_in_dim3A_230 = vector.shape_cast %reduce_max3A_229 : vector<8xf32> to vector<8x1xf32>
      %iota3A_231 = tpu.iota {dimensions = array<i32: 1>} : vector<8x1024xi32>
      %eq3A_232 = vector.broadcast %broadcast_in_dim3A_230 : vector<8x1xf32> to vector<8x1024xf32>
      %eq3A_233 = arith.cmpf oeq, %min3A, %eq3A_232 : vector<8x1024xf32>
      %jit3A_234 = arith.constant 1024 : i32
      %broadcast_in_dim3A_235 = vector.broadcast %jit3A_234 : i32 to vector<8x1024xi32>
      %select_n3A_236 = arith.select %eq3A_233, %iota3A_231, %broadcast_in_dim3A_235 : vector<8x1024xi1>, vector<8x1024xi32>
      %reduce_min3A = arith.constant dense<2147483647> : vector<8xi32>
      %reduce_min3A_237 = vector.multi_reduction <minsi>, %select_n3A_236, %reduce_min3A [1] : vector<8x1024xi32> to vector<8xi32>
      %broadcast_in_dim3A_238 = vector.shape_cast %reduce_min3A_237 : vector<8xi32> to vector<8x1xi32>
      %add3A_239 = arith.constant 0 : i32
      %add3A_240 = vector.broadcast %add3A_239 : i32 to vector<8x1xi32>
      %add3A_241 = arith.addi %broadcast_in_dim3A_238, %add3A_240 : vector<8x1xi32>
      %get3A_242 = arith.constant 0 : index
      %get3A_243 = arith.constant 1024 : index
      %get3A_244 = vector.load %arg0[%get3A_242, %get3A_243] : memref<24x4096xf32, #tpu.memory_space<vmem>>, vector<24x1024xf32>
      %sub3A_245 = vector.broadcast %add3A_208 : vector<24x1xf32> to vector<24x1024xf32>
      %sub3A_246 = arith.subf %get3A_244, %sub3A_245 : vector<24x1024xf32>
      %mul3A_247 = arith.mulf %sub3A_246, %sub3A_246 : vector<24x1024xf32>
      %slice3A_248 = vector.extract_strided_slice %mul3A_247 {offsets = [0, 0], sizes = [8, 1024], strides = [1, 1]} : vector<24x1024xf32> to vector<8x1024xf32>
      %slice3A_249 = vector.extract_strided_slice %mul3A_247 {offsets = [8, 0], sizes = [8, 1024], strides = [1, 1]} : vector<24x1024xf32> to vector<8x1024xf32>
      %add3A_250 = arith.addf %slice3A_248, %slice3A_249 : vector<8x1024xf32>
      %slice3A_251 = vector.extract_strided_slice %mul3A_247 {offsets = [16, 0], sizes = [8, 1024], strides = [1, 1]} : vector<24x1024xf32> to vector<8x1024xf32>
      %add3A_252 = arith.addf %add3A_250, %slice3A_251 : vector<8x1024xf32>
      %get3A_253 = arith.constant 0 : index
      %get3A_254 = arith.constant 1024 : index
      %get3A_255 = vector.load %arg4[%get3A_253, %get3A_254] : memref<8x4096xf32, #tpu.memory_space<vmem>>, vector<8x1024xf32>
      %min3A_256 = arith.minimumf %get3A_255, %add3A_252 : vector<8x1024xf32>
      %swap3A_257 = arith.constant 0 : index
      %swap3A_258 = arith.constant 1024 : index
      %swap3A_259 = vector.load %arg4[%swap3A_257, %swap3A_258] : memref<8x4096xf32, #tpu.memory_space<vmem>>, vector<8x1024xf32>
      tpu.vector_store %arg4[%swap3A_257, %swap3A_258], %min3A_256 {strides = array<i32>} : memref<8x4096xf32, #tpu.memory_space<vmem>>, vector<8x1024xf32>,
      %reduce_max3A_260 = arith.constant dense<0xFF800000> : vector<8xf32>
      %reduce_max3A_261 = vector.multi_reduction <maximumf>, %min3A_256, %reduce_max3A_260 [1] : vector<8x1024xf32> to vector<8xf32>
      %broadcast_in_dim3A_262 = vector.shape_cast %reduce_max3A_261 : vector<8xf32> to vector<8x1xf32>
      %iota3A_263 = tpu.iota {dimensions = array<i32: 1>} : vector<8x1024xi32>
      %eq3A_264 = vector.broadcast %broadcast_in_dim3A_262 : vector<8x1xf32> to vector<8x1024xf32>
      %eq3A_265 = arith.cmpf oeq, %min3A_256, %eq3A_264 : vector<8x1024xf32>
      %jit3A_266 = arith.constant 1024 : i32
      %broadcast_in_dim3A_267 = vector.broadcast %jit3A_266 : i32 to vector<8x1024xi32>
      %select_n3A_268 = arith.select %eq3A_265, %iota3A_263, %broadcast_in_dim3A_267 : vector<8x1024xi1>, vector<8x1024xi32>
      %reduce_min3A_269 = arith.constant dense<2147483647> : vector<8xi32>
      %reduce_min3A_270 = vector.multi_reduction <minsi>, %select_n3A_268, %reduce_min3A_269 [1] : vector<8x1024xi32> to vector<8xi32>
      %broadcast_in_dim3A_271 = vector.shape_cast %reduce_min3A_270 : vector<8xi32> to vector<8x1xi32>
      %add3A_272 = arith.constant 1024 : i32
      %add3A_273 = vector.broadcast %add3A_272 : i32 to vector<8x1xi32>
      %add3A_274 = arith.addi %broadcast_in_dim3A_271, %add3A_273 : vector<8x1xi32>
      %gt3A = arith.cmpf ogt, %broadcast_in_dim3A_262, %broadcast_in_dim3A_230 : vector<8x1xf32>
      %select_n3A_275 = arith.select %gt3A, %add3A_274, %add3A_241 : vector<8x1xi1>, vector<8x1xi32>
      %select_n3A_276 = arith.select %gt3A, %broadcast_in_dim3A_262, %broadcast_in_dim3A_230 : vector<8x1xi1>, vector<8x1xf32>
      %get3A_277 = arith.constant 0 : index
      %get3A_278 = arith.constant 2048 : index
      %get3A_279 = vector.load %arg0[%get3A_277, %get3A_278] : memref<24x4096xf32, #tpu.memory_space<vmem>>, vector<24x1024xf32>
      %sub3A_280 = vector.broadcast %add3A_208 : vector<24x1xf32> to vector<24x1024xf32>
      %sub3A_281 = arith.subf %get3A_279, %sub3A_280 : vector<24x1024xf32>
      %mul3A_282 = arith.mulf %sub3A_281, %sub3A_281 : vector<24x1024xf32>
      %slice3A_283 = vector.extract_strided_slice %mul3A_282 {offsets = [0, 0], sizes = [8, 1024], strides = [1, 1]} : vector<24x1024xf32> to vector<8x1024xf32>
      %slice3A_284 = vector.extract_strided_slice %mul3A_282 {offsets = [8, 0], sizes = [8, 1024], strides = [1, 1]} : vector<24x1024xf32> to vector<8x1024xf32>
      %add3A_285 = arith.addf %slice3A_283, %slice3A_284 : vector<8x1024xf32>
      %slice3A_286 = vector.extract_strided_slice %mul3A_282 {offsets = [16, 0], sizes = [8, 1024], strides = [1, 1]} : vector<24x1024xf32> to vector<8x1024xf32>
      %add3A_287 = arith.addf %add3A_285, %slice3A_286 : vector<8x1024xf32>
      %get3A_288 = arith.constant 0 : index
      %get3A_289 = arith.constant 2048 : index
      %get3A_290 = vector.load %arg4[%get3A_288, %get3A_289] : memref<8x4096xf32, #tpu.memory_space<vmem>>, vector<8x1024xf32>
      %min3A_291 = arith.minimumf %get3A_290, %add3A_287 : vector<8x1024xf32>
      %swap3A_292 = arith.constant 0 : index
      %swap3A_293 = arith.constant 2048 : index
      %swap3A_294 = vector.load %arg4[%swap3A_292, %swap3A_293] : memref<8x4096xf32, #tpu.memory_space<vmem>>, vector<8x1024xf32>
      tpu.vector_store %arg4[%swap3A_292, %swap3A_293], %min3A_291 {strides = array<i32>} : memref<8x4096xf32, #tpu.memory_space<vmem>>, vector<8x1024xf32>,
      %reduce_max3A_295 = arith.constant dense<0xFF800000> : vector<8xf32>
      %reduce_max3A_296 = vector.multi_reduction <maximumf>, %min3A_291, %reduce_max3A_295 [1] : vector<8x1024xf32> to vector<8xf32>
      %broadcast_in_dim3A_297 = vector.shape_cast %reduce_max3A_296 : vector<8xf32> to vector<8x1xf32>
      %iota3A_298 = tpu.iota {dimensions = array<i32: 1>} : vector<8x1024xi32>
      %eq3A_299 = vector.broadcast %broadcast_in_dim3A_297 : vector<8x1xf32> to vector<8x1024xf32>
      %eq3A_300 = arith.cmpf oeq, %min3A_291, %eq3A_299 : vector<8x1024xf32>
      %jit3A_301 = arith.constant 1024 : i32
      %broadcast_in_dim3A_302 = vector.broadcast %jit3A_301 : i32 to vector<8x1024xi32>
      %select_n3A_303 = arith.select %eq3A_300, %iota3A_298, %broadcast_in_dim3A_302 : vector<8x1024xi1>, vector<8x1024xi32>
      %reduce_min3A_304 = arith.constant dense<2147483647> : vector<8xi32>
      %reduce_min3A_305 = vector.multi_reduction <minsi>, %select_n3A_303, %reduce_min3A_304 [1] : vector<8x1024xi32> to vector<8xi32>
      %broadcast_in_dim3A_306 = vector.shape_cast %reduce_min3A_305 : vector<8xi32> to vector<8x1xi32>
      %add3A_307 = arith.constant 2048 : i32
      %add3A_308 = vector.broadcast %add3A_307 : i32 to vector<8x1xi32>
      %add3A_309 = arith.addi %broadcast_in_dim3A_306, %add3A_308 : vector<8x1xi32>
      %gt3A_310 = arith.cmpf ogt, %broadcast_in_dim3A_297, %select_n3A_276 : vector<8x1xf32>
      %select_n3A_311 = arith.select %gt3A_310, %add3A_309, %select_n3A_275 : vector<8x1xi1>, vector<8x1xi32>
      %select_n3A_312 = arith.select %gt3A_310, %broadcast_in_dim3A_297, %select_n3A_276 : vector<8x1xi1>, vector<8x1xf32>
      %get3A_313 = arith.constant 0 : index
      %get3A_314 = arith.constant 3072 : index
      %get3A_315 = vector.load %arg0[%get3A_313, %get3A_314] : memref<24x4096xf32, #tpu.memory_space<vmem>>, vector<24x1024xf32>
      %sub3A_316 = vector.broadcast %add3A_208 : vector<24x1xf32> to vector<24x1024xf32>
      %sub3A_317 = arith.subf %get3A_315, %sub3A_316 : vector<24x1024xf32>
      %mul3A_318 = arith.mulf %sub3A_317, %sub3A_317 : vector<24x1024xf32>
      %slice3A_319 = vector.extract_strided_slice %mul3A_318 {offsets = [0, 0], sizes = [8, 1024], strides = [1, 1]} : vector<24x1024xf32> to vector<8x1024xf32>
      %slice3A_320 = vector.extract_strided_slice %mul3A_318 {offsets = [8, 0], sizes = [8, 1024], strides = [1, 1]} : vector<24x1024xf32> to vector<8x1024xf32>
      %add3A_321 = arith.addf %slice3A_319, %slice3A_320 : vector<8x1024xf32>
      %slice3A_322 = vector.extract_strided_slice %mul3A_318 {offsets = [16, 0], sizes = [8, 1024], strides = [1, 1]} : vector<24x1024xf32> to vector<8x1024xf32>
      %add3A_323 = arith.addf %add3A_321, %slice3A_322 : vector<8x1024xf32>
      %get3A_324 = arith.constant 0 : index
      %get3A_325 = arith.constant 3072 : index
      %get3A_326 = vector.load %arg4[%get3A_324, %get3A_325] : memref<8x4096xf32, #tpu.memory_space<vmem>>, vector<8x1024xf32>
      %min3A_327 = arith.minimumf %get3A_326, %add3A_323 : vector<8x1024xf32>
      %swap3A_328 = arith.constant 0 : index
      %swap3A_329 = arith.constant 3072 : index
      %swap3A_330 = vector.load %arg4[%swap3A_328, %swap3A_329] : memref<8x4096xf32, #tpu.memory_space<vmem>>, vector<8x1024xf32>
      tpu.vector_store %arg4[%swap3A_328, %swap3A_329], %min3A_327 {strides = array<i32>} : memref<8x4096xf32, #tpu.memory_space<vmem>>, vector<8x1024xf32>,
      %reduce_max3A_331 = arith.constant dense<0xFF800000> : vector<8xf32>
      %reduce_max3A_332 = vector.multi_reduction <maximumf>, %min3A_327, %reduce_max3A_331 [1] : vector<8x1024xf32> to vector<8xf32>
      %broadcast_in_dim3A_333 = vector.shape_cast %reduce_max3A_332 : vector<8xf32> to vector<8x1xf32>
      %iota3A_334 = tpu.iota {dimensions = array<i32: 1>} : vector<8x1024xi32>
      %eq3A_335 = vector.broadcast %broadcast_in_dim3A_333 : vector<8x1xf32> to vector<8x1024xf32>
      %eq3A_336 = arith.cmpf oeq, %min3A_327, %eq3A_335 : vector<8x1024xf32>
      %jit3A_337 = arith.constant 1024 : i32
      %broadcast_in_dim3A_338 = vector.broadcast %jit3A_337 : i32 to vector<8x1024xi32>
      %select_n3A_339 = arith.select %eq3A_336, %iota3A_334, %broadcast_in_dim3A_338 : vector<8x1024xi1>, vector<8x1024xi32>
      %reduce_min3A_340 = arith.constant dense<2147483647> : vector<8xi32>
      %reduce_min3A_341 = vector.multi_reduction <minsi>, %select_n3A_339, %reduce_min3A_340 [1] : vector<8x1024xi32> to vector<8xi32>
      %broadcast_in_dim3A_342 = vector.shape_cast %reduce_min3A_341 : vector<8xi32> to vector<8x1xi32>
      %add3A_343 = arith.constant 3072 : i32
      %add3A_344 = vector.broadcast %add3A_343 : i32 to vector<8x1xi32>
      %add3A_345 = arith.addi %broadcast_in_dim3A_342, %add3A_344 : vector<8x1xi32>
      %gt3A_346 = arith.cmpf ogt, %broadcast_in_dim3A_333, %select_n3A_312 : vector<8x1xf32>
      %select_n3A_347 = arith.select %gt3A_346, %add3A_345, %select_n3A_311 : vector<8x1xi1>, vector<8x1xi32>
      %concatenate3A = tpu.concatenate %select_n3A_347, %select_n3A_347, %select_n3A_347 in 0 : vector<8x1xi32>, vector<8x1xi32>, vector<8x1xi32> -> vector<24x1xi32>
      scf.yield %concatenate3A, %select_n3A_213 : vector<24x1xi32>, vector<24x128xf32>
    }
    %scan3A_100 = arith.constant 128 : i32
    %slice3A_101 = vector.extract_strided_slice %scan3A_99#1 {offsets = [0, 0], sizes = [8, 128], strides = [1, 1]} : vector<24x128xf32> to vector<8x128xf32>
    %swap3A_102 = arith.constant 0 : index
    %swap3A_103 = arith.constant 640 : index
    %swap3A_104 = vector.load %arg1[%swap3A_102, %swap3A_103] : memref<8x1024xf32, #tpu.memory_space<vmem>>, vector<8x128xf32>
    tpu.vector_store %arg1[%swap3A_102, %swap3A_103], %slice3A_101 {strides = array<i32>} : memref<8x1024xf32, #tpu.memory_space<vmem>>, vector<8x128xf32>,
    %slice3A_105 = vector.extract_strided_slice %scan3A_99#1 {offsets = [8, 0], sizes = [8, 128], strides = [1, 1]} : vector<24x128xf32> to vector<8x128xf32>
    %swap3A_106 = arith.constant 0 : index
    %swap3A_107 = arith.constant 640 : index
    %swap3A_108 = vector.load %arg2[%swap3A_106, %swap3A_107] : memref<8x1024xf32, #tpu.memory_space<vmem>>, vector<8x128xf32>
    tpu.vector_store %arg2[%swap3A_106, %swap3A_107], %slice3A_105 {strides = array<i32>} : memref<8x1024xf32, #tpu.memory_space<vmem>>, vector<8x128xf32>,
    %slice3A_109 = vector.extract_strided_slice %scan3A_99#1 {offsets = [16, 0], sizes = [8, 128], strides = [1, 1]} : vector<24x128xf32> to vector<8x128xf32>
    %swap3A_110 = arith.constant 0 : index
    %swap3A_111 = arith.constant 640 : index
    %swap3A_112 = vector.load %arg3[%swap3A_110, %swap3A_111] : memref<8x1024xf32, #tpu.memory_space<vmem>>, vector<8x128xf32>
    tpu.vector_store %arg3[%swap3A_110, %swap3A_111], %slice3A_109 {strides = array<i32>} : memref<8x1024xf32, #tpu.memory_space<vmem>>, vector<8x128xf32>,
    %scan3A_113 = arith.constant 0 : i32
    %scan3A_114 = arith.constant 128 : i32
    %scan3A_115 = arith.addi %scan3A_113, %scan3A_114 : i32
    %scan3A_116 = arith.constant 1 : i32
    %scan3A_117:2 = scf.for %scan3A_149 = %scan3A_113 to %scan3A_115 step %scan3A_116 iter_args(%scan3A_150 = %scan3A_99#0, %scan3A_151 = %broadcast_in_dim3A_0) -> (vector<24x1xi32>, vector<24x128xf32>)  : i32 {
      %get3A = arith.constant 0 : index
      %get3A_152 = arith.constant 0 : index
      %get3A_153 = vector.load %arg0[%get3A, %get3A_152] : memref<24x4096xf32, #tpu.memory_space<vmem>>, vector<24x1024xf32>
      %iota3A_154 = tpu.iota {dimensions = array<i32: 1>} : vector<24x1024xi32>
      %add3A = arith.constant 0 : i32
      %add3A_155 = vector.broadcast %add3A : i32 to vector<24x1024xi32>
      %add3A_156 = arith.addi %iota3A_154, %add3A_155 : vector<24x1024xi32>
      %eq3A = vector.broadcast %scan3A_150 : vector<24x1xi32> to vector<24x1024xi32>
      %eq3A_157 = arith.cmpi eq, %add3A_156, %eq3A : vector<24x1024xi32>
      %jit3A = arith.constant 0.000000e+00 : f32
      %broadcast_in_dim3A_158 = vector.broadcast %jit3A : f32 to vector<24x1024xf32>
      %select_n3A = arith.select %eq3A_157, %get3A_153, %broadcast_in_dim3A_158 : vector<24x1024xi1>, vector<24x1024xf32>
      %reduce_sum3A = arith.constant dense<0.000000e+00> : vector<24xf32>
      %reduce_sum3A_159 = vector.multi_reduction <add>, %select_n3A, %reduce_sum3A [1] : vector<24x1024xf32> to vector<24xf32>
      %broadcast_in_dim3A_160 = vector.shape_cast %reduce_sum3A_159 : vector<24xf32> to vector<24x1xf32>
      %get3A_161 = arith.constant 0 : index
      %get3A_162 = arith.constant 1024 : index
      %get3A_163 = vector.load %arg0[%get3A_161, %get3A_162] : memref<24x4096xf32, #tpu.memory_space<vmem>>, vector<24x1024xf32>
      %iota3A_164 = tpu.iota {dimensions = array<i32: 1>} : vector<24x1024xi32>
      %add3A_165 = arith.constant 1024 : i32
      %add3A_166 = vector.broadcast %add3A_165 : i32 to vector<24x1024xi32>
      %add3A_167 = arith.addi %iota3A_164, %add3A_166 : vector<24x1024xi32>
      %eq3A_168 = vector.broadcast %scan3A_150 : vector<24x1xi32> to vector<24x1024xi32>
      %eq3A_169 = arith.cmpi eq, %add3A_167, %eq3A_168 : vector<24x1024xi32>
      %jit3A_170 = arith.constant 0.000000e+00 : f32
      %broadcast_in_dim3A_171 = vector.broadcast %jit3A_170 : f32 to vector<24x1024xf32>
      %select_n3A_172 = arith.select %eq3A_169, %get3A_163, %broadcast_in_dim3A_171 : vector<24x1024xi1>, vector<24x1024xf32>
      %reduce_sum3A_173 = arith.constant dense<0.000000e+00> : vector<24xf32>
      %reduce_sum3A_174 = vector.multi_reduction <add>, %select_n3A_172, %reduce_sum3A_173 [1] : vector<24x1024xf32> to vector<24xf32>
      %broadcast_in_dim3A_175 = vector.shape_cast %reduce_sum3A_174 : vector<24xf32> to vector<24x1xf32>
      %add3A_176 = arith.addf %broadcast_in_dim3A_160, %broadcast_in_dim3A_175 : vector<24x1xf32>
      %get3A_177 = arith.constant 0 : index
      %get3A_178 = arith.constant 2048 : index
      %get3A_179 = vector.load %arg0[%get3A_177, %get3A_178] : memref<24x4096xf32, #tpu.memory_space<vmem>>, vector<24x1024xf32>
      %iota3A_180 = tpu.iota {dimensions = array<i32: 1>} : vector<24x1024xi32>
      %add3A_181 = arith.constant 2048 : i32
      %add3A_182 = vector.broadcast %add3A_181 : i32 to vector<24x1024xi32>
      %add3A_183 = arith.addi %iota3A_180, %add3A_182 : vector<24x1024xi32>
      %eq3A_184 = vector.broadcast %scan3A_150 : vector<24x1xi32> to vector<24x1024xi32>
      %eq3A_185 = arith.cmpi eq, %add3A_183, %eq3A_184 : vector<24x1024xi32>
      %jit3A_186 = arith.constant 0.000000e+00 : f32
      %broadcast_in_dim3A_187 = vector.broadcast %jit3A_186 : f32 to vector<24x1024xf32>
      %select_n3A_188 = arith.select %eq3A_185, %get3A_179, %broadcast_in_dim3A_187 : vector<24x1024xi1>, vector<24x1024xf32>
      %reduce_sum3A_189 = arith.constant dense<0.000000e+00> : vector<24xf32>
      %reduce_sum3A_190 = vector.multi_reduction <add>, %select_n3A_188, %reduce_sum3A_189 [1] : vector<24x1024xf32> to vector<24xf32>
      %broadcast_in_dim3A_191 = vector.shape_cast %reduce_sum3A_190 : vector<24xf32> to vector<24x1xf32>
      %add3A_192 = arith.addf %add3A_176, %broadcast_in_dim3A_191 : vector<24x1xf32>
      %get3A_193 = arith.constant 0 : index
      %get3A_194 = arith.constant 3072 : index
      %get3A_195 = vector.load %arg0[%get3A_193, %get3A_194] : memref<24x4096xf32, #tpu.memory_space<vmem>>, vector<24x1024xf32>
      %iota3A_196 = tpu.iota {dimensions = array<i32: 1>} : vector<24x1024xi32>
      %add3A_197 = arith.constant 3072 : i32
      %add3A_198 = vector.broadcast %add3A_197 : i32 to vector<24x1024xi32>
      %add3A_199 = arith.addi %iota3A_196, %add3A_198 : vector<24x1024xi32>
      %eq3A_200 = vector.broadcast %scan3A_150 : vector<24x1xi32> to vector<24x1024xi32>
      %eq3A_201 = arith.cmpi eq, %add3A_199, %eq3A_200 : vector<24x1024xi32>
      %jit3A_202 = arith.constant 0.000000e+00 : f32
      %broadcast_in_dim3A_203 = vector.broadcast %jit3A_202 : f32 to vector<24x1024xf32>
      %select_n3A_204 = arith.select %eq3A_201, %get3A_195, %broadcast_in_dim3A_203 : vector<24x1024xi1>, vector<24x1024xf32>
      %reduce_sum3A_205 = arith.constant dense<0.000000e+00> : vector<24xf32>
      %reduce_sum3A_206 = vector.multi_reduction <add>, %select_n3A_204, %reduce_sum3A_205 [1] : vector<24x1024xf32> to vector<24xf32>
      %broadcast_in_dim3A_207 = vector.shape_cast %reduce_sum3A_206 : vector<24xf32> to vector<24x1xf32>
      %add3A_208 = arith.addf %add3A_192, %broadcast_in_dim3A_207 : vector<24x1xf32>
      %eq3A_209 = vector.broadcast %scan3A_149 : i32 to vector<24x128xi32>
      %eq3A_210 = arith.cmpi eq, %iota3A, %eq3A_209 : vector<24x128xi32>
      %broadcast_in_dim3A_211 = vector.shape_cast %add3A_208 : vector<24x1xf32> to vector<24x1xf32>
      %broadcast_in_dim3A_212 = vector.broadcast %broadcast_in_dim3A_211 : vector<24x1xf32> to vector<24x128xf32>
      %select_n3A_213 = arith.select %eq3A_210, %broadcast_in_dim3A_212, %scan3A_151 : vector<24x128xi1>, vector<24x128xf32>
      %get3A_214 = arith.constant 0 : index
      %get3A_215 = arith.constant 0 : index
      %get3A_216 = vector.load %arg0[%get3A_214, %get3A_215] : memref<24x4096xf32, #tpu.memory_space<vmem>>, vector<24x1024xf32>
      %sub3A = vector.broadcast %add3A_208 : vector<24x1xf32> to vector<24x1024xf32>
      %sub3A_217 = arith.subf %get3A_216, %sub3A : vector<24x1024xf32>
      %mul3A = arith.mulf %sub3A_217, %sub3A_217 : vector<24x1024xf32>
      %slice3A_218 = vector.extract_strided_slice %mul3A {offsets = [0, 0], sizes = [8, 1024], strides = [1, 1]} : vector<24x1024xf32> to vector<8x1024xf32>
      %slice3A_219 = vector.extract_strided_slice %mul3A {offsets = [8, 0], sizes = [8, 1024], strides = [1, 1]} : vector<24x1024xf32> to vector<8x1024xf32>
      %add3A_220 = arith.addf %slice3A_218, %slice3A_219 : vector<8x1024xf32>
      %slice3A_221 = vector.extract_strided_slice %mul3A {offsets = [16, 0], sizes = [8, 1024], strides = [1, 1]} : vector<24x1024xf32> to vector<8x1024xf32>
      %add3A_222 = arith.addf %add3A_220, %slice3A_221 : vector<8x1024xf32>
      %get3A_223 = arith.constant 0 : index
      %get3A_224 = arith.constant 0 : index
      %get3A_225 = vector.load %arg4[%get3A_223, %get3A_224] : memref<8x4096xf32, #tpu.memory_space<vmem>>, vector<8x1024xf32>
      %min3A = arith.minimumf %get3A_225, %add3A_222 : vector<8x1024xf32>
      %swap3A_226 = arith.constant 0 : index
      %swap3A_227 = arith.constant 0 : index
      %swap3A_228 = vector.load %arg4[%swap3A_226, %swap3A_227] : memref<8x4096xf32, #tpu.memory_space<vmem>>, vector<8x1024xf32>
      tpu.vector_store %arg4[%swap3A_226, %swap3A_227], %min3A {strides = array<i32>} : memref<8x4096xf32, #tpu.memory_space<vmem>>, vector<8x1024xf32>,
      %reduce_max3A = arith.constant dense<0xFF800000> : vector<8xf32>
      %reduce_max3A_229 = vector.multi_reduction <maximumf>, %min3A, %reduce_max3A [1] : vector<8x1024xf32> to vector<8xf32>
      %broadcast_in_dim3A_230 = vector.shape_cast %reduce_max3A_229 : vector<8xf32> to vector<8x1xf32>
      %iota3A_231 = tpu.iota {dimensions = array<i32: 1>} : vector<8x1024xi32>
      %eq3A_232 = vector.broadcast %broadcast_in_dim3A_230 : vector<8x1xf32> to vector<8x1024xf32>
      %eq3A_233 = arith.cmpf oeq, %min3A, %eq3A_232 : vector<8x1024xf32>
      %jit3A_234 = arith.constant 1024 : i32
      %broadcast_in_dim3A_235 = vector.broadcast %jit3A_234 : i32 to vector<8x1024xi32>
      %select_n3A_236 = arith.select %eq3A_233, %iota3A_231, %broadcast_in_dim3A_235 : vector<8x1024xi1>, vector<8x1024xi32>
      %reduce_min3A = arith.constant dense<2147483647> : vector<8xi32>
      %reduce_min3A_237 = vector.multi_reduction <minsi>, %select_n3A_236, %reduce_min3A [1] : vector<8x1024xi32> to vector<8xi32>
      %broadcast_in_dim3A_238 = vector.shape_cast %reduce_min3A_237 : vector<8xi32> to vector<8x1xi32>
      %add3A_239 = arith.constant 0 : i32
      %add3A_240 = vector.broadcast %add3A_239 : i32 to vector<8x1xi32>
      %add3A_241 = arith.addi %broadcast_in_dim3A_238, %add3A_240 : vector<8x1xi32>
      %get3A_242 = arith.constant 0 : index
      %get3A_243 = arith.constant 1024 : index
      %get3A_244 = vector.load %arg0[%get3A_242, %get3A_243] : memref<24x4096xf32, #tpu.memory_space<vmem>>, vector<24x1024xf32>
      %sub3A_245 = vector.broadcast %add3A_208 : vector<24x1xf32> to vector<24x1024xf32>
      %sub3A_246 = arith.subf %get3A_244, %sub3A_245 : vector<24x1024xf32>
      %mul3A_247 = arith.mulf %sub3A_246, %sub3A_246 : vector<24x1024xf32>
      %slice3A_248 = vector.extract_strided_slice %mul3A_247 {offsets = [0, 0], sizes = [8, 1024], strides = [1, 1]} : vector<24x1024xf32> to vector<8x1024xf32>
      %slice3A_249 = vector.extract_strided_slice %mul3A_247 {offsets = [8, 0], sizes = [8, 1024], strides = [1, 1]} : vector<24x1024xf32> to vector<8x1024xf32>
      %add3A_250 = arith.addf %slice3A_248, %slice3A_249 : vector<8x1024xf32>
      %slice3A_251 = vector.extract_strided_slice %mul3A_247 {offsets = [16, 0], sizes = [8, 1024], strides = [1, 1]} : vector<24x1024xf32> to vector<8x1024xf32>
      %add3A_252 = arith.addf %add3A_250, %slice3A_251 : vector<8x1024xf32>
      %get3A_253 = arith.constant 0 : index
      %get3A_254 = arith.constant 1024 : index
      %get3A_255 = vector.load %arg4[%get3A_253, %get3A_254] : memref<8x4096xf32, #tpu.memory_space<vmem>>, vector<8x1024xf32>
      %min3A_256 = arith.minimumf %get3A_255, %add3A_252 : vector<8x1024xf32>
      %swap3A_257 = arith.constant 0 : index
      %swap3A_258 = arith.constant 1024 : index
      %swap3A_259 = vector.load %arg4[%swap3A_257, %swap3A_258] : memref<8x4096xf32, #tpu.memory_space<vmem>>, vector<8x1024xf32>
      tpu.vector_store %arg4[%swap3A_257, %swap3A_258], %min3A_256 {strides = array<i32>} : memref<8x4096xf32, #tpu.memory_space<vmem>>, vector<8x1024xf32>,
      %reduce_max3A_260 = arith.constant dense<0xFF800000> : vector<8xf32>
      %reduce_max3A_261 = vector.multi_reduction <maximumf>, %min3A_256, %reduce_max3A_260 [1] : vector<8x1024xf32> to vector<8xf32>
      %broadcast_in_dim3A_262 = vector.shape_cast %reduce_max3A_261 : vector<8xf32> to vector<8x1xf32>
      %iota3A_263 = tpu.iota {dimensions = array<i32: 1>} : vector<8x1024xi32>
      %eq3A_264 = vector.broadcast %broadcast_in_dim3A_262 : vector<8x1xf32> to vector<8x1024xf32>
      %eq3A_265 = arith.cmpf oeq, %min3A_256, %eq3A_264 : vector<8x1024xf32>
      %jit3A_266 = arith.constant 1024 : i32
      %broadcast_in_dim3A_267 = vector.broadcast %jit3A_266 : i32 to vector<8x1024xi32>
      %select_n3A_268 = arith.select %eq3A_265, %iota3A_263, %broadcast_in_dim3A_267 : vector<8x1024xi1>, vector<8x1024xi32>
      %reduce_min3A_269 = arith.constant dense<2147483647> : vector<8xi32>
      %reduce_min3A_270 = vector.multi_reduction <minsi>, %select_n3A_268, %reduce_min3A_269 [1] : vector<8x1024xi32> to vector<8xi32>
      %broadcast_in_dim3A_271 = vector.shape_cast %reduce_min3A_270 : vector<8xi32> to vector<8x1xi32>
      %add3A_272 = arith.constant 1024 : i32
      %add3A_273 = vector.broadcast %add3A_272 : i32 to vector<8x1xi32>
      %add3A_274 = arith.addi %broadcast_in_dim3A_271, %add3A_273 : vector<8x1xi32>
      %gt3A = arith.cmpf ogt, %broadcast_in_dim3A_262, %broadcast_in_dim3A_230 : vector<8x1xf32>
      %select_n3A_275 = arith.select %gt3A, %add3A_274, %add3A_241 : vector<8x1xi1>, vector<8x1xi32>
      %select_n3A_276 = arith.select %gt3A, %broadcast_in_dim3A_262, %broadcast_in_dim3A_230 : vector<8x1xi1>, vector<8x1xf32>
      %get3A_277 = arith.constant 0 : index
      %get3A_278 = arith.constant 2048 : index
      %get3A_279 = vector.load %arg0[%get3A_277, %get3A_278] : memref<24x4096xf32, #tpu.memory_space<vmem>>, vector<24x1024xf32>
      %sub3A_280 = vector.broadcast %add3A_208 : vector<24x1xf32> to vector<24x1024xf32>
      %sub3A_281 = arith.subf %get3A_279, %sub3A_280 : vector<24x1024xf32>
      %mul3A_282 = arith.mulf %sub3A_281, %sub3A_281 : vector<24x1024xf32>
      %slice3A_283 = vector.extract_strided_slice %mul3A_282 {offsets = [0, 0], sizes = [8, 1024], strides = [1, 1]} : vector<24x1024xf32> to vector<8x1024xf32>
      %slice3A_284 = vector.extract_strided_slice %mul3A_282 {offsets = [8, 0], sizes = [8, 1024], strides = [1, 1]} : vector<24x1024xf32> to vector<8x1024xf32>
      %add3A_285 = arith.addf %slice3A_283, %slice3A_284 : vector<8x1024xf32>
      %slice3A_286 = vector.extract_strided_slice %mul3A_282 {offsets = [16, 0], sizes = [8, 1024], strides = [1, 1]} : vector<24x1024xf32> to vector<8x1024xf32>
      %add3A_287 = arith.addf %add3A_285, %slice3A_286 : vector<8x1024xf32>
      %get3A_288 = arith.constant 0 : index
      %get3A_289 = arith.constant 2048 : index
      %get3A_290 = vector.load %arg4[%get3A_288, %get3A_289] : memref<8x4096xf32, #tpu.memory_space<vmem>>, vector<8x1024xf32>
      %min3A_291 = arith.minimumf %get3A_290, %add3A_287 : vector<8x1024xf32>
      %swap3A_292 = arith.constant 0 : index
      %swap3A_293 = arith.constant 2048 : index
      %swap3A_294 = vector.load %arg4[%swap3A_292, %swap3A_293] : memref<8x4096xf32, #tpu.memory_space<vmem>>, vector<8x1024xf32>
      tpu.vector_store %arg4[%swap3A_292, %swap3A_293], %min3A_291 {strides = array<i32>} : memref<8x4096xf32, #tpu.memory_space<vmem>>, vector<8x1024xf32>,
      %reduce_max3A_295 = arith.constant dense<0xFF800000> : vector<8xf32>
      %reduce_max3A_296 = vector.multi_reduction <maximumf>, %min3A_291, %reduce_max3A_295 [1] : vector<8x1024xf32> to vector<8xf32>
      %broadcast_in_dim3A_297 = vector.shape_cast %reduce_max3A_296 : vector<8xf32> to vector<8x1xf32>
      %iota3A_298 = tpu.iota {dimensions = array<i32: 1>} : vector<8x1024xi32>
      %eq3A_299 = vector.broadcast %broadcast_in_dim3A_297 : vector<8x1xf32> to vector<8x1024xf32>
      %eq3A_300 = arith.cmpf oeq, %min3A_291, %eq3A_299 : vector<8x1024xf32>
      %jit3A_301 = arith.constant 1024 : i32
      %broadcast_in_dim3A_302 = vector.broadcast %jit3A_301 : i32 to vector<8x1024xi32>
      %select_n3A_303 = arith.select %eq3A_300, %iota3A_298, %broadcast_in_dim3A_302 : vector<8x1024xi1>, vector<8x1024xi32>
      %reduce_min3A_304 = arith.constant dense<2147483647> : vector<8xi32>
      %reduce_min3A_305 = vector.multi_reduction <minsi>, %select_n3A_303, %reduce_min3A_304 [1] : vector<8x1024xi32> to vector<8xi32>
      %broadcast_in_dim3A_306 = vector.shape_cast %reduce_min3A_305 : vector<8xi32> to vector<8x1xi32>
      %add3A_307 = arith.constant 2048 : i32
      %add3A_308 = vector.broadcast %add3A_307 : i32 to vector<8x1xi32>
      %add3A_309 = arith.addi %broadcast_in_dim3A_306, %add3A_308 : vector<8x1xi32>
      %gt3A_310 = arith.cmpf ogt, %broadcast_in_dim3A_297, %select_n3A_276 : vector<8x1xf32>
      %select_n3A_311 = arith.select %gt3A_310, %add3A_309, %select_n3A_275 : vector<8x1xi1>, vector<8x1xi32>
      %select_n3A_312 = arith.select %gt3A_310, %broadcast_in_dim3A_297, %select_n3A_276 : vector<8x1xi1>, vector<8x1xf32>
      %get3A_313 = arith.constant 0 : index
      %get3A_314 = arith.constant 3072 : index
      %get3A_315 = vector.load %arg0[%get3A_313, %get3A_314] : memref<24x4096xf32, #tpu.memory_space<vmem>>, vector<24x1024xf32>
      %sub3A_316 = vector.broadcast %add3A_208 : vector<24x1xf32> to vector<24x1024xf32>
      %sub3A_317 = arith.subf %get3A_315, %sub3A_316 : vector<24x1024xf32>
      %mul3A_318 = arith.mulf %sub3A_317, %sub3A_317 : vector<24x1024xf32>
      %slice3A_319 = vector.extract_strided_slice %mul3A_318 {offsets = [0, 0], sizes = [8, 1024], strides = [1, 1]} : vector<24x1024xf32> to vector<8x1024xf32>
      %slice3A_320 = vector.extract_strided_slice %mul3A_318 {offsets = [8, 0], sizes = [8, 1024], strides = [1, 1]} : vector<24x1024xf32> to vector<8x1024xf32>
      %add3A_321 = arith.addf %slice3A_319, %slice3A_320 : vector<8x1024xf32>
      %slice3A_322 = vector.extract_strided_slice %mul3A_318 {offsets = [16, 0], sizes = [8, 1024], strides = [1, 1]} : vector<24x1024xf32> to vector<8x1024xf32>
      %add3A_323 = arith.addf %add3A_321, %slice3A_322 : vector<8x1024xf32>
      %get3A_324 = arith.constant 0 : index
      %get3A_325 = arith.constant 3072 : index
      %get3A_326 = vector.load %arg4[%get3A_324, %get3A_325] : memref<8x4096xf32, #tpu.memory_space<vmem>>, vector<8x1024xf32>
      %min3A_327 = arith.minimumf %get3A_326, %add3A_323 : vector<8x1024xf32>
      %swap3A_328 = arith.constant 0 : index
      %swap3A_329 = arith.constant 3072 : index
      %swap3A_330 = vector.load %arg4[%swap3A_328, %swap3A_329] : memref<8x4096xf32, #tpu.memory_space<vmem>>, vector<8x1024xf32>
      tpu.vector_store %arg4[%swap3A_328, %swap3A_329], %min3A_327 {strides = array<i32>} : memref<8x4096xf32, #tpu.memory_space<vmem>>, vector<8x1024xf32>,
      %reduce_max3A_331 = arith.constant dense<0xFF800000> : vector<8xf32>
      %reduce_max3A_332 = vector.multi_reduction <maximumf>, %min3A_327, %reduce_max3A_331 [1] : vector<8x1024xf32> to vector<8xf32>
      %broadcast_in_dim3A_333 = vector.shape_cast %reduce_max3A_332 : vector<8xf32> to vector<8x1xf32>
      %iota3A_334 = tpu.iota {dimensions = array<i32: 1>} : vector<8x1024xi32>
      %eq3A_335 = vector.broadcast %broadcast_in_dim3A_333 : vector<8x1xf32> to vector<8x1024xf32>
      %eq3A_336 = arith.cmpf oeq, %min3A_327, %eq3A_335 : vector<8x1024xf32>
      %jit3A_337 = arith.constant 1024 : i32
      %broadcast_in_dim3A_338 = vector.broadcast %jit3A_337 : i32 to vector<8x1024xi32>
      %select_n3A_339 = arith.select %eq3A_336, %iota3A_334, %broadcast_in_dim3A_338 : vector<8x1024xi1>, vector<8x1024xi32>
      %reduce_min3A_340 = arith.constant dense<2147483647> : vector<8xi32>
      %reduce_min3A_341 = vector.multi_reduction <minsi>, %select_n3A_339, %reduce_min3A_340 [1] : vector<8x1024xi32> to vector<8xi32>
      %broadcast_in_dim3A_342 = vector.shape_cast %reduce_min3A_341 : vector<8xi32> to vector<8x1xi32>
      %add3A_343 = arith.constant 3072 : i32
      %add3A_344 = vector.broadcast %add3A_343 : i32 to vector<8x1xi32>
      %add3A_345 = arith.addi %broadcast_in_dim3A_342, %add3A_344 : vector<8x1xi32>
      %gt3A_346 = arith.cmpf ogt, %broadcast_in_dim3A_333, %select_n3A_312 : vector<8x1xf32>
      %select_n3A_347 = arith.select %gt3A_346, %add3A_345, %select_n3A_311 : vector<8x1xi1>, vector<8x1xi32>
      %concatenate3A = tpu.concatenate %select_n3A_347, %select_n3A_347, %select_n3A_347 in 0 : vector<8x1xi32>, vector<8x1xi32>, vector<8x1xi32> -> vector<24x1xi32>
      scf.yield %concatenate3A, %select_n3A_213 : vector<24x1xi32>, vector<24x128xf32>
    }
    %scan3A_118 = arith.constant 128 : i32
    %slice3A_119 = vector.extract_strided_slice %scan3A_117#1 {offsets = [0, 0], sizes = [8, 128], strides = [1, 1]} : vector<24x128xf32> to vector<8x128xf32>
    %swap3A_120 = arith.constant 0 : index
    %swap3A_121 = arith.constant 768 : index
    %swap3A_122 = vector.load %arg1[%swap3A_120, %swap3A_121] : memref<8x1024xf32, #tpu.memory_space<vmem>>, vector<8x128xf32>
    tpu.vector_store %arg1[%swap3A_120, %swap3A_121], %slice3A_119 {strides = array<i32>} : memref<8x1024xf32, #tpu.memory_space<vmem>>, vector<8x128xf32>,
    %slice3A_123 = vector.extract_strided_slice %scan3A_117#1 {offsets = [8, 0], sizes = [8, 128], strides = [1, 1]} : vector<24x128xf32> to vector<8x128xf32>
    %swap3A_124 = arith.constant 0 : index
    %swap3A_125 = arith.constant 768 : index
    %swap3A_126 = vector.load %arg2[%swap3A_124, %swap3A_125] : memref<8x1024xf32, #tpu.memory_space<vmem>>, vector<8x128xf32>
    tpu.vector_store %arg2[%swap3A_124, %swap3A_125], %slice3A_123 {strides = array<i32>} : memref<8x1024xf32, #tpu.memory_space<vmem>>, vector<8x128xf32>,
    %slice3A_127 = vector.extract_strided_slice %scan3A_117#1 {offsets = [16, 0], sizes = [8, 128], strides = [1, 1]} : vector<24x128xf32> to vector<8x128xf32>
    %swap3A_128 = arith.constant 0 : index
    %swap3A_129 = arith.constant 768 : index
    %swap3A_130 = vector.load %arg3[%swap3A_128, %swap3A_129] : memref<8x1024xf32, #tpu.memory_space<vmem>>, vector<8x128xf32>
    tpu.vector_store %arg3[%swap3A_128, %swap3A_129], %slice3A_127 {strides = array<i32>} : memref<8x1024xf32, #tpu.memory_space<vmem>>, vector<8x128xf32>,
    %scan3A_131 = arith.constant 0 : i32
    %scan3A_132 = arith.constant 128 : i32
    %scan3A_133 = arith.addi %scan3A_131, %scan3A_132 : i32
    %scan3A_134 = arith.constant 1 : i32
    %scan3A_135:2 = scf.for %scan3A_149 = %scan3A_131 to %scan3A_133 step %scan3A_134 iter_args(%scan3A_150 = %scan3A_117#0, %scan3A_151 = %broadcast_in_dim3A_0) -> (vector<24x1xi32>, vector<24x128xf32>)  : i32 {
      %get3A = arith.constant 0 : index
      %get3A_152 = arith.constant 0 : index
      %get3A_153 = vector.load %arg0[%get3A, %get3A_152] : memref<24x4096xf32, #tpu.memory_space<vmem>>, vector<24x1024xf32>
      %iota3A_154 = tpu.iota {dimensions = array<i32: 1>} : vector<24x1024xi32>
      %add3A = arith.constant 0 : i32
      %add3A_155 = vector.broadcast %add3A : i32 to vector<24x1024xi32>
      %add3A_156 = arith.addi %iota3A_154, %add3A_155 : vector<24x1024xi32>
      %eq3A = vector.broadcast %scan3A_150 : vector<24x1xi32> to vector<24x1024xi32>
      %eq3A_157 = arith.cmpi eq, %add3A_156, %eq3A : vector<24x1024xi32>
      %jit3A = arith.constant 0.000000e+00 : f32
      %broadcast_in_dim3A_158 = vector.broadcast %jit3A : f32 to vector<24x1024xf32>
      %select_n3A = arith.select %eq3A_157, %get3A_153, %broadcast_in_dim3A_158 : vector<24x1024xi1>, vector<24x1024xf32>
      %reduce_sum3A = arith.constant dense<0.000000e+00> : vector<24xf32>
      %reduce_sum3A_159 = vector.multi_reduction <add>, %select_n3A, %reduce_sum3A [1] : vector<24x1024xf32> to vector<24xf32>
      %broadcast_in_dim3A_160 = vector.shape_cast %reduce_sum3A_159 : vector<24xf32> to vector<24x1xf32>
      %get3A_161 = arith.constant 0 : index
      %get3A_162 = arith.constant 1024 : index
      %get3A_163 = vector.load %arg0[%get3A_161, %get3A_162] : memref<24x4096xf32, #tpu.memory_space<vmem>>, vector<24x1024xf32>
      %iota3A_164 = tpu.iota {dimensions = array<i32: 1>} : vector<24x1024xi32>
      %add3A_165 = arith.constant 1024 : i32
      %add3A_166 = vector.broadcast %add3A_165 : i32 to vector<24x1024xi32>
      %add3A_167 = arith.addi %iota3A_164, %add3A_166 : vector<24x1024xi32>
      %eq3A_168 = vector.broadcast %scan3A_150 : vector<24x1xi32> to vector<24x1024xi32>
      %eq3A_169 = arith.cmpi eq, %add3A_167, %eq3A_168 : vector<24x1024xi32>
      %jit3A_170 = arith.constant 0.000000e+00 : f32
      %broadcast_in_dim3A_171 = vector.broadcast %jit3A_170 : f32 to vector<24x1024xf32>
      %select_n3A_172 = arith.select %eq3A_169, %get3A_163, %broadcast_in_dim3A_171 : vector<24x1024xi1>, vector<24x1024xf32>
      %reduce_sum3A_173 = arith.constant dense<0.000000e+00> : vector<24xf32>
      %reduce_sum3A_174 = vector.multi_reduction <add>, %select_n3A_172, %reduce_sum3A_173 [1] : vector<24x1024xf32> to vector<24xf32>
      %broadcast_in_dim3A_175 = vector.shape_cast %reduce_sum3A_174 : vector<24xf32> to vector<24x1xf32>
      %add3A_176 = arith.addf %broadcast_in_dim3A_160, %broadcast_in_dim3A_175 : vector<24x1xf32>
      %get3A_177 = arith.constant 0 : index
      %get3A_178 = arith.constant 2048 : index
      %get3A_179 = vector.load %arg0[%get3A_177, %get3A_178] : memref<24x4096xf32, #tpu.memory_space<vmem>>, vector<24x1024xf32>
      %iota3A_180 = tpu.iota {dimensions = array<i32: 1>} : vector<24x1024xi32>
      %add3A_181 = arith.constant 2048 : i32
      %add3A_182 = vector.broadcast %add3A_181 : i32 to vector<24x1024xi32>
      %add3A_183 = arith.addi %iota3A_180, %add3A_182 : vector<24x1024xi32>
      %eq3A_184 = vector.broadcast %scan3A_150 : vector<24x1xi32> to vector<24x1024xi32>
      %eq3A_185 = arith.cmpi eq, %add3A_183, %eq3A_184 : vector<24x1024xi32>
      %jit3A_186 = arith.constant 0.000000e+00 : f32
      %broadcast_in_dim3A_187 = vector.broadcast %jit3A_186 : f32 to vector<24x1024xf32>
      %select_n3A_188 = arith.select %eq3A_185, %get3A_179, %broadcast_in_dim3A_187 : vector<24x1024xi1>, vector<24x1024xf32>
      %reduce_sum3A_189 = arith.constant dense<0.000000e+00> : vector<24xf32>
      %reduce_sum3A_190 = vector.multi_reduction <add>, %select_n3A_188, %reduce_sum3A_189 [1] : vector<24x1024xf32> to vector<24xf32>
      %broadcast_in_dim3A_191 = vector.shape_cast %reduce_sum3A_190 : vector<24xf32> to vector<24x1xf32>
      %add3A_192 = arith.addf %add3A_176, %broadcast_in_dim3A_191 : vector<24x1xf32>
      %get3A_193 = arith.constant 0 : index
      %get3A_194 = arith.constant 3072 : index
      %get3A_195 = vector.load %arg0[%get3A_193, %get3A_194] : memref<24x4096xf32, #tpu.memory_space<vmem>>, vector<24x1024xf32>
      %iota3A_196 = tpu.iota {dimensions = array<i32: 1>} : vector<24x1024xi32>
      %add3A_197 = arith.constant 3072 : i32
      %add3A_198 = vector.broadcast %add3A_197 : i32 to vector<24x1024xi32>
      %add3A_199 = arith.addi %iota3A_196, %add3A_198 : vector<24x1024xi32>
      %eq3A_200 = vector.broadcast %scan3A_150 : vector<24x1xi32> to vector<24x1024xi32>
      %eq3A_201 = arith.cmpi eq, %add3A_199, %eq3A_200 : vector<24x1024xi32>
      %jit3A_202 = arith.constant 0.000000e+00 : f32
      %broadcast_in_dim3A_203 = vector.broadcast %jit3A_202 : f32 to vector<24x1024xf32>
      %select_n3A_204 = arith.select %eq3A_201, %get3A_195, %broadcast_in_dim3A_203 : vector<24x1024xi1>, vector<24x1024xf32>
      %reduce_sum3A_205 = arith.constant dense<0.000000e+00> : vector<24xf32>
      %reduce_sum3A_206 = vector.multi_reduction <add>, %select_n3A_204, %reduce_sum3A_205 [1] : vector<24x1024xf32> to vector<24xf32>
      %broadcast_in_dim3A_207 = vector.shape_cast %reduce_sum3A_206 : vector<24xf32> to vector<24x1xf32>
      %add3A_208 = arith.addf %add3A_192, %broadcast_in_dim3A_207 : vector<24x1xf32>
      %eq3A_209 = vector.broadcast %scan3A_149 : i32 to vector<24x128xi32>
      %eq3A_210 = arith.cmpi eq, %iota3A, %eq3A_209 : vector<24x128xi32>
      %broadcast_in_dim3A_211 = vector.shape_cast %add3A_208 : vector<24x1xf32> to vector<24x1xf32>
      %broadcast_in_dim3A_212 = vector.broadcast %broadcast_in_dim3A_211 : vector<24x1xf32> to vector<24x128xf32>
      %select_n3A_213 = arith.select %eq3A_210, %broadcast_in_dim3A_212, %scan3A_151 : vector<24x128xi1>, vector<24x128xf32>
      %get3A_214 = arith.constant 0 : index
      %get3A_215 = arith.constant 0 : index
      %get3A_216 = vector.load %arg0[%get3A_214, %get3A_215] : memref<24x4096xf32, #tpu.memory_space<vmem>>, vector<24x1024xf32>
      %sub3A = vector.broadcast %add3A_208 : vector<24x1xf32> to vector<24x1024xf32>
      %sub3A_217 = arith.subf %get3A_216, %sub3A : vector<24x1024xf32>
      %mul3A = arith.mulf %sub3A_217, %sub3A_217 : vector<24x1024xf32>
      %slice3A_218 = vector.extract_strided_slice %mul3A {offsets = [0, 0], sizes = [8, 1024], strides = [1, 1]} : vector<24x1024xf32> to vector<8x1024xf32>
      %slice3A_219 = vector.extract_strided_slice %mul3A {offsets = [8, 0], sizes = [8, 1024], strides = [1, 1]} : vector<24x1024xf32> to vector<8x1024xf32>
      %add3A_220 = arith.addf %slice3A_218, %slice3A_219 : vector<8x1024xf32>
      %slice3A_221 = vector.extract_strided_slice %mul3A {offsets = [16, 0], sizes = [8, 1024], strides = [1, 1]} : vector<24x1024xf32> to vector<8x1024xf32>
      %add3A_222 = arith.addf %add3A_220, %slice3A_221 : vector<8x1024xf32>
      %get3A_223 = arith.constant 0 : index
      %get3A_224 = arith.constant 0 : index
      %get3A_225 = vector.load %arg4[%get3A_223, %get3A_224] : memref<8x4096xf32, #tpu.memory_space<vmem>>, vector<8x1024xf32>
      %min3A = arith.minimumf %get3A_225, %add3A_222 : vector<8x1024xf32>
      %swap3A_226 = arith.constant 0 : index
      %swap3A_227 = arith.constant 0 : index
      %swap3A_228 = vector.load %arg4[%swap3A_226, %swap3A_227] : memref<8x4096xf32, #tpu.memory_space<vmem>>, vector<8x1024xf32>
      tpu.vector_store %arg4[%swap3A_226, %swap3A_227], %min3A {strides = array<i32>} : memref<8x4096xf32, #tpu.memory_space<vmem>>, vector<8x1024xf32>,
      %reduce_max3A = arith.constant dense<0xFF800000> : vector<8xf32>
      %reduce_max3A_229 = vector.multi_reduction <maximumf>, %min3A, %reduce_max3A [1] : vector<8x1024xf32> to vector<8xf32>
      %broadcast_in_dim3A_230 = vector.shape_cast %reduce_max3A_229 : vector<8xf32> to vector<8x1xf32>
      %iota3A_231 = tpu.iota {dimensions = array<i32: 1>} : vector<8x1024xi32>
      %eq3A_232 = vector.broadcast %broadcast_in_dim3A_230 : vector<8x1xf32> to vector<8x1024xf32>
      %eq3A_233 = arith.cmpf oeq, %min3A, %eq3A_232 : vector<8x1024xf32>
      %jit3A_234 = arith.constant 1024 : i32
      %broadcast_in_dim3A_235 = vector.broadcast %jit3A_234 : i32 to vector<8x1024xi32>
      %select_n3A_236 = arith.select %eq3A_233, %iota3A_231, %broadcast_in_dim3A_235 : vector<8x1024xi1>, vector<8x1024xi32>
      %reduce_min3A = arith.constant dense<2147483647> : vector<8xi32>
      %reduce_min3A_237 = vector.multi_reduction <minsi>, %select_n3A_236, %reduce_min3A [1] : vector<8x1024xi32> to vector<8xi32>
      %broadcast_in_dim3A_238 = vector.shape_cast %reduce_min3A_237 : vector<8xi32> to vector<8x1xi32>
      %add3A_239 = arith.constant 0 : i32
      %add3A_240 = vector.broadcast %add3A_239 : i32 to vector<8x1xi32>
      %add3A_241 = arith.addi %broadcast_in_dim3A_238, %add3A_240 : vector<8x1xi32>
      %get3A_242 = arith.constant 0 : index
      %get3A_243 = arith.constant 1024 : index
      %get3A_244 = vector.load %arg0[%get3A_242, %get3A_243] : memref<24x4096xf32, #tpu.memory_space<vmem>>, vector<24x1024xf32>
      %sub3A_245 = vector.broadcast %add3A_208 : vector<24x1xf32> to vector<24x1024xf32>
      %sub3A_246 = arith.subf %get3A_244, %sub3A_245 : vector<24x1024xf32>
      %mul3A_247 = arith.mulf %sub3A_246, %sub3A_246 : vector<24x1024xf32>
      %slice3A_248 = vector.extract_strided_slice %mul3A_247 {offsets = [0, 0], sizes = [8, 1024], strides = [1, 1]} : vector<24x1024xf32> to vector<8x1024xf32>
      %slice3A_249 = vector.extract_strided_slice %mul3A_247 {offsets = [8, 0], sizes = [8, 1024], strides = [1, 1]} : vector<24x1024xf32> to vector<8x1024xf32>
      %add3A_250 = arith.addf %slice3A_248, %slice3A_249 : vector<8x1024xf32>
      %slice3A_251 = vector.extract_strided_slice %mul3A_247 {offsets = [16, 0], sizes = [8, 1024], strides = [1, 1]} : vector<24x1024xf32> to vector<8x1024xf32>
      %add3A_252 = arith.addf %add3A_250, %slice3A_251 : vector<8x1024xf32>
      %get3A_253 = arith.constant 0 : index
      %get3A_254 = arith.constant 1024 : index
      %get3A_255 = vector.load %arg4[%get3A_253, %get3A_254] : memref<8x4096xf32, #tpu.memory_space<vmem>>, vector<8x1024xf32>
      %min3A_256 = arith.minimumf %get3A_255, %add3A_252 : vector<8x1024xf32>
      %swap3A_257 = arith.constant 0 : index
      %swap3A_258 = arith.constant 1024 : index
      %swap3A_259 = vector.load %arg4[%swap3A_257, %swap3A_258] : memref<8x4096xf32, #tpu.memory_space<vmem>>, vector<8x1024xf32>
      tpu.vector_store %arg4[%swap3A_257, %swap3A_258], %min3A_256 {strides = array<i32>} : memref<8x4096xf32, #tpu.memory_space<vmem>>, vector<8x1024xf32>,
      %reduce_max3A_260 = arith.constant dense<0xFF800000> : vector<8xf32>
      %reduce_max3A_261 = vector.multi_reduction <maximumf>, %min3A_256, %reduce_max3A_260 [1] : vector<8x1024xf32> to vector<8xf32>
      %broadcast_in_dim3A_262 = vector.shape_cast %reduce_max3A_261 : vector<8xf32> to vector<8x1xf32>
      %iota3A_263 = tpu.iota {dimensions = array<i32: 1>} : vector<8x1024xi32>
      %eq3A_264 = vector.broadcast %broadcast_in_dim3A_262 : vector<8x1xf32> to vector<8x1024xf32>
      %eq3A_265 = arith.cmpf oeq, %min3A_256, %eq3A_264 : vector<8x1024xf32>
      %jit3A_266 = arith.constant 1024 : i32
      %broadcast_in_dim3A_267 = vector.broadcast %jit3A_266 : i32 to vector<8x1024xi32>
      %select_n3A_268 = arith.select %eq3A_265, %iota3A_263, %broadcast_in_dim3A_267 : vector<8x1024xi1>, vector<8x1024xi32>
      %reduce_min3A_269 = arith.constant dense<2147483647> : vector<8xi32>
      %reduce_min3A_270 = vector.multi_reduction <minsi>, %select_n3A_268, %reduce_min3A_269 [1] : vector<8x1024xi32> to vector<8xi32>
      %broadcast_in_dim3A_271 = vector.shape_cast %reduce_min3A_270 : vector<8xi32> to vector<8x1xi32>
      %add3A_272 = arith.constant 1024 : i32
      %add3A_273 = vector.broadcast %add3A_272 : i32 to vector<8x1xi32>
      %add3A_274 = arith.addi %broadcast_in_dim3A_271, %add3A_273 : vector<8x1xi32>
      %gt3A = arith.cmpf ogt, %broadcast_in_dim3A_262, %broadcast_in_dim3A_230 : vector<8x1xf32>
      %select_n3A_275 = arith.select %gt3A, %add3A_274, %add3A_241 : vector<8x1xi1>, vector<8x1xi32>
      %select_n3A_276 = arith.select %gt3A, %broadcast_in_dim3A_262, %broadcast_in_dim3A_230 : vector<8x1xi1>, vector<8x1xf32>
      %get3A_277 = arith.constant 0 : index
      %get3A_278 = arith.constant 2048 : index
      %get3A_279 = vector.load %arg0[%get3A_277, %get3A_278] : memref<24x4096xf32, #tpu.memory_space<vmem>>, vector<24x1024xf32>
      %sub3A_280 = vector.broadcast %add3A_208 : vector<24x1xf32> to vector<24x1024xf32>
      %sub3A_281 = arith.subf %get3A_279, %sub3A_280 : vector<24x1024xf32>
      %mul3A_282 = arith.mulf %sub3A_281, %sub3A_281 : vector<24x1024xf32>
      %slice3A_283 = vector.extract_strided_slice %mul3A_282 {offsets = [0, 0], sizes = [8, 1024], strides = [1, 1]} : vector<24x1024xf32> to vector<8x1024xf32>
      %slice3A_284 = vector.extract_strided_slice %mul3A_282 {offsets = [8, 0], sizes = [8, 1024], strides = [1, 1]} : vector<24x1024xf32> to vector<8x1024xf32>
      %add3A_285 = arith.addf %slice3A_283, %slice3A_284 : vector<8x1024xf32>
      %slice3A_286 = vector.extract_strided_slice %mul3A_282 {offsets = [16, 0], sizes = [8, 1024], strides = [1, 1]} : vector<24x1024xf32> to vector<8x1024xf32>
      %add3A_287 = arith.addf %add3A_285, %slice3A_286 : vector<8x1024xf32>
      %get3A_288 = arith.constant 0 : index
      %get3A_289 = arith.constant 2048 : index
      %get3A_290 = vector.load %arg4[%get3A_288, %get3A_289] : memref<8x4096xf32, #tpu.memory_space<vmem>>, vector<8x1024xf32>
      %min3A_291 = arith.minimumf %get3A_290, %add3A_287 : vector<8x1024xf32>
      %swap3A_292 = arith.constant 0 : index
      %swap3A_293 = arith.constant 2048 : index
      %swap3A_294 = vector.load %arg4[%swap3A_292, %swap3A_293] : memref<8x4096xf32, #tpu.memory_space<vmem>>, vector<8x1024xf32>
      tpu.vector_store %arg4[%swap3A_292, %swap3A_293], %min3A_291 {strides = array<i32>} : memref<8x4096xf32, #tpu.memory_space<vmem>>, vector<8x1024xf32>,
      %reduce_max3A_295 = arith.constant dense<0xFF800000> : vector<8xf32>
      %reduce_max3A_296 = vector.multi_reduction <maximumf>, %min3A_291, %reduce_max3A_295 [1] : vector<8x1024xf32> to vector<8xf32>
      %broadcast_in_dim3A_297 = vector.shape_cast %reduce_max3A_296 : vector<8xf32> to vector<8x1xf32>
      %iota3A_298 = tpu.iota {dimensions = array<i32: 1>} : vector<8x1024xi32>
      %eq3A_299 = vector.broadcast %broadcast_in_dim3A_297 : vector<8x1xf32> to vector<8x1024xf32>
      %eq3A_300 = arith.cmpf oeq, %min3A_291, %eq3A_299 : vector<8x1024xf32>
      %jit3A_301 = arith.constant 1024 : i32
      %broadcast_in_dim3A_302 = vector.broadcast %jit3A_301 : i32 to vector<8x1024xi32>
      %select_n3A_303 = arith.select %eq3A_300, %iota3A_298, %broadcast_in_dim3A_302 : vector<8x1024xi1>, vector<8x1024xi32>
      %reduce_min3A_304 = arith.constant dense<2147483647> : vector<8xi32>
      %reduce_min3A_305 = vector.multi_reduction <minsi>, %select_n3A_303, %reduce_min3A_304 [1] : vector<8x1024xi32> to vector<8xi32>
      %broadcast_in_dim3A_306 = vector.shape_cast %reduce_min3A_305 : vector<8xi32> to vector<8x1xi32>
      %add3A_307 = arith.constant 2048 : i32
      %add3A_308 = vector.broadcast %add3A_307 : i32 to vector<8x1xi32>
      %add3A_309 = arith.addi %broadcast_in_dim3A_306, %add3A_308 : vector<8x1xi32>
      %gt3A_310 = arith.cmpf ogt, %broadcast_in_dim3A_297, %select_n3A_276 : vector<8x1xf32>
      %select_n3A_311 = arith.select %gt3A_310, %add3A_309, %select_n3A_275 : vector<8x1xi1>, vector<8x1xi32>
      %select_n3A_312 = arith.select %gt3A_310, %broadcast_in_dim3A_297, %select_n3A_276 : vector<8x1xi1>, vector<8x1xf32>
      %get3A_313 = arith.constant 0 : index
      %get3A_314 = arith.constant 3072 : index
      %get3A_315 = vector.load %arg0[%get3A_313, %get3A_314] : memref<24x4096xf32, #tpu.memory_space<vmem>>, vector<24x1024xf32>
      %sub3A_316 = vector.broadcast %add3A_208 : vector<24x1xf32> to vector<24x1024xf32>
      %sub3A_317 = arith.subf %get3A_315, %sub3A_316 : vector<24x1024xf32>
      %mul3A_318 = arith.mulf %sub3A_317, %sub3A_317 : vector<24x1024xf32>
      %slice3A_319 = vector.extract_strided_slice %mul3A_318 {offsets = [0, 0], sizes = [8, 1024], strides = [1, 1]} : vector<24x1024xf32> to vector<8x1024xf32>
      %slice3A_320 = vector.extract_strided_slice %mul3A_318 {offsets = [8, 0], sizes = [8, 1024], strides = [1, 1]} : vector<24x1024xf32> to vector<8x1024xf32>
      %add3A_321 = arith.addf %slice3A_319, %slice3A_320 : vector<8x1024xf32>
      %slice3A_322 = vector.extract_strided_slice %mul3A_318 {offsets = [16, 0], sizes = [8, 1024], strides = [1, 1]} : vector<24x1024xf32> to vector<8x1024xf32>
      %add3A_323 = arith.addf %add3A_321, %slice3A_322 : vector<8x1024xf32>
      %get3A_324 = arith.constant 0 : index
      %get3A_325 = arith.constant 3072 : index
      %get3A_326 = vector.load %arg4[%get3A_324, %get3A_325] : memref<8x4096xf32, #tpu.memory_space<vmem>>, vector<8x1024xf32>
      %min3A_327 = arith.minimumf %get3A_326, %add3A_323 : vector<8x1024xf32>
      %swap3A_328 = arith.constant 0 : index
      %swap3A_329 = arith.constant 3072 : index
      %swap3A_330 = vector.load %arg4[%swap3A_328, %swap3A_329] : memref<8x4096xf32, #tpu.memory_space<vmem>>, vector<8x1024xf32>
      tpu.vector_store %arg4[%swap3A_328, %swap3A_329], %min3A_327 {strides = array<i32>} : memref<8x4096xf32, #tpu.memory_space<vmem>>, vector<8x1024xf32>,
      %reduce_max3A_331 = arith.constant dense<0xFF800000> : vector<8xf32>
      %reduce_max3A_332 = vector.multi_reduction <maximumf>, %min3A_327, %reduce_max3A_331 [1] : vector<8x1024xf32> to vector<8xf32>
      %broadcast_in_dim3A_333 = vector.shape_cast %reduce_max3A_332 : vector<8xf32> to vector<8x1xf32>
      %iota3A_334 = tpu.iota {dimensions = array<i32: 1>} : vector<8x1024xi32>
      %eq3A_335 = vector.broadcast %broadcast_in_dim3A_333 : vector<8x1xf32> to vector<8x1024xf32>
      %eq3A_336 = arith.cmpf oeq, %min3A_327, %eq3A_335 : vector<8x1024xf32>
      %jit3A_337 = arith.constant 1024 : i32
      %broadcast_in_dim3A_338 = vector.broadcast %jit3A_337 : i32 to vector<8x1024xi32>
      %select_n3A_339 = arith.select %eq3A_336, %iota3A_334, %broadcast_in_dim3A_338 : vector<8x1024xi1>, vector<8x1024xi32>
      %reduce_min3A_340 = arith.constant dense<2147483647> : vector<8xi32>
      %reduce_min3A_341 = vector.multi_reduction <minsi>, %select_n3A_339, %reduce_min3A_340 [1] : vector<8x1024xi32> to vector<8xi32>
      %broadcast_in_dim3A_342 = vector.shape_cast %reduce_min3A_341 : vector<8xi32> to vector<8x1xi32>
      %add3A_343 = arith.constant 3072 : i32
      %add3A_344 = vector.broadcast %add3A_343 : i32 to vector<8x1xi32>
      %add3A_345 = arith.addi %broadcast_in_dim3A_342, %add3A_344 : vector<8x1xi32>
      %gt3A_346 = arith.cmpf ogt, %broadcast_in_dim3A_333, %select_n3A_312 : vector<8x1xf32>
      %select_n3A_347 = arith.select %gt3A_346, %add3A_345, %select_n3A_311 : vector<8x1xi1>, vector<8x1xi32>
      %concatenate3A = tpu.concatenate %select_n3A_347, %select_n3A_347, %select_n3A_347 in 0 : vector<8x1xi32>, vector<8x1xi32>, vector<8x1xi32> -> vector<24x1xi32>
      scf.yield %concatenate3A, %select_n3A_213 : vector<24x1xi32>, vector<24x128xf32>
    }
    %scan3A_136 = arith.constant 128 : i32
    %slice3A_137 = vector.extract_strided_slice %scan3A_135#1 {offsets = [0, 0], sizes = [8, 128], strides = [1, 1]} : vector<24x128xf32> to vector<8x128xf32>
    %swap3A_138 = arith.constant 0 : index
    %swap3A_139 = arith.constant 896 : index
    %swap3A_140 = vector.load %arg1[%swap3A_138, %swap3A_139] : memref<8x1024xf32, #tpu.memory_space<vmem>>, vector<8x128xf32>
    tpu.vector_store %arg1[%swap3A_138, %swap3A_139], %slice3A_137 {strides = array<i32>} : memref<8x1024xf32, #tpu.memory_space<vmem>>, vector<8x128xf32>,
    %slice3A_141 = vector.extract_strided_slice %scan3A_135#1 {offsets = [8, 0], sizes = [8, 128], strides = [1, 1]} : vector<24x128xf32> to vector<8x128xf32>
    %swap3A_142 = arith.constant 0 : index
    %swap3A_143 = arith.constant 896 : index
    %swap3A_144 = vector.load %arg2[%swap3A_142, %swap3A_143] : memref<8x1024xf32, #tpu.memory_space<vmem>>, vector<8x128xf32>
    tpu.vector_store %arg2[%swap3A_142, %swap3A_143], %slice3A_141 {strides = array<i32>} : memref<8x1024xf32, #tpu.memory_space<vmem>>, vector<8x128xf32>,
    %slice3A_145 = vector.extract_strided_slice %scan3A_135#1 {offsets = [16, 0], sizes = [8, 128], strides = [1, 1]} : vector<24x128xf32> to vector<8x128xf32>
    %swap3A_146 = arith.constant 0 : index
    %swap3A_147 = arith.constant 896 : index
    %swap3A_148 = vector.load %arg3[%swap3A_146, %swap3A_147] : memref<8x1024xf32, #tpu.memory_space<vmem>>, vector<8x128xf32>
    tpu.vector_store %arg3[%swap3A_146, %swap3A_147], %slice3A_145 {strides = array<i32>} : memref<8x1024xf32, #tpu.memory_space<vmem>>, vector<8x128xf32>,
    return
  }
}

module attributes {stable_mosaic.version = 14 : i64} {
  func.func @_knn_body(%arg0: i32, %arg1: i32, %arg2: memref<1x256x3xf32, #tpu.memory_space<vmem>>, %arg3: memref<1x3x4096xf32, #tpu.memory_space<vmem>>, %arg4: memref<1x256x16xi32, #tpu.memory_space<vmem>>) attributes {dimension_semantics = [#tpu.dimension_semantics<arbitrary>, #tpu.dimension_semantics<arbitrary>], iteration_bounds = array<i64: 4, 4>, scalar_prefetch = 0 : i64, scratch_operands = 0 : i64, tpu.core_type = #tpu.core_type<tc>, window_params = [{transform_indices = @transform_0, window_bounds = array<i64: 1, 256, 3>}, {transform_indices = @transform_1, window_bounds = array<i64: 1, 3, 4096>}, {transform_indices = @transform_2, window_bounds = array<i64: 1, 256, 16>}]} {
    %add3A = arith.constant 0 : i32
    %add3A_0 = arith.addi %arg0, %add3A : i32
    %get3A = arith.constant 0 : index
    %get3A_1 = arith.constant 0 : index
    %get3A_2 = arith.constant 0 : index
    %get3A_3 = vector.load %arg2[%get3A, %get3A_1, %get3A_2] : memref<1x256x3xf32, #tpu.memory_space<vmem>>, vector<1x256x3xf32>
    %get3A_4 = vector.shape_cast %get3A_3 : vector<1x256x3xf32> to vector<256x3xf32>
    %get3A_5 = arith.constant 0 : index
    %get3A_6 = arith.constant 0 : index
    %get3A_7 = arith.constant 0 : index
    %get3A_8 = vector.load %arg3[%get3A_5, %get3A_6, %get3A_7] : memref<1x3x4096xf32, #tpu.memory_space<vmem>>, vector<1x3x4096xf32>
    %get3A_9 = vector.shape_cast %get3A_8 : vector<1x3x4096xf32> to vector<3x4096xf32>
    %dot_general3A = arith.constant dense<0.000000e+00> : vector<256x4096xf32>
    %dot_general3A_10 = tpu.matmul %get3A_4, %get3A_9, %dot_general3A {dimension_numbers = #tpu.dot_dimension_numbers<[1], [0], [0], [1], [0, 0, 1, 1], [], []>, transpose_lhs_hint = false} : vector<256x3xf32>, vector<3x4096xf32>, vector<256x4096xf32> -> vector<256x4096xf32>
    %mul3A = arith.constant -2.000000e+00 : f32
    %mul3A_11 = vector.broadcast %mul3A : f32 to vector<256x4096xf32>
    %mul3A_12 = arith.mulf %mul3A_11, %dot_general3A_10 : vector<256x4096xf32>
    %mul3A_13 = arith.mulf %get3A_4, %get3A_4 : vector<256x3xf32>
    %reduce_sum3A = arith.constant dense<0.000000e+00> : vector<256xf32>
    %reduce_sum3A_14 = vector.multi_reduction <add>, %mul3A_13, %reduce_sum3A [1] : vector<256x3xf32> to vector<256xf32>
    %broadcast_in_dim3A = vector.shape_cast %reduce_sum3A_14 : vector<256xf32> to vector<256x1xf32>
    %add3A_15 = vector.broadcast %broadcast_in_dim3A : vector<256x1xf32> to vector<256x4096xf32>
    %add3A_16 = arith.addf %mul3A_12, %add3A_15 : vector<256x4096xf32>
    %mul3A_17 = arith.mulf %get3A_9, %get3A_9 : vector<3x4096xf32>
    %reduce_sum3A_18 = arith.constant dense<0.000000e+00> : vector<4096xf32>
    %reduce_sum3A_19 = vector.multi_reduction <add>, %mul3A_17, %reduce_sum3A_18 [0] : vector<3x4096xf32> to vector<4096xf32>
    %broadcast_in_dim3A_20 = vector.shape_cast %reduce_sum3A_19 : vector<4096xf32> to vector<1x4096xf32>
    %add3A_21 = vector.broadcast %broadcast_in_dim3A_20 : vector<1x4096xf32> to vector<256x4096xf32>
    %add3A_22 = arith.addf %add3A_16, %add3A_21 : vector<256x4096xf32>
    %max3A = arith.constant 0.000000e+00 : f32
    %max3A_23 = vector.broadcast %max3A : f32 to vector<256x4096xf32>
    %max3A_24 = arith.maximumf %add3A_22, %max3A_23 : vector<256x4096xf32>
    %iota3A = tpu.iota {dimensions = array<i32: 1>} : vector<256x4096xi32>
    %mul3A_25 = arith.constant 4096 : i32
    %mul3A_26 = arith.muli %add3A_0, %mul3A_25 : i32
    %reduce_min3A = arith.constant dense<0x7F800000> : vector<256xf32>
    %reduce_min3A_27 = vector.multi_reduction <minimumf>, %max3A_24, %reduce_min3A [1] : vector<256x4096xf32> to vector<256xf32>
    %broadcast_in_dim3A_28 = vector.shape_cast %reduce_min3A_27 : vector<256xf32> to vector<256x1xf32>
    %eq3A = vector.broadcast %broadcast_in_dim3A_28 : vector<256x1xf32> to vector<256x4096xf32>
    %eq3A_29 = arith.cmpf oeq, %max3A_24, %eq3A : vector<256x4096xf32>
    %jit3A = arith.constant 4096 : i32
    %broadcast_in_dim3A_30 = vector.broadcast %jit3A : i32 to vector<256x4096xi32>
    %select_n3A = arith.select %eq3A_29, %iota3A, %broadcast_in_dim3A_30 : vector<256x4096xi1>, vector<256x4096xi32>
    %reduce_min3A_31 = arith.constant dense<2147483647> : vector<256xi32>
    %reduce_min3A_32 = vector.multi_reduction <minsi>, %select_n3A, %reduce_min3A_31 [1] : vector<256x4096xi32> to vector<256xi32>
    %broadcast_in_dim3A_33 = vector.shape_cast %reduce_min3A_32 : vector<256xi32> to vector<256x1xi32>
    %add3A_34 = vector.broadcast %mul3A_26 : i32 to vector<256x1xi32>
    %add3A_35 = arith.addi %broadcast_in_dim3A_33, %add3A_34 : vector<256x1xi32>
    %squeeze3A = vector.shape_cast %add3A_35 : vector<256x1xi32> to vector<256xi32>
    %swap3A = arith.constant 0 : index
    %swap3A_36 = arith.constant 0 : index
    %swap3A_37 = arith.constant 0 : index
    %swap3A_38 = vector.load %arg4[%swap3A, %swap3A_36, %swap3A_37] : memref<1x256x16xi32, #tpu.memory_space<vmem>>, vector<1x256x1xi32>
    %swap3A_39 = vector.shape_cast %swap3A_38 : vector<1x256x1xi32> to vector<256xi32>
    %swap3A_40 = vector.shape_cast %squeeze3A : vector<256xi32> to vector<1x256x1xi32>
    tpu.vector_store %arg4[%swap3A, %swap3A_36, %swap3A_37], %swap3A_40 {strides = array<i32>} : memref<1x256x16xi32, #tpu.memory_space<vmem>>, vector<1x256x1xi32>,
    %eq3A_41 = vector.broadcast %broadcast_in_dim3A_33 : vector<256x1xi32> to vector<256x4096xi32>
    %eq3A_42 = arith.cmpi eq, %iota3A, %eq3A_41 : vector<256x4096xi32>
    %jit3A_43 = arith.constant 1.000000e+30 : f32
    %broadcast_in_dim3A_44 = vector.broadcast %jit3A_43 : f32 to vector<256x4096xf32>
    %select_n3A_45 = arith.select %eq3A_42, %broadcast_in_dim3A_44, %max3A_24 : vector<256x4096xi1>, vector<256x4096xf32>
    %reduce_min3A_46 = arith.constant dense<0x7F800000> : vector<256xf32>
    %reduce_min3A_47 = vector.multi_reduction <minimumf>, %select_n3A_45, %reduce_min3A_46 [1] : vector<256x4096xf32> to vector<256xf32>
    %broadcast_in_dim3A_48 = vector.shape_cast %reduce_min3A_47 : vector<256xf32> to vector<256x1xf32>
    %eq3A_49 = vector.broadcast %broadcast_in_dim3A_48 : vector<256x1xf32> to vector<256x4096xf32>
    %eq3A_50 = arith.cmpf oeq, %select_n3A_45, %eq3A_49 : vector<256x4096xf32>
    %jit3A_51 = arith.constant 4096 : i32
    %broadcast_in_dim3A_52 = vector.broadcast %jit3A_51 : i32 to vector<256x4096xi32>
    %select_n3A_53 = arith.select %eq3A_50, %iota3A, %broadcast_in_dim3A_52 : vector<256x4096xi1>, vector<256x4096xi32>
    %reduce_min3A_54 = arith.constant dense<2147483647> : vector<256xi32>
    %reduce_min3A_55 = vector.multi_reduction <minsi>, %select_n3A_53, %reduce_min3A_54 [1] : vector<256x4096xi32> to vector<256xi32>
    %broadcast_in_dim3A_56 = vector.shape_cast %reduce_min3A_55 : vector<256xi32> to vector<256x1xi32>
    %add3A_57 = vector.broadcast %mul3A_26 : i32 to vector<256x1xi32>
    %add3A_58 = arith.addi %broadcast_in_dim3A_56, %add3A_57 : vector<256x1xi32>
    %squeeze3A_59 = vector.shape_cast %add3A_58 : vector<256x1xi32> to vector<256xi32>
    %swap3A_60 = arith.constant 0 : index
    %swap3A_61 = arith.constant 0 : index
    %swap3A_62 = arith.constant 1 : index
    %swap3A_63 = vector.load %arg4[%swap3A_60, %swap3A_61, %swap3A_62] : memref<1x256x16xi32, #tpu.memory_space<vmem>>, vector<1x256x1xi32>
    %swap3A_64 = vector.shape_cast %swap3A_63 : vector<1x256x1xi32> to vector<256xi32>
    %swap3A_65 = vector.shape_cast %squeeze3A_59 : vector<256xi32> to vector<1x256x1xi32>
    tpu.vector_store %arg4[%swap3A_60, %swap3A_61, %swap3A_62], %swap3A_65 {strides = array<i32>} : memref<1x256x16xi32, #tpu.memory_space<vmem>>, vector<1x256x1xi32>,
    %eq3A_66 = vector.broadcast %broadcast_in_dim3A_56 : vector<256x1xi32> to vector<256x4096xi32>
    %eq3A_67 = arith.cmpi eq, %iota3A, %eq3A_66 : vector<256x4096xi32>
    %jit3A_68 = arith.constant 1.000000e+30 : f32
    %broadcast_in_dim3A_69 = vector.broadcast %jit3A_68 : f32 to vector<256x4096xf32>
    %select_n3A_70 = arith.select %eq3A_67, %broadcast_in_dim3A_69, %select_n3A_45 : vector<256x4096xi1>, vector<256x4096xf32>
    %reduce_min3A_71 = arith.constant dense<0x7F800000> : vector<256xf32>
    %reduce_min3A_72 = vector.multi_reduction <minimumf>, %select_n3A_70, %reduce_min3A_71 [1] : vector<256x4096xf32> to vector<256xf32>
    %broadcast_in_dim3A_73 = vector.shape_cast %reduce_min3A_72 : vector<256xf32> to vector<256x1xf32>
    %eq3A_74 = vector.broadcast %broadcast_in_dim3A_73 : vector<256x1xf32> to vector<256x4096xf32>
    %eq3A_75 = arith.cmpf oeq, %select_n3A_70, %eq3A_74 : vector<256x4096xf32>
    %jit3A_76 = arith.constant 4096 : i32
    %broadcast_in_dim3A_77 = vector.broadcast %jit3A_76 : i32 to vector<256x4096xi32>
    %select_n3A_78 = arith.select %eq3A_75, %iota3A, %broadcast_in_dim3A_77 : vector<256x4096xi1>, vector<256x4096xi32>
    %reduce_min3A_79 = arith.constant dense<2147483647> : vector<256xi32>
    %reduce_min3A_80 = vector.multi_reduction <minsi>, %select_n3A_78, %reduce_min3A_79 [1] : vector<256x4096xi32> to vector<256xi32>
    %broadcast_in_dim3A_81 = vector.shape_cast %reduce_min3A_80 : vector<256xi32> to vector<256x1xi32>
    %add3A_82 = vector.broadcast %mul3A_26 : i32 to vector<256x1xi32>
    %add3A_83 = arith.addi %broadcast_in_dim3A_81, %add3A_82 : vector<256x1xi32>
    %squeeze3A_84 = vector.shape_cast %add3A_83 : vector<256x1xi32> to vector<256xi32>
    %swap3A_85 = arith.constant 0 : index
    %swap3A_86 = arith.constant 0 : index
    %swap3A_87 = arith.constant 2 : index
    %swap3A_88 = vector.load %arg4[%swap3A_85, %swap3A_86, %swap3A_87] : memref<1x256x16xi32, #tpu.memory_space<vmem>>, vector<1x256x1xi32>
    %swap3A_89 = vector.shape_cast %swap3A_88 : vector<1x256x1xi32> to vector<256xi32>
    %swap3A_90 = vector.shape_cast %squeeze3A_84 : vector<256xi32> to vector<1x256x1xi32>
    tpu.vector_store %arg4[%swap3A_85, %swap3A_86, %swap3A_87], %swap3A_90 {strides = array<i32>} : memref<1x256x16xi32, #tpu.memory_space<vmem>>, vector<1x256x1xi32>,
    %eq3A_91 = vector.broadcast %broadcast_in_dim3A_81 : vector<256x1xi32> to vector<256x4096xi32>
    %eq3A_92 = arith.cmpi eq, %iota3A, %eq3A_91 : vector<256x4096xi32>
    %jit3A_93 = arith.constant 1.000000e+30 : f32
    %broadcast_in_dim3A_94 = vector.broadcast %jit3A_93 : f32 to vector<256x4096xf32>
    %select_n3A_95 = arith.select %eq3A_92, %broadcast_in_dim3A_94, %select_n3A_70 : vector<256x4096xi1>, vector<256x4096xf32>
    %reduce_min3A_96 = arith.constant dense<0x7F800000> : vector<256xf32>
    %reduce_min3A_97 = vector.multi_reduction <minimumf>, %select_n3A_95, %reduce_min3A_96 [1] : vector<256x4096xf32> to vector<256xf32>
    %broadcast_in_dim3A_98 = vector.shape_cast %reduce_min3A_97 : vector<256xf32> to vector<256x1xf32>
    %eq3A_99 = vector.broadcast %broadcast_in_dim3A_98 : vector<256x1xf32> to vector<256x4096xf32>
    %eq3A_100 = arith.cmpf oeq, %select_n3A_95, %eq3A_99 : vector<256x4096xf32>
    %jit3A_101 = arith.constant 4096 : i32
    %broadcast_in_dim3A_102 = vector.broadcast %jit3A_101 : i32 to vector<256x4096xi32>
    %select_n3A_103 = arith.select %eq3A_100, %iota3A, %broadcast_in_dim3A_102 : vector<256x4096xi1>, vector<256x4096xi32>
    %reduce_min3A_104 = arith.constant dense<2147483647> : vector<256xi32>
    %reduce_min3A_105 = vector.multi_reduction <minsi>, %select_n3A_103, %reduce_min3A_104 [1] : vector<256x4096xi32> to vector<256xi32>
    %broadcast_in_dim3A_106 = vector.shape_cast %reduce_min3A_105 : vector<256xi32> to vector<256x1xi32>
    %add3A_107 = vector.broadcast %mul3A_26 : i32 to vector<256x1xi32>
    %add3A_108 = arith.addi %broadcast_in_dim3A_106, %add3A_107 : vector<256x1xi32>
    %squeeze3A_109 = vector.shape_cast %add3A_108 : vector<256x1xi32> to vector<256xi32>
    %swap3A_110 = arith.constant 0 : index
    %swap3A_111 = arith.constant 0 : index
    %swap3A_112 = arith.constant 3 : index
    %swap3A_113 = vector.load %arg4[%swap3A_110, %swap3A_111, %swap3A_112] : memref<1x256x16xi32, #tpu.memory_space<vmem>>, vector<1x256x1xi32>
    %swap3A_114 = vector.shape_cast %swap3A_113 : vector<1x256x1xi32> to vector<256xi32>
    %swap3A_115 = vector.shape_cast %squeeze3A_109 : vector<256xi32> to vector<1x256x1xi32>
    tpu.vector_store %arg4[%swap3A_110, %swap3A_111, %swap3A_112], %swap3A_115 {strides = array<i32>} : memref<1x256x16xi32, #tpu.memory_space<vmem>>, vector<1x256x1xi32>,
    %eq3A_116 = vector.broadcast %broadcast_in_dim3A_106 : vector<256x1xi32> to vector<256x4096xi32>
    %eq3A_117 = arith.cmpi eq, %iota3A, %eq3A_116 : vector<256x4096xi32>
    %jit3A_118 = arith.constant 1.000000e+30 : f32
    %broadcast_in_dim3A_119 = vector.broadcast %jit3A_118 : f32 to vector<256x4096xf32>
    %select_n3A_120 = arith.select %eq3A_117, %broadcast_in_dim3A_119, %select_n3A_95 : vector<256x4096xi1>, vector<256x4096xf32>
    %reduce_min3A_121 = arith.constant dense<0x7F800000> : vector<256xf32>
    %reduce_min3A_122 = vector.multi_reduction <minimumf>, %select_n3A_120, %reduce_min3A_121 [1] : vector<256x4096xf32> to vector<256xf32>
    %broadcast_in_dim3A_123 = vector.shape_cast %reduce_min3A_122 : vector<256xf32> to vector<256x1xf32>
    %eq3A_124 = vector.broadcast %broadcast_in_dim3A_123 : vector<256x1xf32> to vector<256x4096xf32>
    %eq3A_125 = arith.cmpf oeq, %select_n3A_120, %eq3A_124 : vector<256x4096xf32>
    %jit3A_126 = arith.constant 4096 : i32
    %broadcast_in_dim3A_127 = vector.broadcast %jit3A_126 : i32 to vector<256x4096xi32>
    %select_n3A_128 = arith.select %eq3A_125, %iota3A, %broadcast_in_dim3A_127 : vector<256x4096xi1>, vector<256x4096xi32>
    %reduce_min3A_129 = arith.constant dense<2147483647> : vector<256xi32>
    %reduce_min3A_130 = vector.multi_reduction <minsi>, %select_n3A_128, %reduce_min3A_129 [1] : vector<256x4096xi32> to vector<256xi32>
    %broadcast_in_dim3A_131 = vector.shape_cast %reduce_min3A_130 : vector<256xi32> to vector<256x1xi32>
    %add3A_132 = vector.broadcast %mul3A_26 : i32 to vector<256x1xi32>
    %add3A_133 = arith.addi %broadcast_in_dim3A_131, %add3A_132 : vector<256x1xi32>
    %squeeze3A_134 = vector.shape_cast %add3A_133 : vector<256x1xi32> to vector<256xi32>
    %swap3A_135 = arith.constant 0 : index
    %swap3A_136 = arith.constant 0 : index
    %swap3A_137 = arith.constant 4 : index
    %swap3A_138 = vector.load %arg4[%swap3A_135, %swap3A_136, %swap3A_137] : memref<1x256x16xi32, #tpu.memory_space<vmem>>, vector<1x256x1xi32>
    %swap3A_139 = vector.shape_cast %swap3A_138 : vector<1x256x1xi32> to vector<256xi32>
    %swap3A_140 = vector.shape_cast %squeeze3A_134 : vector<256xi32> to vector<1x256x1xi32>
    tpu.vector_store %arg4[%swap3A_135, %swap3A_136, %swap3A_137], %swap3A_140 {strides = array<i32>} : memref<1x256x16xi32, #tpu.memory_space<vmem>>, vector<1x256x1xi32>,
    %eq3A_141 = vector.broadcast %broadcast_in_dim3A_131 : vector<256x1xi32> to vector<256x4096xi32>
    %eq3A_142 = arith.cmpi eq, %iota3A, %eq3A_141 : vector<256x4096xi32>
    %jit3A_143 = arith.constant 1.000000e+30 : f32
    %broadcast_in_dim3A_144 = vector.broadcast %jit3A_143 : f32 to vector<256x4096xf32>
    %select_n3A_145 = arith.select %eq3A_142, %broadcast_in_dim3A_144, %select_n3A_120 : vector<256x4096xi1>, vector<256x4096xf32>
    %reduce_min3A_146 = arith.constant dense<0x7F800000> : vector<256xf32>
    %reduce_min3A_147 = vector.multi_reduction <minimumf>, %select_n3A_145, %reduce_min3A_146 [1] : vector<256x4096xf32> to vector<256xf32>
    %broadcast_in_dim3A_148 = vector.shape_cast %reduce_min3A_147 : vector<256xf32> to vector<256x1xf32>
    %eq3A_149 = vector.broadcast %broadcast_in_dim3A_148 : vector<256x1xf32> to vector<256x4096xf32>
    %eq3A_150 = arith.cmpf oeq, %select_n3A_145, %eq3A_149 : vector<256x4096xf32>
    %jit3A_151 = arith.constant 4096 : i32
    %broadcast_in_dim3A_152 = vector.broadcast %jit3A_151 : i32 to vector<256x4096xi32>
    %select_n3A_153 = arith.select %eq3A_150, %iota3A, %broadcast_in_dim3A_152 : vector<256x4096xi1>, vector<256x4096xi32>
    %reduce_min3A_154 = arith.constant dense<2147483647> : vector<256xi32>
    %reduce_min3A_155 = vector.multi_reduction <minsi>, %select_n3A_153, %reduce_min3A_154 [1] : vector<256x4096xi32> to vector<256xi32>
    %broadcast_in_dim3A_156 = vector.shape_cast %reduce_min3A_155 : vector<256xi32> to vector<256x1xi32>
    %add3A_157 = vector.broadcast %mul3A_26 : i32 to vector<256x1xi32>
    %add3A_158 = arith.addi %broadcast_in_dim3A_156, %add3A_157 : vector<256x1xi32>
    %squeeze3A_159 = vector.shape_cast %add3A_158 : vector<256x1xi32> to vector<256xi32>
    %swap3A_160 = arith.constant 0 : index
    %swap3A_161 = arith.constant 0 : index
    %swap3A_162 = arith.constant 5 : index
    %swap3A_163 = vector.load %arg4[%swap3A_160, %swap3A_161, %swap3A_162] : memref<1x256x16xi32, #tpu.memory_space<vmem>>, vector<1x256x1xi32>
    %swap3A_164 = vector.shape_cast %swap3A_163 : vector<1x256x1xi32> to vector<256xi32>
    %swap3A_165 = vector.shape_cast %squeeze3A_159 : vector<256xi32> to vector<1x256x1xi32>
    tpu.vector_store %arg4[%swap3A_160, %swap3A_161, %swap3A_162], %swap3A_165 {strides = array<i32>} : memref<1x256x16xi32, #tpu.memory_space<vmem>>, vector<1x256x1xi32>,
    %eq3A_166 = vector.broadcast %broadcast_in_dim3A_156 : vector<256x1xi32> to vector<256x4096xi32>
    %eq3A_167 = arith.cmpi eq, %iota3A, %eq3A_166 : vector<256x4096xi32>
    %jit3A_168 = arith.constant 1.000000e+30 : f32
    %broadcast_in_dim3A_169 = vector.broadcast %jit3A_168 : f32 to vector<256x4096xf32>
    %select_n3A_170 = arith.select %eq3A_167, %broadcast_in_dim3A_169, %select_n3A_145 : vector<256x4096xi1>, vector<256x4096xf32>
    %reduce_min3A_171 = arith.constant dense<0x7F800000> : vector<256xf32>
    %reduce_min3A_172 = vector.multi_reduction <minimumf>, %select_n3A_170, %reduce_min3A_171 [1] : vector<256x4096xf32> to vector<256xf32>
    %broadcast_in_dim3A_173 = vector.shape_cast %reduce_min3A_172 : vector<256xf32> to vector<256x1xf32>
    %eq3A_174 = vector.broadcast %broadcast_in_dim3A_173 : vector<256x1xf32> to vector<256x4096xf32>
    %eq3A_175 = arith.cmpf oeq, %select_n3A_170, %eq3A_174 : vector<256x4096xf32>
    %jit3A_176 = arith.constant 4096 : i32
    %broadcast_in_dim3A_177 = vector.broadcast %jit3A_176 : i32 to vector<256x4096xi32>
    %select_n3A_178 = arith.select %eq3A_175, %iota3A, %broadcast_in_dim3A_177 : vector<256x4096xi1>, vector<256x4096xi32>
    %reduce_min3A_179 = arith.constant dense<2147483647> : vector<256xi32>
    %reduce_min3A_180 = vector.multi_reduction <minsi>, %select_n3A_178, %reduce_min3A_179 [1] : vector<256x4096xi32> to vector<256xi32>
    %broadcast_in_dim3A_181 = vector.shape_cast %reduce_min3A_180 : vector<256xi32> to vector<256x1xi32>
    %add3A_182 = vector.broadcast %mul3A_26 : i32 to vector<256x1xi32>
    %add3A_183 = arith.addi %broadcast_in_dim3A_181, %add3A_182 : vector<256x1xi32>
    %squeeze3A_184 = vector.shape_cast %add3A_183 : vector<256x1xi32> to vector<256xi32>
    %swap3A_185 = arith.constant 0 : index
    %swap3A_186 = arith.constant 0 : index
    %swap3A_187 = arith.constant 6 : index
    %swap3A_188 = vector.load %arg4[%swap3A_185, %swap3A_186, %swap3A_187] : memref<1x256x16xi32, #tpu.memory_space<vmem>>, vector<1x256x1xi32>
    %swap3A_189 = vector.shape_cast %swap3A_188 : vector<1x256x1xi32> to vector<256xi32>
    %swap3A_190 = vector.shape_cast %squeeze3A_184 : vector<256xi32> to vector<1x256x1xi32>
    tpu.vector_store %arg4[%swap3A_185, %swap3A_186, %swap3A_187], %swap3A_190 {strides = array<i32>} : memref<1x256x16xi32, #tpu.memory_space<vmem>>, vector<1x256x1xi32>,
    %eq3A_191 = vector.broadcast %broadcast_in_dim3A_181 : vector<256x1xi32> to vector<256x4096xi32>
    %eq3A_192 = arith.cmpi eq, %iota3A, %eq3A_191 : vector<256x4096xi32>
    %jit3A_193 = arith.constant 1.000000e+30 : f32
    %broadcast_in_dim3A_194 = vector.broadcast %jit3A_193 : f32 to vector<256x4096xf32>
    %select_n3A_195 = arith.select %eq3A_192, %broadcast_in_dim3A_194, %select_n3A_170 : vector<256x4096xi1>, vector<256x4096xf32>
    %reduce_min3A_196 = arith.constant dense<0x7F800000> : vector<256xf32>
    %reduce_min3A_197 = vector.multi_reduction <minimumf>, %select_n3A_195, %reduce_min3A_196 [1] : vector<256x4096xf32> to vector<256xf32>
    %broadcast_in_dim3A_198 = vector.shape_cast %reduce_min3A_197 : vector<256xf32> to vector<256x1xf32>
    %eq3A_199 = vector.broadcast %broadcast_in_dim3A_198 : vector<256x1xf32> to vector<256x4096xf32>
    %eq3A_200 = arith.cmpf oeq, %select_n3A_195, %eq3A_199 : vector<256x4096xf32>
    %jit3A_201 = arith.constant 4096 : i32
    %broadcast_in_dim3A_202 = vector.broadcast %jit3A_201 : i32 to vector<256x4096xi32>
    %select_n3A_203 = arith.select %eq3A_200, %iota3A, %broadcast_in_dim3A_202 : vector<256x4096xi1>, vector<256x4096xi32>
    %reduce_min3A_204 = arith.constant dense<2147483647> : vector<256xi32>
    %reduce_min3A_205 = vector.multi_reduction <minsi>, %select_n3A_203, %reduce_min3A_204 [1] : vector<256x4096xi32> to vector<256xi32>
    %broadcast_in_dim3A_206 = vector.shape_cast %reduce_min3A_205 : vector<256xi32> to vector<256x1xi32>
    %add3A_207 = vector.broadcast %mul3A_26 : i32 to vector<256x1xi32>
    %add3A_208 = arith.addi %broadcast_in_dim3A_206, %add3A_207 : vector<256x1xi32>
    %squeeze3A_209 = vector.shape_cast %add3A_208 : vector<256x1xi32> to vector<256xi32>
    %swap3A_210 = arith.constant 0 : index
    %swap3A_211 = arith.constant 0 : index
    %swap3A_212 = arith.constant 7 : index
    %swap3A_213 = vector.load %arg4[%swap3A_210, %swap3A_211, %swap3A_212] : memref<1x256x16xi32, #tpu.memory_space<vmem>>, vector<1x256x1xi32>
    %swap3A_214 = vector.shape_cast %swap3A_213 : vector<1x256x1xi32> to vector<256xi32>
    %swap3A_215 = vector.shape_cast %squeeze3A_209 : vector<256xi32> to vector<1x256x1xi32>
    tpu.vector_store %arg4[%swap3A_210, %swap3A_211, %swap3A_212], %swap3A_215 {strides = array<i32>} : memref<1x256x16xi32, #tpu.memory_space<vmem>>, vector<1x256x1xi32>,
    %eq3A_216 = vector.broadcast %broadcast_in_dim3A_206 : vector<256x1xi32> to vector<256x4096xi32>
    %eq3A_217 = arith.cmpi eq, %iota3A, %eq3A_216 : vector<256x4096xi32>
    %jit3A_218 = arith.constant 1.000000e+30 : f32
    %broadcast_in_dim3A_219 = vector.broadcast %jit3A_218 : f32 to vector<256x4096xf32>
    %select_n3A_220 = arith.select %eq3A_217, %broadcast_in_dim3A_219, %select_n3A_195 : vector<256x4096xi1>, vector<256x4096xf32>
    %reduce_min3A_221 = arith.constant dense<0x7F800000> : vector<256xf32>
    %reduce_min3A_222 = vector.multi_reduction <minimumf>, %select_n3A_220, %reduce_min3A_221 [1] : vector<256x4096xf32> to vector<256xf32>
    %broadcast_in_dim3A_223 = vector.shape_cast %reduce_min3A_222 : vector<256xf32> to vector<256x1xf32>
    %eq3A_224 = vector.broadcast %broadcast_in_dim3A_223 : vector<256x1xf32> to vector<256x4096xf32>
    %eq3A_225 = arith.cmpf oeq, %select_n3A_220, %eq3A_224 : vector<256x4096xf32>
    %jit3A_226 = arith.constant 4096 : i32
    %broadcast_in_dim3A_227 = vector.broadcast %jit3A_226 : i32 to vector<256x4096xi32>
    %select_n3A_228 = arith.select %eq3A_225, %iota3A, %broadcast_in_dim3A_227 : vector<256x4096xi1>, vector<256x4096xi32>
    %reduce_min3A_229 = arith.constant dense<2147483647> : vector<256xi32>
    %reduce_min3A_230 = vector.multi_reduction <minsi>, %select_n3A_228, %reduce_min3A_229 [1] : vector<256x4096xi32> to vector<256xi32>
    %broadcast_in_dim3A_231 = vector.shape_cast %reduce_min3A_230 : vector<256xi32> to vector<256x1xi32>
    %add3A_232 = vector.broadcast %mul3A_26 : i32 to vector<256x1xi32>
    %add3A_233 = arith.addi %broadcast_in_dim3A_231, %add3A_232 : vector<256x1xi32>
    %squeeze3A_234 = vector.shape_cast %add3A_233 : vector<256x1xi32> to vector<256xi32>
    %swap3A_235 = arith.constant 0 : index
    %swap3A_236 = arith.constant 0 : index
    %swap3A_237 = arith.constant 8 : index
    %swap3A_238 = vector.load %arg4[%swap3A_235, %swap3A_236, %swap3A_237] : memref<1x256x16xi32, #tpu.memory_space<vmem>>, vector<1x256x1xi32>
    %swap3A_239 = vector.shape_cast %swap3A_238 : vector<1x256x1xi32> to vector<256xi32>
    %swap3A_240 = vector.shape_cast %squeeze3A_234 : vector<256xi32> to vector<1x256x1xi32>
    tpu.vector_store %arg4[%swap3A_235, %swap3A_236, %swap3A_237], %swap3A_240 {strides = array<i32>} : memref<1x256x16xi32, #tpu.memory_space<vmem>>, vector<1x256x1xi32>,
    %eq3A_241 = vector.broadcast %broadcast_in_dim3A_231 : vector<256x1xi32> to vector<256x4096xi32>
    %eq3A_242 = arith.cmpi eq, %iota3A, %eq3A_241 : vector<256x4096xi32>
    %jit3A_243 = arith.constant 1.000000e+30 : f32
    %broadcast_in_dim3A_244 = vector.broadcast %jit3A_243 : f32 to vector<256x4096xf32>
    %select_n3A_245 = arith.select %eq3A_242, %broadcast_in_dim3A_244, %select_n3A_220 : vector<256x4096xi1>, vector<256x4096xf32>
    %reduce_min3A_246 = arith.constant dense<0x7F800000> : vector<256xf32>
    %reduce_min3A_247 = vector.multi_reduction <minimumf>, %select_n3A_245, %reduce_min3A_246 [1] : vector<256x4096xf32> to vector<256xf32>
    %broadcast_in_dim3A_248 = vector.shape_cast %reduce_min3A_247 : vector<256xf32> to vector<256x1xf32>
    %eq3A_249 = vector.broadcast %broadcast_in_dim3A_248 : vector<256x1xf32> to vector<256x4096xf32>
    %eq3A_250 = arith.cmpf oeq, %select_n3A_245, %eq3A_249 : vector<256x4096xf32>
    %jit3A_251 = arith.constant 4096 : i32
    %broadcast_in_dim3A_252 = vector.broadcast %jit3A_251 : i32 to vector<256x4096xi32>
    %select_n3A_253 = arith.select %eq3A_250, %iota3A, %broadcast_in_dim3A_252 : vector<256x4096xi1>, vector<256x4096xi32>
    %reduce_min3A_254 = arith.constant dense<2147483647> : vector<256xi32>
    %reduce_min3A_255 = vector.multi_reduction <minsi>, %select_n3A_253, %reduce_min3A_254 [1] : vector<256x4096xi32> to vector<256xi32>
    %broadcast_in_dim3A_256 = vector.shape_cast %reduce_min3A_255 : vector<256xi32> to vector<256x1xi32>
    %add3A_257 = vector.broadcast %mul3A_26 : i32 to vector<256x1xi32>
    %add3A_258 = arith.addi %broadcast_in_dim3A_256, %add3A_257 : vector<256x1xi32>
    %squeeze3A_259 = vector.shape_cast %add3A_258 : vector<256x1xi32> to vector<256xi32>
    %swap3A_260 = arith.constant 0 : index
    %swap3A_261 = arith.constant 0 : index
    %swap3A_262 = arith.constant 9 : index
    %swap3A_263 = vector.load %arg4[%swap3A_260, %swap3A_261, %swap3A_262] : memref<1x256x16xi32, #tpu.memory_space<vmem>>, vector<1x256x1xi32>
    %swap3A_264 = vector.shape_cast %swap3A_263 : vector<1x256x1xi32> to vector<256xi32>
    %swap3A_265 = vector.shape_cast %squeeze3A_259 : vector<256xi32> to vector<1x256x1xi32>
    tpu.vector_store %arg4[%swap3A_260, %swap3A_261, %swap3A_262], %swap3A_265 {strides = array<i32>} : memref<1x256x16xi32, #tpu.memory_space<vmem>>, vector<1x256x1xi32>,
    %eq3A_266 = vector.broadcast %broadcast_in_dim3A_256 : vector<256x1xi32> to vector<256x4096xi32>
    %eq3A_267 = arith.cmpi eq, %iota3A, %eq3A_266 : vector<256x4096xi32>
    %jit3A_268 = arith.constant 1.000000e+30 : f32
    %broadcast_in_dim3A_269 = vector.broadcast %jit3A_268 : f32 to vector<256x4096xf32>
    %select_n3A_270 = arith.select %eq3A_267, %broadcast_in_dim3A_269, %select_n3A_245 : vector<256x4096xi1>, vector<256x4096xf32>
    %reduce_min3A_271 = arith.constant dense<0x7F800000> : vector<256xf32>
    %reduce_min3A_272 = vector.multi_reduction <minimumf>, %select_n3A_270, %reduce_min3A_271 [1] : vector<256x4096xf32> to vector<256xf32>
    %broadcast_in_dim3A_273 = vector.shape_cast %reduce_min3A_272 : vector<256xf32> to vector<256x1xf32>
    %eq3A_274 = vector.broadcast %broadcast_in_dim3A_273 : vector<256x1xf32> to vector<256x4096xf32>
    %eq3A_275 = arith.cmpf oeq, %select_n3A_270, %eq3A_274 : vector<256x4096xf32>
    %jit3A_276 = arith.constant 4096 : i32
    %broadcast_in_dim3A_277 = vector.broadcast %jit3A_276 : i32 to vector<256x4096xi32>
    %select_n3A_278 = arith.select %eq3A_275, %iota3A, %broadcast_in_dim3A_277 : vector<256x4096xi1>, vector<256x4096xi32>
    %reduce_min3A_279 = arith.constant dense<2147483647> : vector<256xi32>
    %reduce_min3A_280 = vector.multi_reduction <minsi>, %select_n3A_278, %reduce_min3A_279 [1] : vector<256x4096xi32> to vector<256xi32>
    %broadcast_in_dim3A_281 = vector.shape_cast %reduce_min3A_280 : vector<256xi32> to vector<256x1xi32>
    %add3A_282 = vector.broadcast %mul3A_26 : i32 to vector<256x1xi32>
    %add3A_283 = arith.addi %broadcast_in_dim3A_281, %add3A_282 : vector<256x1xi32>
    %squeeze3A_284 = vector.shape_cast %add3A_283 : vector<256x1xi32> to vector<256xi32>
    %swap3A_285 = arith.constant 0 : index
    %swap3A_286 = arith.constant 0 : index
    %swap3A_287 = arith.constant 10 : index
    %swap3A_288 = vector.load %arg4[%swap3A_285, %swap3A_286, %swap3A_287] : memref<1x256x16xi32, #tpu.memory_space<vmem>>, vector<1x256x1xi32>
    %swap3A_289 = vector.shape_cast %swap3A_288 : vector<1x256x1xi32> to vector<256xi32>
    %swap3A_290 = vector.shape_cast %squeeze3A_284 : vector<256xi32> to vector<1x256x1xi32>
    tpu.vector_store %arg4[%swap3A_285, %swap3A_286, %swap3A_287], %swap3A_290 {strides = array<i32>} : memref<1x256x16xi32, #tpu.memory_space<vmem>>, vector<1x256x1xi32>,
    %eq3A_291 = vector.broadcast %broadcast_in_dim3A_281 : vector<256x1xi32> to vector<256x4096xi32>
    %eq3A_292 = arith.cmpi eq, %iota3A, %eq3A_291 : vector<256x4096xi32>
    %jit3A_293 = arith.constant 1.000000e+30 : f32
    %broadcast_in_dim3A_294 = vector.broadcast %jit3A_293 : f32 to vector<256x4096xf32>
    %select_n3A_295 = arith.select %eq3A_292, %broadcast_in_dim3A_294, %select_n3A_270 : vector<256x4096xi1>, vector<256x4096xf32>
    %reduce_min3A_296 = arith.constant dense<0x7F800000> : vector<256xf32>
    %reduce_min3A_297 = vector.multi_reduction <minimumf>, %select_n3A_295, %reduce_min3A_296 [1] : vector<256x4096xf32> to vector<256xf32>
    %broadcast_in_dim3A_298 = vector.shape_cast %reduce_min3A_297 : vector<256xf32> to vector<256x1xf32>
    %eq3A_299 = vector.broadcast %broadcast_in_dim3A_298 : vector<256x1xf32> to vector<256x4096xf32>
    %eq3A_300 = arith.cmpf oeq, %select_n3A_295, %eq3A_299 : vector<256x4096xf32>
    %jit3A_301 = arith.constant 4096 : i32
    %broadcast_in_dim3A_302 = vector.broadcast %jit3A_301 : i32 to vector<256x4096xi32>
    %select_n3A_303 = arith.select %eq3A_300, %iota3A, %broadcast_in_dim3A_302 : vector<256x4096xi1>, vector<256x4096xi32>
    %reduce_min3A_304 = arith.constant dense<2147483647> : vector<256xi32>
    %reduce_min3A_305 = vector.multi_reduction <minsi>, %select_n3A_303, %reduce_min3A_304 [1] : vector<256x4096xi32> to vector<256xi32>
    %broadcast_in_dim3A_306 = vector.shape_cast %reduce_min3A_305 : vector<256xi32> to vector<256x1xi32>
    %add3A_307 = vector.broadcast %mul3A_26 : i32 to vector<256x1xi32>
    %add3A_308 = arith.addi %broadcast_in_dim3A_306, %add3A_307 : vector<256x1xi32>
    %squeeze3A_309 = vector.shape_cast %add3A_308 : vector<256x1xi32> to vector<256xi32>
    %swap3A_310 = arith.constant 0 : index
    %swap3A_311 = arith.constant 0 : index
    %swap3A_312 = arith.constant 11 : index
    %swap3A_313 = vector.load %arg4[%swap3A_310, %swap3A_311, %swap3A_312] : memref<1x256x16xi32, #tpu.memory_space<vmem>>, vector<1x256x1xi32>
    %swap3A_314 = vector.shape_cast %swap3A_313 : vector<1x256x1xi32> to vector<256xi32>
    %swap3A_315 = vector.shape_cast %squeeze3A_309 : vector<256xi32> to vector<1x256x1xi32>
    tpu.vector_store %arg4[%swap3A_310, %swap3A_311, %swap3A_312], %swap3A_315 {strides = array<i32>} : memref<1x256x16xi32, #tpu.memory_space<vmem>>, vector<1x256x1xi32>,
    %eq3A_316 = vector.broadcast %broadcast_in_dim3A_306 : vector<256x1xi32> to vector<256x4096xi32>
    %eq3A_317 = arith.cmpi eq, %iota3A, %eq3A_316 : vector<256x4096xi32>
    %jit3A_318 = arith.constant 1.000000e+30 : f32
    %broadcast_in_dim3A_319 = vector.broadcast %jit3A_318 : f32 to vector<256x4096xf32>
    %select_n3A_320 = arith.select %eq3A_317, %broadcast_in_dim3A_319, %select_n3A_295 : vector<256x4096xi1>, vector<256x4096xf32>
    %reduce_min3A_321 = arith.constant dense<0x7F800000> : vector<256xf32>
    %reduce_min3A_322 = vector.multi_reduction <minimumf>, %select_n3A_320, %reduce_min3A_321 [1] : vector<256x4096xf32> to vector<256xf32>
    %broadcast_in_dim3A_323 = vector.shape_cast %reduce_min3A_322 : vector<256xf32> to vector<256x1xf32>
    %eq3A_324 = vector.broadcast %broadcast_in_dim3A_323 : vector<256x1xf32> to vector<256x4096xf32>
    %eq3A_325 = arith.cmpf oeq, %select_n3A_320, %eq3A_324 : vector<256x4096xf32>
    %jit3A_326 = arith.constant 4096 : i32
    %broadcast_in_dim3A_327 = vector.broadcast %jit3A_326 : i32 to vector<256x4096xi32>
    %select_n3A_328 = arith.select %eq3A_325, %iota3A, %broadcast_in_dim3A_327 : vector<256x4096xi1>, vector<256x4096xi32>
    %reduce_min3A_329 = arith.constant dense<2147483647> : vector<256xi32>
    %reduce_min3A_330 = vector.multi_reduction <minsi>, %select_n3A_328, %reduce_min3A_329 [1] : vector<256x4096xi32> to vector<256xi32>
    %broadcast_in_dim3A_331 = vector.shape_cast %reduce_min3A_330 : vector<256xi32> to vector<256x1xi32>
    %add3A_332 = vector.broadcast %mul3A_26 : i32 to vector<256x1xi32>
    %add3A_333 = arith.addi %broadcast_in_dim3A_331, %add3A_332 : vector<256x1xi32>
    %squeeze3A_334 = vector.shape_cast %add3A_333 : vector<256x1xi32> to vector<256xi32>
    %swap3A_335 = arith.constant 0 : index
    %swap3A_336 = arith.constant 0 : index
    %swap3A_337 = arith.constant 12 : index
    %swap3A_338 = vector.load %arg4[%swap3A_335, %swap3A_336, %swap3A_337] : memref<1x256x16xi32, #tpu.memory_space<vmem>>, vector<1x256x1xi32>
    %swap3A_339 = vector.shape_cast %swap3A_338 : vector<1x256x1xi32> to vector<256xi32>
    %swap3A_340 = vector.shape_cast %squeeze3A_334 : vector<256xi32> to vector<1x256x1xi32>
    tpu.vector_store %arg4[%swap3A_335, %swap3A_336, %swap3A_337], %swap3A_340 {strides = array<i32>} : memref<1x256x16xi32, #tpu.memory_space<vmem>>, vector<1x256x1xi32>,
    %eq3A_341 = vector.broadcast %broadcast_in_dim3A_331 : vector<256x1xi32> to vector<256x4096xi32>
    %eq3A_342 = arith.cmpi eq, %iota3A, %eq3A_341 : vector<256x4096xi32>
    %jit3A_343 = arith.constant 1.000000e+30 : f32
    %broadcast_in_dim3A_344 = vector.broadcast %jit3A_343 : f32 to vector<256x4096xf32>
    %select_n3A_345 = arith.select %eq3A_342, %broadcast_in_dim3A_344, %select_n3A_320 : vector<256x4096xi1>, vector<256x4096xf32>
    %reduce_min3A_346 = arith.constant dense<0x7F800000> : vector<256xf32>
    %reduce_min3A_347 = vector.multi_reduction <minimumf>, %select_n3A_345, %reduce_min3A_346 [1] : vector<256x4096xf32> to vector<256xf32>
    %broadcast_in_dim3A_348 = vector.shape_cast %reduce_min3A_347 : vector<256xf32> to vector<256x1xf32>
    %eq3A_349 = vector.broadcast %broadcast_in_dim3A_348 : vector<256x1xf32> to vector<256x4096xf32>
    %eq3A_350 = arith.cmpf oeq, %select_n3A_345, %eq3A_349 : vector<256x4096xf32>
    %jit3A_351 = arith.constant 4096 : i32
    %broadcast_in_dim3A_352 = vector.broadcast %jit3A_351 : i32 to vector<256x4096xi32>
    %select_n3A_353 = arith.select %eq3A_350, %iota3A, %broadcast_in_dim3A_352 : vector<256x4096xi1>, vector<256x4096xi32>
    %reduce_min3A_354 = arith.constant dense<2147483647> : vector<256xi32>
    %reduce_min3A_355 = vector.multi_reduction <minsi>, %select_n3A_353, %reduce_min3A_354 [1] : vector<256x4096xi32> to vector<256xi32>
    %broadcast_in_dim3A_356 = vector.shape_cast %reduce_min3A_355 : vector<256xi32> to vector<256x1xi32>
    %add3A_357 = vector.broadcast %mul3A_26 : i32 to vector<256x1xi32>
    %add3A_358 = arith.addi %broadcast_in_dim3A_356, %add3A_357 : vector<256x1xi32>
    %squeeze3A_359 = vector.shape_cast %add3A_358 : vector<256x1xi32> to vector<256xi32>
    %swap3A_360 = arith.constant 0 : index
    %swap3A_361 = arith.constant 0 : index
    %swap3A_362 = arith.constant 13 : index
    %swap3A_363 = vector.load %arg4[%swap3A_360, %swap3A_361, %swap3A_362] : memref<1x256x16xi32, #tpu.memory_space<vmem>>, vector<1x256x1xi32>
    %swap3A_364 = vector.shape_cast %swap3A_363 : vector<1x256x1xi32> to vector<256xi32>
    %swap3A_365 = vector.shape_cast %squeeze3A_359 : vector<256xi32> to vector<1x256x1xi32>
    tpu.vector_store %arg4[%swap3A_360, %swap3A_361, %swap3A_362], %swap3A_365 {strides = array<i32>} : memref<1x256x16xi32, #tpu.memory_space<vmem>>, vector<1x256x1xi32>,
    %eq3A_366 = vector.broadcast %broadcast_in_dim3A_356 : vector<256x1xi32> to vector<256x4096xi32>
    %eq3A_367 = arith.cmpi eq, %iota3A, %eq3A_366 : vector<256x4096xi32>
    %jit3A_368 = arith.constant 1.000000e+30 : f32
    %broadcast_in_dim3A_369 = vector.broadcast %jit3A_368 : f32 to vector<256x4096xf32>
    %select_n3A_370 = arith.select %eq3A_367, %broadcast_in_dim3A_369, %select_n3A_345 : vector<256x4096xi1>, vector<256x4096xf32>
    %reduce_min3A_371 = arith.constant dense<0x7F800000> : vector<256xf32>
    %reduce_min3A_372 = vector.multi_reduction <minimumf>, %select_n3A_370, %reduce_min3A_371 [1] : vector<256x4096xf32> to vector<256xf32>
    %broadcast_in_dim3A_373 = vector.shape_cast %reduce_min3A_372 : vector<256xf32> to vector<256x1xf32>
    %eq3A_374 = vector.broadcast %broadcast_in_dim3A_373 : vector<256x1xf32> to vector<256x4096xf32>
    %eq3A_375 = arith.cmpf oeq, %select_n3A_370, %eq3A_374 : vector<256x4096xf32>
    %jit3A_376 = arith.constant 4096 : i32
    %broadcast_in_dim3A_377 = vector.broadcast %jit3A_376 : i32 to vector<256x4096xi32>
    %select_n3A_378 = arith.select %eq3A_375, %iota3A, %broadcast_in_dim3A_377 : vector<256x4096xi1>, vector<256x4096xi32>
    %reduce_min3A_379 = arith.constant dense<2147483647> : vector<256xi32>
    %reduce_min3A_380 = vector.multi_reduction <minsi>, %select_n3A_378, %reduce_min3A_379 [1] : vector<256x4096xi32> to vector<256xi32>
    %broadcast_in_dim3A_381 = vector.shape_cast %reduce_min3A_380 : vector<256xi32> to vector<256x1xi32>
    %add3A_382 = vector.broadcast %mul3A_26 : i32 to vector<256x1xi32>
    %add3A_383 = arith.addi %broadcast_in_dim3A_381, %add3A_382 : vector<256x1xi32>
    %squeeze3A_384 = vector.shape_cast %add3A_383 : vector<256x1xi32> to vector<256xi32>
    %swap3A_385 = arith.constant 0 : index
    %swap3A_386 = arith.constant 0 : index
    %swap3A_387 = arith.constant 14 : index
    %swap3A_388 = vector.load %arg4[%swap3A_385, %swap3A_386, %swap3A_387] : memref<1x256x16xi32, #tpu.memory_space<vmem>>, vector<1x256x1xi32>
    %swap3A_389 = vector.shape_cast %swap3A_388 : vector<1x256x1xi32> to vector<256xi32>
    %swap3A_390 = vector.shape_cast %squeeze3A_384 : vector<256xi32> to vector<1x256x1xi32>
    tpu.vector_store %arg4[%swap3A_385, %swap3A_386, %swap3A_387], %swap3A_390 {strides = array<i32>} : memref<1x256x16xi32, #tpu.memory_space<vmem>>, vector<1x256x1xi32>,
    %eq3A_391 = vector.broadcast %broadcast_in_dim3A_381 : vector<256x1xi32> to vector<256x4096xi32>
    %eq3A_392 = arith.cmpi eq, %iota3A, %eq3A_391 : vector<256x4096xi32>
    %jit3A_393 = arith.constant 1.000000e+30 : f32
    %broadcast_in_dim3A_394 = vector.broadcast %jit3A_393 : f32 to vector<256x4096xf32>
    %select_n3A_395 = arith.select %eq3A_392, %broadcast_in_dim3A_394, %select_n3A_370 : vector<256x4096xi1>, vector<256x4096xf32>
    %reduce_min3A_396 = arith.constant dense<0x7F800000> : vector<256xf32>
    %reduce_min3A_397 = vector.multi_reduction <minimumf>, %select_n3A_395, %reduce_min3A_396 [1] : vector<256x4096xf32> to vector<256xf32>
    %broadcast_in_dim3A_398 = vector.shape_cast %reduce_min3A_397 : vector<256xf32> to vector<256x1xf32>
    %eq3A_399 = vector.broadcast %broadcast_in_dim3A_398 : vector<256x1xf32> to vector<256x4096xf32>
    %eq3A_400 = arith.cmpf oeq, %select_n3A_395, %eq3A_399 : vector<256x4096xf32>
    %jit3A_401 = arith.constant 4096 : i32
    %broadcast_in_dim3A_402 = vector.broadcast %jit3A_401 : i32 to vector<256x4096xi32>
    %select_n3A_403 = arith.select %eq3A_400, %iota3A, %broadcast_in_dim3A_402 : vector<256x4096xi1>, vector<256x4096xi32>
    %reduce_min3A_404 = arith.constant dense<2147483647> : vector<256xi32>
    %reduce_min3A_405 = vector.multi_reduction <minsi>, %select_n3A_403, %reduce_min3A_404 [1] : vector<256x4096xi32> to vector<256xi32>
    %broadcast_in_dim3A_406 = vector.shape_cast %reduce_min3A_405 : vector<256xi32> to vector<256x1xi32>
    %add3A_407 = vector.broadcast %mul3A_26 : i32 to vector<256x1xi32>
    %add3A_408 = arith.addi %broadcast_in_dim3A_406, %add3A_407 : vector<256x1xi32>
    %squeeze3A_409 = vector.shape_cast %add3A_408 : vector<256x1xi32> to vector<256xi32>
    %swap3A_410 = arith.constant 0 : index
    %swap3A_411 = arith.constant 0 : index
    %swap3A_412 = arith.constant 15 : index
    %swap3A_413 = vector.load %arg4[%swap3A_410, %swap3A_411, %swap3A_412] : memref<1x256x16xi32, #tpu.memory_space<vmem>>, vector<1x256x1xi32>
    %swap3A_414 = vector.shape_cast %swap3A_413 : vector<1x256x1xi32> to vector<256xi32>
    %swap3A_415 = vector.shape_cast %squeeze3A_409 : vector<256xi32> to vector<1x256x1xi32>
    tpu.vector_store %arg4[%swap3A_410, %swap3A_411, %swap3A_412], %swap3A_415 {strides = array<i32>} : memref<1x256x16xi32, #tpu.memory_space<vmem>>, vector<1x256x1xi32>,
    return
  }
  func.func @transform_0(%arg0: i32, %arg1: i32) -> (i32, i32, i32) {
    %c0_i32 = arith.constant 0 : i32
    %c0_i32_0 = arith.constant 0 : i32
    return %arg0, %arg1, %c0_i32 : i32, i32, i32
  }
  func.func @transform_1(%arg0: i32, %arg1: i32) -> (i32, i32, i32) {
    %c0_i32 = arith.constant 0 : i32
    %c0_i32_0 = arith.constant 0 : i32
    %c0_i32_1 = arith.constant 0 : i32
    return %arg0, %c0_i32, %c0_i32_0 : i32, i32, i32
  }
  func.func @transform_2(%arg0: i32, %arg1: i32) -> (i32, i32, i32) {
    %c0_i32 = arith.constant 0 : i32
    %c0_i32_0 = arith.constant 0 : i32
    return %arg0, %arg1, %c0_i32 : i32, i32, i32
  }
}

module attributes {stable_mosaic.version = 14 : i64} {
  func.func @_transform_body(%arg0: i32, %arg1: memref<1x4096x35xf32, #tpu.memory_space<vmem>>, %arg2: memref<35x128xf32, #tpu.memory_space<vmem>>, %arg3: memref<1x128xf32, #tpu.memory_space<vmem>>, %arg4: memref<1x4096x128xf32, #tpu.memory_space<vmem>>) attributes {dimension_semantics = [#tpu.dimension_semantics<arbitrary>], iteration_bounds = array<i64: 8>, scalar_prefetch = 0 : i64, scratch_operands = 0 : i64, tpu.core_type = #tpu.core_type<tc>, window_params = [{transform_indices = @transform_0, window_bounds = array<i64: 1, 4096, 35>}, {pipeline_mode = #tpu.pipeline_mode<synchronous>, transform_indices = @transform_1, window_bounds = array<i64: 35, 128>}, {pipeline_mode = #tpu.pipeline_mode<synchronous>, transform_indices = @transform_2, window_bounds = array<i64: 1, 128>}, {transform_indices = @transform_3, window_bounds = array<i64: 1, 4096, 128>}]} {
    %get3A = arith.constant 0 : index
    %get3A_0 = arith.constant 0 : index
    %get3A_1 = arith.constant 0 : index
    %get3A_2 = vector.load %arg1[%get3A, %get3A_0, %get3A_1] : memref<1x4096x35xf32, #tpu.memory_space<vmem>>, vector<1x4096x35xf32>
    %get3A_3 = vector.shape_cast %get3A_2 : vector<1x4096x35xf32> to vector<4096x35xf32>
    %get3A_4 = arith.constant 0 : index
    %get3A_5 = arith.constant 0 : index
    %get3A_6 = vector.load %arg2[%get3A_4, %get3A_5] : memref<35x128xf32, #tpu.memory_space<vmem>>, vector<35x128xf32>
    %dot_general3A = arith.constant dense<0.000000e+00> : vector<4096x128xf32>
    %dot_general3A_7 = tpu.matmul %get3A_3, %get3A_6, %dot_general3A {dimension_numbers = #tpu.dot_dimension_numbers<[1], [0], [0], [1], [0, 0, 1, 1], [], []>, transpose_lhs_hint = false} : vector<4096x35xf32>, vector<35x128xf32>, vector<4096x128xf32> -> vector<4096x128xf32>
    %get3A_8 = arith.constant 0 : index
    %get3A_9 = arith.constant 0 : index
    %get3A_10 = vector.load %arg3[%get3A_8, %get3A_9] : memref<1x128xf32, #tpu.memory_space<vmem>>, vector<1x128xf32>
    %add3A = vector.broadcast %get3A_10 : vector<1x128xf32> to vector<4096x128xf32>
    %add3A_11 = arith.addf %dot_general3A_7, %add3A : vector<4096x128xf32>
    %swap3A = arith.constant 0 : index
    %swap3A_12 = arith.constant 0 : index
    %swap3A_13 = arith.constant 0 : index
    %swap3A_14 = vector.load %arg4[%swap3A, %swap3A_12, %swap3A_13] : memref<1x4096x128xf32, #tpu.memory_space<vmem>>, vector<1x4096x128xf32>
    %swap3A_15 = vector.shape_cast %swap3A_14 : vector<1x4096x128xf32> to vector<4096x128xf32>
    %swap3A_16 = vector.shape_cast %add3A_11 : vector<4096x128xf32> to vector<1x4096x128xf32>
    tpu.vector_store %arg4[%swap3A, %swap3A_12, %swap3A_13], %swap3A_16 {strides = array<i32>} : memref<1x4096x128xf32, #tpu.memory_space<vmem>>, vector<1x4096x128xf32>,
    return
  }
  func.func @transform_0(%arg0: i32) -> (i32, i32, i32) {
    %c0_i32 = arith.constant 0 : i32
    %c0_i32_0 = arith.constant 0 : i32
    %c0_i32_1 = arith.constant 0 : i32
    return %arg0, %c0_i32, %c0_i32_0 : i32, i32, i32
  }
  func.func @transform_1(%arg0: i32) -> (i32, i32) {
    %c0_i32 = arith.constant 0 : i32
    %c0_i32_0 = arith.constant 0 : i32
    %c0_i32_1 = arith.constant 0 : i32
    return %c0_i32, %c0_i32_0 : i32, i32
  }
  func.func @transform_2(%arg0: i32) -> (i32, i32) {
    %c0_i32 = arith.constant 0 : i32
    %c0_i32_0 = arith.constant 0 : i32
    %c0_i32_1 = arith.constant 0 : i32
    return %c0_i32, %c0_i32_0 : i32, i32
  }
  func.func @transform_3(%arg0: i32) -> (i32, i32, i32) {
    %c0_i32 = arith.constant 0 : i32
    %c0_i32_0 = arith.constant 0 : i32
    %c0_i32_1 = arith.constant 0 : i32
    return %arg0, %c0_i32, %c0_i32_0 : i32, i32, i32
  }
}

module attributes {stable_mosaic.version = 14 : i64} {
  func.func @_knn_body(%arg0: i32, %arg1: i32, %arg2: memref<1x256x3xf32, #tpu.memory_space<vmem>>, %arg3: memref<1x3x4096xf32, #tpu.memory_space<vmem>>, %arg4: memref<1x256x16xi32, #tpu.memory_space<vmem>>) attributes {dimension_semantics = [#tpu.dimension_semantics<arbitrary>, #tpu.dimension_semantics<arbitrary>], iteration_bounds = array<i64: 4, 4>, scalar_prefetch = 0 : i64, scratch_operands = 0 : i64, tpu.core_type = #tpu.core_type<tc>, window_params = [{transform_indices = @transform_0, window_bounds = array<i64: 1, 256, 3>}, {transform_indices = @transform_1, window_bounds = array<i64: 1, 3, 4096>}, {transform_indices = @transform_2, window_bounds = array<i64: 1, 256, 16>}]} {
    %add3A = arith.constant 4 : i32
    %add3A_0 = arith.addi %arg0, %add3A : i32
    %get3A = arith.constant 0 : index
    %get3A_1 = arith.constant 0 : index
    %get3A_2 = arith.constant 0 : index
    %get3A_3 = vector.load %arg2[%get3A, %get3A_1, %get3A_2] : memref<1x256x3xf32, #tpu.memory_space<vmem>>, vector<1x256x3xf32>
    %get3A_4 = vector.shape_cast %get3A_3 : vector<1x256x3xf32> to vector<256x3xf32>
    %get3A_5 = arith.constant 0 : index
    %get3A_6 = arith.constant 0 : index
    %get3A_7 = arith.constant 0 : index
    %get3A_8 = vector.load %arg3[%get3A_5, %get3A_6, %get3A_7] : memref<1x3x4096xf32, #tpu.memory_space<vmem>>, vector<1x3x4096xf32>
    %get3A_9 = vector.shape_cast %get3A_8 : vector<1x3x4096xf32> to vector<3x4096xf32>
    %dot_general3A = arith.constant dense<0.000000e+00> : vector<256x4096xf32>
    %dot_general3A_10 = tpu.matmul %get3A_4, %get3A_9, %dot_general3A {dimension_numbers = #tpu.dot_dimension_numbers<[1], [0], [0], [1], [0, 0, 1, 1], [], []>, transpose_lhs_hint = false} : vector<256x3xf32>, vector<3x4096xf32>, vector<256x4096xf32> -> vector<256x4096xf32>
    %mul3A = arith.constant -2.000000e+00 : f32
    %mul3A_11 = vector.broadcast %mul3A : f32 to vector<256x4096xf32>
    %mul3A_12 = arith.mulf %mul3A_11, %dot_general3A_10 : vector<256x4096xf32>
    %mul3A_13 = arith.mulf %get3A_4, %get3A_4 : vector<256x3xf32>
    %reduce_sum3A = arith.constant dense<0.000000e+00> : vector<256xf32>
    %reduce_sum3A_14 = vector.multi_reduction <add>, %mul3A_13, %reduce_sum3A [1] : vector<256x3xf32> to vector<256xf32>
    %broadcast_in_dim3A = vector.shape_cast %reduce_sum3A_14 : vector<256xf32> to vector<256x1xf32>
    %add3A_15 = vector.broadcast %broadcast_in_dim3A : vector<256x1xf32> to vector<256x4096xf32>
    %add3A_16 = arith.addf %mul3A_12, %add3A_15 : vector<256x4096xf32>
    %mul3A_17 = arith.mulf %get3A_9, %get3A_9 : vector<3x4096xf32>
    %reduce_sum3A_18 = arith.constant dense<0.000000e+00> : vector<4096xf32>
    %reduce_sum3A_19 = vector.multi_reduction <add>, %mul3A_17, %reduce_sum3A_18 [0] : vector<3x4096xf32> to vector<4096xf32>
    %broadcast_in_dim3A_20 = vector.shape_cast %reduce_sum3A_19 : vector<4096xf32> to vector<1x4096xf32>
    %add3A_21 = vector.broadcast %broadcast_in_dim3A_20 : vector<1x4096xf32> to vector<256x4096xf32>
    %add3A_22 = arith.addf %add3A_16, %add3A_21 : vector<256x4096xf32>
    %max3A = arith.constant 0.000000e+00 : f32
    %max3A_23 = vector.broadcast %max3A : f32 to vector<256x4096xf32>
    %max3A_24 = arith.maximumf %add3A_22, %max3A_23 : vector<256x4096xf32>
    %iota3A = tpu.iota {dimensions = array<i32: 1>} : vector<256x4096xi32>
    %mul3A_25 = arith.constant 4096 : i32
    %mul3A_26 = arith.muli %add3A_0, %mul3A_25 : i32
    %reduce_min3A = arith.constant dense<0x7F800000> : vector<256xf32>
    %reduce_min3A_27 = vector.multi_reduction <minimumf>, %max3A_24, %reduce_min3A [1] : vector<256x4096xf32> to vector<256xf32>
    %broadcast_in_dim3A_28 = vector.shape_cast %reduce_min3A_27 : vector<256xf32> to vector<256x1xf32>
    %eq3A = vector.broadcast %broadcast_in_dim3A_28 : vector<256x1xf32> to vector<256x4096xf32>
    %eq3A_29 = arith.cmpf oeq, %max3A_24, %eq3A : vector<256x4096xf32>
    %jit3A = arith.constant 4096 : i32
    %broadcast_in_dim3A_30 = vector.broadcast %jit3A : i32 to vector<256x4096xi32>
    %select_n3A = arith.select %eq3A_29, %iota3A, %broadcast_in_dim3A_30 : vector<256x4096xi1>, vector<256x4096xi32>
    %reduce_min3A_31 = arith.constant dense<2147483647> : vector<256xi32>
    %reduce_min3A_32 = vector.multi_reduction <minsi>, %select_n3A, %reduce_min3A_31 [1] : vector<256x4096xi32> to vector<256xi32>
    %broadcast_in_dim3A_33 = vector.shape_cast %reduce_min3A_32 : vector<256xi32> to vector<256x1xi32>
    %add3A_34 = vector.broadcast %mul3A_26 : i32 to vector<256x1xi32>
    %add3A_35 = arith.addi %broadcast_in_dim3A_33, %add3A_34 : vector<256x1xi32>
    %squeeze3A = vector.shape_cast %add3A_35 : vector<256x1xi32> to vector<256xi32>
    %swap3A = arith.constant 0 : index
    %swap3A_36 = arith.constant 0 : index
    %swap3A_37 = arith.constant 0 : index
    %swap3A_38 = vector.load %arg4[%swap3A, %swap3A_36, %swap3A_37] : memref<1x256x16xi32, #tpu.memory_space<vmem>>, vector<1x256x1xi32>
    %swap3A_39 = vector.shape_cast %swap3A_38 : vector<1x256x1xi32> to vector<256xi32>
    %swap3A_40 = vector.shape_cast %squeeze3A : vector<256xi32> to vector<1x256x1xi32>
    tpu.vector_store %arg4[%swap3A, %swap3A_36, %swap3A_37], %swap3A_40 {strides = array<i32>} : memref<1x256x16xi32, #tpu.memory_space<vmem>>, vector<1x256x1xi32>,
    %eq3A_41 = vector.broadcast %broadcast_in_dim3A_33 : vector<256x1xi32> to vector<256x4096xi32>
    %eq3A_42 = arith.cmpi eq, %iota3A, %eq3A_41 : vector<256x4096xi32>
    %jit3A_43 = arith.constant 1.000000e+30 : f32
    %broadcast_in_dim3A_44 = vector.broadcast %jit3A_43 : f32 to vector<256x4096xf32>
    %select_n3A_45 = arith.select %eq3A_42, %broadcast_in_dim3A_44, %max3A_24 : vector<256x4096xi1>, vector<256x4096xf32>
    %reduce_min3A_46 = arith.constant dense<0x7F800000> : vector<256xf32>
    %reduce_min3A_47 = vector.multi_reduction <minimumf>, %select_n3A_45, %reduce_min3A_46 [1] : vector<256x4096xf32> to vector<256xf32>
    %broadcast_in_dim3A_48 = vector.shape_cast %reduce_min3A_47 : vector<256xf32> to vector<256x1xf32>
    %eq3A_49 = vector.broadcast %broadcast_in_dim3A_48 : vector<256x1xf32> to vector<256x4096xf32>
    %eq3A_50 = arith.cmpf oeq, %select_n3A_45, %eq3A_49 : vector<256x4096xf32>
    %jit3A_51 = arith.constant 4096 : i32
    %broadcast_in_dim3A_52 = vector.broadcast %jit3A_51 : i32 to vector<256x4096xi32>
    %select_n3A_53 = arith.select %eq3A_50, %iota3A, %broadcast_in_dim3A_52 : vector<256x4096xi1>, vector<256x4096xi32>
    %reduce_min3A_54 = arith.constant dense<2147483647> : vector<256xi32>
    %reduce_min3A_55 = vector.multi_reduction <minsi>, %select_n3A_53, %reduce_min3A_54 [1] : vector<256x4096xi32> to vector<256xi32>
    %broadcast_in_dim3A_56 = vector.shape_cast %reduce_min3A_55 : vector<256xi32> to vector<256x1xi32>
    %add3A_57 = vector.broadcast %mul3A_26 : i32 to vector<256x1xi32>
    %add3A_58 = arith.addi %broadcast_in_dim3A_56, %add3A_57 : vector<256x1xi32>
    %squeeze3A_59 = vector.shape_cast %add3A_58 : vector<256x1xi32> to vector<256xi32>
    %swap3A_60 = arith.constant 0 : index
    %swap3A_61 = arith.constant 0 : index
    %swap3A_62 = arith.constant 1 : index
    %swap3A_63 = vector.load %arg4[%swap3A_60, %swap3A_61, %swap3A_62] : memref<1x256x16xi32, #tpu.memory_space<vmem>>, vector<1x256x1xi32>
    %swap3A_64 = vector.shape_cast %swap3A_63 : vector<1x256x1xi32> to vector<256xi32>
    %swap3A_65 = vector.shape_cast %squeeze3A_59 : vector<256xi32> to vector<1x256x1xi32>
    tpu.vector_store %arg4[%swap3A_60, %swap3A_61, %swap3A_62], %swap3A_65 {strides = array<i32>} : memref<1x256x16xi32, #tpu.memory_space<vmem>>, vector<1x256x1xi32>,
    %eq3A_66 = vector.broadcast %broadcast_in_dim3A_56 : vector<256x1xi32> to vector<256x4096xi32>
    %eq3A_67 = arith.cmpi eq, %iota3A, %eq3A_66 : vector<256x4096xi32>
    %jit3A_68 = arith.constant 1.000000e+30 : f32
    %broadcast_in_dim3A_69 = vector.broadcast %jit3A_68 : f32 to vector<256x4096xf32>
    %select_n3A_70 = arith.select %eq3A_67, %broadcast_in_dim3A_69, %select_n3A_45 : vector<256x4096xi1>, vector<256x4096xf32>
    %reduce_min3A_71 = arith.constant dense<0x7F800000> : vector<256xf32>
    %reduce_min3A_72 = vector.multi_reduction <minimumf>, %select_n3A_70, %reduce_min3A_71 [1] : vector<256x4096xf32> to vector<256xf32>
    %broadcast_in_dim3A_73 = vector.shape_cast %reduce_min3A_72 : vector<256xf32> to vector<256x1xf32>
    %eq3A_74 = vector.broadcast %broadcast_in_dim3A_73 : vector<256x1xf32> to vector<256x4096xf32>
    %eq3A_75 = arith.cmpf oeq, %select_n3A_70, %eq3A_74 : vector<256x4096xf32>
    %jit3A_76 = arith.constant 4096 : i32
    %broadcast_in_dim3A_77 = vector.broadcast %jit3A_76 : i32 to vector<256x4096xi32>
    %select_n3A_78 = arith.select %eq3A_75, %iota3A, %broadcast_in_dim3A_77 : vector<256x4096xi1>, vector<256x4096xi32>
    %reduce_min3A_79 = arith.constant dense<2147483647> : vector<256xi32>
    %reduce_min3A_80 = vector.multi_reduction <minsi>, %select_n3A_78, %reduce_min3A_79 [1] : vector<256x4096xi32> to vector<256xi32>
    %broadcast_in_dim3A_81 = vector.shape_cast %reduce_min3A_80 : vector<256xi32> to vector<256x1xi32>
    %add3A_82 = vector.broadcast %mul3A_26 : i32 to vector<256x1xi32>
    %add3A_83 = arith.addi %broadcast_in_dim3A_81, %add3A_82 : vector<256x1xi32>
    %squeeze3A_84 = vector.shape_cast %add3A_83 : vector<256x1xi32> to vector<256xi32>
    %swap3A_85 = arith.constant 0 : index
    %swap3A_86 = arith.constant 0 : index
    %swap3A_87 = arith.constant 2 : index
    %swap3A_88 = vector.load %arg4[%swap3A_85, %swap3A_86, %swap3A_87] : memref<1x256x16xi32, #tpu.memory_space<vmem>>, vector<1x256x1xi32>
    %swap3A_89 = vector.shape_cast %swap3A_88 : vector<1x256x1xi32> to vector<256xi32>
    %swap3A_90 = vector.shape_cast %squeeze3A_84 : vector<256xi32> to vector<1x256x1xi32>
    tpu.vector_store %arg4[%swap3A_85, %swap3A_86, %swap3A_87], %swap3A_90 {strides = array<i32>} : memref<1x256x16xi32, #tpu.memory_space<vmem>>, vector<1x256x1xi32>,
    %eq3A_91 = vector.broadcast %broadcast_in_dim3A_81 : vector<256x1xi32> to vector<256x4096xi32>
    %eq3A_92 = arith.cmpi eq, %iota3A, %eq3A_91 : vector<256x4096xi32>
    %jit3A_93 = arith.constant 1.000000e+30 : f32
    %broadcast_in_dim3A_94 = vector.broadcast %jit3A_93 : f32 to vector<256x4096xf32>
    %select_n3A_95 = arith.select %eq3A_92, %broadcast_in_dim3A_94, %select_n3A_70 : vector<256x4096xi1>, vector<256x4096xf32>
    %reduce_min3A_96 = arith.constant dense<0x7F800000> : vector<256xf32>
    %reduce_min3A_97 = vector.multi_reduction <minimumf>, %select_n3A_95, %reduce_min3A_96 [1] : vector<256x4096xf32> to vector<256xf32>
    %broadcast_in_dim3A_98 = vector.shape_cast %reduce_min3A_97 : vector<256xf32> to vector<256x1xf32>
    %eq3A_99 = vector.broadcast %broadcast_in_dim3A_98 : vector<256x1xf32> to vector<256x4096xf32>
    %eq3A_100 = arith.cmpf oeq, %select_n3A_95, %eq3A_99 : vector<256x4096xf32>
    %jit3A_101 = arith.constant 4096 : i32
    %broadcast_in_dim3A_102 = vector.broadcast %jit3A_101 : i32 to vector<256x4096xi32>
    %select_n3A_103 = arith.select %eq3A_100, %iota3A, %broadcast_in_dim3A_102 : vector<256x4096xi1>, vector<256x4096xi32>
    %reduce_min3A_104 = arith.constant dense<2147483647> : vector<256xi32>
    %reduce_min3A_105 = vector.multi_reduction <minsi>, %select_n3A_103, %reduce_min3A_104 [1] : vector<256x4096xi32> to vector<256xi32>
    %broadcast_in_dim3A_106 = vector.shape_cast %reduce_min3A_105 : vector<256xi32> to vector<256x1xi32>
    %add3A_107 = vector.broadcast %mul3A_26 : i32 to vector<256x1xi32>
    %add3A_108 = arith.addi %broadcast_in_dim3A_106, %add3A_107 : vector<256x1xi32>
    %squeeze3A_109 = vector.shape_cast %add3A_108 : vector<256x1xi32> to vector<256xi32>
    %swap3A_110 = arith.constant 0 : index
    %swap3A_111 = arith.constant 0 : index
    %swap3A_112 = arith.constant 3 : index
    %swap3A_113 = vector.load %arg4[%swap3A_110, %swap3A_111, %swap3A_112] : memref<1x256x16xi32, #tpu.memory_space<vmem>>, vector<1x256x1xi32>
    %swap3A_114 = vector.shape_cast %swap3A_113 : vector<1x256x1xi32> to vector<256xi32>
    %swap3A_115 = vector.shape_cast %squeeze3A_109 : vector<256xi32> to vector<1x256x1xi32>
    tpu.vector_store %arg4[%swap3A_110, %swap3A_111, %swap3A_112], %swap3A_115 {strides = array<i32>} : memref<1x256x16xi32, #tpu.memory_space<vmem>>, vector<1x256x1xi32>,
    %eq3A_116 = vector.broadcast %broadcast_in_dim3A_106 : vector<256x1xi32> to vector<256x4096xi32>
    %eq3A_117 = arith.cmpi eq, %iota3A, %eq3A_116 : vector<256x4096xi32>
    %jit3A_118 = arith.constant 1.000000e+30 : f32
    %broadcast_in_dim3A_119 = vector.broadcast %jit3A_118 : f32 to vector<256x4096xf32>
    %select_n3A_120 = arith.select %eq3A_117, %broadcast_in_dim3A_119, %select_n3A_95 : vector<256x4096xi1>, vector<256x4096xf32>
    %reduce_min3A_121 = arith.constant dense<0x7F800000> : vector<256xf32>
    %reduce_min3A_122 = vector.multi_reduction <minimumf>, %select_n3A_120, %reduce_min3A_121 [1] : vector<256x4096xf32> to vector<256xf32>
    %broadcast_in_dim3A_123 = vector.shape_cast %reduce_min3A_122 : vector<256xf32> to vector<256x1xf32>
    %eq3A_124 = vector.broadcast %broadcast_in_dim3A_123 : vector<256x1xf32> to vector<256x4096xf32>
    %eq3A_125 = arith.cmpf oeq, %select_n3A_120, %eq3A_124 : vector<256x4096xf32>
    %jit3A_126 = arith.constant 4096 : i32
    %broadcast_in_dim3A_127 = vector.broadcast %jit3A_126 : i32 to vector<256x4096xi32>
    %select_n3A_128 = arith.select %eq3A_125, %iota3A, %broadcast_in_dim3A_127 : vector<256x4096xi1>, vector<256x4096xi32>
    %reduce_min3A_129 = arith.constant dense<2147483647> : vector<256xi32>
    %reduce_min3A_130 = vector.multi_reduction <minsi>, %select_n3A_128, %reduce_min3A_129 [1] : vector<256x4096xi32> to vector<256xi32>
    %broadcast_in_dim3A_131 = vector.shape_cast %reduce_min3A_130 : vector<256xi32> to vector<256x1xi32>
    %add3A_132 = vector.broadcast %mul3A_26 : i32 to vector<256x1xi32>
    %add3A_133 = arith.addi %broadcast_in_dim3A_131, %add3A_132 : vector<256x1xi32>
    %squeeze3A_134 = vector.shape_cast %add3A_133 : vector<256x1xi32> to vector<256xi32>
    %swap3A_135 = arith.constant 0 : index
    %swap3A_136 = arith.constant 0 : index
    %swap3A_137 = arith.constant 4 : index
    %swap3A_138 = vector.load %arg4[%swap3A_135, %swap3A_136, %swap3A_137] : memref<1x256x16xi32, #tpu.memory_space<vmem>>, vector<1x256x1xi32>
    %swap3A_139 = vector.shape_cast %swap3A_138 : vector<1x256x1xi32> to vector<256xi32>
    %swap3A_140 = vector.shape_cast %squeeze3A_134 : vector<256xi32> to vector<1x256x1xi32>
    tpu.vector_store %arg4[%swap3A_135, %swap3A_136, %swap3A_137], %swap3A_140 {strides = array<i32>} : memref<1x256x16xi32, #tpu.memory_space<vmem>>, vector<1x256x1xi32>,
    %eq3A_141 = vector.broadcast %broadcast_in_dim3A_131 : vector<256x1xi32> to vector<256x4096xi32>
    %eq3A_142 = arith.cmpi eq, %iota3A, %eq3A_141 : vector<256x4096xi32>
    %jit3A_143 = arith.constant 1.000000e+30 : f32
    %broadcast_in_dim3A_144 = vector.broadcast %jit3A_143 : f32 to vector<256x4096xf32>
    %select_n3A_145 = arith.select %eq3A_142, %broadcast_in_dim3A_144, %select_n3A_120 : vector<256x4096xi1>, vector<256x4096xf32>
    %reduce_min3A_146 = arith.constant dense<0x7F800000> : vector<256xf32>
    %reduce_min3A_147 = vector.multi_reduction <minimumf>, %select_n3A_145, %reduce_min3A_146 [1] : vector<256x4096xf32> to vector<256xf32>
    %broadcast_in_dim3A_148 = vector.shape_cast %reduce_min3A_147 : vector<256xf32> to vector<256x1xf32>
    %eq3A_149 = vector.broadcast %broadcast_in_dim3A_148 : vector<256x1xf32> to vector<256x4096xf32>
    %eq3A_150 = arith.cmpf oeq, %select_n3A_145, %eq3A_149 : vector<256x4096xf32>
    %jit3A_151 = arith.constant 4096 : i32
    %broadcast_in_dim3A_152 = vector.broadcast %jit3A_151 : i32 to vector<256x4096xi32>
    %select_n3A_153 = arith.select %eq3A_150, %iota3A, %broadcast_in_dim3A_152 : vector<256x4096xi1>, vector<256x4096xi32>
    %reduce_min3A_154 = arith.constant dense<2147483647> : vector<256xi32>
    %reduce_min3A_155 = vector.multi_reduction <minsi>, %select_n3A_153, %reduce_min3A_154 [1] : vector<256x4096xi32> to vector<256xi32>
    %broadcast_in_dim3A_156 = vector.shape_cast %reduce_min3A_155 : vector<256xi32> to vector<256x1xi32>
    %add3A_157 = vector.broadcast %mul3A_26 : i32 to vector<256x1xi32>
    %add3A_158 = arith.addi %broadcast_in_dim3A_156, %add3A_157 : vector<256x1xi32>
    %squeeze3A_159 = vector.shape_cast %add3A_158 : vector<256x1xi32> to vector<256xi32>
    %swap3A_160 = arith.constant 0 : index
    %swap3A_161 = arith.constant 0 : index
    %swap3A_162 = arith.constant 5 : index
    %swap3A_163 = vector.load %arg4[%swap3A_160, %swap3A_161, %swap3A_162] : memref<1x256x16xi32, #tpu.memory_space<vmem>>, vector<1x256x1xi32>
    %swap3A_164 = vector.shape_cast %swap3A_163 : vector<1x256x1xi32> to vector<256xi32>
    %swap3A_165 = vector.shape_cast %squeeze3A_159 : vector<256xi32> to vector<1x256x1xi32>
    tpu.vector_store %arg4[%swap3A_160, %swap3A_161, %swap3A_162], %swap3A_165 {strides = array<i32>} : memref<1x256x16xi32, #tpu.memory_space<vmem>>, vector<1x256x1xi32>,
    %eq3A_166 = vector.broadcast %broadcast_in_dim3A_156 : vector<256x1xi32> to vector<256x4096xi32>
    %eq3A_167 = arith.cmpi eq, %iota3A, %eq3A_166 : vector<256x4096xi32>
    %jit3A_168 = arith.constant 1.000000e+30 : f32
    %broadcast_in_dim3A_169 = vector.broadcast %jit3A_168 : f32 to vector<256x4096xf32>
    %select_n3A_170 = arith.select %eq3A_167, %broadcast_in_dim3A_169, %select_n3A_145 : vector<256x4096xi1>, vector<256x4096xf32>
    %reduce_min3A_171 = arith.constant dense<0x7F800000> : vector<256xf32>
    %reduce_min3A_172 = vector.multi_reduction <minimumf>, %select_n3A_170, %reduce_min3A_171 [1] : vector<256x4096xf32> to vector<256xf32>
    %broadcast_in_dim3A_173 = vector.shape_cast %reduce_min3A_172 : vector<256xf32> to vector<256x1xf32>
    %eq3A_174 = vector.broadcast %broadcast_in_dim3A_173 : vector<256x1xf32> to vector<256x4096xf32>
    %eq3A_175 = arith.cmpf oeq, %select_n3A_170, %eq3A_174 : vector<256x4096xf32>
    %jit3A_176 = arith.constant 4096 : i32
    %broadcast_in_dim3A_177 = vector.broadcast %jit3A_176 : i32 to vector<256x4096xi32>
    %select_n3A_178 = arith.select %eq3A_175, %iota3A, %broadcast_in_dim3A_177 : vector<256x4096xi1>, vector<256x4096xi32>
    %reduce_min3A_179 = arith.constant dense<2147483647> : vector<256xi32>
    %reduce_min3A_180 = vector.multi_reduction <minsi>, %select_n3A_178, %reduce_min3A_179 [1] : vector<256x4096xi32> to vector<256xi32>
    %broadcast_in_dim3A_181 = vector.shape_cast %reduce_min3A_180 : vector<256xi32> to vector<256x1xi32>
    %add3A_182 = vector.broadcast %mul3A_26 : i32 to vector<256x1xi32>
    %add3A_183 = arith.addi %broadcast_in_dim3A_181, %add3A_182 : vector<256x1xi32>
    %squeeze3A_184 = vector.shape_cast %add3A_183 : vector<256x1xi32> to vector<256xi32>
    %swap3A_185 = arith.constant 0 : index
    %swap3A_186 = arith.constant 0 : index
    %swap3A_187 = arith.constant 6 : index
    %swap3A_188 = vector.load %arg4[%swap3A_185, %swap3A_186, %swap3A_187] : memref<1x256x16xi32, #tpu.memory_space<vmem>>, vector<1x256x1xi32>
    %swap3A_189 = vector.shape_cast %swap3A_188 : vector<1x256x1xi32> to vector<256xi32>
    %swap3A_190 = vector.shape_cast %squeeze3A_184 : vector<256xi32> to vector<1x256x1xi32>
    tpu.vector_store %arg4[%swap3A_185, %swap3A_186, %swap3A_187], %swap3A_190 {strides = array<i32>} : memref<1x256x16xi32, #tpu.memory_space<vmem>>, vector<1x256x1xi32>,
    %eq3A_191 = vector.broadcast %broadcast_in_dim3A_181 : vector<256x1xi32> to vector<256x4096xi32>
    %eq3A_192 = arith.cmpi eq, %iota3A, %eq3A_191 : vector<256x4096xi32>
    %jit3A_193 = arith.constant 1.000000e+30 : f32
    %broadcast_in_dim3A_194 = vector.broadcast %jit3A_193 : f32 to vector<256x4096xf32>
    %select_n3A_195 = arith.select %eq3A_192, %broadcast_in_dim3A_194, %select_n3A_170 : vector<256x4096xi1>, vector<256x4096xf32>
    %reduce_min3A_196 = arith.constant dense<0x7F800000> : vector<256xf32>
    %reduce_min3A_197 = vector.multi_reduction <minimumf>, %select_n3A_195, %reduce_min3A_196 [1] : vector<256x4096xf32> to vector<256xf32>
    %broadcast_in_dim3A_198 = vector.shape_cast %reduce_min3A_197 : vector<256xf32> to vector<256x1xf32>
    %eq3A_199 = vector.broadcast %broadcast_in_dim3A_198 : vector<256x1xf32> to vector<256x4096xf32>
    %eq3A_200 = arith.cmpf oeq, %select_n3A_195, %eq3A_199 : vector<256x4096xf32>
    %jit3A_201 = arith.constant 4096 : i32
    %broadcast_in_dim3A_202 = vector.broadcast %jit3A_201 : i32 to vector<256x4096xi32>
    %select_n3A_203 = arith.select %eq3A_200, %iota3A, %broadcast_in_dim3A_202 : vector<256x4096xi1>, vector<256x4096xi32>
    %reduce_min3A_204 = arith.constant dense<2147483647> : vector<256xi32>
    %reduce_min3A_205 = vector.multi_reduction <minsi>, %select_n3A_203, %reduce_min3A_204 [1] : vector<256x4096xi32> to vector<256xi32>
    %broadcast_in_dim3A_206 = vector.shape_cast %reduce_min3A_205 : vector<256xi32> to vector<256x1xi32>
    %add3A_207 = vector.broadcast %mul3A_26 : i32 to vector<256x1xi32>
    %add3A_208 = arith.addi %broadcast_in_dim3A_206, %add3A_207 : vector<256x1xi32>
    %squeeze3A_209 = vector.shape_cast %add3A_208 : vector<256x1xi32> to vector<256xi32>
    %swap3A_210 = arith.constant 0 : index
    %swap3A_211 = arith.constant 0 : index
    %swap3A_212 = arith.constant 7 : index
    %swap3A_213 = vector.load %arg4[%swap3A_210, %swap3A_211, %swap3A_212] : memref<1x256x16xi32, #tpu.memory_space<vmem>>, vector<1x256x1xi32>
    %swap3A_214 = vector.shape_cast %swap3A_213 : vector<1x256x1xi32> to vector<256xi32>
    %swap3A_215 = vector.shape_cast %squeeze3A_209 : vector<256xi32> to vector<1x256x1xi32>
    tpu.vector_store %arg4[%swap3A_210, %swap3A_211, %swap3A_212], %swap3A_215 {strides = array<i32>} : memref<1x256x16xi32, #tpu.memory_space<vmem>>, vector<1x256x1xi32>,
    %eq3A_216 = vector.broadcast %broadcast_in_dim3A_206 : vector<256x1xi32> to vector<256x4096xi32>
    %eq3A_217 = arith.cmpi eq, %iota3A, %eq3A_216 : vector<256x4096xi32>
    %jit3A_218 = arith.constant 1.000000e+30 : f32
    %broadcast_in_dim3A_219 = vector.broadcast %jit3A_218 : f32 to vector<256x4096xf32>
    %select_n3A_220 = arith.select %eq3A_217, %broadcast_in_dim3A_219, %select_n3A_195 : vector<256x4096xi1>, vector<256x4096xf32>
    %reduce_min3A_221 = arith.constant dense<0x7F800000> : vector<256xf32>
    %reduce_min3A_222 = vector.multi_reduction <minimumf>, %select_n3A_220, %reduce_min3A_221 [1] : vector<256x4096xf32> to vector<256xf32>
    %broadcast_in_dim3A_223 = vector.shape_cast %reduce_min3A_222 : vector<256xf32> to vector<256x1xf32>
    %eq3A_224 = vector.broadcast %broadcast_in_dim3A_223 : vector<256x1xf32> to vector<256x4096xf32>
    %eq3A_225 = arith.cmpf oeq, %select_n3A_220, %eq3A_224 : vector<256x4096xf32>
    %jit3A_226 = arith.constant 4096 : i32
    %broadcast_in_dim3A_227 = vector.broadcast %jit3A_226 : i32 to vector<256x4096xi32>
    %select_n3A_228 = arith.select %eq3A_225, %iota3A, %broadcast_in_dim3A_227 : vector<256x4096xi1>, vector<256x4096xi32>
    %reduce_min3A_229 = arith.constant dense<2147483647> : vector<256xi32>
    %reduce_min3A_230 = vector.multi_reduction <minsi>, %select_n3A_228, %reduce_min3A_229 [1] : vector<256x4096xi32> to vector<256xi32>
    %broadcast_in_dim3A_231 = vector.shape_cast %reduce_min3A_230 : vector<256xi32> to vector<256x1xi32>
    %add3A_232 = vector.broadcast %mul3A_26 : i32 to vector<256x1xi32>
    %add3A_233 = arith.addi %broadcast_in_dim3A_231, %add3A_232 : vector<256x1xi32>
    %squeeze3A_234 = vector.shape_cast %add3A_233 : vector<256x1xi32> to vector<256xi32>
    %swap3A_235 = arith.constant 0 : index
    %swap3A_236 = arith.constant 0 : index
    %swap3A_237 = arith.constant 8 : index
    %swap3A_238 = vector.load %arg4[%swap3A_235, %swap3A_236, %swap3A_237] : memref<1x256x16xi32, #tpu.memory_space<vmem>>, vector<1x256x1xi32>
    %swap3A_239 = vector.shape_cast %swap3A_238 : vector<1x256x1xi32> to vector<256xi32>
    %swap3A_240 = vector.shape_cast %squeeze3A_234 : vector<256xi32> to vector<1x256x1xi32>
    tpu.vector_store %arg4[%swap3A_235, %swap3A_236, %swap3A_237], %swap3A_240 {strides = array<i32>} : memref<1x256x16xi32, #tpu.memory_space<vmem>>, vector<1x256x1xi32>,
    %eq3A_241 = vector.broadcast %broadcast_in_dim3A_231 : vector<256x1xi32> to vector<256x4096xi32>
    %eq3A_242 = arith.cmpi eq, %iota3A, %eq3A_241 : vector<256x4096xi32>
    %jit3A_243 = arith.constant 1.000000e+30 : f32
    %broadcast_in_dim3A_244 = vector.broadcast %jit3A_243 : f32 to vector<256x4096xf32>
    %select_n3A_245 = arith.select %eq3A_242, %broadcast_in_dim3A_244, %select_n3A_220 : vector<256x4096xi1>, vector<256x4096xf32>
    %reduce_min3A_246 = arith.constant dense<0x7F800000> : vector<256xf32>
    %reduce_min3A_247 = vector.multi_reduction <minimumf>, %select_n3A_245, %reduce_min3A_246 [1] : vector<256x4096xf32> to vector<256xf32>
    %broadcast_in_dim3A_248 = vector.shape_cast %reduce_min3A_247 : vector<256xf32> to vector<256x1xf32>
    %eq3A_249 = vector.broadcast %broadcast_in_dim3A_248 : vector<256x1xf32> to vector<256x4096xf32>
    %eq3A_250 = arith.cmpf oeq, %select_n3A_245, %eq3A_249 : vector<256x4096xf32>
    %jit3A_251 = arith.constant 4096 : i32
    %broadcast_in_dim3A_252 = vector.broadcast %jit3A_251 : i32 to vector<256x4096xi32>
    %select_n3A_253 = arith.select %eq3A_250, %iota3A, %broadcast_in_dim3A_252 : vector<256x4096xi1>, vector<256x4096xi32>
    %reduce_min3A_254 = arith.constant dense<2147483647> : vector<256xi32>
    %reduce_min3A_255 = vector.multi_reduction <minsi>, %select_n3A_253, %reduce_min3A_254 [1] : vector<256x4096xi32> to vector<256xi32>
    %broadcast_in_dim3A_256 = vector.shape_cast %reduce_min3A_255 : vector<256xi32> to vector<256x1xi32>
    %add3A_257 = vector.broadcast %mul3A_26 : i32 to vector<256x1xi32>
    %add3A_258 = arith.addi %broadcast_in_dim3A_256, %add3A_257 : vector<256x1xi32>
    %squeeze3A_259 = vector.shape_cast %add3A_258 : vector<256x1xi32> to vector<256xi32>
    %swap3A_260 = arith.constant 0 : index
    %swap3A_261 = arith.constant 0 : index
    %swap3A_262 = arith.constant 9 : index
    %swap3A_263 = vector.load %arg4[%swap3A_260, %swap3A_261, %swap3A_262] : memref<1x256x16xi32, #tpu.memory_space<vmem>>, vector<1x256x1xi32>
    %swap3A_264 = vector.shape_cast %swap3A_263 : vector<1x256x1xi32> to vector<256xi32>
    %swap3A_265 = vector.shape_cast %squeeze3A_259 : vector<256xi32> to vector<1x256x1xi32>
    tpu.vector_store %arg4[%swap3A_260, %swap3A_261, %swap3A_262], %swap3A_265 {strides = array<i32>} : memref<1x256x16xi32, #tpu.memory_space<vmem>>, vector<1x256x1xi32>,
    %eq3A_266 = vector.broadcast %broadcast_in_dim3A_256 : vector<256x1xi32> to vector<256x4096xi32>
    %eq3A_267 = arith.cmpi eq, %iota3A, %eq3A_266 : vector<256x4096xi32>
    %jit3A_268 = arith.constant 1.000000e+30 : f32
    %broadcast_in_dim3A_269 = vector.broadcast %jit3A_268 : f32 to vector<256x4096xf32>
    %select_n3A_270 = arith.select %eq3A_267, %broadcast_in_dim3A_269, %select_n3A_245 : vector<256x4096xi1>, vector<256x4096xf32>
    %reduce_min3A_271 = arith.constant dense<0x7F800000> : vector<256xf32>
    %reduce_min3A_272 = vector.multi_reduction <minimumf>, %select_n3A_270, %reduce_min3A_271 [1] : vector<256x4096xf32> to vector<256xf32>
    %broadcast_in_dim3A_273 = vector.shape_cast %reduce_min3A_272 : vector<256xf32> to vector<256x1xf32>
    %eq3A_274 = vector.broadcast %broadcast_in_dim3A_273 : vector<256x1xf32> to vector<256x4096xf32>
    %eq3A_275 = arith.cmpf oeq, %select_n3A_270, %eq3A_274 : vector<256x4096xf32>
    %jit3A_276 = arith.constant 4096 : i32
    %broadcast_in_dim3A_277 = vector.broadcast %jit3A_276 : i32 to vector<256x4096xi32>
    %select_n3A_278 = arith.select %eq3A_275, %iota3A, %broadcast_in_dim3A_277 : vector<256x4096xi1>, vector<256x4096xi32>
    %reduce_min3A_279 = arith.constant dense<2147483647> : vector<256xi32>
    %reduce_min3A_280 = vector.multi_reduction <minsi>, %select_n3A_278, %reduce_min3A_279 [1] : vector<256x4096xi32> to vector<256xi32>
    %broadcast_in_dim3A_281 = vector.shape_cast %reduce_min3A_280 : vector<256xi32> to vector<256x1xi32>
    %add3A_282 = vector.broadcast %mul3A_26 : i32 to vector<256x1xi32>
    %add3A_283 = arith.addi %broadcast_in_dim3A_281, %add3A_282 : vector<256x1xi32>
    %squeeze3A_284 = vector.shape_cast %add3A_283 : vector<256x1xi32> to vector<256xi32>
    %swap3A_285 = arith.constant 0 : index
    %swap3A_286 = arith.constant 0 : index
    %swap3A_287 = arith.constant 10 : index
    %swap3A_288 = vector.load %arg4[%swap3A_285, %swap3A_286, %swap3A_287] : memref<1x256x16xi32, #tpu.memory_space<vmem>>, vector<1x256x1xi32>
    %swap3A_289 = vector.shape_cast %swap3A_288 : vector<1x256x1xi32> to vector<256xi32>
    %swap3A_290 = vector.shape_cast %squeeze3A_284 : vector<256xi32> to vector<1x256x1xi32>
    tpu.vector_store %arg4[%swap3A_285, %swap3A_286, %swap3A_287], %swap3A_290 {strides = array<i32>} : memref<1x256x16xi32, #tpu.memory_space<vmem>>, vector<1x256x1xi32>,
    %eq3A_291 = vector.broadcast %broadcast_in_dim3A_281 : vector<256x1xi32> to vector<256x4096xi32>
    %eq3A_292 = arith.cmpi eq, %iota3A, %eq3A_291 : vector<256x4096xi32>
    %jit3A_293 = arith.constant 1.000000e+30 : f32
    %broadcast_in_dim3A_294 = vector.broadcast %jit3A_293 : f32 to vector<256x4096xf32>
    %select_n3A_295 = arith.select %eq3A_292, %broadcast_in_dim3A_294, %select_n3A_270 : vector<256x4096xi1>, vector<256x4096xf32>
    %reduce_min3A_296 = arith.constant dense<0x7F800000> : vector<256xf32>
    %reduce_min3A_297 = vector.multi_reduction <minimumf>, %select_n3A_295, %reduce_min3A_296 [1] : vector<256x4096xf32> to vector<256xf32>
    %broadcast_in_dim3A_298 = vector.shape_cast %reduce_min3A_297 : vector<256xf32> to vector<256x1xf32>
    %eq3A_299 = vector.broadcast %broadcast_in_dim3A_298 : vector<256x1xf32> to vector<256x4096xf32>
    %eq3A_300 = arith.cmpf oeq, %select_n3A_295, %eq3A_299 : vector<256x4096xf32>
    %jit3A_301 = arith.constant 4096 : i32
    %broadcast_in_dim3A_302 = vector.broadcast %jit3A_301 : i32 to vector<256x4096xi32>
    %select_n3A_303 = arith.select %eq3A_300, %iota3A, %broadcast_in_dim3A_302 : vector<256x4096xi1>, vector<256x4096xi32>
    %reduce_min3A_304 = arith.constant dense<2147483647> : vector<256xi32>
    %reduce_min3A_305 = vector.multi_reduction <minsi>, %select_n3A_303, %reduce_min3A_304 [1] : vector<256x4096xi32> to vector<256xi32>
    %broadcast_in_dim3A_306 = vector.shape_cast %reduce_min3A_305 : vector<256xi32> to vector<256x1xi32>
    %add3A_307 = vector.broadcast %mul3A_26 : i32 to vector<256x1xi32>
    %add3A_308 = arith.addi %broadcast_in_dim3A_306, %add3A_307 : vector<256x1xi32>
    %squeeze3A_309 = vector.shape_cast %add3A_308 : vector<256x1xi32> to vector<256xi32>
    %swap3A_310 = arith.constant 0 : index
    %swap3A_311 = arith.constant 0 : index
    %swap3A_312 = arith.constant 11 : index
    %swap3A_313 = vector.load %arg4[%swap3A_310, %swap3A_311, %swap3A_312] : memref<1x256x16xi32, #tpu.memory_space<vmem>>, vector<1x256x1xi32>
    %swap3A_314 = vector.shape_cast %swap3A_313 : vector<1x256x1xi32> to vector<256xi32>
    %swap3A_315 = vector.shape_cast %squeeze3A_309 : vector<256xi32> to vector<1x256x1xi32>
    tpu.vector_store %arg4[%swap3A_310, %swap3A_311, %swap3A_312], %swap3A_315 {strides = array<i32>} : memref<1x256x16xi32, #tpu.memory_space<vmem>>, vector<1x256x1xi32>,
    %eq3A_316 = vector.broadcast %broadcast_in_dim3A_306 : vector<256x1xi32> to vector<256x4096xi32>
    %eq3A_317 = arith.cmpi eq, %iota3A, %eq3A_316 : vector<256x4096xi32>
    %jit3A_318 = arith.constant 1.000000e+30 : f32
    %broadcast_in_dim3A_319 = vector.broadcast %jit3A_318 : f32 to vector<256x4096xf32>
    %select_n3A_320 = arith.select %eq3A_317, %broadcast_in_dim3A_319, %select_n3A_295 : vector<256x4096xi1>, vector<256x4096xf32>
    %reduce_min3A_321 = arith.constant dense<0x7F800000> : vector<256xf32>
    %reduce_min3A_322 = vector.multi_reduction <minimumf>, %select_n3A_320, %reduce_min3A_321 [1] : vector<256x4096xf32> to vector<256xf32>
    %broadcast_in_dim3A_323 = vector.shape_cast %reduce_min3A_322 : vector<256xf32> to vector<256x1xf32>
    %eq3A_324 = vector.broadcast %broadcast_in_dim3A_323 : vector<256x1xf32> to vector<256x4096xf32>
    %eq3A_325 = arith.cmpf oeq, %select_n3A_320, %eq3A_324 : vector<256x4096xf32>
    %jit3A_326 = arith.constant 4096 : i32
    %broadcast_in_dim3A_327 = vector.broadcast %jit3A_326 : i32 to vector<256x4096xi32>
    %select_n3A_328 = arith.select %eq3A_325, %iota3A, %broadcast_in_dim3A_327 : vector<256x4096xi1>, vector<256x4096xi32>
    %reduce_min3A_329 = arith.constant dense<2147483647> : vector<256xi32>
    %reduce_min3A_330 = vector.multi_reduction <minsi>, %select_n3A_328, %reduce_min3A_329 [1] : vector<256x4096xi32> to vector<256xi32>
    %broadcast_in_dim3A_331 = vector.shape_cast %reduce_min3A_330 : vector<256xi32> to vector<256x1xi32>
    %add3A_332 = vector.broadcast %mul3A_26 : i32 to vector<256x1xi32>
    %add3A_333 = arith.addi %broadcast_in_dim3A_331, %add3A_332 : vector<256x1xi32>
    %squeeze3A_334 = vector.shape_cast %add3A_333 : vector<256x1xi32> to vector<256xi32>
    %swap3A_335 = arith.constant 0 : index
    %swap3A_336 = arith.constant 0 : index
    %swap3A_337 = arith.constant 12 : index
    %swap3A_338 = vector.load %arg4[%swap3A_335, %swap3A_336, %swap3A_337] : memref<1x256x16xi32, #tpu.memory_space<vmem>>, vector<1x256x1xi32>
    %swap3A_339 = vector.shape_cast %swap3A_338 : vector<1x256x1xi32> to vector<256xi32>
    %swap3A_340 = vector.shape_cast %squeeze3A_334 : vector<256xi32> to vector<1x256x1xi32>
    tpu.vector_store %arg4[%swap3A_335, %swap3A_336, %swap3A_337], %swap3A_340 {strides = array<i32>} : memref<1x256x16xi32, #tpu.memory_space<vmem>>, vector<1x256x1xi32>,
    %eq3A_341 = vector.broadcast %broadcast_in_dim3A_331 : vector<256x1xi32> to vector<256x4096xi32>
    %eq3A_342 = arith.cmpi eq, %iota3A, %eq3A_341 : vector<256x4096xi32>
    %jit3A_343 = arith.constant 1.000000e+30 : f32
    %broadcast_in_dim3A_344 = vector.broadcast %jit3A_343 : f32 to vector<256x4096xf32>
    %select_n3A_345 = arith.select %eq3A_342, %broadcast_in_dim3A_344, %select_n3A_320 : vector<256x4096xi1>, vector<256x4096xf32>
    %reduce_min3A_346 = arith.constant dense<0x7F800000> : vector<256xf32>
    %reduce_min3A_347 = vector.multi_reduction <minimumf>, %select_n3A_345, %reduce_min3A_346 [1] : vector<256x4096xf32> to vector<256xf32>
    %broadcast_in_dim3A_348 = vector.shape_cast %reduce_min3A_347 : vector<256xf32> to vector<256x1xf32>
    %eq3A_349 = vector.broadcast %broadcast_in_dim3A_348 : vector<256x1xf32> to vector<256x4096xf32>
    %eq3A_350 = arith.cmpf oeq, %select_n3A_345, %eq3A_349 : vector<256x4096xf32>
    %jit3A_351 = arith.constant 4096 : i32
    %broadcast_in_dim3A_352 = vector.broadcast %jit3A_351 : i32 to vector<256x4096xi32>
    %select_n3A_353 = arith.select %eq3A_350, %iota3A, %broadcast_in_dim3A_352 : vector<256x4096xi1>, vector<256x4096xi32>
    %reduce_min3A_354 = arith.constant dense<2147483647> : vector<256xi32>
    %reduce_min3A_355 = vector.multi_reduction <minsi>, %select_n3A_353, %reduce_min3A_354 [1] : vector<256x4096xi32> to vector<256xi32>
    %broadcast_in_dim3A_356 = vector.shape_cast %reduce_min3A_355 : vector<256xi32> to vector<256x1xi32>
    %add3A_357 = vector.broadcast %mul3A_26 : i32 to vector<256x1xi32>
    %add3A_358 = arith.addi %broadcast_in_dim3A_356, %add3A_357 : vector<256x1xi32>
    %squeeze3A_359 = vector.shape_cast %add3A_358 : vector<256x1xi32> to vector<256xi32>
    %swap3A_360 = arith.constant 0 : index
    %swap3A_361 = arith.constant 0 : index
    %swap3A_362 = arith.constant 13 : index
    %swap3A_363 = vector.load %arg4[%swap3A_360, %swap3A_361, %swap3A_362] : memref<1x256x16xi32, #tpu.memory_space<vmem>>, vector<1x256x1xi32>
    %swap3A_364 = vector.shape_cast %swap3A_363 : vector<1x256x1xi32> to vector<256xi32>
    %swap3A_365 = vector.shape_cast %squeeze3A_359 : vector<256xi32> to vector<1x256x1xi32>
    tpu.vector_store %arg4[%swap3A_360, %swap3A_361, %swap3A_362], %swap3A_365 {strides = array<i32>} : memref<1x256x16xi32, #tpu.memory_space<vmem>>, vector<1x256x1xi32>,
    %eq3A_366 = vector.broadcast %broadcast_in_dim3A_356 : vector<256x1xi32> to vector<256x4096xi32>
    %eq3A_367 = arith.cmpi eq, %iota3A, %eq3A_366 : vector<256x4096xi32>
    %jit3A_368 = arith.constant 1.000000e+30 : f32
    %broadcast_in_dim3A_369 = vector.broadcast %jit3A_368 : f32 to vector<256x4096xf32>
    %select_n3A_370 = arith.select %eq3A_367, %broadcast_in_dim3A_369, %select_n3A_345 : vector<256x4096xi1>, vector<256x4096xf32>
    %reduce_min3A_371 = arith.constant dense<0x7F800000> : vector<256xf32>
    %reduce_min3A_372 = vector.multi_reduction <minimumf>, %select_n3A_370, %reduce_min3A_371 [1] : vector<256x4096xf32> to vector<256xf32>
    %broadcast_in_dim3A_373 = vector.shape_cast %reduce_min3A_372 : vector<256xf32> to vector<256x1xf32>
    %eq3A_374 = vector.broadcast %broadcast_in_dim3A_373 : vector<256x1xf32> to vector<256x4096xf32>
    %eq3A_375 = arith.cmpf oeq, %select_n3A_370, %eq3A_374 : vector<256x4096xf32>
    %jit3A_376 = arith.constant 4096 : i32
    %broadcast_in_dim3A_377 = vector.broadcast %jit3A_376 : i32 to vector<256x4096xi32>
    %select_n3A_378 = arith.select %eq3A_375, %iota3A, %broadcast_in_dim3A_377 : vector<256x4096xi1>, vector<256x4096xi32>
    %reduce_min3A_379 = arith.constant dense<2147483647> : vector<256xi32>
    %reduce_min3A_380 = vector.multi_reduction <minsi>, %select_n3A_378, %reduce_min3A_379 [1] : vector<256x4096xi32> to vector<256xi32>
    %broadcast_in_dim3A_381 = vector.shape_cast %reduce_min3A_380 : vector<256xi32> to vector<256x1xi32>
    %add3A_382 = vector.broadcast %mul3A_26 : i32 to vector<256x1xi32>
    %add3A_383 = arith.addi %broadcast_in_dim3A_381, %add3A_382 : vector<256x1xi32>
    %squeeze3A_384 = vector.shape_cast %add3A_383 : vector<256x1xi32> to vector<256xi32>
    %swap3A_385 = arith.constant 0 : index
    %swap3A_386 = arith.constant 0 : index
    %swap3A_387 = arith.constant 14 : index
    %swap3A_388 = vector.load %arg4[%swap3A_385, %swap3A_386, %swap3A_387] : memref<1x256x16xi32, #tpu.memory_space<vmem>>, vector<1x256x1xi32>
    %swap3A_389 = vector.shape_cast %swap3A_388 : vector<1x256x1xi32> to vector<256xi32>
    %swap3A_390 = vector.shape_cast %squeeze3A_384 : vector<256xi32> to vector<1x256x1xi32>
    tpu.vector_store %arg4[%swap3A_385, %swap3A_386, %swap3A_387], %swap3A_390 {strides = array<i32>} : memref<1x256x16xi32, #tpu.memory_space<vmem>>, vector<1x256x1xi32>,
    %eq3A_391 = vector.broadcast %broadcast_in_dim3A_381 : vector<256x1xi32> to vector<256x4096xi32>
    %eq3A_392 = arith.cmpi eq, %iota3A, %eq3A_391 : vector<256x4096xi32>
    %jit3A_393 = arith.constant 1.000000e+30 : f32
    %broadcast_in_dim3A_394 = vector.broadcast %jit3A_393 : f32 to vector<256x4096xf32>
    %select_n3A_395 = arith.select %eq3A_392, %broadcast_in_dim3A_394, %select_n3A_370 : vector<256x4096xi1>, vector<256x4096xf32>
    %reduce_min3A_396 = arith.constant dense<0x7F800000> : vector<256xf32>
    %reduce_min3A_397 = vector.multi_reduction <minimumf>, %select_n3A_395, %reduce_min3A_396 [1] : vector<256x4096xf32> to vector<256xf32>
    %broadcast_in_dim3A_398 = vector.shape_cast %reduce_min3A_397 : vector<256xf32> to vector<256x1xf32>
    %eq3A_399 = vector.broadcast %broadcast_in_dim3A_398 : vector<256x1xf32> to vector<256x4096xf32>
    %eq3A_400 = arith.cmpf oeq, %select_n3A_395, %eq3A_399 : vector<256x4096xf32>
    %jit3A_401 = arith.constant 4096 : i32
    %broadcast_in_dim3A_402 = vector.broadcast %jit3A_401 : i32 to vector<256x4096xi32>
    %select_n3A_403 = arith.select %eq3A_400, %iota3A, %broadcast_in_dim3A_402 : vector<256x4096xi1>, vector<256x4096xi32>
    %reduce_min3A_404 = arith.constant dense<2147483647> : vector<256xi32>
    %reduce_min3A_405 = vector.multi_reduction <minsi>, %select_n3A_403, %reduce_min3A_404 [1] : vector<256x4096xi32> to vector<256xi32>
    %broadcast_in_dim3A_406 = vector.shape_cast %reduce_min3A_405 : vector<256xi32> to vector<256x1xi32>
    %add3A_407 = vector.broadcast %mul3A_26 : i32 to vector<256x1xi32>
    %add3A_408 = arith.addi %broadcast_in_dim3A_406, %add3A_407 : vector<256x1xi32>
    %squeeze3A_409 = vector.shape_cast %add3A_408 : vector<256x1xi32> to vector<256xi32>
    %swap3A_410 = arith.constant 0 : index
    %swap3A_411 = arith.constant 0 : index
    %swap3A_412 = arith.constant 15 : index
    %swap3A_413 = vector.load %arg4[%swap3A_410, %swap3A_411, %swap3A_412] : memref<1x256x16xi32, #tpu.memory_space<vmem>>, vector<1x256x1xi32>
    %swap3A_414 = vector.shape_cast %swap3A_413 : vector<1x256x1xi32> to vector<256xi32>
    %swap3A_415 = vector.shape_cast %squeeze3A_409 : vector<256xi32> to vector<1x256x1xi32>
    tpu.vector_store %arg4[%swap3A_410, %swap3A_411, %swap3A_412], %swap3A_415 {strides = array<i32>} : memref<1x256x16xi32, #tpu.memory_space<vmem>>, vector<1x256x1xi32>,
    return
  }
  func.func @transform_0(%arg0: i32, %arg1: i32) -> (i32, i32, i32) {
    %c0_i32 = arith.constant 0 : i32
    %c0_i32_0 = arith.constant 0 : i32
    return %arg0, %arg1, %c0_i32 : i32, i32, i32
  }
  func.func @transform_1(%arg0: i32, %arg1: i32) -> (i32, i32, i32) {
    %c0_i32 = arith.constant 0 : i32
    %c0_i32_0 = arith.constant 0 : i32
    %c0_i32_1 = arith.constant 0 : i32
    return %arg0, %c0_i32, %c0_i32_0 : i32, i32, i32
  }
  func.func @transform_2(%arg0: i32, %arg1: i32) -> (i32, i32, i32) {
    %c0_i32 = arith.constant 0 : i32
    %c0_i32_0 = arith.constant 0 : i32
    return %arg0, %arg1, %c0_i32 : i32, i32, i32
  }
}

module attributes {stable_mosaic.version = 14 : i64} {
  func.func @_stats_body(%arg0: i32, %arg1: memref<1x16x1024x128xf32, #tpu.memory_space<vmem>>, %arg2: memref<1x1024x3xf32, #tpu.memory_space<vmem>>, %arg3: memref<3x128xf32, #tpu.memory_space<vmem>>, %arg4: memref<1x1024x128xf32, #tpu.memory_space<vmem>>, %arg5: memref<1x1024x128xf32, #tpu.memory_space<vmem>>, %arg6: memref<1x1x128xf32, #tpu.memory_space<vmem>>, %arg7: memref<1x1x128xf32, #tpu.memory_space<vmem>>) attributes {dimension_semantics = [#tpu.dimension_semantics<arbitrary>], iteration_bounds = array<i64: 4>, scalar_prefetch = 0 : i64, scratch_operands = 0 : i64, tpu.core_type = #tpu.core_type<tc>, window_params = [{transform_indices = @transform_0, window_bounds = array<i64: 1, 16, 1024, 128>}, {transform_indices = @transform_1, window_bounds = array<i64: 1, 1024, 3>}, {pipeline_mode = #tpu.pipeline_mode<synchronous>, transform_indices = @transform_2, window_bounds = array<i64: 3, 128>}, {transform_indices = @transform_3, window_bounds = array<i64: 1, 1024, 128>}, {transform_indices = @transform_4, window_bounds = array<i64: 1, 1024, 128>}, {transform_indices = @transform_5, window_bounds = array<i64: 1, 1, 128>}, {transform_indices = @transform_6, window_bounds = array<i64: 1, 1, 128>}]} {
    %get3A = arith.constant 0 : index
    %get3A_0 = arith.constant 0 : index
    %get3A_1 = arith.constant 0 : index
    %get3A_2 = vector.load %arg2[%get3A, %get3A_0, %get3A_1] : memref<1x1024x3xf32, #tpu.memory_space<vmem>>, vector<1x1024x3xf32>
    %get3A_3 = vector.shape_cast %get3A_2 : vector<1x1024x3xf32> to vector<1024x3xf32>
    %get3A_4 = arith.constant 0 : index
    %get3A_5 = arith.constant 0 : index
    %get3A_6 = vector.load %arg3[%get3A_4, %get3A_5] : memref<3x128xf32, #tpu.memory_space<vmem>>, vector<1x128xf32>
    %get3A_7 = arith.constant 1 : index
    %get3A_8 = arith.constant 0 : index
    %get3A_9 = vector.load %arg3[%get3A_7, %get3A_8] : memref<3x128xf32, #tpu.memory_space<vmem>>, vector<1x128xf32>
    %get3A_10 = arith.constant 2 : index
    %get3A_11 = arith.constant 0 : index
    %get3A_12 = vector.load %arg3[%get3A_10, %get3A_11] : memref<3x128xf32, #tpu.memory_space<vmem>>, vector<1x128xf32>
    %slice3A = vector.extract_strided_slice %get3A_3 {offsets = [0, 0], sizes = [1024, 1], strides = [1, 1]} : vector<1024x3xf32> to vector<1024x1xf32>
    %mul3A = vector.broadcast %slice3A : vector<1024x1xf32> to vector<1024x128xf32>
    %mul3A_13 = vector.broadcast %get3A_6 : vector<1x128xf32> to vector<1024x128xf32>
    %mul3A_14 = arith.mulf %mul3A, %mul3A_13 : vector<1024x128xf32>
    %slice3A_15 = vector.extract_strided_slice %get3A_3 {offsets = [0, 1], sizes = [1024, 1], strides = [1, 1]} : vector<1024x3xf32> to vector<1024x1xf32>
    %mul3A_16 = vector.broadcast %slice3A_15 : vector<1024x1xf32> to vector<1024x128xf32>
    %mul3A_17 = vector.broadcast %get3A_9 : vector<1x128xf32> to vector<1024x128xf32>
    %mul3A_18 = arith.mulf %mul3A_16, %mul3A_17 : vector<1024x128xf32>
    %add3A = arith.addf %mul3A_14, %mul3A_18 : vector<1024x128xf32>
    %slice3A_19 = vector.extract_strided_slice %get3A_3 {offsets = [0, 2], sizes = [1024, 1], strides = [1, 1]} : vector<1024x3xf32> to vector<1024x1xf32>
    %mul3A_20 = vector.broadcast %slice3A_19 : vector<1024x1xf32> to vector<1024x128xf32>
    %mul3A_21 = vector.broadcast %get3A_12 : vector<1x128xf32> to vector<1024x128xf32>
    %mul3A_22 = arith.mulf %mul3A_20, %mul3A_21 : vector<1024x128xf32>
    %add3A_23 = arith.addf %add3A, %mul3A_22 : vector<1024x128xf32>
    %get3A_24 = arith.constant 0 : index
    %get3A_25 = arith.constant 0 : index
    %get3A_26 = arith.constant 0 : index
    %get3A_27 = arith.constant 0 : index
    %get3A_28 = vector.load %arg1[%get3A_24, %get3A_25, %get3A_26, %get3A_27] : memref<1x16x1024x128xf32, #tpu.memory_space<vmem>>, vector<1x1x1024x128xf32>
    %get3A_29 = vector.shape_cast %get3A_28 : vector<1x1x1024x128xf32> to vector<1024x128xf32>
    %sub3A = arith.subf %get3A_29, %add3A_23 : vector<1024x128xf32>
    %mul3A_30 = arith.mulf %sub3A, %sub3A : vector<1024x128xf32>
    %get3A_31 = arith.constant 0 : index
    %get3A_32 = arith.constant 1 : index
    %get3A_33 = arith.constant 0 : index
    %get3A_34 = arith.constant 0 : index
    %get3A_35 = vector.load %arg1[%get3A_31, %get3A_32, %get3A_33, %get3A_34] : memref<1x16x1024x128xf32, #tpu.memory_space<vmem>>, vector<1x1x1024x128xf32>
    %get3A_36 = vector.shape_cast %get3A_35 : vector<1x1x1024x128xf32> to vector<1024x128xf32>
    %sub3A_37 = arith.subf %get3A_36, %add3A_23 : vector<1024x128xf32>
    %max3A = arith.maximumf %sub3A, %sub3A_37 : vector<1024x128xf32>
    %min3A = arith.minimumf %sub3A, %sub3A_37 : vector<1024x128xf32>
    %add3A_38 = arith.addf %sub3A, %sub3A_37 : vector<1024x128xf32>
    %mul3A_39 = arith.mulf %sub3A_37, %sub3A_37 : vector<1024x128xf32>
    %add3A_40 = arith.addf %mul3A_30, %mul3A_39 : vector<1024x128xf32>
    %get3A_41 = arith.constant 0 : index
    %get3A_42 = arith.constant 2 : index
    %get3A_43 = arith.constant 0 : index
    %get3A_44 = arith.constant 0 : index
    %get3A_45 = vector.load %arg1[%get3A_41, %get3A_42, %get3A_43, %get3A_44] : memref<1x16x1024x128xf32, #tpu.memory_space<vmem>>, vector<1x1x1024x128xf32>
    %get3A_46 = vector.shape_cast %get3A_45 : vector<1x1x1024x128xf32> to vector<1024x128xf32>
    %sub3A_47 = arith.subf %get3A_46, %add3A_23 : vector<1024x128xf32>
    %max3A_48 = arith.maximumf %max3A, %sub3A_47 : vector<1024x128xf32>
    %min3A_49 = arith.minimumf %min3A, %sub3A_47 : vector<1024x128xf32>
    %add3A_50 = arith.addf %add3A_38, %sub3A_47 : vector<1024x128xf32>
    %mul3A_51 = arith.mulf %sub3A_47, %sub3A_47 : vector<1024x128xf32>
    %add3A_52 = arith.addf %add3A_40, %mul3A_51 : vector<1024x128xf32>
    %get3A_53 = arith.constant 0 : index
    %get3A_54 = arith.constant 3 : index
    %get3A_55 = arith.constant 0 : index
    %get3A_56 = arith.constant 0 : index
    %get3A_57 = vector.load %arg1[%get3A_53, %get3A_54, %get3A_55, %get3A_56] : memref<1x16x1024x128xf32, #tpu.memory_space<vmem>>, vector<1x1x1024x128xf32>
    %get3A_58 = vector.shape_cast %get3A_57 : vector<1x1x1024x128xf32> to vector<1024x128xf32>
    %sub3A_59 = arith.subf %get3A_58, %add3A_23 : vector<1024x128xf32>
    %max3A_60 = arith.maximumf %max3A_48, %sub3A_59 : vector<1024x128xf32>
    %min3A_61 = arith.minimumf %min3A_49, %sub3A_59 : vector<1024x128xf32>
    %add3A_62 = arith.addf %add3A_50, %sub3A_59 : vector<1024x128xf32>
    %mul3A_63 = arith.mulf %sub3A_59, %sub3A_59 : vector<1024x128xf32>
    %add3A_64 = arith.addf %add3A_52, %mul3A_63 : vector<1024x128xf32>
    %get3A_65 = arith.constant 0 : index
    %get3A_66 = arith.constant 4 : index
    %get3A_67 = arith.constant 0 : index
    %get3A_68 = arith.constant 0 : index
    %get3A_69 = vector.load %arg1[%get3A_65, %get3A_66, %get3A_67, %get3A_68] : memref<1x16x1024x128xf32, #tpu.memory_space<vmem>>, vector<1x1x1024x128xf32>
    %get3A_70 = vector.shape_cast %get3A_69 : vector<1x1x1024x128xf32> to vector<1024x128xf32>
    %sub3A_71 = arith.subf %get3A_70, %add3A_23 : vector<1024x128xf32>
    %max3A_72 = arith.maximumf %max3A_60, %sub3A_71 : vector<1024x128xf32>
    %min3A_73 = arith.minimumf %min3A_61, %sub3A_71 : vector<1024x128xf32>
    %add3A_74 = arith.addf %add3A_62, %sub3A_71 : vector<1024x128xf32>
    %mul3A_75 = arith.mulf %sub3A_71, %sub3A_71 : vector<1024x128xf32>
    %add3A_76 = arith.addf %add3A_64, %mul3A_75 : vector<1024x128xf32>
    %get3A_77 = arith.constant 0 : index
    %get3A_78 = arith.constant 5 : index
    %get3A_79 = arith.constant 0 : index
    %get3A_80 = arith.constant 0 : index
    %get3A_81 = vector.load %arg1[%get3A_77, %get3A_78, %get3A_79, %get3A_80] : memref<1x16x1024x128xf32, #tpu.memory_space<vmem>>, vector<1x1x1024x128xf32>
    %get3A_82 = vector.shape_cast %get3A_81 : vector<1x1x1024x128xf32> to vector<1024x128xf32>
    %sub3A_83 = arith.subf %get3A_82, %add3A_23 : vector<1024x128xf32>
    %max3A_84 = arith.maximumf %max3A_72, %sub3A_83 : vector<1024x128xf32>
    %min3A_85 = arith.minimumf %min3A_73, %sub3A_83 : vector<1024x128xf32>
    %add3A_86 = arith.addf %add3A_74, %sub3A_83 : vector<1024x128xf32>
    %mul3A_87 = arith.mulf %sub3A_83, %sub3A_83 : vector<1024x128xf32>
    %add3A_88 = arith.addf %add3A_76, %mul3A_87 : vector<1024x128xf32>
    %get3A_89 = arith.constant 0 : index
    %get3A_90 = arith.constant 6 : index
    %get3A_91 = arith.constant 0 : index
    %get3A_92 = arith.constant 0 : index
    %get3A_93 = vector.load %arg1[%get3A_89, %get3A_90, %get3A_91, %get3A_92] : memref<1x16x1024x128xf32, #tpu.memory_space<vmem>>, vector<1x1x1024x128xf32>
    %get3A_94 = vector.shape_cast %get3A_93 : vector<1x1x1024x128xf32> to vector<1024x128xf32>
    %sub3A_95 = arith.subf %get3A_94, %add3A_23 : vector<1024x128xf32>
    %max3A_96 = arith.maximumf %max3A_84, %sub3A_95 : vector<1024x128xf32>
    %min3A_97 = arith.minimumf %min3A_85, %sub3A_95 : vector<1024x128xf32>
    %add3A_98 = arith.addf %add3A_86, %sub3A_95 : vector<1024x128xf32>
    %mul3A_99 = arith.mulf %sub3A_95, %sub3A_95 : vector<1024x128xf32>
    %add3A_100 = arith.addf %add3A_88, %mul3A_99 : vector<1024x128xf32>
    %get3A_101 = arith.constant 0 : index
    %get3A_102 = arith.constant 7 : index
    %get3A_103 = arith.constant 0 : index
    %get3A_104 = arith.constant 0 : index
    %get3A_105 = vector.load %arg1[%get3A_101, %get3A_102, %get3A_103, %get3A_104] : memref<1x16x1024x128xf32, #tpu.memory_space<vmem>>, vector<1x1x1024x128xf32>
    %get3A_106 = vector.shape_cast %get3A_105 : vector<1x1x1024x128xf32> to vector<1024x128xf32>
    %sub3A_107 = arith.subf %get3A_106, %add3A_23 : vector<1024x128xf32>
    %max3A_108 = arith.maximumf %max3A_96, %sub3A_107 : vector<1024x128xf32>
    %min3A_109 = arith.minimumf %min3A_97, %sub3A_107 : vector<1024x128xf32>
    %add3A_110 = arith.addf %add3A_98, %sub3A_107 : vector<1024x128xf32>
    %mul3A_111 = arith.mulf %sub3A_107, %sub3A_107 : vector<1024x128xf32>
    %add3A_112 = arith.addf %add3A_100, %mul3A_111 : vector<1024x128xf32>
    %get3A_113 = arith.constant 0 : index
    %get3A_114 = arith.constant 8 : index
    %get3A_115 = arith.constant 0 : index
    %get3A_116 = arith.constant 0 : index
    %get3A_117 = vector.load %arg1[%get3A_113, %get3A_114, %get3A_115, %get3A_116] : memref<1x16x1024x128xf32, #tpu.memory_space<vmem>>, vector<1x1x1024x128xf32>
    %get3A_118 = vector.shape_cast %get3A_117 : vector<1x1x1024x128xf32> to vector<1024x128xf32>
    %sub3A_119 = arith.subf %get3A_118, %add3A_23 : vector<1024x128xf32>
    %max3A_120 = arith.maximumf %max3A_108, %sub3A_119 : vector<1024x128xf32>
    %min3A_121 = arith.minimumf %min3A_109, %sub3A_119 : vector<1024x128xf32>
    %add3A_122 = arith.addf %add3A_110, %sub3A_119 : vector<1024x128xf32>
    %mul3A_123 = arith.mulf %sub3A_119, %sub3A_119 : vector<1024x128xf32>
    %add3A_124 = arith.addf %add3A_112, %mul3A_123 : vector<1024x128xf32>
    %get3A_125 = arith.constant 0 : index
    %get3A_126 = arith.constant 9 : index
    %get3A_127 = arith.constant 0 : index
    %get3A_128 = arith.constant 0 : index
    %get3A_129 = vector.load %arg1[%get3A_125, %get3A_126, %get3A_127, %get3A_128] : memref<1x16x1024x128xf32, #tpu.memory_space<vmem>>, vector<1x1x1024x128xf32>
    %get3A_130 = vector.shape_cast %get3A_129 : vector<1x1x1024x128xf32> to vector<1024x128xf32>
    %sub3A_131 = arith.subf %get3A_130, %add3A_23 : vector<1024x128xf32>
    %max3A_132 = arith.maximumf %max3A_120, %sub3A_131 : vector<1024x128xf32>
    %min3A_133 = arith.minimumf %min3A_121, %sub3A_131 : vector<1024x128xf32>
    %add3A_134 = arith.addf %add3A_122, %sub3A_131 : vector<1024x128xf32>
    %mul3A_135 = arith.mulf %sub3A_131, %sub3A_131 : vector<1024x128xf32>
    %add3A_136 = arith.addf %add3A_124, %mul3A_135 : vector<1024x128xf32>
    %get3A_137 = arith.constant 0 : index
    %get3A_138 = arith.constant 10 : index
    %get3A_139 = arith.constant 0 : index
    %get3A_140 = arith.constant 0 : index
    %get3A_141 = vector.load %arg1[%get3A_137, %get3A_138, %get3A_139, %get3A_140] : memref<1x16x1024x128xf32, #tpu.memory_space<vmem>>, vector<1x1x1024x128xf32>
    %get3A_142 = vector.shape_cast %get3A_141 : vector<1x1x1024x128xf32> to vector<1024x128xf32>
    %sub3A_143 = arith.subf %get3A_142, %add3A_23 : vector<1024x128xf32>
    %max3A_144 = arith.maximumf %max3A_132, %sub3A_143 : vector<1024x128xf32>
    %min3A_145 = arith.minimumf %min3A_133, %sub3A_143 : vector<1024x128xf32>
    %add3A_146 = arith.addf %add3A_134, %sub3A_143 : vector<1024x128xf32>
    %mul3A_147 = arith.mulf %sub3A_143, %sub3A_143 : vector<1024x128xf32>
    %add3A_148 = arith.addf %add3A_136, %mul3A_147 : vector<1024x128xf32>
    %get3A_149 = arith.constant 0 : index
    %get3A_150 = arith.constant 11 : index
    %get3A_151 = arith.constant 0 : index
    %get3A_152 = arith.constant 0 : index
    %get3A_153 = vector.load %arg1[%get3A_149, %get3A_150, %get3A_151, %get3A_152] : memref<1x16x1024x128xf32, #tpu.memory_space<vmem>>, vector<1x1x1024x128xf32>
    %get3A_154 = vector.shape_cast %get3A_153 : vector<1x1x1024x128xf32> to vector<1024x128xf32>
    %sub3A_155 = arith.subf %get3A_154, %add3A_23 : vector<1024x128xf32>
    %max3A_156 = arith.maximumf %max3A_144, %sub3A_155 : vector<1024x128xf32>
    %min3A_157 = arith.minimumf %min3A_145, %sub3A_155 : vector<1024x128xf32>
    %add3A_158 = arith.addf %add3A_146, %sub3A_155 : vector<1024x128xf32>
    %mul3A_159 = arith.mulf %sub3A_155, %sub3A_155 : vector<1024x128xf32>
    %add3A_160 = arith.addf %add3A_148, %mul3A_159 : vector<1024x128xf32>
    %get3A_161 = arith.constant 0 : index
    %get3A_162 = arith.constant 12 : index
    %get3A_163 = arith.constant 0 : index
    %get3A_164 = arith.constant 0 : index
    %get3A_165 = vector.load %arg1[%get3A_161, %get3A_162, %get3A_163, %get3A_164] : memref<1x16x1024x128xf32, #tpu.memory_space<vmem>>, vector<1x1x1024x128xf32>
    %get3A_166 = vector.shape_cast %get3A_165 : vector<1x1x1024x128xf32> to vector<1024x128xf32>
    %sub3A_167 = arith.subf %get3A_166, %add3A_23 : vector<1024x128xf32>
    %max3A_168 = arith.maximumf %max3A_156, %sub3A_167 : vector<1024x128xf32>
    %min3A_169 = arith.minimumf %min3A_157, %sub3A_167 : vector<1024x128xf32>
    %add3A_170 = arith.addf %add3A_158, %sub3A_167 : vector<1024x128xf32>
    %mul3A_171 = arith.mulf %sub3A_167, %sub3A_167 : vector<1024x128xf32>
    %add3A_172 = arith.addf %add3A_160, %mul3A_171 : vector<1024x128xf32>
    %get3A_173 = arith.constant 0 : index
    %get3A_174 = arith.constant 13 : index
    %get3A_175 = arith.constant 0 : index
    %get3A_176 = arith.constant 0 : index
    %get3A_177 = vector.load %arg1[%get3A_173, %get3A_174, %get3A_175, %get3A_176] : memref<1x16x1024x128xf32, #tpu.memory_space<vmem>>, vector<1x1x1024x128xf32>
    %get3A_178 = vector.shape_cast %get3A_177 : vector<1x1x1024x128xf32> to vector<1024x128xf32>
    %sub3A_179 = arith.subf %get3A_178, %add3A_23 : vector<1024x128xf32>
    %max3A_180 = arith.maximumf %max3A_168, %sub3A_179 : vector<1024x128xf32>
    %min3A_181 = arith.minimumf %min3A_169, %sub3A_179 : vector<1024x128xf32>
    %add3A_182 = arith.addf %add3A_170, %sub3A_179 : vector<1024x128xf32>
    %mul3A_183 = arith.mulf %sub3A_179, %sub3A_179 : vector<1024x128xf32>
    %add3A_184 = arith.addf %add3A_172, %mul3A_183 : vector<1024x128xf32>
    %get3A_185 = arith.constant 0 : index
    %get3A_186 = arith.constant 14 : index
    %get3A_187 = arith.constant 0 : index
    %get3A_188 = arith.constant 0 : index
    %get3A_189 = vector.load %arg1[%get3A_185, %get3A_186, %get3A_187, %get3A_188] : memref<1x16x1024x128xf32, #tpu.memory_space<vmem>>, vector<1x1x1024x128xf32>
    %get3A_190 = vector.shape_cast %get3A_189 : vector<1x1x1024x128xf32> to vector<1024x128xf32>
    %sub3A_191 = arith.subf %get3A_190, %add3A_23 : vector<1024x128xf32>
    %max3A_192 = arith.maximumf %max3A_180, %sub3A_191 : vector<1024x128xf32>
    %min3A_193 = arith.minimumf %min3A_181, %sub3A_191 : vector<1024x128xf32>
    %add3A_194 = arith.addf %add3A_182, %sub3A_191 : vector<1024x128xf32>
    %mul3A_195 = arith.mulf %sub3A_191, %sub3A_191 : vector<1024x128xf32>
    %add3A_196 = arith.addf %add3A_184, %mul3A_195 : vector<1024x128xf32>
    %get3A_197 = arith.constant 0 : index
    %get3A_198 = arith.constant 15 : index
    %get3A_199 = arith.constant 0 : index
    %get3A_200 = arith.constant 0 : index
    %get3A_201 = vector.load %arg1[%get3A_197, %get3A_198, %get3A_199, %get3A_200] : memref<1x16x1024x128xf32, #tpu.memory_space<vmem>>, vector<1x1x1024x128xf32>
    %get3A_202 = vector.shape_cast %get3A_201 : vector<1x1x1024x128xf32> to vector<1024x128xf32>
    %sub3A_203 = arith.subf %get3A_202, %add3A_23 : vector<1024x128xf32>
    %max3A_204 = arith.maximumf %max3A_192, %sub3A_203 : vector<1024x128xf32>
    %min3A_205 = arith.minimumf %min3A_193, %sub3A_203 : vector<1024x128xf32>
    %add3A_206 = arith.addf %add3A_194, %sub3A_203 : vector<1024x128xf32>
    %mul3A_207 = arith.mulf %sub3A_203, %sub3A_203 : vector<1024x128xf32>
    %add3A_208 = arith.addf %add3A_196, %mul3A_207 : vector<1024x128xf32>
    %swap3A = arith.constant 0 : index
    %swap3A_209 = arith.constant 0 : index
    %swap3A_210 = arith.constant 0 : index
    %swap3A_211 = vector.load %arg4[%swap3A, %swap3A_209, %swap3A_210] : memref<1x1024x128xf32, #tpu.memory_space<vmem>>, vector<1x1024x128xf32>
    %swap3A_212 = vector.shape_cast %swap3A_211 : vector<1x1024x128xf32> to vector<1024x128xf32>
    %swap3A_213 = vector.shape_cast %max3A_204 : vector<1024x128xf32> to vector<1x1024x128xf32>
    tpu.vector_store %arg4[%swap3A, %swap3A_209, %swap3A_210], %swap3A_213 {strides = array<i32>} : memref<1x1024x128xf32, #tpu.memory_space<vmem>>, vector<1x1024x128xf32>,
    %swap3A_214 = arith.constant 0 : index
    %swap3A_215 = arith.constant 0 : index
    %swap3A_216 = arith.constant 0 : index
    %swap3A_217 = vector.load %arg5[%swap3A_214, %swap3A_215, %swap3A_216] : memref<1x1024x128xf32, #tpu.memory_space<vmem>>, vector<1x1024x128xf32>
    %swap3A_218 = vector.shape_cast %swap3A_217 : vector<1x1024x128xf32> to vector<1024x128xf32>
    %swap3A_219 = vector.shape_cast %min3A_205 : vector<1024x128xf32> to vector<1x1024x128xf32>
    tpu.vector_store %arg5[%swap3A_214, %swap3A_215, %swap3A_216], %swap3A_219 {strides = array<i32>} : memref<1x1024x128xf32, #tpu.memory_space<vmem>>, vector<1x1024x128xf32>,
    %reduce_sum3A = arith.constant dense<0.000000e+00> : vector<128xf32>
    %reduce_sum3A_220 = vector.multi_reduction <add>, %add3A_206, %reduce_sum3A [0] : vector<1024x128xf32> to vector<128xf32>
    %broadcast_in_dim3A = vector.shape_cast %reduce_sum3A_220 : vector<128xf32> to vector<1x128xf32>
    %swap3A_221 = arith.constant 0 : index
    %swap3A_222 = arith.constant 0 : index
    %swap3A_223 = arith.constant 0 : index
    %swap3A_224 = vector.load %arg6[%swap3A_221, %swap3A_222, %swap3A_223] : memref<1x1x128xf32, #tpu.memory_space<vmem>>, vector<1x1x128xf32>
    %swap3A_225 = vector.shape_cast %swap3A_224 : vector<1x1x128xf32> to vector<1x128xf32>
    %swap3A_226 = vector.shape_cast %broadcast_in_dim3A : vector<1x128xf32> to vector<1x1x128xf32>
    tpu.vector_store %arg6[%swap3A_221, %swap3A_222, %swap3A_223], %swap3A_226 {strides = array<i32>} : memref<1x1x128xf32, #tpu.memory_space<vmem>>, vector<1x1x128xf32>,
    %reduce_sum3A_227 = arith.constant dense<0.000000e+00> : vector<128xf32>
    %reduce_sum3A_228 = vector.multi_reduction <add>, %add3A_208, %reduce_sum3A_227 [0] : vector<1024x128xf32> to vector<128xf32>
    %broadcast_in_dim3A_229 = vector.shape_cast %reduce_sum3A_228 : vector<128xf32> to vector<1x128xf32>
    %swap3A_230 = arith.constant 0 : index
    %swap3A_231 = arith.constant 0 : index
    %swap3A_232 = arith.constant 0 : index
    %swap3A_233 = vector.load %arg7[%swap3A_230, %swap3A_231, %swap3A_232] : memref<1x1x128xf32, #tpu.memory_space<vmem>>, vector<1x1x128xf32>
    %swap3A_234 = vector.shape_cast %swap3A_233 : vector<1x1x128xf32> to vector<1x128xf32>
    %swap3A_235 = vector.shape_cast %broadcast_in_dim3A_229 : vector<1x128xf32> to vector<1x1x128xf32>
    tpu.vector_store %arg7[%swap3A_230, %swap3A_231, %swap3A_232], %swap3A_235 {strides = array<i32>} : memref<1x1x128xf32, #tpu.memory_space<vmem>>, vector<1x1x128xf32>,
    return
  }
  func.func @transform_0(%arg0: i32) -> (i32, i32, i32, i32) {
    %c0_i32 = arith.constant 0 : i32
    %c0_i32_0 = arith.constant 0 : i32
    %c0_i32_1 = arith.constant 0 : i32
    %c0_i32_2 = arith.constant 0 : i32
    return %arg0, %c0_i32, %c0_i32_0, %c0_i32_1 : i32, i32, i32, i32
  }
  func.func @transform_1(%arg0: i32) -> (i32, i32, i32) {
    %c0_i32 = arith.constant 0 : i32
    %c0_i32_0 = arith.constant 0 : i32
    %c0_i32_1 = arith.constant 0 : i32
    return %arg0, %c0_i32, %c0_i32_0 : i32, i32, i32
  }
  func.func @transform_2(%arg0: i32) -> (i32, i32) {
    %c0_i32 = arith.constant 0 : i32
    %c0_i32_0 = arith.constant 0 : i32
    %c0_i32_1 = arith.constant 0 : i32
    return %c0_i32, %c0_i32_0 : i32, i32
  }
  func.func @transform_3(%arg0: i32) -> (i32, i32, i32) {
    %c0_i32 = arith.constant 0 : i32
    %c0_i32_0 = arith.constant 0 : i32
    %c0_i32_1 = arith.constant 0 : i32
    return %arg0, %c0_i32, %c0_i32_0 : i32, i32, i32
  }
  func.func @transform_4(%arg0: i32) -> (i32, i32, i32) {
    %c0_i32 = arith.constant 0 : i32
    %c0_i32_0 = arith.constant 0 : i32
    %c0_i32_1 = arith.constant 0 : i32
    return %arg0, %c0_i32, %c0_i32_0 : i32, i32, i32
  }
  func.func @transform_5(%arg0: i32) -> (i32, i32, i32) {
    %c0_i32 = arith.constant 0 : i32
    %c0_i32_0 = arith.constant 0 : i32
    %c0_i32_1 = arith.constant 0 : i32
    return %arg0, %c0_i32, %c0_i32_0 : i32, i32, i32
  }
  func.func @transform_6(%arg0: i32) -> (i32, i32, i32) {
    %c0_i32 = arith.constant 0 : i32
    %c0_i32_0 = arith.constant 0 : i32
    %c0_i32_1 = arith.constant 0 : i32
    return %arg0, %c0_i32, %c0_i32_0 : i32, i32, i32
  }
}

module attributes {stable_mosaic.version = 14 : i64} {
  func.func @_final_body(%arg0: i32, %arg1: memref<1x1024x128xf32, #tpu.memory_space<vmem>>, %arg2: memref<1x1024x128xf32, #tpu.memory_space<vmem>>, %arg3: memref<4x1x128xf32, #tpu.memory_space<vmem>>, %arg4: memref<4x1x128xf32, #tpu.memory_space<vmem>>, %arg5: memref<4x1x128xf32, #tpu.memory_space<vmem>>, %arg6: memref<4x1x128xf32, #tpu.memory_space<vmem>>, %arg7: memref<1x128xf32, #tpu.memory_space<vmem>>, %arg8: memref<1x128xf32, #tpu.memory_space<vmem>>, %arg9: memref<1x1024x128xf32, #tpu.memory_space<vmem>>) attributes {dimension_semantics = [#tpu.dimension_semantics<arbitrary>], iteration_bounds = array<i64: 4>, scalar_prefetch = 0 : i64, scratch_operands = 0 : i64, tpu.core_type = #tpu.core_type<tc>, window_params = [{transform_indices = @transform_0, window_bounds = array<i64: 1, 1024, 128>}, {transform_indices = @transform_1, window_bounds = array<i64: 1, 1024, 128>}, {pipeline_mode = #tpu.pipeline_mode<synchronous>, transform_indices = @transform_2, window_bounds = array<i64: 4, 1, 128>}, {pipeline_mode = #tpu.pipeline_mode<synchronous>, transform_indices = @transform_3, window_bounds = array<i64: 4, 1, 128>}, {pipeline_mode = #tpu.pipeline_mode<synchronous>, transform_indices = @transform_4, window_bounds = array<i64: 4, 1, 128>}, {pipeline_mode = #tpu.pipeline_mode<synchronous>, transform_indices = @transform_5, window_bounds = array<i64: 4, 1, 128>}, {pipeline_mode = #tpu.pipeline_mode<synchronous>, transform_indices = @transform_6, window_bounds = array<i64: 1, 128>}, {pipeline_mode = #tpu.pipeline_mode<synchronous>, transform_indices = @transform_7, window_bounds = array<i64: 1, 128>}, {transform_indices = @transform_8, window_bounds = array<i64: 1, 1024, 128>}]} {
    %get3A = arith.constant 0 : index
    %get3A_0 = arith.constant 0 : index
    %get3A_1 = arith.constant 0 : index
    %get3A_2 = vector.load %arg3[%get3A, %get3A_0, %get3A_1] : memref<4x1x128xf32, #tpu.memory_space<vmem>>, vector<4x1x128xf32>
    %get3A_3 = vector.shape_cast %get3A_2 : vector<4x1x128xf32> to vector<4x128xf32>
    %reduce_sum3A = arith.constant dense<0.000000e+00> : vector<128xf32>
    %reduce_sum3A_4 = vector.multi_reduction <add>, %get3A_3, %reduce_sum3A [0] : vector<4x128xf32> to vector<128xf32>
    %broadcast_in_dim3A = vector.shape_cast %reduce_sum3A_4 : vector<128xf32> to vector<1x128xf32>
    %get3A_5 = arith.constant 0 : index
    %get3A_6 = arith.constant 0 : index
    %get3A_7 = arith.constant 0 : index
    %get3A_8 = vector.load %arg5[%get3A_5, %get3A_6, %get3A_7] : memref<4x1x128xf32, #tpu.memory_space<vmem>>, vector<4x1x128xf32>
    %get3A_9 = vector.shape_cast %get3A_8 : vector<4x1x128xf32> to vector<4x128xf32>
    %reduce_sum3A_10 = arith.constant dense<0.000000e+00> : vector<128xf32>
    %reduce_sum3A_11 = vector.multi_reduction <add>, %get3A_9, %reduce_sum3A_10 [0] : vector<4x128xf32> to vector<128xf32>
    %broadcast_in_dim3A_12 = vector.shape_cast %reduce_sum3A_11 : vector<128xf32> to vector<1x128xf32>
    %add3A = arith.addf %broadcast_in_dim3A, %broadcast_in_dim3A_12 : vector<1x128xf32>
    %div3A = arith.constant 1.310720e+05 : f32
    %div3A_13 = vector.broadcast %div3A : f32 to vector<1x128xf32>
    %div3A_14 = arith.divf %add3A, %div3A_13 : vector<1x128xf32>
    %get3A_15 = arith.constant 0 : index
    %get3A_16 = arith.constant 0 : index
    %get3A_17 = arith.constant 0 : index
    %get3A_18 = vector.load %arg4[%get3A_15, %get3A_16, %get3A_17] : memref<4x1x128xf32, #tpu.memory_space<vmem>>, vector<4x1x128xf32>
    %get3A_19 = vector.shape_cast %get3A_18 : vector<4x1x128xf32> to vector<4x128xf32>
    %reduce_sum3A_20 = arith.constant dense<0.000000e+00> : vector<128xf32>
    %reduce_sum3A_21 = vector.multi_reduction <add>, %get3A_19, %reduce_sum3A_20 [0] : vector<4x128xf32> to vector<128xf32>
    %broadcast_in_dim3A_22 = vector.shape_cast %reduce_sum3A_21 : vector<128xf32> to vector<1x128xf32>
    %get3A_23 = arith.constant 0 : index
    %get3A_24 = arith.constant 0 : index
    %get3A_25 = arith.constant 0 : index
    %get3A_26 = vector.load %arg6[%get3A_23, %get3A_24, %get3A_25] : memref<4x1x128xf32, #tpu.memory_space<vmem>>, vector<4x1x128xf32>
    %get3A_27 = vector.shape_cast %get3A_26 : vector<4x1x128xf32> to vector<4x128xf32>
    %reduce_sum3A_28 = arith.constant dense<0.000000e+00> : vector<128xf32>
    %reduce_sum3A_29 = vector.multi_reduction <add>, %get3A_27, %reduce_sum3A_28 [0] : vector<4x128xf32> to vector<128xf32>
    %broadcast_in_dim3A_30 = vector.shape_cast %reduce_sum3A_29 : vector<128xf32> to vector<1x128xf32>
    %add3A_31 = arith.addf %broadcast_in_dim3A_22, %broadcast_in_dim3A_30 : vector<1x128xf32>
    %div3A_32 = arith.constant 1.310720e+05 : f32
    %div3A_33 = vector.broadcast %div3A_32 : f32 to vector<1x128xf32>
    %div3A_34 = arith.divf %add3A_31, %div3A_33 : vector<1x128xf32>
    %mul3A = arith.mulf %div3A_14, %div3A_14 : vector<1x128xf32>
    %sub3A = arith.subf %div3A_34, %mul3A : vector<1x128xf32>
    %get3A_35 = arith.constant 0 : index
    %get3A_36 = arith.constant 0 : index
    %get3A_37 = vector.load %arg7[%get3A_35, %get3A_36] : memref<1x128xf32, #tpu.memory_space<vmem>>, vector<1x128xf32>
    %add3A_38 = arith.constant 9.99999974E-6 : f32
    %add3A_39 = vector.broadcast %add3A_38 : f32 to vector<1x128xf32>
    %add3A_40 = arith.addf %sub3A, %add3A_39 : vector<1x128xf32>
    %sqrt3A = math.sqrt %add3A_40 : vector<1x128xf32>
    %div3A_41 = arith.divf %get3A_37, %sqrt3A : vector<1x128xf32>
    %get3A_42 = arith.constant 0 : index
    %get3A_43 = arith.constant 0 : index
    %get3A_44 = vector.load %arg7[%get3A_42, %get3A_43] : memref<1x128xf32, #tpu.memory_space<vmem>>, vector<1x128xf32>
    %ge3A = arith.constant 0.000000e+00 : f32
    %ge3A_45 = vector.broadcast %ge3A : f32 to vector<1x128xf32>
    %ge3A_46 = arith.cmpf oge, %get3A_44, %ge3A_45 : vector<1x128xf32>
    %get3A_47 = arith.constant 0 : index
    %get3A_48 = arith.constant 0 : index
    %get3A_49 = arith.constant 0 : index
    %get3A_50 = vector.load %arg1[%get3A_47, %get3A_48, %get3A_49] : memref<1x1024x128xf32, #tpu.memory_space<vmem>>, vector<1x1024x128xf32>
    %get3A_51 = vector.shape_cast %get3A_50 : vector<1x1024x128xf32> to vector<1024x128xf32>
    %get3A_52 = arith.constant 0 : index
    %get3A_53 = arith.constant 0 : index
    %get3A_54 = arith.constant 0 : index
    %get3A_55 = vector.load %arg2[%get3A_52, %get3A_53, %get3A_54] : memref<1x1024x128xf32, #tpu.memory_space<vmem>>, vector<1x1024x128xf32>
    %get3A_56 = vector.shape_cast %get3A_55 : vector<1x1024x128xf32> to vector<1024x128xf32>
    %broadcast_in_dim3A_57 = vector.shape_cast %ge3A_46 : vector<1x128xi1> to vector<1x128xi1>
    %broadcast_in_dim3A_58 = vector.broadcast %broadcast_in_dim3A_57 : vector<1x128xi1> to vector<1024x128xi1>
    %select_n3A = arith.select %broadcast_in_dim3A_58, %get3A_51, %get3A_56 : vector<1024x128xi1>, vector<1024x128xf32>
    %sub3A_59 = vector.broadcast %div3A_14 : vector<1x128xf32> to vector<1024x128xf32>
    %sub3A_60 = arith.subf %select_n3A, %sub3A_59 : vector<1024x128xf32>
    %mul3A_61 = vector.broadcast %div3A_41 : vector<1x128xf32> to vector<1024x128xf32>
    %mul3A_62 = arith.mulf %sub3A_60, %mul3A_61 : vector<1024x128xf32>
    %get3A_63 = arith.constant 0 : index
    %get3A_64 = arith.constant 0 : index
    %get3A_65 = vector.load %arg8[%get3A_63, %get3A_64] : memref<1x128xf32, #tpu.memory_space<vmem>>, vector<1x128xf32>
    %add3A_66 = vector.broadcast %get3A_65 : vector<1x128xf32> to vector<1024x128xf32>
    %add3A_67 = arith.addf %mul3A_62, %add3A_66 : vector<1024x128xf32>
    %max3A = arith.constant 0.000000e+00 : f32
    %max3A_68 = vector.broadcast %max3A : f32 to vector<1024x128xf32>
    %max3A_69 = arith.maximumf %add3A_67, %max3A_68 : vector<1024x128xf32>
    %swap3A = arith.constant 0 : index
    %swap3A_70 = arith.constant 0 : index
    %swap3A_71 = arith.constant 0 : index
    %swap3A_72 = vector.load %arg9[%swap3A, %swap3A_70, %swap3A_71] : memref<1x1024x128xf32, #tpu.memory_space<vmem>>, vector<1x1024x128xf32>
    %swap3A_73 = vector.shape_cast %swap3A_72 : vector<1x1024x128xf32> to vector<1024x128xf32>
    %swap3A_74 = vector.shape_cast %max3A_69 : vector<1024x128xf32> to vector<1x1024x128xf32>
    tpu.vector_store %arg9[%swap3A, %swap3A_70, %swap3A_71], %swap3A_74 {strides = array<i32>} : memref<1x1024x128xf32, #tpu.memory_space<vmem>>, vector<1x1024x128xf32>,
    return
  }
  func.func @transform_0(%arg0: i32) -> (i32, i32, i32) {
    %c0_i32 = arith.constant 0 : i32
    %c0_i32_0 = arith.constant 0 : i32
    %c0_i32_1 = arith.constant 0 : i32
    return %arg0, %c0_i32, %c0_i32_0 : i32, i32, i32
  }
  func.func @transform_1(%arg0: i32) -> (i32, i32, i32) {
    %c0_i32 = arith.constant 0 : i32
    %c0_i32_0 = arith.constant 0 : i32
    %c0_i32_1 = arith.constant 0 : i32
    return %arg0, %c0_i32, %c0_i32_0 : i32, i32, i32
  }
  func.func @transform_2(%arg0: i32) -> (i32, i32, i32) {
    %c0_i32 = arith.constant 0 : i32
    %c0_i32_0 = arith.constant 0 : i32
    %c0_i32_1 = arith.constant 0 : i32
    %c0_i32_2 = arith.constant 0 : i32
    return %c0_i32, %c0_i32_0, %c0_i32_1 : i32, i32, i32
  }
  func.func @transform_3(%arg0: i32) -> (i32, i32, i32) {
    %c0_i32 = arith.constant 0 : i32
    %c0_i32_0 = arith.constant 0 : i32
    %c0_i32_1 = arith.constant 0 : i32
    %c0_i32_2 = arith.constant 0 : i32
    return %c0_i32, %c0_i32_0, %c0_i32_1 : i32, i32, i32
  }
  func.func @transform_4(%arg0: i32) -> (i32, i32, i32) {
    %c0_i32 = arith.constant 0 : i32
    %c0_i32_0 = arith.constant 0 : i32
    %c0_i32_1 = arith.constant 0 : i32
    %c0_i32_2 = arith.constant 0 : i32
    return %c0_i32, %c0_i32_0, %c0_i32_1 : i32, i32, i32
  }
  func.func @transform_5(%arg0: i32) -> (i32, i32, i32) {
    %c0_i32 = arith.constant 0 : i32
    %c0_i32_0 = arith.constant 0 : i32
    %c0_i32_1 = arith.constant 0 : i32
    %c0_i32_2 = arith.constant 0 : i32
    return %c0_i32, %c0_i32_0, %c0_i32_1 : i32, i32, i32
  }
  func.func @transform_6(%arg0: i32) -> (i32, i32) {
    %c0_i32 = arith.constant 0 : i32
    %c0_i32_0 = arith.constant 0 : i32
    %c0_i32_1 = arith.constant 0 : i32
    return %c0_i32, %c0_i32_0 : i32, i32
  }
  func.func @transform_7(%arg0: i32) -> (i32, i32) {
    %c0_i32 = arith.constant 0 : i32
    %c0_i32_0 = arith.constant 0 : i32
    %c0_i32_1 = arith.constant 0 : i32
    return %c0_i32, %c0_i32_0 : i32, i32
  }
  func.func @transform_8(%arg0: i32) -> (i32, i32, i32) {
    %c0_i32 = arith.constant 0 : i32
    %c0_i32_0 = arith.constant 0 : i32
    %c0_i32_1 = arith.constant 0 : i32
    return %arg0, %c0_i32, %c0_i32_0 : i32, i32, i32
  }
}

</mosaic_0001>

<sc_bundles>
// kernel: kernel.12.cloned.1.call-start
scs
__scs_entry_jumppad:
0x0: {  	(pc) =	sbr.rel $0x88, $3  }
0x1: {  	(tag) =	ssettag $0x0;
	lr =	simm.s32 $0x1  }
0x2: {  	[smem:$0x3F9B] =	sst lr;
	_ =	strace $0xD0000000  }
0x3: {  	_ = 	snop  }
0x4: {  	_ = 	snop  }
0x5: {  	_ = 	snop  }
0x6: {  	_ = 	snop  }
0x7: {  	_ = 	snop  }
__scs_overlays_trampoline_lowered:
0x8: {  	[smem:$0x3FAA] =	sst s0  }
0x9: {  	[smem:$0x3FAB] =	sst s1  }
0xa: {  	[smem:$0x3FAC] =	sst s2  }
0xb: {  	[smem:$0x3FAD] =	sst s3  }
0xc: {  	[smem:$0x3FAE] =	sst s4  }
0xd: {  	[smem:$0x3FAF] =	sst s5  }
0xe: {  	[smem:$0x3FB0] =	sst s6  }
0xf: {  	[smem:$0x3FB1] =	sst s7  }
0x10: {  	[smem:$0x3FB2] =	sst s8  }
0x11: {  	[smem:$0x3FB3] =	sst s9;
	s0 =	simm.s32 @!p0 $0x0  }
0x12: {  	s1 =	sld [smem:$0x3F99];
	s0 =	simm.s32 @p0 $0x1  }
0x13: {  	[smem:$0x3FB4] =	sst s0;
	s0 =	simm.s32 @!p1 $0x0  }
0x14: {  	s2 =	sld [smem:$0x3F98];
	s0 =	simm.s32 @p1 $0x1  }
0x15: {  	[smem:$0x3FB5] =	sst s0;
	s0 =	simm.s32 @!p2 $0x0  }
0x16: {  	s3 =	sld [smem:$0x3FDB];
	s0 =	simm.s32 @p2 $0x1  }
0x17: {  	s4 =	simm.s32 $0x1BF5;
	[smem:$0x3FB7] =	sst s0  }
0x18: {  	s0 =	sld [smem:$0x3F9A];
	_ =	swait.ge [sflag:s4], $0x0  }
0x19: {  	s7 =	sld [smem:$0x3F9B]  }
0x1a: {  	s8 =	sadd.s32 $0xFFFFE003, lr  }
0x1b: {  	s9 =	sadd.s32 $0xFFFFFEF7, lr;
	s5 =	simm.s32 $0xFFFFFFFF;
	p2 =	slt.u32 s8, $0xFFFFF086  }
0x1c: {  	p1 =	slt.u32 s9, $0xF7A;
	s5 =	simm.s32 @!p2 $0x0  }
0x1d: {  	s5 =	simm.s32 @p1 $0x1;
	p0 =	seq.s32 s7, s2  }
0x1e: {  	s7 =	smul.u32 @!p0 $0xF7A, s2;
	p2 =	seq.s32 @!p0 s5, $0x0  }
0x1f: {  	s9 =	smul.u32 $0xF7A, s1;
	s8 =	simm.s32 @!p0 $0x1BF5;
	p2 =	por !p2, p0  }
0x20: {  	[sflag:s8] =	ssyncset.s32 @!p0 $0xFFFFF086;
	s6 =	sadd.s32 @!p0 s3, s7;
	s7 =	simm.s32 @!p0 $0x108  }
0x21: {  	s3 =	sadd.s32 s3, s9;
	s6 =	sadd.s32 @!p0 $0x88, s6;
	s7 =	simm.s32 @p2 $0x1082  }
0x22: {  	[simem:s7], [sflag:s8] =	dma.local @!p0 [hbm:s6], $0xF7A  }
0x23: {  	s9 =	sor.u32 $0xD0000000, s2;
	s6 =	simm.s32 $0x108;
	_ =	swait.ge @!p0 [sflag:s8], $0x0  }
0x24: {  	s3 =	sadd.s32 $0x88, s3;
	s6 =	simm.s32 @!p1 $0x1082;
	[sflag:s4] =	ssyncset.s32 $0xFFFFF086  }
0x25: {  	[simem:s6], [sflag:s4] =	dma.local [hbm:s3], $0xF7A  }
0x26: {  	[smem:$0x3F9B] =	sst s1;
	(tag) =	ssettag s2;
	_ =	strace s9  }
0x27: {  	s1 =	sld [smem:$0x3FAB]  }
0x28: {  	s2 =	sld [smem:$0x3FAC]  }
0x29: {  	s4 =	sld [smem:$0x3FAE]  }
0x2a: {  	p0 =	seq.s32 s5, $0x0;
	s5 =	sld [smem:$0x3FAF]  }
0x2b: {  	s6 =	sld [smem:$0x3FB0]  }
0x2c: {  	s7 =	sld [smem:$0x3FB1]  }
0x2d: {  	s3 =	simm.s32 $0x108;
	s8 =	sld [smem:$0x3FB2]  }
0x2e: {  	s3 =	simm.s32 @!p0 $0x1082;
	s9 =	sld [smem:$0x3FB3]  }
0x2f: {  	lr =	sadd.s32 s0, s3;
	s0 =	sld [smem:$0x3FAA]  }
0x30: {  	s3 =	sld [smem:$0x3FAD]  }
0x31: {  	[smem:$0x3FB6] =	sst s10  }
0x32: {  	s10 =	sld [smem:$0x3FB4];
	_ =	sdelay $0x3  }
0x33: {  	p0 =	seq.s32 s10, $0x1;
	s10 =	sld [smem:$0x3FB6];
	_ =	sdelay $0x3  }
0x34: {  	[smem:$0x3FB6] =	sst s10  }
0x35: {  	s10 =	sld [smem:$0x3FB5];
	_ =	sdelay $0x3  }
0x36: {  	p1 =	seq.s32 s10, $0x1;
	s10 =	sld [smem:$0x3FB6];
	_ =	sdelay $0x3  }
0x37: {  	[smem:$0x3FB6] =	sst s10  }
0x38: {  	s10 =	sld [smem:$0x3FB7]  }
0x39: {  	_ = 	snop;
	(pc) =	sbr.ind lr, $3  }
0x3a: {  	_ = 	snop  }
0x3b: {  	_ = 	snop  }
0x3c: {  	p2 =	seq.s32 s10, $0x1;
	s10 =	sld [smem:$0x3FB6]  }
0x3d: {  	_ =	shalt  }
0x3e: {  	_ =	shalt  }
0x3f: {  	_ =	shalt  }
0x40: {  	_ =	shalt  }
0x41: {  	_ =	shalt  }
0x42: {  	_ =	shalt  }
0x43: {  	_ =	shalt  }
0x44: {  	_ =	shalt  }
0x45: {  	_ =	shalt  }
0x46: {  	_ =	shalt  }
0x47: {  	_ =	shalt  }
0x48: {  	_ =	shalt  }
0x49: {  	_ =	shalt  }
0x4a: {  	_ =	shalt  }
0x4b: {  	_ =	shalt  }
0x4c: {  	_ =	shalt  }
0x4d: {  	_ =	shalt  }
0x4e: {  	_ =	shalt  }
0x4f: {  	_ =	shalt  }
0x50: {  	_ =	shalt  }
0x51: {  	_ =	shalt  }
0x52: {  	_ =	shalt  }
0x53: {  	_ =	shalt  }
0x54: {  	_ =	shalt  }
0x55: {  	_ =	shalt  }
0x56: {  	_ =	shalt  }
0x57: {  	_ =	shalt  }
0x58: {  	_ =	shalt  }
0x59: {  	_ =	shalt  }
0x5a: {  	_ =	shalt  }
0x5b: {  	_ =	shalt  }
0x5c: {  	_ =	shalt  }
0x5d: {  	_ =	shalt  }
0x5e: {  	_ =	shalt  }
0x5f: {  	_ =	shalt  }
0x60: {  	_ =	shalt  }
0x61: {  	_ =	shalt  }
0x62: {  	_ =	shalt  }
0x63: {  	_ =	shalt  }
0x64: {  	_ =	shalt  }
0x65: {  	_ =	shalt  }
0x66: {  	_ =	shalt  }
0x67: {  	_ =	shalt  }
0x68: {  	_ =	shalt  }
0x69: {  	_ =	shalt  }
0x6a: {  	_ =	shalt  }
0x6b: {  	_ =	shalt  }
0x6c: {  	_ =	shalt  }
0x6d: {  	_ =	shalt  }
0x6e: {  	_ =	shalt  }
0x6f: {  	_ =	shalt  }
0x70: {  	_ =	shalt  }
0x71: {  	_ =	shalt  }
0x72: {  	_ =	shalt  }
0x73: {  	_ =	shalt  }
0x74: {  	_ =	shalt  }
0x75: {  	_ =	shalt  }
0x76: {  	_ =	shalt  }
0x77: {  	_ =	shalt  }
0x78: {  	_ =	shalt  }
0x79: {  	_ =	shalt  }
0x7a: {  	_ =	shalt  }
0x7b: {  	_ =	shalt  }
0x7c: {  	_ =	shalt  }
0x7d: {  	_ =	shalt  }
0x7e: {  	_ =	shalt  }
0x7f: {  	_ =	shalt  }
0x80: {  	_ =	shalt  }
0x81: {  	_ =	shalt  }
0x82: {  	_ =	shalt  }
0x83: {  	_ =	shalt  }
0x84: {  	_ =	shalt  }
0x85: {  	_ =	shalt  }
0x86: {  	_ =	shalt  }
0x87: {  	_ =	shalt  }
.Lfunc_end0:
.L_simem_size_0:
called_computation_lowered:
.L_overlay_start_0:
0x88: {  	s2 =	sld [smem:$0x3FD9]  }
0x89: {  	s3 =	sld [smem:$0x3FFE];
	_ =	sdelay $0x1  }
0x8a: {  	s1 =	srdreg.scid  }
0x8b: {  	s0 =	sand.u32 $0x1, s1  }
0x8c: {  	s16 =	sshll.u32 s0, $0xA;
	s2 =	sadd.s32 s3, s2  }
0x8d: {  	s2 =	sadd.s32 s2, s16  }
0x8e: {  	[smem:$0x3FC2] =	sst s2  }
0x8f: {  	_ = 	snop  }
0x90: {  	(tm) =	ssettm $0x1  }
0x91: {  	s17 =	sld [smem:$0x3FFB];
	_ =	sdelay $0x3  }
0x92: {  	_ =	strace s17  }
0x93: {  	s2 =	sld [smem:$0x3FFC];
	_ =	sdelay $0x3  }
0x94: {  	_ =	strace s2  }
0x95: {  	s2 =	sld [smem:$0x3FFD];
	_ =	sdelay $0x3  }
0x96: {  	_ =	strace s2  }
0x97: {  	_ =	strace $0x8FFFFFFF  }
0x98: {  	s18 =	sld [smem:$0x3FDB];
	_ =	sdelay $0x1  }
0x99: {  	s19 =	simm.s32 $_scs_section_size  }
0x9a: {  	s4 =	simm.s32 $_size__tile_overlayer_lowered;
	s5 =	simm.s32 $_tile_overlayer_lowered  }
0x9b: {  	s22 =	simm.s32 $0x1BFF;
	s21 =	sshll.u32 s5, $0x1;
	s2 =	sadd.s32 s19, s18  }
0x9c: {  	s6 =	simm.s32 $0x0;
	s20 =	sshll.u32 s4, $0x1;
	s4 =	sadd.s32 s21, s2  }
0x9d: {  	[timem:s6], [sflag:s22] =	dma.local [hbm:s4], s20  }
0x9e: {  	_ =	swait.ge [sflag:s22], s20  }
0x9f: {  	s3 =	ssub.s32 $0x0, s20;
	[sflag:s22] =	ssyncset.done $0x0  }
0xa0: {  	[sflag:s22] =	ssyncadd.s32 s3;
	_ =	sdelay $0x1  }
0xa1: {  	s23 =	simm.s32 $0x1B8B  }
0xa2: {  	_ =	swait.ge [sflag:s23], $0x1  }
0xa3: {  	[sflag:s23] =	ssyncset.done $0x0  }
0xa4: {  	s25 =	simm.s32 $0x1B8E;
	s24 =	sld [smem:$0x3FFE];
	[sflag:s23] =	ssyncadd.s32 $0xFFFFFFFF  }
0xa5: {  	s26 =	simm.s32 $execute0_lowered;
	[smem:$0x3FD2] =	sst s25  }
0xa6: {  	s4 =	sshll.u32 s26, $0x1;
	_ =	strace $0x80000046;
	[dreg:$0x1] =	wrdreg $0xFFFFFFFF  }
0xa7: {  	s28 =	simm.s32 $_size_execute0_lowered;
	s2 =	sadd.s32 s2, s4;
	[dreg:$0x0] =	wrdreg $0x0  }
0xa8: {  	s4 =	sshll.u32 s28, $0x1;
	[dreg:$0x2] =	wrdreg s2  }
0xa9: {  	[dreg:$0x3] =	wrdreg s4  }
0xaa: {  	[dreg:$0x4] =	wrdreg $0xC0  }
0xab: {  	_ =	task [dreg:s6], $0x5FFFF  }
0xac: {  	[dreg:$0x1] =	wrdreg $0xFFFFFFFF  }
0xad: {  	[dreg:$0x0] =	wrdreg $0x60  }
0xae: {  	[dreg:$0x2] =	wrdreg s24  }
0xaf: {  	[dreg:$0x3] =	wrdreg $0x9  }
0xb0: {  	_ =	task.clear_ibuf [dreg:s6], $0x4FFFF;
	_ =	strace $0x90000046  }
0xb1: {  	s29 =	simm.s32 $0x9;
	_ =	strace $0x8000004F  }
0xb2: {  	_ =	swait.ge [sflag:s29], $0x1  }
0xb3: {  	[sflag:s29] =	ssyncadd.s32 $0xFFFFFFFF  }
0xb4: {  	_ =	strace $0x9000004F  }
0xb5: {  	_ =	sfence  }
0xb6: {  	s30 =	sld [smem:$0x0];
	_ =	sdelay $0x2  }
0xb7: {  	s31 =	sshll.u32 s1, $0xD;
	s1 =	sshrl.u32 s1, $0x2  }
0xb8: {  	s3 =	sand.u32 $0x4000, s31;
	s1 =	sadd.s32 s1, s30  }
0xb9: {  	s0 =	sor.u32 s3, s0;
	s1 =	sshll.u32 s1, $0x11  }
0xba: {  	s0 =	sor.u32 s1, s0  }
0xbb: {  	s0 =	sadd.s32 $0x8F2B, s0  }
0xbc: {  	[sflag:s0] =	ssyncadd.remote.s32 $0x1  }
0xbd: {  	_ =	sfence.sel $0xFFFF  }
0xbe: {  	[dreg:$0x0] =	wrdreg $0xFFFFFFFF;
	(pc) =	sbr.abs _section_cstart, $3  }
0xbf: {  	[dreg:$0x1] =	wrdreg $0xFFFFFFFF  }
0xc0: {  	_ =	task.clear_ibuf [dreg:s6], $0x2FFFF;
	_ =	strace $0x9FFFFFFF  }
0xc1: {  	(tm) =	ssettm $0x7FFFFFFF  }
tec
execute0_lowered:
.L_overlay_start_1:
0x0: {  	(tag) =	ssettag $0x1  }
0x1: {  	s4 =	rddreg [dreg:$0x0]  }
0x2: {  	s0 =	rddreg [dreg:$0x1];
	s1 =	simm.s32 $0x0;
	s5 =	srdreg.scid  }
0x3: {  	s8 =	simm.s32 $0x80;
	s9 =	simm.s32 $0x4;
	s10 =	simm.s32 $0x0  }
0x4: {  	[smem:$0x7FF] =	sst s1;
	s2 =	sadd.s32 $0x2400, s4;
	s3 =	sadd.s32 $0x82400, s4  }
0x5: {  	s4 =	sadd.s32 $0x84400, s4;
	_ =	strace $0x80000047;
	[dreg:$0x2] =	wrdreg s2  }
0x6: {  	s5 =	sand.u32 $0x1, s5;
	s2 =	stileid.u32;
	[dreg:$0x4] =	wrdreg s4  }
0x7: {  	s6 =	ssub.s32 $0x2, s5;
	s5 =	sshll.u32 s5, $0x4;
	[dreg:$0x3] =	wrdreg s8  }
0x8: {  	s8 =	simm.s32 $0x5;
	s7 =	sshrl.u32 s6, $0x1;
	s5 =	sor.u32 s2, s5  }
0x9: {  	s6 =	ssub.s32 s6, s7;
	s31 =	sshll.u32 s5, $0x8;
	s4 =	sshll.u32 s5, $0x4  }
0xa: {  	s7 =	simm.s32 $0x1;
	s5 =	sadd.s32 s3, s31;
	s6 =	smax.u32 s6, $0x1  }
.LBB2_1:
0xb: {  	_ =	strace $0x80000048;
	s11 =	simm.s32 $0x1;
	p0 =	por $0x0, $0x0  }
0xc: {  	[tilespmem:s1], [sflag:$0x1] =	stream.linear.gather [hbm4b:s5+s1], $0x80, $0x200038;
	[tilespmem:$0x8100] =	vst v63  }
0xd: {  	s11 =	simm.s32 @p0 $0x0  }
0xe: {  	p4 =	por $0x1, $0x1;
	s20 =	sand.u32 $0x1, s1;
	p1 =	sne.s32 s11, $0x0  }
0xf: {  	p2 =	por $0x1, $0x1;
	s18 =	simm.s32 $0xE;
	p0 =	por !p4, !p1  }
0x10: {  	s16 =	simm.s32 $0x0;
	p5 =	por $0x0, $0x0;
	p0 =	por !p0, !p0  }
0x11: {  	s23 =	sadd.s32 $0x0, s4;
	s30 =	sadd.s32 $0x1, s20;
	s12 =	sadd.s32 @p0 s4, s11  }
0x12: {  	_ =	strace $0x90000048;
	s13 =	sand.u32 @p0 $0x1, s7;
	s12 =	sshll.u32 @p0 s12, $0x4  }
0x13: {  	_ =	strace @p0 $0x80000049;
	s15 =	simm.s32 @p0 $0x0;
	s12 =	sand.u32 @p0 $0x1FFFFFF0, s12  }
0x14: {  	s14 =	sshll.u32 @p0 s13, $0x7;
	s13 =	sadd.s32 @p0 $0x1, s13;
	s12 =	sadd.s32 @p0 s3, s12  }
0x15: {  	[tilespmem:s14], [sflag:s13] =	stream.linear.gather @p0 [hbm4b:s12+s15], $0x80, $0x200038;
	[tilespmem:$0x8100] =	vst v63  }
0x16: {  	p3 =	por p2, p2;
	s21 =	sshll.u32 s20, $0xE;
	_ =	strace @p0 $0x90000049  }
0x17: {  	s16 =	sand.u32 $0x80, s16;
	p2 =	por p5, p5;
	_ =	strace $0x8000004A  }
0x18: {  	s17 =	sadd.s32 $0x1, s11;
	s22 =	sor.u32 $0x100, s21;
	_ =	swait.ge [sflag:s30], $0x80  }
0x19: {  	s21 =	simm.s32 $0x1;
	p6 =	por p1, p1;
	[sflag:s30] =	ssyncset.done $0x0  }
0x1a: {  	p1 =	por p3, p3;
	p4 =	por $0x1, $0x1;
	[sflag:s30] =	ssyncadd.s32 $0xFFFFFF80  }
0x1b: {  	s12 =	simm.s32 $0xF;
	s15 =	sand.u32 @!p3 $0x1, s1;
	_ =	strace $0x9000004A  }
0x1c: {  	s13 =	simm.s32 $0x1;
	p3 =	seq.s32 s17, $0x10;
	_ =	strace $0x8000004B  }
0x1d: {  	s13 =	simm.s32 @!p0 $0x0;
	s17 =	simm.s32 @p3 $0x0;
	s19 =	rddreg [dreg:$0x3]  }
0x1e: {  	p0 =	por $0x0, $0x0;
	s14 =	sadd.s32 $0x1, s13;
	s31 =	rddreg [dreg:$0x2]  }
0x1f: {  	[tilespmem:s22], [sflag:$0x5] =	stream.indirect.gather [hbm4b:s31+s19], $0x80, s16, s19, $0x2000b8;
	[tilespmem:$0x8100] =	vst v63  }
0x20: {  	p3 =	sne.s32 s11, s17;
	s21 =	simm.s32 @!p0 $0x0;
	_ =	swait.ge [sflag:s8], $0x4000  }
0x21: {  	p5 =	por !p4, !p3;
	p4 =	por $0x0, $0x0;
	[sflag:s8] =	ssyncset.done $0x0  }
0x22: {  	s13 =	simm.s32 $0x0;
	p6 =	por p4, p6;
	[sflag:s8] =	ssyncadd.s32 $0xFFFFC000  }
0x23: {  	s16 =	simm.s32 $0x0;
	s19 =	simm.s32 $0x0;
	_ =	strace $0x9000004B  }
.LBB2_2:
0x24: {  	_ =	strace @p6 $0x8000004C;
	s13 =	sadd.s32 s21, s13;
	s21 =	smov.u32 s12  }
0x25: {  	s12 =	smov.u32 s18;
	s18 =	sadd.s32 $0xFFFFFFFF, s18;
	p0 =	por p3, p3  }
0x26: {  	s28 =	sshll.u32 @p6 s23, $0xB;
	s20 =	sadd.s32 @p6 $0x3, s20;
	s24 =	simm.s32 @!p0 $0x0  }
0x27: {  	s25 =	rddreg [dreg:$0x4];
	s28 =	sand.u32 @p6 $0x1FFFF800, s28;
	s24 =	simm.s32 @p0 $0x1  }
0x28: {  	s25 =	sadd.s32 @p6 s25, s28;
	s28 =	simm.s32 @p6 $0x0;
	p0 =	sne.s32 s18, $0x0  }
0x29: {  	[hbm4b:s25+s28] =	stream.linear.scatter @p6 [tilespmem:s22], [sflag:s20], $0x4000, $0x200038;
	[tilespmem:$0x8100] =	vst v63  }
0x2a: {  	s20 =	sadd.s32 @!p1 $0x3, s15;
	s15 =	simm.s32 @!p0 $0x0  }
0x2b: {  	s26 =	simm.s32 $0x1;
	[smem:$0x7FC] =	sst s24;
	s15 =	simm.s32 @p0 $0x1  }
0x2c: {  	s26 =	simm.s32 @!p6 $0x0;
	_ =	strace @p6 $0x9000004C;
	[smem:$0x7FD] =	sst s15  }
0x2d: {  	p5 =	por !p5, !p5;
	s19 =	sadd.s32 s26, s19;
	_ =	strace @!p1 $0x8000004D  }
0x2e: {  	s24 =	sand.u32 @!p2 $0x1, s13;
	s22 =	sand.u32 @p5 $0x1, s14;
	_ =	swait.ge @!p1 [sflag:s20], $0x4000  }
0x2f: {  	s15 =	smov.u32 s24;
	s24 =	sadd.s32 @p5 s4, s17;
	[sflag:s20] =	ssyncset.done @!p1 $0x0  }
0x30: {  	s25 =	sshll.u32 @p5 s22, $0x7;
	s24 =	sshll.u32 @p5 s24, $0x4;
	[sflag:s20] =	ssyncadd.s32 @!p1 $0xFFFFC000  }
0x31: {  	s20 =	sadd.s32 @p5 $0x1, s22;
	s22 =	sand.u32 @p5 $0x1FFFFFF0, s24;
	_ =	strace @!p1 $0x9000004D  }
0x32: {  	s24 =	simm.s32 @p5 $0x0;
	s22 =	sadd.s32 @p5 s3, s22;
	_ =	strace @p5 $0x80000049  }
0x33: {  	[tilespmem:s25], [sflag:s20] =	stream.linear.gather @p5 [hbm4b:s22+s24], $0x80, $0x200038;
	[tilespmem:$0x8100] =	vst v63  }
0x34: {  	s16 =	sadd.s32 s26, s16;
	s26 =	sand.u32 $0x1, s19;
	_ =	strace @p5 $0x90000049  }
0x35: {  	s24 =	sadd.s32 $0x1, s26;
	_ =	strace $0x8000004A  }
0x36: {  	_ =	swait.ge [sflag:s24], $0x80  }
0x37: {  	[sflag:s24] =	ssyncset.done $0x0  }
0x38: {  	s20 =	simm.s32 $0x1;
	[sflag:s24] =	ssyncadd.s32 $0xFFFFFF80  }
0x39: {  	s20 =	simm.s32 @!p5 $0x0;
	_ =	strace $0x9000004A  }
0x3a: {  	s14 =	sadd.s32 s20, s14;
	s20 =	sand.u32 $0x1, s16;
	_ =	strace $0x8000004B  }
0x3b: {  	s29 =	sshll.u32 s19, $0x7;
	s25 =	sshll.u32 s20, $0xE;
	s26 =	rddreg [dreg:$0x3]  }
0x3c: {  	s29 =	sand.u32 $0x80, s29;
	s22 =	sor.u32 $0x100, s25;
	s30 =	rddreg [dreg:$0x2]  }
0x3d: {  	[tilespmem:s22], [sflag:$0x5] =	stream.indirect.gather [hbm4b:s30+s26], $0x80, s29, s26, $0x2000b8;
	[tilespmem:$0x8100] =	vst v63  }
0x3e: {  	_ =	swait.ge [sflag:s8], $0x4000  }
0x3f: {  	s31 =	sadd.s32 $0x1, s17;
	[sflag:s8] =	ssyncset.done $0x0  }
0x40: {  	s23 =	sadd.s32 s4, s11;
	s11 =	smov.u32 s17;
	[sflag:s8] =	ssyncadd.s32 $0xFFFFC000  }
0x41: {  	p3 =	seq.s32 s31, $0x10;
	s17 =	smov.u32 s31;
	_ =	strace $0x9000004B  }
0x42: {  	s17 =	simm.s32 @p3 $0x0;
	s31 =	sld [smem:$0x7FD]  }
0x43: {  	p6 =	sne.s32 s12, $0x1;
	p0 =	sne.s32 s21, $0x10;
	p3 =	sne.s32 s11, s17  }
0x44: {  	p5 =	por !p6, !p3;
	p6 =	seq.s32 s21, $0x1;
	s21 =	simm.s32 $0x1  }
0x45: {  	s21 =	simm.s32 @!p0 $0x0;
	p0 =	seq.s32 s31, $0x1  }
.Ltmp0:
0x46: {  	s30 =	sld [smem:$0x7FC];
	(pc) =	sbr.rel @p0 .LBB2_2-.Ltmp0, $4  }
0x47: {  	_ = 	snop  }
0x48: {  	p4 =	seq.s32 s12, $0x10  }
0x49: {  	p1 =	por p2, p2;
	p2 =	por p4, p4;
	p4 =	seq.s32 s30, $0x1  }
0x4a: {  	p6 =	por p6, p4  }
0x4b: {  	_ =	strace @p6 $0x8000004C;
	s23 =	sshll.u32 @p6 s23, $0xB  }
0x4c: {  	s18 =	rddreg [dreg:$0x4];
	s23 =	sand.u32 @p6 $0x1FFFF800, s23  }
0x4d: {  	s20 =	sadd.s32 @p6 $0x3, s20;
	s18 =	sadd.s32 @p6 s18, s23;
	s23 =	simm.s32 @p6 $0x0  }
0x4e: {  	[hbm4b:s18+s23] =	stream.linear.scatter @p6 [tilespmem:s22], [sflag:s20], $0x4000, $0x200038;
	[tilespmem:$0x8100] =	vst v63  }
0x4f: {  	p0 =	por !p5, !p5;
	_ =	strace @p6 $0x9000004C  }
0x50: {  	s15 =	sadd.s32 @!p1 $0x3, s15;
	s17 =	sadd.s32 @p0 s4, s17;
	_ =	strace @!p1 $0x8000004D  }
0x51: {  	s14 =	sand.u32 @p0 $0x1, s14;
	s17 =	sshll.u32 @p0 s17, $0x4;
	_ =	swait.ge @!p1 [sflag:s15], $0x4000  }
0x52: {  	s18 =	simm.s32 $0x1;
	s20 =	sshll.u32 @p0 s14, $0x7;
	[sflag:s15] =	ssyncset.done @!p1 $0x0  }
0x53: {  	s14 =	sadd.s32 @p0 $0x1, s14;
	s18 =	simm.s32 @!p6 $0x0;
	[sflag:s15] =	ssyncadd.s32 @!p1 $0xFFFFC000  }
0x54: {  	s19 =	sadd.s32 s18, s19;
	s15 =	sand.u32 @p0 $0x1FFFFFF0, s17;
	_ =	strace @!p1 $0x9000004D  }
0x55: {  	s17 =	simm.s32 @p0 $0x0;
	s15 =	sadd.s32 @p0 s3, s15;
	_ =	strace @p0 $0x80000049  }
0x56: {  	[tilespmem:s20], [sflag:s14] =	stream.linear.gather @p0 [hbm4b:s15+s17], $0x80, $0x200038;
	[tilespmem:$0x8100] =	vst v63  }
0x57: {  	s25 =	sand.u32 $0x1, s19;
	_ =	strace @p0 $0x90000049  }
0x58: {  	s14 =	sadd.s32 $0x1, s25;
	_ =	strace $0x8000004A  }
0x59: {  	_ =	swait.ge [sflag:s14], $0x80  }
0x5a: {  	[sflag:s14] =	ssyncset.done $0x0  }
0x5b: {  	[sflag:s14] =	ssyncadd.s32 $0xFFFFFF80  }
0x5c: {  	s26 =	sadd.s32 s18, s16;
	_ =	strace $0x9000004A  }
0x5d: {  	s14 =	sand.u32 $0x1, s26;
	_ =	strace $0x8000004B  }
0x5e: {  	s30 =	sshll.u32 s19, $0x7;
	s31 =	sshll.u32 s14, $0xE;
	s28 =	rddreg [dreg:$0x3]  }
0x5f: {  	s17 =	sand.u32 $0x80, s30;
	s18 =	sor.u32 $0x100, s31;
	s29 =	rddreg [dreg:$0x2]  }
0x60: {  	[tilespmem:s18], [sflag:$0x5] =	stream.indirect.gather [hbm4b:s29+s28], $0x80, s17, s28, $0x2000b8;
	[tilespmem:$0x8100] =	vst v63  }
0x61: {  	_ =	swait.ge [sflag:s8], $0x4000  }
0x62: {  	[sflag:s8] =	ssyncset.done $0x0  }
0x63: {  	p5 =	por p3, p3;
	p6 =	seq.s32 s12, $0x1;
	[sflag:s8] =	ssyncadd.s32 $0xFFFFC000  }
0x64: {  	s11 =	sadd.s32 s4, s11;
	p0 =	por p6, p5;
	_ =	strace $0x9000004B  }
0x65: {  	s11 =	sshll.u32 @p0 s11, $0xB;
	_ =	strace @p0 $0x8000004C  }
0x66: {  	s13 =	sadd.s32 s21, s13;
	s11 =	sand.u32 @p0 $0x1FFFF800, s11;
	s12 =	rddreg [dreg:$0x4]  }
0x67: {  	s14 =	sadd.s32 @p0 $0x3, s14;
	s11 =	sadd.s32 @p0 s12, s11;
	s12 =	simm.s32 @p0 $0x0  }
0x68: {  	[hbm4b:s11+s12] =	stream.linear.scatter @p0 [tilespmem:s18], [sflag:s14], $0x4000, $0x200038;
	[tilespmem:$0x8100] =	vst v63  }
0x69: {  	p1 =	por p2, p2;
	s11 =	sand.u32 @!p2 $0x1, s13;
	_ =	strace @p0 $0x9000004C  }
0x6a: {  	s11 =	sadd.s32 @!p1 $0x3, s11;
	_ =	strace @!p1 $0x8000004D  }
0x6b: {  	_ =	swait.ge @!p1 [sflag:s11], $0x4000  }
0x6c: {  	[sflag:s11] =	ssyncset.done @!p1 $0x0  }
0x6d: {  	s10 =	sadd.s32 $0x1, s10;
	[sflag:s11] =	ssyncadd.s32 @!p1 $0xFFFFC000  }
0x6e: {  	p0 =	sne.s32 s10, s6;
	_ =	strace @!p1 $0x9000004D  }
.Ltmp1:
0x6f: {  	_ =	strace $0x8000004E;
	(pc) =	sbr.rel @p0 .LBB2_1-.Ltmp1, $4  }
0x70: {  	_ =	swait.ge [sflag:s9], $0x4000  }
0x71: {  	[sflag:s9] =	ssyncset.done $0x0  }
0x72: {  	[sflag:s9] =	ssyncadd.s32 $0xFFFFC000  }
0x73: {  	_ =	strace $0x9000004E  }
0x74: {  	_ =	sfence.sel $0x180000  }
0x75: {  	[bflag:$0x0] =	sbarrier.arrive $0xFFFF  }
0x76: {  	p0 =	sne.s32 s2, $0x0;
	_ =	strace $0x90000047  }
0x77: {  	s0 =	sadd.s32 @!p0 $0x100000, s0;
	[bflag:$0x2] =	sbarrier.arrive $0xFFFF  }
0x78: {  	[sflag:s0] =	ssyncadd.tile.s32 @!p0 $0x1;
	_ =	shalt  }
.Lfunc_end2:
_tile_overlayer_lowered:
.L_overlay_start_2:
0x79: {  	(tag) =	ssettag $0x2  }
0x7a: {  	s0 =	rddreg [dreg:$0x0];
	s2 =	stileid.u32  }
0x7b: {  	s1 =	rddreg [dreg:$0x1];
	p0 =	sne.s32 s2, $0x0  }
0x7c: {  	s3 =	rddreg [dreg:$0x2];
	[bflag:$0x3] =	sbarrier.arrive $0xFFFF;
	s2 =	simm.s32 @!p0 $0x1C01  }
0x7d: {  	[timem:s3], [sflag:s2] =	dma.local @!p0 [hbm:s0], s1  }
0x7e: {  	s0 =	simm.s32 @!p0 $0x1  }
0x7f: {  	_ =	swait.ge @!p0 [sflag:s0], s1  }
0x80: {  	s1 =	ssub.s32 @!p0 $0x0, s1;
	[sflag:s0] =	ssyncset.done @!p0 $0x0  }
0x81: {  	[sflag:s0] =	ssyncadd.s32 @!p0 s1  }
0x82: {  	[bflag:$0x3] =	sbarrier.arrive $0xFFFF  }
0x83: {  	_ =	shalt  }

// kernel: kernel.15.cloned.1.call-start
scs
__scs_entry_jumppad:
0x0: {  	(pc) =	sbr.rel $0x88, $3  }
0x1: {  	(tag) =	ssettag $0x0;
	lr =	simm.s32 $0x1  }
0x2: {  	[smem:$0x3F9B] =	sst lr;
	_ =	strace $0xD0000000  }
0x3: {  	_ = 	snop  }
0x4: {  	_ = 	snop  }
0x5: {  	_ = 	snop  }
0x6: {  	_ = 	snop  }
0x7: {  	_ = 	snop  }
__scs_overlays_trampoline_lowered:
0x8: {  	[smem:$0x3FAA] =	sst s0  }
0x9: {  	[smem:$0x3FAB] =	sst s1  }
0xa: {  	[smem:$0x3FAC] =	sst s2  }
0xb: {  	[smem:$0x3FAD] =	sst s3  }
0xc: {  	[smem:$0x3FAE] =	sst s4  }
0xd: {  	[smem:$0x3FAF] =	sst s5  }
0xe: {  	[smem:$0x3FB0] =	sst s6  }
0xf: {  	[smem:$0x3FB1] =	sst s7  }
0x10: {  	[smem:$0x3FB2] =	sst s8  }
0x11: {  	[smem:$0x3FB3] =	sst s9;
	s0 =	simm.s32 @!p0 $0x0  }
0x12: {  	s1 =	sld [smem:$0x3F99];
	s0 =	simm.s32 @p0 $0x1  }
0x13: {  	[smem:$0x3FB4] =	sst s0;
	s0 =	simm.s32 @!p1 $0x0  }
0x14: {  	s2 =	sld [smem:$0x3F98];
	s0 =	simm.s32 @p1 $0x1  }
0x15: {  	[smem:$0x3FB5] =	sst s0;
	s0 =	simm.s32 @!p2 $0x0  }
0x16: {  	s3 =	sld [smem:$0x3FDB];
	s0 =	simm.s32 @p2 $0x1  }
0x17: {  	s4 =	simm.s32 $0x1BF5;
	[smem:$0x3FB7] =	sst s0  }
0x18: {  	s0 =	sld [smem:$0x3F9A];
	_ =	swait.ge [sflag:s4], $0x0  }
0x19: {  	s7 =	sld [smem:$0x3F9B]  }
0x1a: {  	s8 =	sadd.s32 $0xFFFFE003, lr  }
0x1b: {  	s9 =	sadd.s32 $0xFFFFFEF7, lr;
	s5 =	simm.s32 $0xFFFFFFFF;
	p2 =	slt.u32 s8, $0xFFFFF086  }
0x1c: {  	p1 =	slt.u32 s9, $0xF7A;
	s5 =	simm.s32 @!p2 $0x0  }
0x1d: {  	s5 =	simm.s32 @p1 $0x1;
	p0 =	seq.s32 s7, s2  }
0x1e: {  	s7 =	smul.u32 @!p0 $0xF7A, s2;
	p2 =	seq.s32 @!p0 s5, $0x0  }
0x1f: {  	s9 =	smul.u32 $0xF7A, s1;
	s8 =	simm.s32 @!p0 $0x1BF5;
	p2 =	por !p2, p0  }
0x20: {  	[sflag:s8] =	ssyncset.s32 @!p0 $0xFFFFF086;
	s6 =	sadd.s32 @!p0 s3, s7;
	s7 =	simm.s32 @!p0 $0x108  }
0x21: {  	s3 =	sadd.s32 s3, s9;
	s6 =	sadd.s32 @!p0 $0x88, s6;
	s7 =	simm.s32 @p2 $0x1082  }
0x22: {  	[simem:s7], [sflag:s8] =	dma.local @!p0 [hbm:s6], $0xF7A  }
0x23: {  	s9 =	sor.u32 $0xD0000000, s2;
	s6 =	simm.s32 $0x108;
	_ =	swait.ge @!p0 [sflag:s8], $0x0  }
0x24: {  	s3 =	sadd.s32 $0x88, s3;
	s6 =	simm.s32 @!p1 $0x1082;
	[sflag:s4] =	ssyncset.s32 $0xFFFFF086  }
0x25: {  	[simem:s6], [sflag:s4] =	dma.local [hbm:s3], $0xF7A  }
0x26: {  	[smem:$0x3F9B] =	sst s1;
	(tag) =	ssettag s2;
	_ =	strace s9  }
0x27: {  	s1 =	sld [smem:$0x3FAB]  }
0x28: {  	s2 =	sld [smem:$0x3FAC]  }
0x29: {  	s4 =	sld [smem:$0x3FAE]  }
0x2a: {  	p0 =	seq.s32 s5, $0x0;
	s5 =	sld [smem:$0x3FAF]  }
0x2b: {  	s6 =	sld [smem:$0x3FB0]  }
0x2c: {  	s7 =	sld [smem:$0x3FB1]  }
0x2d: {  	s3 =	simm.s32 $0x108;
	s8 =	sld [smem:$0x3FB2]  }
0x2e: {  	s3 =	simm.s32 @!p0 $0x1082;
	s9 =	sld [smem:$0x3FB3]  }
0x2f: {  	lr =	sadd.s32 s0, s3;
	s0 =	sld [smem:$0x3FAA]  }
0x30: {  	s3 =	sld [smem:$0x3FAD]  }
0x31: {  	[smem:$0x3FB6] =	sst s10  }
0x32: {  	s10 =	sld [smem:$0x3FB4];
	_ =	sdelay $0x3  }
0x33: {  	p0 =	seq.s32 s10, $0x1;
	s10 =	sld [smem:$0x3FB6];
	_ =	sdelay $0x3  }
0x34: {  	[smem:$0x3FB6] =	sst s10  }
0x35: {  	s10 =	sld [smem:$0x3FB5];
	_ =	sdelay $0x3  }
0x36: {  	p1 =	seq.s32 s10, $0x1;
	s10 =	sld [smem:$0x3FB6];
	_ =	sdelay $0x3  }
0x37: {  	[smem:$0x3FB6] =	sst s10  }
0x38: {  	s10 =	sld [smem:$0x3FB7]  }
0x39: {  	_ = 	snop;
	(pc) =	sbr.ind lr, $3  }
0x3a: {  	_ = 	snop  }
0x3b: {  	_ = 	snop  }
0x3c: {  	p2 =	seq.s32 s10, $0x1;
	s10 =	sld [smem:$0x3FB6]  }
0x3d: {  	_ =	shalt  }
0x3e: {  	_ =	shalt  }
0x3f: {  	_ =	shalt  }
0x40: {  	_ =	shalt  }
0x41: {  	_ =	shalt  }
0x42: {  	_ =	shalt  }
0x43: {  	_ =	shalt  }
0x44: {  	_ =	shalt  }
0x45: {  	_ =	shalt  }
0x46: {  	_ =	shalt  }
0x47: {  	_ =	shalt  }
0x48: {  	_ =	shalt  }
0x49: {  	_ =	shalt  }
0x4a: {  	_ =	shalt  }
0x4b: {  	_ =	shalt  }
0x4c: {  	_ =	shalt  }
0x4d: {  	_ =	shalt  }
0x4e: {  	_ =	shalt  }
0x4f: {  	_ =	shalt  }
0x50: {  	_ =	shalt  }
0x51: {  	_ =	shalt  }
0x52: {  	_ =	shalt  }
0x53: {  	_ =	shalt  }
0x54: {  	_ =	shalt  }
0x55: {  	_ =	shalt  }
0x56: {  	_ =	shalt  }
0x57: {  	_ =	shalt  }
0x58: {  	_ =	shalt  }
0x59: {  	_ =	shalt  }
0x5a: {  	_ =	shalt  }
0x5b: {  	_ =	shalt  }
0x5c: {  	_ =	shalt  }
0x5d: {  	_ =	shalt  }
0x5e: {  	_ =	shalt  }
0x5f: {  	_ =	shalt  }
0x60: {  	_ =	shalt  }
0x61: {  	_ =	shalt  }
0x62: {  	_ =	shalt  }
0x63: {  	_ =	shalt  }
0x64: {  	_ =	shalt  }
0x65: {  	_ =	shalt  }
0x66: {  	_ =	shalt  }
0x67: {  	_ =	shalt  }
0x68: {  	_ =	shalt  }
0x69: {  	_ =	shalt  }
0x6a: {  	_ =	shalt  }
0x6b: {  	_ =	shalt  }
0x6c: {  	_ =	shalt  }
0x6d: {  	_ =	shalt  }
0x6e: {  	_ =	shalt  }
0x6f: {  	_ =	shalt  }
0x70: {  	_ =	shalt  }
0x71: {  	_ =	shalt  }
0x72: {  	_ =	shalt  }
0x73: {  	_ =	shalt  }
0x74: {  	_ =	shalt  }
0x75: {  	_ =	shalt  }
0x76: {  	_ =	shalt  }
0x77: {  	_ =	shalt  }
0x78: {  	_ =	shalt  }
0x79: {  	_ =	shalt  }
0x7a: {  	_ =	shalt  }
0x7b: {  	_ =	shalt  }
0x7c: {  	_ =	shalt  }
0x7d: {  	_ =	shalt  }
0x7e: {  	_ =	shalt  }
0x7f: {  	_ =	shalt  }
0x80: {  	_ =	shalt  }
0x81: {  	_ =	shalt  }
0x82: {  	_ =	shalt  }
0x83: {  	_ =	shalt  }
0x84: {  	_ =	shalt  }
0x85: {  	_ =	shalt  }
0x86: {  	_ =	shalt  }
0x87: {  	_ =	shalt  }
.Lfunc_end0:
.L_simem_size_0:
called_computation.1_lowered:
.L_overlay_start_0:
0x88: {  	s2 =	sld [smem:$0x3FD9]  }
0x89: {  	s3 =	sld [smem:$0x3FFE];
	_ =	sdelay $0x1  }
0x8a: {  	s1 =	srdreg.scid  }
0x8b: {  	s0 =	sand.u32 $0x1, s1  }
0x8c: {  	s15 =	sshll.u32 s0, $0xA;
	s2 =	sadd.s32 s3, s2  }
0x8d: {  	s2 =	sadd.s32 s2, s15  }
0x8e: {  	[smem:$0x3FC2] =	sst s2  }
0x8f: {  	_ = 	snop  }
0x90: {  	s2 =	sld [smem:$0x3FD0];
	_ =	sdelay $0x2  }
0x91: {  	s16 =	simm.s32 $0xB;
	s4 =	simm.s32 $0x10  }
0x92: {  	[smem:s4], [sflag:s16] =	dma.local [hbm:s2], $0x1  }
0x93: {  	_ =	swait.eq [sflag:s16], $0x1  }
0x94: {  	[sflag:s16] =	ssyncset.done $0x0  }
0x95: {  	[sflag:s16] =	ssyncadd.s32 $0xFFFFFFFF  }
0x96: {  	s17 =	sld [smem:$0x10];
	(tm) =	ssettm $0x1  }
0x97: {  	s18 =	sld [smem:$0x3FFB];
	_ =	sdelay $0x3  }
0x98: {  	_ =	strace s18  }
0x99: {  	s2 =	sld [smem:$0x3FFC];
	_ =	sdelay $0x3  }
0x9a: {  	_ =	strace s2  }
0x9b: {  	s2 =	sld [smem:$0x3FFD];
	_ =	sdelay $0x3  }
0x9c: {  	_ =	strace s2  }
0x9d: {  	_ =	strace $0x8FFFFFFF  }
0x9e: {  	s19 =	sld [smem:$0x3FDB];
	_ =	sdelay $0x1  }
0x9f: {  	s20 =	simm.s32 $_scs_section_size  }
0xa0: {  	s5 =	simm.s32 $_size__tile_overlayer_lowered;
	s6 =	simm.s32 $_tile_overlayer_lowered  }
0xa1: {  	s7 =	simm.s32 $0x1BFF;
	s21 =	sshll.u32 s6, $0x1;
	s4 =	sadd.s32 s20, s19  }
0xa2: {  	s22 =	simm.s32 $0x0;
	s5 =	sshll.u32 s5, $0x1;
	s6 =	sadd.s32 s21, s4  }
0xa3: {  	[timem:s22], [sflag:s7] =	dma.local [hbm:s6], s5  }
0xa4: {  	_ =	swait.ge [sflag:s7], s5  }
0xa5: {  	s5 =	ssub.s32 $0x0, s5;
	[sflag:s7] =	ssyncset.done $0x0  }
0xa6: {  	[sflag:s7] =	ssyncadd.s32 s5;
	_ =	sdelay $0x1  }
0xa7: {  	s23 =	simm.s32 $0x1B8B  }
0xa8: {  	_ =	swait.ge [sflag:s23], $0x1  }
0xa9: {  	[sflag:s23] =	ssyncset.done $0x0  }
0xaa: {  	[sflag:s23] =	ssyncadd.s32 $0xFFFFFFFF  }
0xab: {  	s5 =	sld [smem:$0x0]  }
0xac: {  	s6 =	sand.u32 $0xFFFFFFFE, s1  }
0xad: {  	p0 =	sne.s32 s1, s6  }
0xae: {  	s6 =	sshll.u32 @p0 s6, $0xE  }
0xaf: {  	s6 =	sadd.s32 @p0 $0x11B8D, s6;
	s7 =	sshll.u32 @p0 s5, $0x11  }
0xb0: {  	s6 =	sor.u32 @p0 s7, s6  }
0xb1: {  	[sflag:s6] =	ssyncadd.remote.s32 @p0 $0x1;
	_ =	sdelay $0x1  }
0xb2: {  	s6 =	simm.s32 @p0 $0x1B8D  }
0xb3: {  	_ =	swait.eq @p0 [sflag:s6], $0x1  }
0xb4: {  	[sflag:s6] =	ssyncadd.s32 @p0 $0xFFFFFFFF  }
0xb5: {  	s7 =	sshll.u32 @!p0 s1, $0xE  }
0xb6: {  	s7 =	sor.u32 @!p0 $0x4000, s7;
	s6 =	simm.s32 @!p0 $0x1B8D  }
0xb7: {  	s5 =	sshll.u32 @!p0 s5, $0x11;
	s7 =	sadd.s32 @!p0 $0x11B8D, s7;
	_ =	swait.eq @!p0 [sflag:s6], $0x1  }
0xb8: {  	s5 =	sor.u32 @!p0 s5, s7;
	[sflag:s6] =	ssyncadd.s32 @!p0 $0xFFFFFFFF  }
0xb9: {  	s25 =	simm.s32 $0x1B8E;
	s24 =	sld [smem:$0x3FFE];
	[sflag:s5] =	ssyncadd.remote.s32 @!p0 $0x1  }
0xba: {  	s26 =	simm.s32 $execute0_lowered;
	[smem:$0x3FD2] =	sst s25  }
0xbb: {  	s6 =	sshll.u32 s26, $0x1;
	_ =	strace $0x80000050;
	[dreg:$0x1] =	wrdreg $0xFFFFFFFF  }
0xbc: {  	s28 =	simm.s32 $_size_execute0_lowered;
	s4 =	sadd.s32 s4, s6;
	[dreg:$0x0] =	wrdreg $0x0  }
0xbd: {  	s6 =	sshll.u32 s28, $0x1;
	[dreg:$0x2] =	wrdreg s4  }
0xbe: {  	[dreg:$0x3] =	wrdreg s6  }
0xbf: {  	[dreg:$0x4] =	wrdreg $0xC0  }
0xc0: {  	_ =	task [dreg:s22], $0x5FFFF  }
0xc1: {  	[dreg:$0x1] =	wrdreg $0xFFFFFFFF  }
0xc2: {  	[dreg:$0x0] =	wrdreg $0x60  }
0xc3: {  	[dreg:$0x2] =	wrdreg s24  }
0xc4: {  	[dreg:$0x3] =	wrdreg s17  }
0xc5: {  	[dreg:$0x4] =	wrdreg $0xA  }
0xc6: {  	_ =	task.clear_ibuf [dreg:s22], $0x5FFFF;
	_ =	strace $0x90000050  }
0xc7: {  	s29 =	simm.s32 $0xA;
	_ =	strace $0x80000059  }
0xc8: {  	_ =	swait.ge [sflag:s29], $0x1  }
0xc9: {  	[sflag:s29] =	ssyncadd.s32 $0xFFFFFFFF  }
0xca: {  	_ =	strace $0x90000059  }
0xcb: {  	_ =	sfence  }
0xcc: {  	s30 =	sld [smem:$0x0];
	_ =	sdelay $0x2  }
0xcd: {  	s31 =	sshll.u32 s1, $0xD;
	s1 =	sshrl.u32 s1, $0x2  }
0xce: {  	s4 =	sand.u32 $0x4000, s31;
	s1 =	sadd.s32 s1, s30  }
0xcf: {  	s0 =	sor.u32 s4, s0;
	s1 =	sshll.u32 s1, $0x11  }
0xd0: {  	s0 =	sor.u32 s1, s0  }
0xd1: {  	s0 =	sadd.s32 $0x8F2B, s0  }
0xd2: {  	[sflag:s0] =	ssyncadd.remote.s32 $0x1  }
0xd3: {  	_ =	sfence.sel $0xFFFF  }
0xd4: {  	[dreg:$0x0] =	wrdreg $0xFFFFFFFF;
	(pc) =	sbr.abs _section_cstart, $3  }
0xd5: {  	[dreg:$0x1] =	wrdreg $0xFFFFFFFF  }
0xd6: {  	_ =	task.clear_ibuf [dreg:s22], $0x2FFFF;
	_ =	strace $0x9FFFFFFF  }
0xd7: {  	(tm) =	ssettm $0x7FFFFFFF  }
tec
execute0_lowered:
.L_overlay_start_1:
0x0: {  	(tag) =	ssettag $0x1  }
0x1: {  	s4 =	rddreg [dreg:$0x0]  }
0x2: {  	s1 =	rddreg [dreg:$0x1]  }
0x3: {  	s0 =	rddreg [dreg:$0x2];
	s2 =	simm.s32 $0x0  }
0x4: {  	s5 =	srdreg.scid;
	s8 =	simm.s32 $0x80;
	s9 =	simm.s32 $0x4  }
0x5: {  	s10 =	simm.s32 $0x0;
	[smem:$0x7FF] =	sst s2;
	s3 =	sadd.s32 $0x2400, s4  }
0x6: {  	s4 =	sadd.s32 $0x184400, s4;
	_ =	strace $0x80000051;
	[dreg:$0x3] =	wrdreg s3  }
0x7: {  	s5 =	sand.u32 $0x1, s5;
	s3 =	stileid.u32;
	[dreg:$0x5] =	wrdreg s4  }
0x8: {  	s6 =	ssub.s32 $0x2, s5;
	s5 =	sshll.u32 s5, $0x4;
	[dreg:$0x4] =	wrdreg s8  }
0x9: {  	s8 =	simm.s32 $0x5;
	s7 =	sshrl.u32 s6, $0x1;
	s5 =	sor.u32 s3, s5  }
0xa: {  	s6 =	ssub.s32 s6, s7;
	s31 =	sshll.u32 s5, $0x8;
	s4 =	sshll.u32 s5, $0x4  }
0xb: {  	s7 =	simm.s32 $0x1;
	s5 =	sadd.s32 s1, s31;
	s6 =	smax.u32 s6, $0x1  }
.LBB2_1:
0xc: {  	_ =	strace $0x80000052;
	s11 =	simm.s32 $0x1;
	p0 =	por $0x0, $0x0  }
0xd: {  	[tilespmem:s2], [sflag:$0x1] =	stream.linear.gather [hbm4b:s5+s2], $0x80, $0x200038;
	[tilespmem:$0x8100] =	vst v63  }
0xe: {  	s11 =	simm.s32 @p0 $0x0  }
0xf: {  	p4 =	por $0x1, $0x1;
	s20 =	sand.u32 $0x1, s2;
	p1 =	sne.s32 s11, $0x0  }
0x10: {  	p2 =	por $0x1, $0x1;
	s18 =	simm.s32 $0xE;
	p0 =	por !p4, !p1  }
0x11: {  	s16 =	simm.s32 $0x0;
	p5 =	por $0x0, $0x0;
	p0 =	por !p0, !p0  }
0x12: {  	s23 =	sadd.s32 $0x0, s4;
	s30 =	sadd.s32 $0x1, s20;
	s12 =	sadd.s32 @p0 s4, s11  }
0x13: {  	_ =	strace $0x90000052;
	s13 =	sand.u32 @p0 $0x1, s7;
	s12 =	sshll.u32 @p0 s12, $0x4  }
0x14: {  	_ =	strace @p0 $0x80000053;
	s15 =	simm.s32 @p0 $0x0;
	s12 =	sand.u32 @p0 $0x1FFFFFF0, s12  }
0x15: {  	s14 =	sshll.u32 @p0 s13, $0x7;
	s13 =	sadd.s32 @p0 $0x1, s13;
	s12 =	sadd.s32 @p0 s1, s12  }
0x16: {  	[tilespmem:s14], [sflag:s13] =	stream.linear.gather @p0 [hbm4b:s12+s15], $0x80, $0x200038;
	[tilespmem:$0x8100] =	vst v63  }
0x17: {  	p3 =	por p2, p2;
	s21 =	sshll.u32 s20, $0xE;
	_ =	strace @p0 $0x90000053  }
0x18: {  	s16 =	sand.u32 $0x80, s16;
	p2 =	por p5, p5;
	_ =	strace $0x80000054  }
0x19: {  	s17 =	sadd.s32 $0x1, s11;
	s22 =	sor.u32 $0x100, s21;
	_ =	swait.ge [sflag:s30], $0x80  }
0x1a: {  	s21 =	simm.s32 $0x1;
	p6 =	por p1, p1;
	[sflag:s30] =	ssyncset.done $0x0  }
0x1b: {  	p1 =	por p3, p3;
	p4 =	por $0x1, $0x1;
	[sflag:s30] =	ssyncadd.s32 $0xFFFFFF80  }
0x1c: {  	s12 =	simm.s32 $0xF;
	s15 =	sand.u32 @!p3 $0x1, s2;
	_ =	strace $0x90000054  }
0x1d: {  	s13 =	simm.s32 $0x1;
	p3 =	seq.s32 s17, $0x10;
	_ =	strace $0x80000055  }
0x1e: {  	s13 =	simm.s32 @!p0 $0x0;
	s17 =	simm.s32 @p3 $0x0;
	s19 =	rddreg [dreg:$0x4]  }
0x1f: {  	p0 =	por $0x0, $0x0;
	s14 =	sadd.s32 $0x1, s13;
	s31 =	rddreg [dreg:$0x3]  }
0x20: {  	[tilespmem:s22], [sflag:$0x5] =	stream.indirect.gather [hbm4b:s31+s19], $0x80, s16, s19, $0x2000b8;
	[tilespmem:$0x8100] =	vst v63  }
0x21: {  	p3 =	sne.s32 s11, s17;
	s21 =	simm.s32 @!p0 $0x0;
	_ =	swait.ge [sflag:s8], $0x4000  }
0x22: {  	p5 =	por !p4, !p3;
	p4 =	por $0x0, $0x0;
	[sflag:s8] =	ssyncset.done $0x0  }
0x23: {  	s13 =	simm.s32 $0x0;
	p6 =	por p4, p6;
	[sflag:s8] =	ssyncadd.s32 $0xFFFFC000  }
0x24: {  	s16 =	simm.s32 $0x0;
	s19 =	simm.s32 $0x0;
	_ =	strace $0x90000055  }
.LBB2_2:
0x25: {  	_ =	strace @p6 $0x80000056;
	s13 =	sadd.s32 s21, s13;
	s21 =	smov.u32 s12  }
0x26: {  	s12 =	smov.u32 s18;
	s18 =	sadd.s32 $0xFFFFFFFF, s18;
	p0 =	por p3, p3  }
0x27: {  	s28 =	sshll.u32 @p6 s23, $0xB;
	s20 =	sadd.s32 @p6 $0x3, s20;
	s24 =	simm.s32 @!p0 $0x0  }
0x28: {  	s25 =	rddreg [dreg:$0x5];
	s28 =	sand.u32 @p6 $0x1FFFF800, s28;
	s24 =	simm.s32 @p0 $0x1  }
0x29: {  	s25 =	sadd.s32 @p6 s25, s28;
	s28 =	simm.s32 @p6 $0x0;
	p0 =	sne.s32 s18, $0x0  }
0x2a: {  	[hbm4b:s25+s28] =	stream.linear.scatter @p6 [tilespmem:s22], [sflag:s20], $0x4000, $0x200038;
	[tilespmem:$0x8100] =	vst v63  }
0x2b: {  	s20 =	sadd.s32 @!p1 $0x3, s15;
	s15 =	simm.s32 @!p0 $0x0  }
0x2c: {  	s26 =	simm.s32 $0x1;
	[smem:$0x7FC] =	sst s24;
	s15 =	simm.s32 @p0 $0x1  }
0x2d: {  	s26 =	simm.s32 @!p6 $0x0;
	_ =	strace @p6 $0x90000056;
	[smem:$0x7FD] =	sst s15  }
0x2e: {  	p5 =	por !p5, !p5;
	s19 =	sadd.s32 s26, s19;
	_ =	strace @!p1 $0x80000057  }
0x2f: {  	s24 =	sand.u32 @!p2 $0x1, s13;
	s22 =	sand.u32 @p5 $0x1, s14;
	_ =	swait.ge @!p1 [sflag:s20], $0x4000  }
0x30: {  	s15 =	smov.u32 s24;
	s24 =	sadd.s32 @p5 s4, s17;
	[sflag:s20] =	ssyncset.done @!p1 $0x0  }
0x31: {  	s25 =	sshll.u32 @p5 s22, $0x7;
	s24 =	sshll.u32 @p5 s24, $0x4;
	[sflag:s20] =	ssyncadd.s32 @!p1 $0xFFFFC000  }
0x32: {  	s20 =	sadd.s32 @p5 $0x1, s22;
	s22 =	sand.u32 @p5 $0x1FFFFFF0, s24;
	_ =	strace @!p1 $0x90000057  }
0x33: {  	s24 =	simm.s32 @p5 $0x0;
	s22 =	sadd.s32 @p5 s1, s22;
	_ =	strace @p5 $0x80000053  }
0x34: {  	[tilespmem:s25], [sflag:s20] =	stream.linear.gather @p5 [hbm4b:s22+s24], $0x80, $0x200038;
	[tilespmem:$0x8100] =	vst v63  }
0x35: {  	s16 =	sadd.s32 s26, s16;
	s26 =	sand.u32 $0x1, s19;
	_ =	strace @p5 $0x90000053  }
0x36: {  	s24 =	sadd.s32 $0x1, s26;
	_ =	strace $0x80000054  }
0x37: {  	_ =	swait.ge [sflag:s24], $0x80  }
0x38: {  	[sflag:s24] =	ssyncset.done $0x0  }
0x39: {  	s20 =	simm.s32 $0x1;
	[sflag:s24] =	ssyncadd.s32 $0xFFFFFF80  }
0x3a: {  	s20 =	simm.s32 @!p5 $0x0;
	_ =	strace $0x90000054  }
0x3b: {  	s14 =	sadd.s32 s20, s14;
	s20 =	sand.u32 $0x1, s16;
	_ =	strace $0x80000055  }
0x3c: {  	s29 =	sshll.u32 s19, $0x7;
	s25 =	sshll.u32 s20, $0xE;
	s26 =	rddreg [dreg:$0x4]  }
0x3d: {  	s29 =	sand.u32 $0x80, s29;
	s22 =	sor.u32 $0x100, s25;
	s30 =	rddreg [dreg:$0x3]  }
0x3e: {  	[tilespmem:s22], [sflag:$0x5] =	stream.indirect.gather [hbm4b:s30+s26], $0x80, s29, s26, $0x2000b8;
	[tilespmem:$0x8100] =	vst v63  }
0x3f: {  	_ =	swait.ge [sflag:s8], $0x4000  }
0x40: {  	s31 =	sadd.s32 $0x1, s17;
	[sflag:s8] =	ssyncset.done $0x0  }
0x41: {  	s23 =	sadd.s32 s4, s11;
	s11 =	smov.u32 s17;
	[sflag:s8] =	ssyncadd.s32 $0xFFFFC000  }
0x42: {  	p3 =	seq.s32 s31, $0x10;
	s17 =	smov.u32 s31;
	_ =	strace $0x90000055  }
0x43: {  	s17 =	simm.s32 @p3 $0x0;
	s31 =	sld [smem:$0x7FD]  }
0x44: {  	p6 =	sne.s32 s12, $0x1;
	p0 =	sne.s32 s21, $0x10;
	p3 =	sne.s32 s11, s17  }
0x45: {  	p5 =	por !p6, !p3;
	p6 =	seq.s32 s21, $0x1;
	s21 =	simm.s32 $0x1  }
0x46: {  	s21 =	simm.s32 @!p0 $0x0;
	p0 =	seq.s32 s31, $0x1  }
.Ltmp0:
0x47: {  	s30 =	sld [smem:$0x7FC];
	(pc) =	sbr.rel @p0 .LBB2_2-.Ltmp0, $4  }
0x48: {  	_ = 	snop  }
0x49: {  	p4 =	seq.s32 s12, $0x10  }
0x4a: {  	p1 =	por p2, p2;
	p2 =	por p4, p4;
	p4 =	seq.s32 s30, $0x1  }
0x4b: {  	p6 =	por p6, p4  }
0x4c: {  	_ =	strace @p6 $0x80000056;
	s23 =	sshll.u32 @p6 s23, $0xB  }
0x4d: {  	s18 =	rddreg [dreg:$0x5];
	s23 =	sand.u32 @p6 $0x1FFFF800, s23  }
0x4e: {  	s20 =	sadd.s32 @p6 $0x3, s20;
	s18 =	sadd.s32 @p6 s18, s23;
	s23 =	simm.s32 @p6 $0x0  }
0x4f: {  	[hbm4b:s18+s23] =	stream.linear.scatter @p6 [tilespmem:s22], [sflag:s20], $0x4000, $0x200038;
	[tilespmem:$0x8100] =	vst v63  }
0x50: {  	p0 =	por !p5, !p5;
	_ =	strace @p6 $0x90000056  }
0x51: {  	s15 =	sadd.s32 @!p1 $0x3, s15;
	s17 =	sadd.s32 @p0 s4, s17;
	_ =	strace @!p1 $0x80000057  }
0x52: {  	s14 =	sand.u32 @p0 $0x1, s14;
	s17 =	sshll.u32 @p0 s17, $0x4;
	_ =	swait.ge @!p1 [sflag:s15], $0x4000  }
0x53: {  	s18 =	simm.s32 $0x1;
	s20 =	sshll.u32 @p0 s14, $0x7;
	[sflag:s15] =	ssyncset.done @!p1 $0x0  }
0x54: {  	s14 =	sadd.s32 @p0 $0x1, s14;
	s18 =	simm.s32 @!p6 $0x0;
	[sflag:s15] =	ssyncadd.s32 @!p1 $0xFFFFC000  }
0x55: {  	s19 =	sadd.s32 s18, s19;
	s15 =	sand.u32 @p0 $0x1FFFFFF0, s17;
	_ =	strace @!p1 $0x90000057  }
0x56: {  	s17 =	simm.s32 @p0 $0x0;
	s15 =	sadd.s32 @p0 s1, s15;
	_ =	strace @p0 $0x80000053  }
0x57: {  	[tilespmem:s20], [sflag:s14] =	stream.linear.gather @p0 [hbm4b:s15+s17], $0x80, $0x200038;
	[tilespmem:$0x8100] =	vst v63  }
0x58: {  	s25 =	sand.u32 $0x1, s19;
	_ =	strace @p0 $0x90000053  }
0x59: {  	s14 =	sadd.s32 $0x1, s25;
	_ =	strace $0x80000054  }
0x5a: {  	_ =	swait.ge [sflag:s14], $0x80  }
0x5b: {  	[sflag:s14] =	ssyncset.done $0x0  }
0x5c: {  	[sflag:s14] =	ssyncadd.s32 $0xFFFFFF80  }
0x5d: {  	s26 =	sadd.s32 s18, s16;
	_ =	strace $0x90000054  }
0x5e: {  	s14 =	sand.u32 $0x1, s26;
	_ =	strace $0x80000055  }
0x5f: {  	s30 =	sshll.u32 s19, $0x7;
	s31 =	sshll.u32 s14, $0xE;
	s28 =	rddreg [dreg:$0x4]  }
0x60: {  	s17 =	sand.u32 $0x80, s30;
	s18 =	sor.u32 $0x100, s31;
	s29 =	rddreg [dreg:$0x3]  }
0x61: {  	[tilespmem:s18], [sflag:$0x5] =	stream.indirect.gather [hbm4b:s29+s28], $0x80, s17, s28, $0x2000b8;
	[tilespmem:$0x8100] =	vst v63  }
0x62: {  	_ =	swait.ge [sflag:s8], $0x4000  }
0x63: {  	[sflag:s8] =	ssyncset.done $0x0  }
0x64: {  	p5 =	por p3, p3;
	p6 =	seq.s32 s12, $0x1;
	[sflag:s8] =	ssyncadd.s32 $0xFFFFC000  }
0x65: {  	s11 =	sadd.s32 s4, s11;
	p0 =	por p6, p5;
	_ =	strace $0x90000055  }
0x66: {  	s11 =	sshll.u32 @p0 s11, $0xB;
	_ =	strace @p0 $0x80000056  }
0x67: {  	s13 =	sadd.s32 s21, s13;
	s11 =	sand.u32 @p0 $0x1FFFF800, s11;
	s12 =	rddreg [dreg:$0x5]  }
0x68: {  	s14 =	sadd.s32 @p0 $0x3, s14;
	s11 =	sadd.s32 @p0 s12, s11;
	s12 =	simm.s32 @p0 $0x0  }
0x69: {  	[hbm4b:s11+s12] =	stream.linear.scatter @p0 [tilespmem:s18], [sflag:s14], $0x4000, $0x200038;
	[tilespmem:$0x8100] =	vst v63  }
0x6a: {  	p1 =	por p2, p2;
	s11 =	sand.u32 @!p2 $0x1, s13;
	_ =	strace @p0 $0x90000056  }
0x6b: {  	s11 =	sadd.s32 @!p1 $0x3, s11;
	_ =	strace @!p1 $0x80000057  }
0x6c: {  	_ =	swait.ge @!p1 [sflag:s11], $0x4000  }
0x6d: {  	[sflag:s11] =	ssyncset.done @!p1 $0x0  }
0x6e: {  	s10 =	sadd.s32 $0x1, s10;
	[sflag:s11] =	ssyncadd.s32 @!p1 $0xFFFFC000  }
0x6f: {  	p0 =	sne.s32 s10, s6;
	_ =	strace @!p1 $0x90000057  }
.Ltmp1:
0x70: {  	_ =	strace $0x80000058;
	(pc) =	sbr.rel @p0 .LBB2_1-.Ltmp1, $4  }
0x71: {  	_ =	swait.ge [sflag:s9], $0x4000  }
0x72: {  	[sflag:s9] =	ssyncset.done $0x0  }
0x73: {  	[sflag:s9] =	ssyncadd.s32 $0xFFFFC000  }
0x74: {  	_ =	strace $0x90000058  }
0x75: {  	_ =	sfence.sel $0x180000  }
0x76: {  	[bflag:$0x0] =	sbarrier.arrive $0xFFFF  }
0x77: {  	p0 =	sne.s32 s3, $0x0;
	_ =	strace $0x90000051  }
0x78: {  	s0 =	sadd.s32 @!p0 $0x100000, s0;
	[bflag:$0x2] =	sbarrier.arrive $0xFFFF  }
0x79: {  	[sflag:s0] =	ssyncadd.tile.s32 @!p0 $0x1;
	_ =	shalt  }
.Lfunc_end2:
_tile_overlayer_lowered:
.L_overlay_start_2:
0x7a: {  	(tag) =	ssettag $0x2  }
0x7b: {  	s0 =	rddreg [dreg:$0x0];
	s2 =	stileid.u32  }
0x7c: {  	s1 =	rddreg [dreg:$0x1];
	p0 =	sne.s32 s2, $0x0  }
0x7d: {  	s3 =	rddreg [dreg:$0x2];
	[bflag:$0x3] =	sbarrier.arrive $0xFFFF;
	s2 =	simm.s32 @!p0 $0x1C01  }
0x7e: {  	[timem:s3], [sflag:s2] =	dma.local @!p0 [hbm:s0], s1  }
0x7f: {  	s0 =	simm.s32 @!p0 $0x1  }
0x80: {  	_ =	swait.ge @!p0 [sflag:s0], s1  }
0x81: {  	s1 =	ssub.s32 @!p0 $0x0, s1;
	[sflag:s0] =	ssyncset.done @!p0 $0x0  }
0x82: {  	[sflag:s0] =	ssyncadd.s32 @!p0 s1  }
0x83: {  	[bflag:$0x3] =	sbarrier.arrive $0xFFFF  }
0x84: {  	_ =	shalt  }

</sc_bundles>
